<compile_context>
chip_gen: v7x
topology: tpu7x:2x2x1
jax: 0.10.2.dev20260603
libtpu: 0.0.44.dev20260713+nightly
codegen_flags: <defaults>
</compile_context>

<pallas_src>
import functools

import jax
import jax.numpy as jnp
from jax import lax
from jax.experimental import pallas as pl
from jax.experimental.pallas import tpu as pltpu
from jax.experimental.pallas import tpu_sc as plsc

_T, _D, _E, _K, _FF, _G, _TG = 2048, 1024, 16, 8, 512, 4, 2
_EPG = _E // _G
_NC, _NS = 2, 16
_NW = _NC * _NS
_NACT = 16
_TPW = _T // _NACT
_TILES = _TPW // 16


def _gate_body(x_ref, gw_ref, bias_ref, scores_ref, sfc_ref, xb_ref):
    x = x_ref[...]
    logits = lax.dot_general(
        x, gw_ref[...], (((1,), (1,)), ((), ())),
        preferred_element_type=jnp.float32)
    scores = 1.0 / (1.0 + jnp.exp(-logits))
    scores_ref[...] = scores.T
    sfc_ref[...] = scores.T + bias_ref[...]
    xb_ref[...] = x.astype(jnp.bfloat16)


def _route_sc_body(scores_hbm, sfc_hbm, dw_hbm, sc_s, sfc_s, out_s):
    wid = lax.axis_index("s") * _NC + lax.axis_index("c")

    @pl.when(wid < _NACT)
    def _():
        _route_worker(wid, scores_hbm, sfc_hbm, dw_hbm, sc_s, sfc_s, out_s)


def _route_worker(wid, scores_hbm, sfc_hbm, dw_hbm, sc_s, sfc_s, out_s):
    base = wid * _TPW
    pltpu.sync_copy(scores_hbm.at[:, pl.ds(base, _TPW)], sc_s)
    pltpu.sync_copy(sfc_hbm.at[:, pl.ds(base, _TPW)], sfc_s)

    for t in range(_TILES):
        sl = pl.ds(t * 16, 16)
        c = [sfc_s[j, sl] for j in range(_E)]
        gsums = []
        for g in range(_G):
            c4 = c[4 * g:4 * g + 4]
            hi01, lo01 = jnp.maximum(c4[0], c4[1]), jnp.minimum(c4[0], c4[1])
            hi23, lo23 = jnp.maximum(c4[2], c4[3]), jnp.minimum(c4[2], c4[3])
            top1 = jnp.maximum(hi01, hi23)
            second = jnp.maximum(jnp.minimum(hi01, hi23),
                                 jnp.where(hi01 >= hi23, lo01, lo23))
            gsums.append(top1 + second)
        msel = []
        for g in range(_G):
            beats = jnp.zeros((16,), jnp.float32)
            for j in range(_G):
                if j == g:
                    continue
                b = (gsums[j] >= gsums[g]) if j < g else (gsums[j] > gsums[g])
                beats = beats + jnp.where(b, 1.0, 0.0)
            msel.append(jnp.where(beats < float(_TG), 1.0, 0.0))
        w = [msel[j // _EPG] * sc_s[j, sl] for j in range(_E)]
        denom = w[0]
        for j in range(1, _E):
            denom = denom + w[j]
        denom = denom + 1e-20
        for j in range(_E):
            out_s[j, sl] = w[j] / denom

    pltpu.sync_copy(out_s, dw_hbm.at[:, pl.ds(base, _TPW)])


def _expert_body(x_ref, wg_ref, wu_ref, wd_ref, dw_ref, out_ref):
    e = pl.program_id(0)
    wg = wg_ref[0].astype(jnp.bfloat16)
    wu = wu_ref[0].astype(jnp.bfloat16)
    wd = wd_ref[0].astype(jnp.bfloat16)
    dwc = dw_ref[0].T
    for i in range(2):
        sl = pl.ds(i * (_T // 2), _T // 2)
        xh = x_ref[sl, :]
        g = lax.dot_general(xh, wg, (((1,), (1,)), ((), ())),
                            preferred_element_type=jnp.float32)
        u = lax.dot_general(xh, wu, (((1,), (1,)), ((), ())),
                            preferred_element_type=jnp.float32)
        h = (g / (1.0 + jnp.exp(-g))) * (u * dwc[i * (_T // 2):
                                                 (i + 1) * (_T // 2), :])
        o = lax.dot_general(h.astype(jnp.bfloat16), wd,
                            (((1,), (1,)), ((), ())),
                            preferred_element_type=jnp.float32)

        @pl.when(e == 0)
        def _():
            out_ref[sl, :] = o

        @pl.when(e != 0)
        def _():
            out_ref[sl, :] = out_ref[sl, :] + o


def kernel(hidden_states, gate_weight, e_score_correction_bias,
           w_gate, w_up, w_down):
    x32 = hidden_states.astype(jnp.float32)
    scores_t, sfc_t, xb = pl.pallas_call(
        _gate_body,
        out_shape=(
            jax.ShapeDtypeStruct((_E, _T), jnp.float32),
            jax.ShapeDtypeStruct((_E, _T), jnp.float32),
            jax.ShapeDtypeStruct((_T, _D), jnp.bfloat16),
        ),
    )(x32, gate_weight, e_score_correction_bias.reshape(_E, 1))

    route = functools.partial(
        pl.kernel,
        mesh=plsc.VectorSubcoreMesh(core_axis_name="c", subcore_axis_name="s"),
        out_type=jax.ShapeDtypeStruct((_E, _T), jnp.float32),
        scratch_types=[
            pltpu.VMEM((_E, _TPW), jnp.float32),
            pltpu.VMEM((_E, _TPW), jnp.float32),
            pltpu.VMEM((_E, _TPW), jnp.float32),
        ],
    )(_route_sc_body)
    dw_t = route(scores_t, sfc_t).reshape(_E, 1, _T)
    out = pl.pallas_call(
        _expert_body,
        grid=(_E,),
        in_specs=[
            pl.BlockSpec((_T, _D), lambda e: (0, 0)),
            pl.BlockSpec((1, _FF, _D), lambda e: (e, 0, 0)),
            pl.BlockSpec((1, _FF, _D), lambda e: (e, 0, 0)),
            pl.BlockSpec((1, _D, _FF), lambda e: (e, 0, 0)),
            pl.BlockSpec((1, 1, _T), lambda e: (e, 0, 0)),
        ],
        out_specs=pl.BlockSpec((_T, _D), lambda e: (0, 0)),
        out_shape=jax.ShapeDtypeStruct((_T, _D), jnp.float32),
        compiler_params=pltpu.CompilerParams(
            dimension_semantics=("arbitrary",)),
    )(xb, w_gate, w_up, w_down, dw_t)
    return out

# --- scband reference (transcript-rebuilt; emitter-appended) ---
"""Pipeline reference for scband-mi-mo-v2-mo-e-37881611550759 (READ-ONLY COPY).

The authoritative reference and input builder live on the scoring server;
editing this copy changes nothing except your own understanding.
"""

import jax, jax.numpy as jnp
import numpy as np

T = 2048      # tokens = batch(1) * seq_len(2048)
D = 1024      # hidden_size
E = 16        # n_routed_experts
K = 8         # num_experts_per_tok
FF = 512      # moe_intermediate_size
G = 4         # n_group
TG = 2        # topk_group


def setup_inputs(seed: int = 0) -> dict:
    key = jax.random.key(seed)
    ks = jax.random.split(key, 6)
    hidden_states = jax.random.normal(ks[0], (T, D), dtype=jnp.float32)
    gate_weight = jax.random.normal(ks[1], (E, D), dtype=jnp.float32) * 0.02
    e_score_correction_bias = jax.random.normal(ks[2], (E,), dtype=jnp.float32) * 0.01
    w_gate = jax.random.normal(ks[3], (E, FF, D), dtype=jnp.float32) * 0.02
    w_up = jax.random.normal(ks[4], (E, FF, D), dtype=jnp.float32) * 0.02
    w_down = jax.random.normal(ks[5], (E, D, FF), dtype=jnp.float32) * 0.02
    return {
        "hidden_states": hidden_states,
        "gate_weight": gate_weight,
        "e_score_correction_bias": e_score_correction_bias,
        "w_gate": w_gate,
        "w_up": w_up,
        "w_down": w_down,
    }


def reference(hidden_states, gate_weight, e_score_correction_bias, w_gate, w_up, w_down):
    t, d = hidden_states.shape
    e = gate_weight.shape[0]
    # ---- MoEGate: router logits in fp32 ----
    logits = hidden_states.astype(jnp.float32) @ gate_weight.T          # [T, E]
    # ---- noaux_tc grouped top-k (DeepSeek-V3 style sigmoid scoring) ----
    scores = jax.nn.sigmoid(logits)                                      # [T, E]
    scores_for_choice = scores + e_score_correction_bias[None, :]        # [T, E]
    grp = scores_for_choice.reshape(t, G, e // G)                        # [T, G, E/G]
    top2_vals, _ = jax.lax.top_k(grp, 2)
    group_scores = top2_vals.sum(axis=-1)                                # [T, G]
    _, group_idx = jax.lax.top_k(group_scores, TG)                       # [T, TG]
    group_mask = jnp.zeros((t, G), dtype=jnp.float32).at[
        jnp.arange(t)[:, None], group_idx].set(1.0)                      # [T, G]
    score_mask = jnp.repeat(group_mask, e // G, axis=1)                  # [T, E]
    masked_scores = jnp.where(score_mask > 0, scores_for_choice, -jnp.inf)
    _, topk_idx = jax.lax.top_k(masked_scores, K)                        # [T, K]
    topk_w = jnp.take_along_axis(scores, topk_idx, axis=1)               # [T, K] (bias-free weights)
    # norm_topk_prob -> renormalize; routed_scaling_factor = 1.0
    topk_w = topk_w / (topk_w.sum(axis=-1, keepdims=True) + 1e-20)
    dense_w = jnp.zeros((t, e), dtype=jnp.float32).at[
        jnp.arange(t)[:, None], topk_idx].add(topk_w)                    # [T, E]
    # ---- experts: silu-gated MLP, dense dispatch weighted by router ----
    g = jnp.einsum('td,efd->tef', hidden_states, w_gate)                 # [T, E, FF]
    u = jnp.einsum('td,efd->tef', hidden_states, w_up)                   # [T, E, FF]
    h = jax.nn.silu(g) * u                                               # [T, E, FF]
    expert_out = jnp.einsum('tef,edf->ted', h, w_down)                   # [T, E, D]
    final_hidden_states = jnp.einsum('ted,te->td', expert_out, dense_w)  # [T, D]
    return final_hidden_states

if __name__ == "__main__":
    import jax
    _d = setup_inputs()
    print(jax.jit(kernel)(*tuple(_d.values())))

</pallas_src>

<mosaic_0001>
#map = affine_map<(d0, d1) -> (0, 0)>
module attributes {stable_mosaic.version = 14 : i64} {
  func.func @_route_sc_body(%arg0: i32, %arg1: i32, %arg2: memref<16x2048xf32, #tpu.memory_space<hbm>>, %arg3: memref<16x2048xf32, #tpu.memory_space<hbm>>, %arg4: memref<16x2048xf32, #tpu.memory_space<hbm>>, %arg5: memref<16x128xf32, #tpu.memory_space<vmem>>, %arg6: memref<16x128xf32, #tpu.memory_space<vmem>>, %arg7: memref<16x128xf32, #tpu.memory_space<vmem>>) attributes {dimension_semantics = [#tpu.dimension_semantics<core_parallel>, #tpu.dimension_semantics<subcore_parallel>], iteration_bounds = array<i64: 2, 16>, scalar_prefetch = 0 : i64, scratch_operands = 3 : i64, tpu.core_type = #tpu.core_type<sc_vector_subcore>, window_params = [{transform_indices = #map}, {transform_indices = #map}, {transform_indices = #map}]} {
    %mul3A = arith.constant 2 : i32
    %mul3A_0 = arith.muli %arg1, %mul3A : i32
    %add3A = arith.addi %mul3A_0, %arg0 : i32
    %lt3A = arith.constant 16 : i32
    %lt3A_1 = arith.cmpi slt, %add3A, %lt3A : i32
    %convert_element_type3A = arith.extui %lt3A_1 : i1 to i32
    %cond3A = arith.constant 0 : i32
    %cond3A_2 = arith.cmpi ne, %convert_element_type3A, %cond3A : i32
    scf.if %cond3A_2 {
      %mul3A_3 = arith.constant 128 : i32
      %mul3A_4 = arith.muli %add3A, %mul3A_3 : i32
      "tpu.region"() ({
        %run_scoped3A = tpu.sem_alloc : memref<!tpu.dma_semaphore, #tpu.memory_space<semaphore_mem>>
        %dma_start3A = arith.constant 0 : i32
        %dma_start3A_3755 = tpu.memref_slice %arg2[%dma_start3A, %mul3A_4] : memref<16x2048xf32, #tpu.memory_space<hbm>> -> memref<16x128xf32, #tpu.memory_space<hbm>>
        %dma_start3A_3756 = arith.constant 0 : i32
        %dma_start3A_3757 = tpu.memref_slice %arg2[%dma_start3A_3756, %mul3A_4] : memref<16x2048xf32, #tpu.memory_space<hbm>> -> memref<16x128xf32, #tpu.memory_space<hbm>>
        tpu.enqueue_dma source(%dma_start3A_3757 : memref<16x128xf32, #tpu.memory_space<hbm>>) target(%arg5 : memref<16x128xf32, #tpu.memory_space<vmem>>) target_semaphore(%run_scoped3A : memref<!tpu.dma_semaphore, #tpu.memory_space<semaphore_mem>>)
        %dma_wait3A = arith.constant 0 : i32
        %dma_wait3A_3758 = tpu.memref_slice %arg2[%dma_wait3A, %mul3A_4] : memref<16x2048xf32, #tpu.memory_space<hbm>> -> memref<16x128xf32, #tpu.memory_space<hbm>>
        %dma_wait3A_3759 = arith.constant 0 : i32
        %dma_wait3A_3760 = tpu.memref_slice %arg2[%dma_wait3A_3759, %mul3A_4] : memref<16x2048xf32, #tpu.memory_space<hbm>> -> memref<16x128xf32, #tpu.memory_space<hbm>>
        tpu.wait_dma2 semaphore(%run_scoped3A : memref<!tpu.dma_semaphore, #tpu.memory_space<semaphore_mem>>) src(%dma_wait3A_3760 : memref<16x128xf32, #tpu.memory_space<hbm>>) dst(%arg5 : memref<16x128xf32, #tpu.memory_space<vmem>>)
        tpu.yield
      }) : () -> ()
      "tpu.region"() ({
        %run_scoped3A = tpu.sem_alloc : memref<!tpu.dma_semaphore, #tpu.memory_space<semaphore_mem>>
        %dma_start3A = arith.constant 0 : i32
        %dma_start3A_3755 = tpu.memref_slice %arg3[%dma_start3A, %mul3A_4] : memref<16x2048xf32, #tpu.memory_space<hbm>> -> memref<16x128xf32, #tpu.memory_space<hbm>>
        %dma_start3A_3756 = arith.constant 0 : i32
        %dma_start3A_3757 = tpu.memref_slice %arg3[%dma_start3A_3756, %mul3A_4] : memref<16x2048xf32, #tpu.memory_space<hbm>> -> memref<16x128xf32, #tpu.memory_space<hbm>>
        tpu.enqueue_dma source(%dma_start3A_3757 : memref<16x128xf32, #tpu.memory_space<hbm>>) target(%arg6 : memref<16x128xf32, #tpu.memory_space<vmem>>) target_semaphore(%run_scoped3A : memref<!tpu.dma_semaphore, #tpu.memory_space<semaphore_mem>>)
        %dma_wait3A = arith.constant 0 : i32
        %dma_wait3A_3758 = tpu.memref_slice %arg3[%dma_wait3A, %mul3A_4] : memref<16x2048xf32, #tpu.memory_space<hbm>> -> memref<16x128xf32, #tpu.memory_space<hbm>>
        %dma_wait3A_3759 = arith.constant 0 : i32
        %dma_wait3A_3760 = tpu.memref_slice %arg3[%dma_wait3A_3759, %mul3A_4] : memref<16x2048xf32, #tpu.memory_space<hbm>> -> memref<16x128xf32, #tpu.memory_space<hbm>>
        tpu.wait_dma2 semaphore(%run_scoped3A : memref<!tpu.dma_semaphore, #tpu.memory_space<semaphore_mem>>) src(%dma_wait3A_3760 : memref<16x128xf32, #tpu.memory_space<hbm>>) dst(%arg6 : memref<16x128xf32, #tpu.memory_space<vmem>>)
        tpu.yield
      }) : () -> ()
      %get3A = arith.constant 0 : i32
      %get3A_5 = arith.index_cast %get3A : i32 to index
      %get3A_6 = arith.constant 0 : index
      %get3A_7 = tpu.vector_load %arg6[%get3A_5, %get3A_6] {strides = array<i32>} : memref<16x128xf32, #tpu.memory_space<vmem>>, vector<1x16xf32>,
      %get3A_8 = vector.shape_cast %get3A_7 : vector<1x16xf32> to vector<16xf32>
      %get3A_9 = arith.constant 1 : i32
      %get3A_10 = arith.index_cast %get3A_9 : i32 to index
      %get3A_11 = arith.constant 0 : index
      %get3A_12 = tpu.vector_load %arg6[%get3A_10, %get3A_11] {strides = array<i32>} : memref<16x128xf32, #tpu.memory_space<vmem>>, vector<1x16xf32>,
      %get3A_13 = vector.shape_cast %get3A_12 : vector<1x16xf32> to vector<16xf32>
      %get3A_14 = arith.constant 2 : i32
      %get3A_15 = arith.index_cast %get3A_14 : i32 to index
      %get3A_16 = arith.constant 0 : index
      %get3A_17 = tpu.vector_load %arg6[%get3A_15, %get3A_16] {strides = array<i32>} : memref<16x128xf32, #tpu.memory_space<vmem>>, vector<1x16xf32>,
      %get3A_18 = vector.shape_cast %get3A_17 : vector<1x16xf32> to vector<16xf32>
      %get3A_19 = arith.constant 3 : i32
      %get3A_20 = arith.index_cast %get3A_19 : i32 to index
      %get3A_21 = arith.constant 0 : index
      %get3A_22 = tpu.vector_load %arg6[%get3A_20, %get3A_21] {strides = array<i32>} : memref<16x128xf32, #tpu.memory_space<vmem>>, vector<1x16xf32>,
      %get3A_23 = vector.shape_cast %get3A_22 : vector<1x16xf32> to vector<16xf32>
      %get3A_24 = arith.constant 4 : i32
      %get3A_25 = arith.index_cast %get3A_24 : i32 to index
      %get3A_26 = arith.constant 0 : index
      %get3A_27 = tpu.vector_load %arg6[%get3A_25, %get3A_26] {strides = array<i32>} : memref<16x128xf32, #tpu.memory_space<vmem>>, vector<1x16xf32>,
      %get3A_28 = vector.shape_cast %get3A_27 : vector<1x16xf32> to vector<16xf32>
      %get3A_29 = arith.constant 5 : i32
      %get3A_30 = arith.index_cast %get3A_29 : i32 to index
      %get3A_31 = arith.constant 0 : index
      %get3A_32 = tpu.vector_load %arg6[%get3A_30, %get3A_31] {strides = array<i32>} : memref<16x128xf32, #tpu.memory_space<vmem>>, vector<1x16xf32>,
      %get3A_33 = vector.shape_cast %get3A_32 : vector<1x16xf32> to vector<16xf32>
      %get3A_34 = arith.constant 6 : i32
      %get3A_35 = arith.index_cast %get3A_34 : i32 to index
      %get3A_36 = arith.constant 0 : index
      %get3A_37 = tpu.vector_load %arg6[%get3A_35, %get3A_36] {strides = array<i32>} : memref<16x128xf32, #tpu.memory_space<vmem>>, vector<1x16xf32>,
      %get3A_38 = vector.shape_cast %get3A_37 : vector<1x16xf32> to vector<16xf32>
      %get3A_39 = arith.constant 7 : i32
      %get3A_40 = arith.index_cast %get3A_39 : i32 to index
      %get3A_41 = arith.constant 0 : index
      %get3A_42 = tpu.vector_load %arg6[%get3A_40, %get3A_41] {strides = array<i32>} : memref<16x128xf32, #tpu.memory_space<vmem>>, vector<1x16xf32>,
      %get3A_43 = vector.shape_cast %get3A_42 : vector<1x16xf32> to vector<16xf32>
      %get3A_44 = arith.constant 8 : i32
      %get3A_45 = arith.index_cast %get3A_44 : i32 to index
      %get3A_46 = arith.constant 0 : index
      %get3A_47 = tpu.vector_load %arg6[%get3A_45, %get3A_46] {strides = array<i32>} : memref<16x128xf32, #tpu.memory_space<vmem>>, vector<1x16xf32>,
      %get3A_48 = vector.shape_cast %get3A_47 : vector<1x16xf32> to vector<16xf32>
      %get3A_49 = arith.constant 9 : i32
      %get3A_50 = arith.index_cast %get3A_49 : i32 to index
      %get3A_51 = arith.constant 0 : index
      %get3A_52 = tpu.vector_load %arg6[%get3A_50, %get3A_51] {strides = array<i32>} : memref<16x128xf32, #tpu.memory_space<vmem>>, vector<1x16xf32>,
      %get3A_53 = vector.shape_cast %get3A_52 : vector<1x16xf32> to vector<16xf32>
      %get3A_54 = arith.constant 10 : i32
      %get3A_55 = arith.index_cast %get3A_54 : i32 to index
      %get3A_56 = arith.constant 0 : index
      %get3A_57 = tpu.vector_load %arg6[%get3A_55, %get3A_56] {strides = array<i32>} : memref<16x128xf32, #tpu.memory_space<vmem>>, vector<1x16xf32>,
      %get3A_58 = vector.shape_cast %get3A_57 : vector<1x16xf32> to vector<16xf32>
      %get3A_59 = arith.constant 11 : i32
      %get3A_60 = arith.index_cast %get3A_59 : i32 to index
      %get3A_61 = arith.constant 0 : index
      %get3A_62 = tpu.vector_load %arg6[%get3A_60, %get3A_61] {strides = array<i32>} : memref<16x128xf32, #tpu.memory_space<vmem>>, vector<1x16xf32>,
      %get3A_63 = vector.shape_cast %get3A_62 : vector<1x16xf32> to vector<16xf32>
      %get3A_64 = arith.constant 12 : i32
      %get3A_65 = arith.index_cast %get3A_64 : i32 to index
      %get3A_66 = arith.constant 0 : index
      %get3A_67 = tpu.vector_load %arg6[%get3A_65, %get3A_66] {strides = array<i32>} : memref<16x128xf32, #tpu.memory_space<vmem>>, vector<1x16xf32>,
      %get3A_68 = vector.shape_cast %get3A_67 : vector<1x16xf32> to vector<16xf32>
      %get3A_69 = arith.constant 13 : i32
      %get3A_70 = arith.index_cast %get3A_69 : i32 to index
      %get3A_71 = arith.constant 0 : index
      %get3A_72 = tpu.vector_load %arg6[%get3A_70, %get3A_71] {strides = array<i32>} : memref<16x128xf32, #tpu.memory_space<vmem>>, vector<1x16xf32>,
      %get3A_73 = vector.shape_cast %get3A_72 : vector<1x16xf32> to vector<16xf32>
      %get3A_74 = arith.constant 14 : i32
      %get3A_75 = arith.index_cast %get3A_74 : i32 to index
      %get3A_76 = arith.constant 0 : index
      %get3A_77 = tpu.vector_load %arg6[%get3A_75, %get3A_76] {strides = array<i32>} : memref<16x128xf32, #tpu.memory_space<vmem>>, vector<1x16xf32>,
      %get3A_78 = vector.shape_cast %get3A_77 : vector<1x16xf32> to vector<16xf32>
      %get3A_79 = arith.constant 15 : i32
      %get3A_80 = arith.index_cast %get3A_79 : i32 to index
      %get3A_81 = arith.constant 0 : index
      %get3A_82 = tpu.vector_load %arg6[%get3A_80, %get3A_81] {strides = array<i32>} : memref<16x128xf32, #tpu.memory_space<vmem>>, vector<1x16xf32>,
      %get3A_83 = vector.shape_cast %get3A_82 : vector<1x16xf32> to vector<16xf32>
      %max3A = arith.maximumf %get3A_8, %get3A_13 : vector<16xf32>
      %min3A = arith.minimumf %get3A_8, %get3A_13 : vector<16xf32>
      %max3A_84 = arith.maximumf %get3A_18, %get3A_23 : vector<16xf32>
      %min3A_85 = arith.minimumf %get3A_18, %get3A_23 : vector<16xf32>
      %max3A_86 = arith.maximumf %max3A, %max3A_84 : vector<16xf32>
      %min3A_87 = arith.minimumf %max3A, %max3A_84 : vector<16xf32>
      %ge3A = arith.cmpf oge, %max3A, %max3A_84 : vector<16xf32>
      %select_n3A = arith.select %ge3A, %min3A, %min3A_85 : vector<16xi1>, vector<16xf32>
      %max3A_88 = arith.maximumf %min3A_87, %select_n3A : vector<16xf32>
      %add3A_89 = arith.addf %max3A_86, %max3A_88 : vector<16xf32>
      %max3A_90 = arith.maximumf %get3A_28, %get3A_33 : vector<16xf32>
      %min3A_91 = arith.minimumf %get3A_28, %get3A_33 : vector<16xf32>
      %max3A_92 = arith.maximumf %get3A_38, %get3A_43 : vector<16xf32>
      %min3A_93 = arith.minimumf %get3A_38, %get3A_43 : vector<16xf32>
      %max3A_94 = arith.maximumf %max3A_90, %max3A_92 : vector<16xf32>
      %min3A_95 = arith.minimumf %max3A_90, %max3A_92 : vector<16xf32>
      %ge3A_96 = arith.cmpf oge, %max3A_90, %max3A_92 : vector<16xf32>
      %select_n3A_97 = arith.select %ge3A_96, %min3A_91, %min3A_93 : vector<16xi1>, vector<16xf32>
      %max3A_98 = arith.maximumf %min3A_95, %select_n3A_97 : vector<16xf32>
      %add3A_99 = arith.addf %max3A_94, %max3A_98 : vector<16xf32>
      %max3A_100 = arith.maximumf %get3A_48, %get3A_53 : vector<16xf32>
      %min3A_101 = arith.minimumf %get3A_48, %get3A_53 : vector<16xf32>
      %max3A_102 = arith.maximumf %get3A_58, %get3A_63 : vector<16xf32>
      %min3A_103 = arith.minimumf %get3A_58, %get3A_63 : vector<16xf32>
      %max3A_104 = arith.maximumf %max3A_100, %max3A_102 : vector<16xf32>
      %min3A_105 = arith.minimumf %max3A_100, %max3A_102 : vector<16xf32>
      %ge3A_106 = arith.cmpf oge, %max3A_100, %max3A_102 : vector<16xf32>
      %select_n3A_107 = arith.select %ge3A_106, %min3A_101, %min3A_103 : vector<16xi1>, vector<16xf32>
      %max3A_108 = arith.maximumf %min3A_105, %select_n3A_107 : vector<16xf32>
      %add3A_109 = arith.addf %max3A_104, %max3A_108 : vector<16xf32>
      %max3A_110 = arith.maximumf %get3A_68, %get3A_73 : vector<16xf32>
      %min3A_111 = arith.minimumf %get3A_68, %get3A_73 : vector<16xf32>
      %max3A_112 = arith.maximumf %get3A_78, %get3A_83 : vector<16xf32>
      %min3A_113 = arith.minimumf %get3A_78, %get3A_83 : vector<16xf32>
      %max3A_114 = arith.maximumf %max3A_110, %max3A_112 : vector<16xf32>
      %min3A_115 = arith.minimumf %max3A_110, %max3A_112 : vector<16xf32>
      %ge3A_116 = arith.cmpf oge, %max3A_110, %max3A_112 : vector<16xf32>
      %select_n3A_117 = arith.select %ge3A_116, %min3A_111, %min3A_113 : vector<16xi1>, vector<16xf32>
      %max3A_118 = arith.maximumf %min3A_115, %select_n3A_117 : vector<16xf32>
      %add3A_119 = arith.addf %max3A_114, %max3A_118 : vector<16xf32>
      %broadcast_in_dim3A = arith.constant 0.000000e+00 : f32
      %broadcast_in_dim3A_120 = vector.broadcast %broadcast_in_dim3A : f32 to vector<16xf32>
      %gt3A = arith.cmpf ogt, %add3A_99, %add3A_89 : vector<16xf32>
      %jit3A = arith.constant 1.000000e+00 : f32
      %jit3A_121 = arith.constant 0.000000e+00 : f32
      %broadcast_in_dim3A_122 = vector.broadcast %jit3A : f32 to vector<16xf32>
      %broadcast_in_dim3A_123 = vector.broadcast %jit3A_121 : f32 to vector<16xf32>
      %select_n3A_124 = arith.select %gt3A, %broadcast_in_dim3A_122, %broadcast_in_dim3A_123 : vector<16xi1>, vector<16xf32>
      %add3A_125 = arith.addf %broadcast_in_dim3A_120, %select_n3A_124 : vector<16xf32>
      %gt3A_126 = arith.cmpf ogt, %add3A_109, %add3A_89 : vector<16xf32>
      %jit3A_127 = arith.constant 1.000000e+00 : f32
      %jit3A_128 = arith.constant 0.000000e+00 : f32
      %broadcast_in_dim3A_129 = vector.broadcast %jit3A_127 : f32 to vector<16xf32>
      %broadcast_in_dim3A_130 = vector.broadcast %jit3A_128 : f32 to vector<16xf32>
      %select_n3A_131 = arith.select %gt3A_126, %broadcast_in_dim3A_129, %broadcast_in_dim3A_130 : vector<16xi1>, vector<16xf32>
      %add3A_132 = arith.addf %add3A_125, %select_n3A_131 : vector<16xf32>
      %gt3A_133 = arith.cmpf ogt, %add3A_119, %add3A_89 : vector<16xf32>
      %jit3A_134 = arith.constant 1.000000e+00 : f32
      %jit3A_135 = arith.constant 0.000000e+00 : f32
      %broadcast_in_dim3A_136 = vector.broadcast %jit3A_134 : f32 to vector<16xf32>
      %broadcast_in_dim3A_137 = vector.broadcast %jit3A_135 : f32 to vector<16xf32>
      %select_n3A_138 = arith.select %gt3A_133, %broadcast_in_dim3A_136, %broadcast_in_dim3A_137 : vector<16xi1>, vector<16xf32>
      %add3A_139 = arith.addf %add3A_132, %select_n3A_138 : vector<16xf32>
      %lt3A_140 = arith.constant 2.000000e+00 : f32
      %lt3A_141 = vector.broadcast %lt3A_140 : f32 to vector<16xf32>
      %lt3A_142 = arith.cmpf olt, %add3A_139, %lt3A_141 : vector<16xf32>
      %jit3A_143 = arith.constant 1.000000e+00 : f32
      %jit3A_144 = arith.constant 0.000000e+00 : f32
      %broadcast_in_dim3A_145 = vector.broadcast %jit3A_143 : f32 to vector<16xf32>
      %broadcast_in_dim3A_146 = vector.broadcast %jit3A_144 : f32 to vector<16xf32>
      %select_n3A_147 = arith.select %lt3A_142, %broadcast_in_dim3A_145, %broadcast_in_dim3A_146 : vector<16xi1>, vector<16xf32>
      %broadcast_in_dim3A_148 = arith.constant 0.000000e+00 : f32
      %broadcast_in_dim3A_149 = vector.broadcast %broadcast_in_dim3A_148 : f32 to vector<16xf32>
      %ge3A_150 = arith.cmpf oge, %add3A_89, %add3A_99 : vector<16xf32>
      %jit3A_151 = arith.constant 1.000000e+00 : f32
      %jit3A_152 = arith.constant 0.000000e+00 : f32
      %broadcast_in_dim3A_153 = vector.broadcast %jit3A_151 : f32 to vector<16xf32>
      %broadcast_in_dim3A_154 = vector.broadcast %jit3A_152 : f32 to vector<16xf32>
      %select_n3A_155 = arith.select %ge3A_150, %broadcast_in_dim3A_153, %broadcast_in_dim3A_154 : vector<16xi1>, vector<16xf32>
      %add3A_156 = arith.addf %broadcast_in_dim3A_149, %select_n3A_155 : vector<16xf32>
      %gt3A_157 = arith.cmpf ogt, %add3A_109, %add3A_99 : vector<16xf32>
      %jit3A_158 = arith.constant 1.000000e+00 : f32
      %jit3A_159 = arith.constant 0.000000e+00 : f32
      %broadcast_in_dim3A_160 = vector.broadcast %jit3A_158 : f32 to vector<16xf32>
      %broadcast_in_dim3A_161 = vector.broadcast %jit3A_159 : f32 to vector<16xf32>
      %select_n3A_162 = arith.select %gt3A_157, %broadcast_in_dim3A_160, %broadcast_in_dim3A_161 : vector<16xi1>, vector<16xf32>
      %add3A_163 = arith.addf %add3A_156, %select_n3A_162 : vector<16xf32>
      %gt3A_164 = arith.cmpf ogt, %add3A_119, %add3A_99 : vector<16xf32>
      %jit3A_165 = arith.constant 1.000000e+00 : f32
      %jit3A_166 = arith.constant 0.000000e+00 : f32
      %broadcast_in_dim3A_167 = vector.broadcast %jit3A_165 : f32 to vector<16xf32>
      %broadcast_in_dim3A_168 = vector.broadcast %jit3A_166 : f32 to vector<16xf32>
      %select_n3A_169 = arith.select %gt3A_164, %broadcast_in_dim3A_167, %broadcast_in_dim3A_168 : vector<16xi1>, vector<16xf32>
      %add3A_170 = arith.addf %add3A_163, %select_n3A_169 : vector<16xf32>
      %lt3A_171 = arith.constant 2.000000e+00 : f32
      %lt3A_172 = vector.broadcast %lt3A_171 : f32 to vector<16xf32>
      %lt3A_173 = arith.cmpf olt, %add3A_170, %lt3A_172 : vector<16xf32>
      %jit3A_174 = arith.constant 1.000000e+00 : f32
      %jit3A_175 = arith.constant 0.000000e+00 : f32
      %broadcast_in_dim3A_176 = vector.broadcast %jit3A_174 : f32 to vector<16xf32>
      %broadcast_in_dim3A_177 = vector.broadcast %jit3A_175 : f32 to vector<16xf32>
      %select_n3A_178 = arith.select %lt3A_173, %broadcast_in_dim3A_176, %broadcast_in_dim3A_177 : vector<16xi1>, vector<16xf32>
      %broadcast_in_dim3A_179 = arith.constant 0.000000e+00 : f32
      %broadcast_in_dim3A_180 = vector.broadcast %broadcast_in_dim3A_179 : f32 to vector<16xf32>
      %ge3A_181 = arith.cmpf oge, %add3A_89, %add3A_109 : vector<16xf32>
      %jit3A_182 = arith.constant 1.000000e+00 : f32
      %jit3A_183 = arith.constant 0.000000e+00 : f32
      %broadcast_in_dim3A_184 = vector.broadcast %jit3A_182 : f32 to vector<16xf32>
      %broadcast_in_dim3A_185 = vector.broadcast %jit3A_183 : f32 to vector<16xf32>
      %select_n3A_186 = arith.select %ge3A_181, %broadcast_in_dim3A_184, %broadcast_in_dim3A_185 : vector<16xi1>, vector<16xf32>
      %add3A_187 = arith.addf %broadcast_in_dim3A_180, %select_n3A_186 : vector<16xf32>
      %ge3A_188 = arith.cmpf oge, %add3A_99, %add3A_109 : vector<16xf32>
      %jit3A_189 = arith.constant 1.000000e+00 : f32
      %jit3A_190 = arith.constant 0.000000e+00 : f32
      %broadcast_in_dim3A_191 = vector.broadcast %jit3A_189 : f32 to vector<16xf32>
      %broadcast_in_dim3A_192 = vector.broadcast %jit3A_190 : f32 to vector<16xf32>
      %select_n3A_193 = arith.select %ge3A_188, %broadcast_in_dim3A_191, %broadcast_in_dim3A_192 : vector<16xi1>, vector<16xf32>
      %add3A_194 = arith.addf %add3A_187, %select_n3A_193 : vector<16xf32>
      %gt3A_195 = arith.cmpf ogt, %add3A_119, %add3A_109 : vector<16xf32>
      %jit3A_196 = arith.constant 1.000000e+00 : f32
      %jit3A_197 = arith.constant 0.000000e+00 : f32
      %broadcast_in_dim3A_198 = vector.broadcast %jit3A_196 : f32 to vector<16xf32>
      %broadcast_in_dim3A_199 = vector.broadcast %jit3A_197 : f32 to vector<16xf32>
      %select_n3A_200 = arith.select %gt3A_195, %broadcast_in_dim3A_198, %broadcast_in_dim3A_199 : vector<16xi1>, vector<16xf32>
      %add3A_201 = arith.addf %add3A_194, %select_n3A_200 : vector<16xf32>
      %lt3A_202 = arith.constant 2.000000e+00 : f32
      %lt3A_203 = vector.broadcast %lt3A_202 : f32 to vector<16xf32>
      %lt3A_204 = arith.cmpf olt, %add3A_201, %lt3A_203 : vector<16xf32>
      %jit3A_205 = arith.constant 1.000000e+00 : f32
      %jit3A_206 = arith.constant 0.000000e+00 : f32
      %broadcast_in_dim3A_207 = vector.broadcast %jit3A_205 : f32 to vector<16xf32>
      %broadcast_in_dim3A_208 = vector.broadcast %jit3A_206 : f32 to vector<16xf32>
      %select_n3A_209 = arith.select %lt3A_204, %broadcast_in_dim3A_207, %broadcast_in_dim3A_208 : vector<16xi1>, vector<16xf32>
      %broadcast_in_dim3A_210 = arith.constant 0.000000e+00 : f32
      %broadcast_in_dim3A_211 = vector.broadcast %broadcast_in_dim3A_210 : f32 to vector<16xf32>
      %ge3A_212 = arith.cmpf oge, %add3A_89, %add3A_119 : vector<16xf32>
      %jit3A_213 = arith.constant 1.000000e+00 : f32
      %jit3A_214 = arith.constant 0.000000e+00 : f32
      %broadcast_in_dim3A_215 = vector.broadcast %jit3A_213 : f32 to vector<16xf32>
      %broadcast_in_dim3A_216 = vector.broadcast %jit3A_214 : f32 to vector<16xf32>
      %select_n3A_217 = arith.select %ge3A_212, %broadcast_in_dim3A_215, %broadcast_in_dim3A_216 : vector<16xi1>, vector<16xf32>
      %add3A_218 = arith.addf %broadcast_in_dim3A_211, %select_n3A_217 : vector<16xf32>
      %ge3A_219 = arith.cmpf oge, %add3A_99, %add3A_119 : vector<16xf32>
      %jit3A_220 = arith.constant 1.000000e+00 : f32
      %jit3A_221 = arith.constant 0.000000e+00 : f32
      %broadcast_in_dim3A_222 = vector.broadcast %jit3A_220 : f32 to vector<16xf32>
      %broadcast_in_dim3A_223 = vector.broadcast %jit3A_221 : f32 to vector<16xf32>
      %select_n3A_224 = arith.select %ge3A_219, %broadcast_in_dim3A_222, %broadcast_in_dim3A_223 : vector<16xi1>, vector<16xf32>
      %add3A_225 = arith.addf %add3A_218, %select_n3A_224 : vector<16xf32>
      %ge3A_226 = arith.cmpf oge, %add3A_109, %add3A_119 : vector<16xf32>
      %jit3A_227 = arith.constant 1.000000e+00 : f32
      %jit3A_228 = arith.constant 0.000000e+00 : f32
      %broadcast_in_dim3A_229 = vector.broadcast %jit3A_227 : f32 to vector<16xf32>
      %broadcast_in_dim3A_230 = vector.broadcast %jit3A_228 : f32 to vector<16xf32>
      %select_n3A_231 = arith.select %ge3A_226, %broadcast_in_dim3A_229, %broadcast_in_dim3A_230 : vector<16xi1>, vector<16xf32>
      %add3A_232 = arith.addf %add3A_225, %select_n3A_231 : vector<16xf32>
      %lt3A_233 = arith.constant 2.000000e+00 : f32
      %lt3A_234 = vector.broadcast %lt3A_233 : f32 to vector<16xf32>
      %lt3A_235 = arith.cmpf olt, %add3A_232, %lt3A_234 : vector<16xf32>
      %jit3A_236 = arith.constant 1.000000e+00 : f32
      %jit3A_237 = arith.constant 0.000000e+00 : f32
      %broadcast_in_dim3A_238 = vector.broadcast %jit3A_236 : f32 to vector<16xf32>
      %broadcast_in_dim3A_239 = vector.broadcast %jit3A_237 : f32 to vector<16xf32>
      %select_n3A_240 = arith.select %lt3A_235, %broadcast_in_dim3A_238, %broadcast_in_dim3A_239 : vector<16xi1>, vector<16xf32>
      %get3A_241 = arith.constant 0 : i32
      %get3A_242 = arith.index_cast %get3A_241 : i32 to index
      %get3A_243 = arith.constant 0 : index
      %get3A_244 = tpu.vector_load %arg5[%get3A_242, %get3A_243] {strides = array<i32>} : memref<16x128xf32, #tpu.memory_space<vmem>>, vector<1x16xf32>,
      %get3A_245 = vector.shape_cast %get3A_244 : vector<1x16xf32> to vector<16xf32>
      %mul3A_246 = arith.mulf %select_n3A_147, %get3A_245 : vector<16xf32>
      %get3A_247 = arith.constant 1 : i32
      %get3A_248 = arith.index_cast %get3A_247 : i32 to index
      %get3A_249 = arith.constant 0 : index
      %get3A_250 = tpu.vector_load %arg5[%get3A_248, %get3A_249] {strides = array<i32>} : memref<16x128xf32, #tpu.memory_space<vmem>>, vector<1x16xf32>,
      %get3A_251 = vector.shape_cast %get3A_250 : vector<1x16xf32> to vector<16xf32>
      %mul3A_252 = arith.mulf %select_n3A_147, %get3A_251 : vector<16xf32>
      %get3A_253 = arith.constant 2 : i32
      %get3A_254 = arith.index_cast %get3A_253 : i32 to index
      %get3A_255 = arith.constant 0 : index
      %get3A_256 = tpu.vector_load %arg5[%get3A_254, %get3A_255] {strides = array<i32>} : memref<16x128xf32, #tpu.memory_space<vmem>>, vector<1x16xf32>,
      %get3A_257 = vector.shape_cast %get3A_256 : vector<1x16xf32> to vector<16xf32>
      %mul3A_258 = arith.mulf %select_n3A_147, %get3A_257 : vector<16xf32>
      %get3A_259 = arith.constant 3 : i32
      %get3A_260 = arith.index_cast %get3A_259 : i32 to index
      %get3A_261 = arith.constant 0 : index
      %get3A_262 = tpu.vector_load %arg5[%get3A_260, %get3A_261] {strides = array<i32>} : memref<16x128xf32, #tpu.memory_space<vmem>>, vector<1x16xf32>,
      %get3A_263 = vector.shape_cast %get3A_262 : vector<1x16xf32> to vector<16xf32>
      %mul3A_264 = arith.mulf %select_n3A_147, %get3A_263 : vector<16xf32>
      %get3A_265 = arith.constant 4 : i32
      %get3A_266 = arith.index_cast %get3A_265 : i32 to index
      %get3A_267 = arith.constant 0 : index
      %get3A_268 = tpu.vector_load %arg5[%get3A_266, %get3A_267] {strides = array<i32>} : memref<16x128xf32, #tpu.memory_space<vmem>>, vector<1x16xf32>,
      %get3A_269 = vector.shape_cast %get3A_268 : vector<1x16xf32> to vector<16xf32>
      %mul3A_270 = arith.mulf %select_n3A_178, %get3A_269 : vector<16xf32>
      %get3A_271 = arith.constant 5 : i32
      %get3A_272 = arith.index_cast %get3A_271 : i32 to index
      %get3A_273 = arith.constant 0 : index
      %get3A_274 = tpu.vector_load %arg5[%get3A_272, %get3A_273] {strides = array<i32>} : memref<16x128xf32, #tpu.memory_space<vmem>>, vector<1x16xf32>,
      %get3A_275 = vector.shape_cast %get3A_274 : vector<1x16xf32> to vector<16xf32>
      %mul3A_276 = arith.mulf %select_n3A_178, %get3A_275 : vector<16xf32>
      %get3A_277 = arith.constant 6 : i32
      %get3A_278 = arith.index_cast %get3A_277 : i32 to index
      %get3A_279 = arith.constant 0 : index
      %get3A_280 = tpu.vector_load %arg5[%get3A_278, %get3A_279] {strides = array<i32>} : memref<16x128xf32, #tpu.memory_space<vmem>>, vector<1x16xf32>,
      %get3A_281 = vector.shape_cast %get3A_280 : vector<1x16xf32> to vector<16xf32>
      %mul3A_282 = arith.mulf %select_n3A_178, %get3A_281 : vector<16xf32>
      %get3A_283 = arith.constant 7 : i32
      %get3A_284 = arith.index_cast %get3A_283 : i32 to index
      %get3A_285 = arith.constant 0 : index
      %get3A_286 = tpu.vector_load %arg5[%get3A_284, %get3A_285] {strides = array<i32>} : memref<16x128xf32, #tpu.memory_space<vmem>>, vector<1x16xf32>,
      %get3A_287 = vector.shape_cast %get3A_286 : vector<1x16xf32> to vector<16xf32>
      %mul3A_288 = arith.mulf %select_n3A_178, %get3A_287 : vector<16xf32>
      %get3A_289 = arith.constant 8 : i32
      %get3A_290 = arith.index_cast %get3A_289 : i32 to index
      %get3A_291 = arith.constant 0 : index
      %get3A_292 = tpu.vector_load %arg5[%get3A_290, %get3A_291] {strides = array<i32>} : memref<16x128xf32, #tpu.memory_space<vmem>>, vector<1x16xf32>,
      %get3A_293 = vector.shape_cast %get3A_292 : vector<1x16xf32> to vector<16xf32>
      %mul3A_294 = arith.mulf %select_n3A_209, %get3A_293 : vector<16xf32>
      %get3A_295 = arith.constant 9 : i32
      %get3A_296 = arith.index_cast %get3A_295 : i32 to index
      %get3A_297 = arith.constant 0 : index
      %get3A_298 = tpu.vector_load %arg5[%get3A_296, %get3A_297] {strides = array<i32>} : memref<16x128xf32, #tpu.memory_space<vmem>>, vector<1x16xf32>,
      %get3A_299 = vector.shape_cast %get3A_298 : vector<1x16xf32> to vector<16xf32>
      %mul3A_300 = arith.mulf %select_n3A_209, %get3A_299 : vector<16xf32>
      %get3A_301 = arith.constant 10 : i32
      %get3A_302 = arith.index_cast %get3A_301 : i32 to index
      %get3A_303 = arith.constant 0 : index
      %get3A_304 = tpu.vector_load %arg5[%get3A_302, %get3A_303] {strides = array<i32>} : memref<16x128xf32, #tpu.memory_space<vmem>>, vector<1x16xf32>,
      %get3A_305 = vector.shape_cast %get3A_304 : vector<1x16xf32> to vector<16xf32>
      %mul3A_306 = arith.mulf %select_n3A_209, %get3A_305 : vector<16xf32>
      %get3A_307 = arith.constant 11 : i32
      %get3A_308 = arith.index_cast %get3A_307 : i32 to index
      %get3A_309 = arith.constant 0 : index
      %get3A_310 = tpu.vector_load %arg5[%get3A_308, %get3A_309] {strides = array<i32>} : memref<16x128xf32, #tpu.memory_space<vmem>>, vector<1x16xf32>,
      %get3A_311 = vector.shape_cast %get3A_310 : vector<1x16xf32> to vector<16xf32>
      %mul3A_312 = arith.mulf %select_n3A_209, %get3A_311 : vector<16xf32>
      %get3A_313 = arith.constant 12 : i32
      %get3A_314 = arith.index_cast %get3A_313 : i32 to index
      %get3A_315 = arith.constant 0 : index
      %get3A_316 = tpu.vector_load %arg5[%get3A_314, %get3A_315] {strides = array<i32>} : memref<16x128xf32, #tpu.memory_space<vmem>>, vector<1x16xf32>,
      %get3A_317 = vector.shape_cast %get3A_316 : vector<1x16xf32> to vector<16xf32>
      %mul3A_318 = arith.mulf %select_n3A_240, %get3A_317 : vector<16xf32>
      %get3A_319 = arith.constant 13 : i32
      %get3A_320 = arith.index_cast %get3A_319 : i32 to index
      %get3A_321 = arith.constant 0 : index
      %get3A_322 = tpu.vector_load %arg5[%get3A_320, %get3A_321] {strides = array<i32>} : memref<16x128xf32, #tpu.memory_space<vmem>>, vector<1x16xf32>,
      %get3A_323 = vector.shape_cast %get3A_322 : vector<1x16xf32> to vector<16xf32>
      %mul3A_324 = arith.mulf %select_n3A_240, %get3A_323 : vector<16xf32>
      %get3A_325 = arith.constant 14 : i32
      %get3A_326 = arith.index_cast %get3A_325 : i32 to index
      %get3A_327 = arith.constant 0 : index
      %get3A_328 = tpu.vector_load %arg5[%get3A_326, %get3A_327] {strides = array<i32>} : memref<16x128xf32, #tpu.memory_space<vmem>>, vector<1x16xf32>,
      %get3A_329 = vector.shape_cast %get3A_328 : vector<1x16xf32> to vector<16xf32>
      %mul3A_330 = arith.mulf %select_n3A_240, %get3A_329 : vector<16xf32>
      %get3A_331 = arith.constant 15 : i32
      %get3A_332 = arith.index_cast %get3A_331 : i32 to index
      %get3A_333 = arith.constant 0 : index
      %get3A_334 = tpu.vector_load %arg5[%get3A_332, %get3A_333] {strides = array<i32>} : memref<16x128xf32, #tpu.memory_space<vmem>>, vector<1x16xf32>,
      %get3A_335 = vector.shape_cast %get3A_334 : vector<1x16xf32> to vector<16xf32>
      %mul3A_336 = arith.mulf %select_n3A_240, %get3A_335 : vector<16xf32>
      %add3A_337 = arith.addf %mul3A_246, %mul3A_252 : vector<16xf32>
      %add3A_338 = arith.addf %add3A_337, %mul3A_258 : vector<16xf32>
      %add3A_339 = arith.addf %add3A_338, %mul3A_264 : vector<16xf32>
      %add3A_340 = arith.addf %add3A_339, %mul3A_270 : vector<16xf32>
      %add3A_341 = arith.addf %add3A_340, %mul3A_276 : vector<16xf32>
      %add3A_342 = arith.addf %add3A_341, %mul3A_282 : vector<16xf32>
      %add3A_343 = arith.addf %add3A_342, %mul3A_288 : vector<16xf32>
      %add3A_344 = arith.addf %add3A_343, %mul3A_294 : vector<16xf32>
      %add3A_345 = arith.addf %add3A_344, %mul3A_300 : vector<16xf32>
      %add3A_346 = arith.addf %add3A_345, %mul3A_306 : vector<16xf32>
      %add3A_347 = arith.addf %add3A_346, %mul3A_312 : vector<16xf32>
      %add3A_348 = arith.addf %add3A_347, %mul3A_318 : vector<16xf32>
      %add3A_349 = arith.addf %add3A_348, %mul3A_324 : vector<16xf32>
      %add3A_350 = arith.addf %add3A_349, %mul3A_330 : vector<16xf32>
      %add3A_351 = arith.addf %add3A_350, %mul3A_336 : vector<16xf32>
      %add3A_352 = arith.constant 9.99999968E-21 : f32
      %add3A_353 = vector.broadcast %add3A_352 : f32 to vector<16xf32>
      %add3A_354 = arith.addf %add3A_351, %add3A_353 : vector<16xf32>
      %div3A = arith.divf %mul3A_246, %add3A_354 : vector<16xf32>
      %swap3A = arith.constant 0 : i32
      %swap3A_355 = arith.index_cast %swap3A : i32 to index
      %swap3A_356 = arith.constant 0 : index
      %swap3A_357 = tpu.vector_load %arg7[%swap3A_355, %swap3A_356] {strides = array<i32>} : memref<16x128xf32, #tpu.memory_space<vmem>>, vector<1x16xf32>,
      %swap3A_358 = vector.shape_cast %swap3A_357 : vector<1x16xf32> to vector<16xf32>
      %swap3A_359 = vector.shape_cast %div3A : vector<16xf32> to vector<1x16xf32>
      tpu.vector_store %arg7[%swap3A_355, %swap3A_356], %swap3A_359 {strides = array<i32>} : memref<16x128xf32, #tpu.memory_space<vmem>>, vector<1x16xf32>,
      %div3A_360 = arith.divf %mul3A_252, %add3A_354 : vector<16xf32>
      %swap3A_361 = arith.constant 1 : i32
      %swap3A_362 = arith.index_cast %swap3A_361 : i32 to index
      %swap3A_363 = arith.constant 0 : index
      %swap3A_364 = tpu.vector_load %arg7[%swap3A_362, %swap3A_363] {strides = array<i32>} : memref<16x128xf32, #tpu.memory_space<vmem>>, vector<1x16xf32>,
      %swap3A_365 = vector.shape_cast %swap3A_364 : vector<1x16xf32> to vector<16xf32>
      %swap3A_366 = vector.shape_cast %div3A_360 : vector<16xf32> to vector<1x16xf32>
      tpu.vector_store %arg7[%swap3A_362, %swap3A_363], %swap3A_366 {strides = array<i32>} : memref<16x128xf32, #tpu.memory_space<vmem>>, vector<1x16xf32>,
      %div3A_367 = arith.divf %mul3A_258, %add3A_354 : vector<16xf32>
      %swap3A_368 = arith.constant 2 : i32
      %swap3A_369 = arith.index_cast %swap3A_368 : i32 to index
      %swap3A_370 = arith.constant 0 : index
      %swap3A_371 = tpu.vector_load %arg7[%swap3A_369, %swap3A_370] {strides = array<i32>} : memref<16x128xf32, #tpu.memory_space<vmem>>, vector<1x16xf32>,
      %swap3A_372 = vector.shape_cast %swap3A_371 : vector<1x16xf32> to vector<16xf32>
      %swap3A_373 = vector.shape_cast %div3A_367 : vector<16xf32> to vector<1x16xf32>
      tpu.vector_store %arg7[%swap3A_369, %swap3A_370], %swap3A_373 {strides = array<i32>} : memref<16x128xf32, #tpu.memory_space<vmem>>, vector<1x16xf32>,
      %div3A_374 = arith.divf %mul3A_264, %add3A_354 : vector<16xf32>
      %swap3A_375 = arith.constant 3 : i32
      %swap3A_376 = arith.index_cast %swap3A_375 : i32 to index
      %swap3A_377 = arith.constant 0 : index
      %swap3A_378 = tpu.vector_load %arg7[%swap3A_376, %swap3A_377] {strides = array<i32>} : memref<16x128xf32, #tpu.memory_space<vmem>>, vector<1x16xf32>,
      %swap3A_379 = vector.shape_cast %swap3A_378 : vector<1x16xf32> to vector<16xf32>
      %swap3A_380 = vector.shape_cast %div3A_374 : vector<16xf32> to vector<1x16xf32>
      tpu.vector_store %arg7[%swap3A_376, %swap3A_377], %swap3A_380 {strides = array<i32>} : memref<16x128xf32, #tpu.memory_space<vmem>>, vector<1x16xf32>,
      %div3A_381 = arith.divf %mul3A_270, %add3A_354 : vector<16xf32>
      %swap3A_382 = arith.constant 4 : i32
      %swap3A_383 = arith.index_cast %swap3A_382 : i32 to index
      %swap3A_384 = arith.constant 0 : index
      %swap3A_385 = tpu.vector_load %arg7[%swap3A_383, %swap3A_384] {strides = array<i32>} : memref<16x128xf32, #tpu.memory_space<vmem>>, vector<1x16xf32>,
      %swap3A_386 = vector.shape_cast %swap3A_385 : vector<1x16xf32> to vector<16xf32>
      %swap3A_387 = vector.shape_cast %div3A_381 : vector<16xf32> to vector<1x16xf32>
      tpu.vector_store %arg7[%swap3A_383, %swap3A_384], %swap3A_387 {strides = array<i32>} : memref<16x128xf32, #tpu.memory_space<vmem>>, vector<1x16xf32>,
      %div3A_388 = arith.divf %mul3A_276, %add3A_354 : vector<16xf32>
      %swap3A_389 = arith.constant 5 : i32
      %swap3A_390 = arith.index_cast %swap3A_389 : i32 to index
      %swap3A_391 = arith.constant 0 : index
      %swap3A_392 = tpu.vector_load %arg7[%swap3A_390, %swap3A_391] {strides = array<i32>} : memref<16x128xf32, #tpu.memory_space<vmem>>, vector<1x16xf32>,
      %swap3A_393 = vector.shape_cast %swap3A_392 : vector<1x16xf32> to vector<16xf32>
      %swap3A_394 = vector.shape_cast %div3A_388 : vector<16xf32> to vector<1x16xf32>
      tpu.vector_store %arg7[%swap3A_390, %swap3A_391], %swap3A_394 {strides = array<i32>} : memref<16x128xf32, #tpu.memory_space<vmem>>, vector<1x16xf32>,
      %div3A_395 = arith.divf %mul3A_282, %add3A_354 : vector<16xf32>
      %swap3A_396 = arith.constant 6 : i32
      %swap3A_397 = arith.index_cast %swap3A_396 : i32 to index
      %swap3A_398 = arith.constant 0 : index
      %swap3A_399 = tpu.vector_load %arg7[%swap3A_397, %swap3A_398] {strides = array<i32>} : memref<16x128xf32, #tpu.memory_space<vmem>>, vector<1x16xf32>,
      %swap3A_400 = vector.shape_cast %swap3A_399 : vector<1x16xf32> to vector<16xf32>
      %swap3A_401 = vector.shape_cast %div3A_395 : vector<16xf32> to vector<1x16xf32>
      tpu.vector_store %arg7[%swap3A_397, %swap3A_398], %swap3A_401 {strides = array<i32>} : memref<16x128xf32, #tpu.memory_space<vmem>>, vector<1x16xf32>,
      %div3A_402 = arith.divf %mul3A_288, %add3A_354 : vector<16xf32>
      %swap3A_403 = arith.constant 7 : i32
      %swap3A_404 = arith.index_cast %swap3A_403 : i32 to index
      %swap3A_405 = arith.constant 0 : index
      %swap3A_406 = tpu.vector_load %arg7[%swap3A_404, %swap3A_405] {strides = array<i32>} : memref<16x128xf32, #tpu.memory_space<vmem>>, vector<1x16xf32>,
      %swap3A_407 = vector.shape_cast %swap3A_406 : vector<1x16xf32> to vector<16xf32>
      %swap3A_408 = vector.shape_cast %div3A_402 : vector<16xf32> to vector<1x16xf32>
      tpu.vector_store %arg7[%swap3A_404, %swap3A_405], %swap3A_408 {strides = array<i32>} : memref<16x128xf32, #tpu.memory_space<vmem>>, vector<1x16xf32>,
      %div3A_409 = arith.divf %mul3A_294, %add3A_354 : vector<16xf32>
      %swap3A_410 = arith.constant 8 : i32
      %swap3A_411 = arith.index_cast %swap3A_410 : i32 to index
      %swap3A_412 = arith.constant 0 : index
      %swap3A_413 = tpu.vector_load %arg7[%swap3A_411, %swap3A_412] {strides = array<i32>} : memref<16x128xf32, #tpu.memory_space<vmem>>, vector<1x16xf32>,
      %swap3A_414 = vector.shape_cast %swap3A_413 : vector<1x16xf32> to vector<16xf32>
      %swap3A_415 = vector.shape_cast %div3A_409 : vector<16xf32> to vector<1x16xf32>
      tpu.vector_store %arg7[%swap3A_411, %swap3A_412], %swap3A_415 {strides = array<i32>} : memref<16x128xf32, #tpu.memory_space<vmem>>, vector<1x16xf32>,
      %div3A_416 = arith.divf %mul3A_300, %add3A_354 : vector<16xf32>
      %swap3A_417 = arith.constant 9 : i32
      %swap3A_418 = arith.index_cast %swap3A_417 : i32 to index
      %swap3A_419 = arith.constant 0 : index
      %swap3A_420 = tpu.vector_load %arg7[%swap3A_418, %swap3A_419] {strides = array<i32>} : memref<16x128xf32, #tpu.memory_space<vmem>>, vector<1x16xf32>,
      %swap3A_421 = vector.shape_cast %swap3A_420 : vector<1x16xf32> to vector<16xf32>
      %swap3A_422 = vector.shape_cast %div3A_416 : vector<16xf32> to vector<1x16xf32>
      tpu.vector_store %arg7[%swap3A_418, %swap3A_419], %swap3A_422 {strides = array<i32>} : memref<16x128xf32, #tpu.memory_space<vmem>>, vector<1x16xf32>,
      %div3A_423 = arith.divf %mul3A_306, %add3A_354 : vector<16xf32>
      %swap3A_424 = arith.constant 10 : i32
      %swap3A_425 = arith.index_cast %swap3A_424 : i32 to index
      %swap3A_426 = arith.constant 0 : index
      %swap3A_427 = tpu.vector_load %arg7[%swap3A_425, %swap3A_426] {strides = array<i32>} : memref<16x128xf32, #tpu.memory_space<vmem>>, vector<1x16xf32>,
      %swap3A_428 = vector.shape_cast %swap3A_427 : vector<1x16xf32> to vector<16xf32>
      %swap3A_429 = vector.shape_cast %div3A_423 : vector<16xf32> to vector<1x16xf32>
      tpu.vector_store %arg7[%swap3A_425, %swap3A_426], %swap3A_429 {strides = array<i32>} : memref<16x128xf32, #tpu.memory_space<vmem>>, vector<1x16xf32>,
      %div3A_430 = arith.divf %mul3A_312, %add3A_354 : vector<16xf32>
      %swap3A_431 = arith.constant 11 : i32
      %swap3A_432 = arith.index_cast %swap3A_431 : i32 to index
      %swap3A_433 = arith.constant 0 : index
      %swap3A_434 = tpu.vector_load %arg7[%swap3A_432, %swap3A_433] {strides = array<i32>} : memref<16x128xf32, #tpu.memory_space<vmem>>, vector<1x16xf32>,
      %swap3A_435 = vector.shape_cast %swap3A_434 : vector<1x16xf32> to vector<16xf32>
      %swap3A_436 = vector.shape_cast %div3A_430 : vector<16xf32> to vector<1x16xf32>
      tpu.vector_store %arg7[%swap3A_432, %swap3A_433], %swap3A_436 {strides = array<i32>} : memref<16x128xf32, #tpu.memory_space<vmem>>, vector<1x16xf32>,
      %div3A_437 = arith.divf %mul3A_318, %add3A_354 : vector<16xf32>
      %swap3A_438 = arith.constant 12 : i32
      %swap3A_439 = arith.index_cast %swap3A_438 : i32 to index
      %swap3A_440 = arith.constant 0 : index
      %swap3A_441 = tpu.vector_load %arg7[%swap3A_439, %swap3A_440] {strides = array<i32>} : memref<16x128xf32, #tpu.memory_space<vmem>>, vector<1x16xf32>,
      %swap3A_442 = vector.shape_cast %swap3A_441 : vector<1x16xf32> to vector<16xf32>
      %swap3A_443 = vector.shape_cast %div3A_437 : vector<16xf32> to vector<1x16xf32>
      tpu.vector_store %arg7[%swap3A_439, %swap3A_440], %swap3A_443 {strides = array<i32>} : memref<16x128xf32, #tpu.memory_space<vmem>>, vector<1x16xf32>,
      %div3A_444 = arith.divf %mul3A_324, %add3A_354 : vector<16xf32>
      %swap3A_445 = arith.constant 13 : i32
      %swap3A_446 = arith.index_cast %swap3A_445 : i32 to index
      %swap3A_447 = arith.constant 0 : index
      %swap3A_448 = tpu.vector_load %arg7[%swap3A_446, %swap3A_447] {strides = array<i32>} : memref<16x128xf32, #tpu.memory_space<vmem>>, vector<1x16xf32>,
      %swap3A_449 = vector.shape_cast %swap3A_448 : vector<1x16xf32> to vector<16xf32>
      %swap3A_450 = vector.shape_cast %div3A_444 : vector<16xf32> to vector<1x16xf32>
      tpu.vector_store %arg7[%swap3A_446, %swap3A_447], %swap3A_450 {strides = array<i32>} : memref<16x128xf32, #tpu.memory_space<vmem>>, vector<1x16xf32>,
      %div3A_451 = arith.divf %mul3A_330, %add3A_354 : vector<16xf32>
      %swap3A_452 = arith.constant 14 : i32
      %swap3A_453 = arith.index_cast %swap3A_452 : i32 to index
      %swap3A_454 = arith.constant 0 : index
      %swap3A_455 = tpu.vector_load %arg7[%swap3A_453, %swap3A_454] {strides = array<i32>} : memref<16x128xf32, #tpu.memory_space<vmem>>, vector<1x16xf32>,
      %swap3A_456 = vector.shape_cast %swap3A_455 : vector<1x16xf32> to vector<16xf32>
      %swap3A_457 = vector.shape_cast %div3A_451 : vector<16xf32> to vector<1x16xf32>
      tpu.vector_store %arg7[%swap3A_453, %swap3A_454], %swap3A_457 {strides = array<i32>} : memref<16x128xf32, #tpu.memory_space<vmem>>, vector<1x16xf32>,
      %div3A_458 = arith.divf %mul3A_336, %add3A_354 : vector<16xf32>
      %swap3A_459 = arith.constant 15 : i32
      %swap3A_460 = arith.index_cast %swap3A_459 : i32 to index
      %swap3A_461 = arith.constant 0 : index
      %swap3A_462 = tpu.vector_load %arg7[%swap3A_460, %swap3A_461] {strides = array<i32>} : memref<16x128xf32, #tpu.memory_space<vmem>>, vector<1x16xf32>,
      %swap3A_463 = vector.shape_cast %swap3A_462 : vector<1x16xf32> to vector<16xf32>
      %swap3A_464 = vector.shape_cast %div3A_458 : vector<16xf32> to vector<1x16xf32>
      tpu.vector_store %arg7[%swap3A_460, %swap3A_461], %swap3A_464 {strides = array<i32>} : memref<16x128xf32, #tpu.memory_space<vmem>>, vector<1x16xf32>,
      %get3A_465 = arith.constant 0 : i32
      %get3A_466 = arith.index_cast %get3A_465 : i32 to index
      %get3A_467 = arith.constant 16 : index
      %get3A_468 = tpu.vector_load %arg6[%get3A_466, %get3A_467] {strides = array<i32>} : memref<16x128xf32, #tpu.memory_space<vmem>>, vector<1x16xf32>,
      %get3A_469 = vector.shape_cast %get3A_468 : vector<1x16xf32> to vector<16xf32>
      %get3A_470 = arith.constant 1 : i32
      %get3A_471 = arith.index_cast %get3A_470 : i32 to index
      %get3A_472 = arith.constant 16 : index
      %get3A_473 = tpu.vector_load %arg6[%get3A_471, %get3A_472] {strides = array<i32>} : memref<16x128xf32, #tpu.memory_space<vmem>>, vector<1x16xf32>,
      %get3A_474 = vector.shape_cast %get3A_473 : vector<1x16xf32> to vector<16xf32>
      %get3A_475 = arith.constant 2 : i32
      %get3A_476 = arith.index_cast %get3A_475 : i32 to index
      %get3A_477 = arith.constant 16 : index
      %get3A_478 = tpu.vector_load %arg6[%get3A_476, %get3A_477] {strides = array<i32>} : memref<16x128xf32, #tpu.memory_space<vmem>>, vector<1x16xf32>,
      %get3A_479 = vector.shape_cast %get3A_478 : vector<1x16xf32> to vector<16xf32>
      %get3A_480 = arith.constant 3 : i32
      %get3A_481 = arith.index_cast %get3A_480 : i32 to index
      %get3A_482 = arith.constant 16 : index
      %get3A_483 = tpu.vector_load %arg6[%get3A_481, %get3A_482] {strides = array<i32>} : memref<16x128xf32, #tpu.memory_space<vmem>>, vector<1x16xf32>,
      %get3A_484 = vector.shape_cast %get3A_483 : vector<1x16xf32> to vector<16xf32>
      %get3A_485 = arith.constant 4 : i32
      %get3A_486 = arith.index_cast %get3A_485 : i32 to index
      %get3A_487 = arith.constant 16 : index
      %get3A_488 = tpu.vector_load %arg6[%get3A_486, %get3A_487] {strides = array<i32>} : memref<16x128xf32, #tpu.memory_space<vmem>>, vector<1x16xf32>,
      %get3A_489 = vector.shape_cast %get3A_488 : vector<1x16xf32> to vector<16xf32>
      %get3A_490 = arith.constant 5 : i32
      %get3A_491 = arith.index_cast %get3A_490 : i32 to index
      %get3A_492 = arith.constant 16 : index
      %get3A_493 = tpu.vector_load %arg6[%get3A_491, %get3A_492] {strides = array<i32>} : memref<16x128xf32, #tpu.memory_space<vmem>>, vector<1x16xf32>,
      %get3A_494 = vector.shape_cast %get3A_493 : vector<1x16xf32> to vector<16xf32>
      %get3A_495 = arith.constant 6 : i32
      %get3A_496 = arith.index_cast %get3A_495 : i32 to index
      %get3A_497 = arith.constant 16 : index
      %get3A_498 = tpu.vector_load %arg6[%get3A_496, %get3A_497] {strides = array<i32>} : memref<16x128xf32, #tpu.memory_space<vmem>>, vector<1x16xf32>,
      %get3A_499 = vector.shape_cast %get3A_498 : vector<1x16xf32> to vector<16xf32>
      %get3A_500 = arith.constant 7 : i32
      %get3A_501 = arith.index_cast %get3A_500 : i32 to index
      %get3A_502 = arith.constant 16 : index
      %get3A_503 = tpu.vector_load %arg6[%get3A_501, %get3A_502] {strides = array<i32>} : memref<16x128xf32, #tpu.memory_space<vmem>>, vector<1x16xf32>,
      %get3A_504 = vector.shape_cast %get3A_503 : vector<1x16xf32> to vector<16xf32>
      %get3A_505 = arith.constant 8 : i32
      %get3A_506 = arith.index_cast %get3A_505 : i32 to index
      %get3A_507 = arith.constant 16 : index
      %get3A_508 = tpu.vector_load %arg6[%get3A_506, %get3A_507] {strides = array<i32>} : memref<16x128xf32, #tpu.memory_space<vmem>>, vector<1x16xf32>,
      %get3A_509 = vector.shape_cast %get3A_508 : vector<1x16xf32> to vector<16xf32>
      %get3A_510 = arith.constant 9 : i32
      %get3A_511 = arith.index_cast %get3A_510 : i32 to index
      %get3A_512 = arith.constant 16 : index
      %get3A_513 = tpu.vector_load %arg6[%get3A_511, %get3A_512] {strides = array<i32>} : memref<16x128xf32, #tpu.memory_space<vmem>>, vector<1x16xf32>,
      %get3A_514 = vector.shape_cast %get3A_513 : vector<1x16xf32> to vector<16xf32>
      %get3A_515 = arith.constant 10 : i32
      %get3A_516 = arith.index_cast %get3A_515 : i32 to index
      %get3A_517 = arith.constant 16 : index
      %get3A_518 = tpu.vector_load %arg6[%get3A_516, %get3A_517] {strides = array<i32>} : memref<16x128xf32, #tpu.memory_space<vmem>>, vector<1x16xf32>,
      %get3A_519 = vector.shape_cast %get3A_518 : vector<1x16xf32> to vector<16xf32>
      %get3A_520 = arith.constant 11 : i32
      %get3A_521 = arith.index_cast %get3A_520 : i32 to index
      %get3A_522 = arith.constant 16 : index
      %get3A_523 = tpu.vector_load %arg6[%get3A_521, %get3A_522] {strides = array<i32>} : memref<16x128xf32, #tpu.memory_space<vmem>>, vector<1x16xf32>,
      %get3A_524 = vector.shape_cast %get3A_523 : vector<1x16xf32> to vector<16xf32>
      %get3A_525 = arith.constant 12 : i32
      %get3A_526 = arith.index_cast %get3A_525 : i32 to index
      %get3A_527 = arith.constant 16 : index
      %get3A_528 = tpu.vector_load %arg6[%get3A_526, %get3A_527] {strides = array<i32>} : memref<16x128xf32, #tpu.memory_space<vmem>>, vector<1x16xf32>,
      %get3A_529 = vector.shape_cast %get3A_528 : vector<1x16xf32> to vector<16xf32>
      %get3A_530 = arith.constant 13 : i32
      %get3A_531 = arith.index_cast %get3A_530 : i32 to index
      %get3A_532 = arith.constant 16 : index
      %get3A_533 = tpu.vector_load %arg6[%get3A_531, %get3A_532] {strides = array<i32>} : memref<16x128xf32, #tpu.memory_space<vmem>>, vector<1x16xf32>,
      %get3A_534 = vector.shape_cast %get3A_533 : vector<1x16xf32> to vector<16xf32>
      %get3A_535 = arith.constant 14 : i32
      %get3A_536 = arith.index_cast %get3A_535 : i32 to index
      %get3A_537 = arith.constant 16 : index
      %get3A_538 = tpu.vector_load %arg6[%get3A_536, %get3A_537] {strides = array<i32>} : memref<16x128xf32, #tpu.memory_space<vmem>>, vector<1x16xf32>,
      %get3A_539 = vector.shape_cast %get3A_538 : vector<1x16xf32> to vector<16xf32>
      %get3A_540 = arith.constant 15 : i32
      %get3A_541 = arith.index_cast %get3A_540 : i32 to index
      %get3A_542 = arith.constant 16 : index
      %get3A_543 = tpu.vector_load %arg6[%get3A_541, %get3A_542] {strides = array<i32>} : memref<16x128xf32, #tpu.memory_space<vmem>>, vector<1x16xf32>,
      %get3A_544 = vector.shape_cast %get3A_543 : vector<1x16xf32> to vector<16xf32>
      %max3A_545 = arith.maximumf %get3A_469, %get3A_474 : vector<16xf32>
      %min3A_546 = arith.minimumf %get3A_469, %get3A_474 : vector<16xf32>
      %max3A_547 = arith.maximumf %get3A_479, %get3A_484 : vector<16xf32>
      %min3A_548 = arith.minimumf %get3A_479, %get3A_484 : vector<16xf32>
      %max3A_549 = arith.maximumf %max3A_545, %max3A_547 : vector<16xf32>
      %min3A_550 = arith.minimumf %max3A_545, %max3A_547 : vector<16xf32>
      %ge3A_551 = arith.cmpf oge, %max3A_545, %max3A_547 : vector<16xf32>
      %select_n3A_552 = arith.select %ge3A_551, %min3A_546, %min3A_548 : vector<16xi1>, vector<16xf32>
      %max3A_553 = arith.maximumf %min3A_550, %select_n3A_552 : vector<16xf32>
      %add3A_554 = arith.addf %max3A_549, %max3A_553 : vector<16xf32>
      %max3A_555 = arith.maximumf %get3A_489, %get3A_494 : vector<16xf32>
      %min3A_556 = arith.minimumf %get3A_489, %get3A_494 : vector<16xf32>
      %max3A_557 = arith.maximumf %get3A_499, %get3A_504 : vector<16xf32>
      %min3A_558 = arith.minimumf %get3A_499, %get3A_504 : vector<16xf32>
      %max3A_559 = arith.maximumf %max3A_555, %max3A_557 : vector<16xf32>
      %min3A_560 = arith.minimumf %max3A_555, %max3A_557 : vector<16xf32>
      %ge3A_561 = arith.cmpf oge, %max3A_555, %max3A_557 : vector<16xf32>
      %select_n3A_562 = arith.select %ge3A_561, %min3A_556, %min3A_558 : vector<16xi1>, vector<16xf32>
      %max3A_563 = arith.maximumf %min3A_560, %select_n3A_562 : vector<16xf32>
      %add3A_564 = arith.addf %max3A_559, %max3A_563 : vector<16xf32>
      %max3A_565 = arith.maximumf %get3A_509, %get3A_514 : vector<16xf32>
      %min3A_566 = arith.minimumf %get3A_509, %get3A_514 : vector<16xf32>
      %max3A_567 = arith.maximumf %get3A_519, %get3A_524 : vector<16xf32>
      %min3A_568 = arith.minimumf %get3A_519, %get3A_524 : vector<16xf32>
      %max3A_569 = arith.maximumf %max3A_565, %max3A_567 : vector<16xf32>
      %min3A_570 = arith.minimumf %max3A_565, %max3A_567 : vector<16xf32>
      %ge3A_571 = arith.cmpf oge, %max3A_565, %max3A_567 : vector<16xf32>
      %select_n3A_572 = arith.select %ge3A_571, %min3A_566, %min3A_568 : vector<16xi1>, vector<16xf32>
      %max3A_573 = arith.maximumf %min3A_570, %select_n3A_572 : vector<16xf32>
      %add3A_574 = arith.addf %max3A_569, %max3A_573 : vector<16xf32>
      %max3A_575 = arith.maximumf %get3A_529, %get3A_534 : vector<16xf32>
      %min3A_576 = arith.minimumf %get3A_529, %get3A_534 : vector<16xf32>
      %max3A_577 = arith.maximumf %get3A_539, %get3A_544 : vector<16xf32>
      %min3A_578 = arith.minimumf %get3A_539, %get3A_544 : vector<16xf32>
      %max3A_579 = arith.maximumf %max3A_575, %max3A_577 : vector<16xf32>
      %min3A_580 = arith.minimumf %max3A_575, %max3A_577 : vector<16xf32>
      %ge3A_581 = arith.cmpf oge, %max3A_575, %max3A_577 : vector<16xf32>
      %select_n3A_582 = arith.select %ge3A_581, %min3A_576, %min3A_578 : vector<16xi1>, vector<16xf32>
      %max3A_583 = arith.maximumf %min3A_580, %select_n3A_582 : vector<16xf32>
      %add3A_584 = arith.addf %max3A_579, %max3A_583 : vector<16xf32>
      %broadcast_in_dim3A_585 = arith.constant 0.000000e+00 : f32
      %broadcast_in_dim3A_586 = vector.broadcast %broadcast_in_dim3A_585 : f32 to vector<16xf32>
      %gt3A_587 = arith.cmpf ogt, %add3A_564, %add3A_554 : vector<16xf32>
      %jit3A_588 = arith.constant 1.000000e+00 : f32
      %jit3A_589 = arith.constant 0.000000e+00 : f32
      %broadcast_in_dim3A_590 = vector.broadcast %jit3A_588 : f32 to vector<16xf32>
      %broadcast_in_dim3A_591 = vector.broadcast %jit3A_589 : f32 to vector<16xf32>
      %select_n3A_592 = arith.select %gt3A_587, %broadcast_in_dim3A_590, %broadcast_in_dim3A_591 : vector<16xi1>, vector<16xf32>
      %add3A_593 = arith.addf %broadcast_in_dim3A_586, %select_n3A_592 : vector<16xf32>
      %gt3A_594 = arith.cmpf ogt, %add3A_574, %add3A_554 : vector<16xf32>
      %jit3A_595 = arith.constant 1.000000e+00 : f32
      %jit3A_596 = arith.constant 0.000000e+00 : f32
      %broadcast_in_dim3A_597 = vector.broadcast %jit3A_595 : f32 to vector<16xf32>
      %broadcast_in_dim3A_598 = vector.broadcast %jit3A_596 : f32 to vector<16xf32>
      %select_n3A_599 = arith.select %gt3A_594, %broadcast_in_dim3A_597, %broadcast_in_dim3A_598 : vector<16xi1>, vector<16xf32>
      %add3A_600 = arith.addf %add3A_593, %select_n3A_599 : vector<16xf32>
      %gt3A_601 = arith.cmpf ogt, %add3A_584, %add3A_554 : vector<16xf32>
      %jit3A_602 = arith.constant 1.000000e+00 : f32
      %jit3A_603 = arith.constant 0.000000e+00 : f32
      %broadcast_in_dim3A_604 = vector.broadcast %jit3A_602 : f32 to vector<16xf32>
      %broadcast_in_dim3A_605 = vector.broadcast %jit3A_603 : f32 to vector<16xf32>
      %select_n3A_606 = arith.select %gt3A_601, %broadcast_in_dim3A_604, %broadcast_in_dim3A_605 : vector<16xi1>, vector<16xf32>
      %add3A_607 = arith.addf %add3A_600, %select_n3A_606 : vector<16xf32>
      %lt3A_608 = arith.constant 2.000000e+00 : f32
      %lt3A_609 = vector.broadcast %lt3A_608 : f32 to vector<16xf32>
      %lt3A_610 = arith.cmpf olt, %add3A_607, %lt3A_609 : vector<16xf32>
      %jit3A_611 = arith.constant 1.000000e+00 : f32
      %jit3A_612 = arith.constant 0.000000e+00 : f32
      %broadcast_in_dim3A_613 = vector.broadcast %jit3A_611 : f32 to vector<16xf32>
      %broadcast_in_dim3A_614 = vector.broadcast %jit3A_612 : f32 to vector<16xf32>
      %select_n3A_615 = arith.select %lt3A_610, %broadcast_in_dim3A_613, %broadcast_in_dim3A_614 : vector<16xi1>, vector<16xf32>
      %broadcast_in_dim3A_616 = arith.constant 0.000000e+00 : f32
      %broadcast_in_dim3A_617 = vector.broadcast %broadcast_in_dim3A_616 : f32 to vector<16xf32>
      %ge3A_618 = arith.cmpf oge, %add3A_554, %add3A_564 : vector<16xf32>
      %jit3A_619 = arith.constant 1.000000e+00 : f32
      %jit3A_620 = arith.constant 0.000000e+00 : f32
      %broadcast_in_dim3A_621 = vector.broadcast %jit3A_619 : f32 to vector<16xf32>
      %broadcast_in_dim3A_622 = vector.broadcast %jit3A_620 : f32 to vector<16xf32>
      %select_n3A_623 = arith.select %ge3A_618, %broadcast_in_dim3A_621, %broadcast_in_dim3A_622 : vector<16xi1>, vector<16xf32>
      %add3A_624 = arith.addf %broadcast_in_dim3A_617, %select_n3A_623 : vector<16xf32>
      %gt3A_625 = arith.cmpf ogt, %add3A_574, %add3A_564 : vector<16xf32>
      %jit3A_626 = arith.constant 1.000000e+00 : f32
      %jit3A_627 = arith.constant 0.000000e+00 : f32
      %broadcast_in_dim3A_628 = vector.broadcast %jit3A_626 : f32 to vector<16xf32>
      %broadcast_in_dim3A_629 = vector.broadcast %jit3A_627 : f32 to vector<16xf32>
      %select_n3A_630 = arith.select %gt3A_625, %broadcast_in_dim3A_628, %broadcast_in_dim3A_629 : vector<16xi1>, vector<16xf32>
      %add3A_631 = arith.addf %add3A_624, %select_n3A_630 : vector<16xf32>
      %gt3A_632 = arith.cmpf ogt, %add3A_584, %add3A_564 : vector<16xf32>
      %jit3A_633 = arith.constant 1.000000e+00 : f32
      %jit3A_634 = arith.constant 0.000000e+00 : f32
      %broadcast_in_dim3A_635 = vector.broadcast %jit3A_633 : f32 to vector<16xf32>
      %broadcast_in_dim3A_636 = vector.broadcast %jit3A_634 : f32 to vector<16xf32>
      %select_n3A_637 = arith.select %gt3A_632, %broadcast_in_dim3A_635, %broadcast_in_dim3A_636 : vector<16xi1>, vector<16xf32>
      %add3A_638 = arith.addf %add3A_631, %select_n3A_637 : vector<16xf32>
      %lt3A_639 = arith.constant 2.000000e+00 : f32
      %lt3A_640 = vector.broadcast %lt3A_639 : f32 to vector<16xf32>
      %lt3A_641 = arith.cmpf olt, %add3A_638, %lt3A_640 : vector<16xf32>
      %jit3A_642 = arith.constant 1.000000e+00 : f32
      %jit3A_643 = arith.constant 0.000000e+00 : f32
      %broadcast_in_dim3A_644 = vector.broadcast %jit3A_642 : f32 to vector<16xf32>
      %broadcast_in_dim3A_645 = vector.broadcast %jit3A_643 : f32 to vector<16xf32>
      %select_n3A_646 = arith.select %lt3A_641, %broadcast_in_dim3A_644, %broadcast_in_dim3A_645 : vector<16xi1>, vector<16xf32>
      %broadcast_in_dim3A_647 = arith.constant 0.000000e+00 : f32
      %broadcast_in_dim3A_648 = vector.broadcast %broadcast_in_dim3A_647 : f32 to vector<16xf32>
      %ge3A_649 = arith.cmpf oge, %add3A_554, %add3A_574 : vector<16xf32>
      %jit3A_650 = arith.constant 1.000000e+00 : f32
      %jit3A_651 = arith.constant 0.000000e+00 : f32
      %broadcast_in_dim3A_652 = vector.broadcast %jit3A_650 : f32 to vector<16xf32>
      %broadcast_in_dim3A_653 = vector.broadcast %jit3A_651 : f32 to vector<16xf32>
      %select_n3A_654 = arith.select %ge3A_649, %broadcast_in_dim3A_652, %broadcast_in_dim3A_653 : vector<16xi1>, vector<16xf32>
      %add3A_655 = arith.addf %broadcast_in_dim3A_648, %select_n3A_654 : vector<16xf32>
      %ge3A_656 = arith.cmpf oge, %add3A_564, %add3A_574 : vector<16xf32>
      %jit3A_657 = arith.constant 1.000000e+00 : f32
      %jit3A_658 = arith.constant 0.000000e+00 : f32
      %broadcast_in_dim3A_659 = vector.broadcast %jit3A_657 : f32 to vector<16xf32>
      %broadcast_in_dim3A_660 = vector.broadcast %jit3A_658 : f32 to vector<16xf32>
      %select_n3A_661 = arith.select %ge3A_656, %broadcast_in_dim3A_659, %broadcast_in_dim3A_660 : vector<16xi1>, vector<16xf32>
      %add3A_662 = arith.addf %add3A_655, %select_n3A_661 : vector<16xf32>
      %gt3A_663 = arith.cmpf ogt, %add3A_584, %add3A_574 : vector<16xf32>
      %jit3A_664 = arith.constant 1.000000e+00 : f32
      %jit3A_665 = arith.constant 0.000000e+00 : f32
      %broadcast_in_dim3A_666 = vector.broadcast %jit3A_664 : f32 to vector<16xf32>
      %broadcast_in_dim3A_667 = vector.broadcast %jit3A_665 : f32 to vector<16xf32>
      %select_n3A_668 = arith.select %gt3A_663, %broadcast_in_dim3A_666, %broadcast_in_dim3A_667 : vector<16xi1>, vector<16xf32>
      %add3A_669 = arith.addf %add3A_662, %select_n3A_668 : vector<16xf32>
      %lt3A_670 = arith.constant 2.000000e+00 : f32
      %lt3A_671 = vector.broadcast %lt3A_670 : f32 to vector<16xf32>
      %lt3A_672 = arith.cmpf olt, %add3A_669, %lt3A_671 : vector<16xf32>
      %jit3A_673 = arith.constant 1.000000e+00 : f32
      %jit3A_674 = arith.constant 0.000000e+00 : f32
      %broadcast_in_dim3A_675 = vector.broadcast %jit3A_673 : f32 to vector<16xf32>
      %broadcast_in_dim3A_676 = vector.broadcast %jit3A_674 : f32 to vector<16xf32>
      %select_n3A_677 = arith.select %lt3A_672, %broadcast_in_dim3A_675, %broadcast_in_dim3A_676 : vector<16xi1>, vector<16xf32>
      %broadcast_in_dim3A_678 = arith.constant 0.000000e+00 : f32
      %broadcast_in_dim3A_679 = vector.broadcast %broadcast_in_dim3A_678 : f32 to vector<16xf32>
      %ge3A_680 = arith.cmpf oge, %add3A_554, %add3A_584 : vector<16xf32>
      %jit3A_681 = arith.constant 1.000000e+00 : f32
      %jit3A_682 = arith.constant 0.000000e+00 : f32
      %broadcast_in_dim3A_683 = vector.broadcast %jit3A_681 : f32 to vector<16xf32>
      %broadcast_in_dim3A_684 = vector.broadcast %jit3A_682 : f32 to vector<16xf32>
      %select_n3A_685 = arith.select %ge3A_680, %broadcast_in_dim3A_683, %broadcast_in_dim3A_684 : vector<16xi1>, vector<16xf32>
      %add3A_686 = arith.addf %broadcast_in_dim3A_679, %select_n3A_685 : vector<16xf32>
      %ge3A_687 = arith.cmpf oge, %add3A_564, %add3A_584 : vector<16xf32>
      %jit3A_688 = arith.constant 1.000000e+00 : f32
      %jit3A_689 = arith.constant 0.000000e+00 : f32
      %broadcast_in_dim3A_690 = vector.broadcast %jit3A_688 : f32 to vector<16xf32>
      %broadcast_in_dim3A_691 = vector.broadcast %jit3A_689 : f32 to vector<16xf32>
      %select_n3A_692 = arith.select %ge3A_687, %broadcast_in_dim3A_690, %broadcast_in_dim3A_691 : vector<16xi1>, vector<16xf32>
      %add3A_693 = arith.addf %add3A_686, %select_n3A_692 : vector<16xf32>
      %ge3A_694 = arith.cmpf oge, %add3A_574, %add3A_584 : vector<16xf32>
      %jit3A_695 = arith.constant 1.000000e+00 : f32
      %jit3A_696 = arith.constant 0.000000e+00 : f32
      %broadcast_in_dim3A_697 = vector.broadcast %jit3A_695 : f32 to vector<16xf32>
      %broadcast_in_dim3A_698 = vector.broadcast %jit3A_696 : f32 to vector<16xf32>
      %select_n3A_699 = arith.select %ge3A_694, %broadcast_in_dim3A_697, %broadcast_in_dim3A_698 : vector<16xi1>, vector<16xf32>
      %add3A_700 = arith.addf %add3A_693, %select_n3A_699 : vector<16xf32>
      %lt3A_701 = arith.constant 2.000000e+00 : f32
      %lt3A_702 = vector.broadcast %lt3A_701 : f32 to vector<16xf32>
      %lt3A_703 = arith.cmpf olt, %add3A_700, %lt3A_702 : vector<16xf32>
      %jit3A_704 = arith.constant 1.000000e+00 : f32
      %jit3A_705 = arith.constant 0.000000e+00 : f32
      %broadcast_in_dim3A_706 = vector.broadcast %jit3A_704 : f32 to vector<16xf32>
      %broadcast_in_dim3A_707 = vector.broadcast %jit3A_705 : f32 to vector<16xf32>
      %select_n3A_708 = arith.select %lt3A_703, %broadcast_in_dim3A_706, %broadcast_in_dim3A_707 : vector<16xi1>, vector<16xf32>
      %get3A_709 = arith.constant 0 : i32
      %get3A_710 = arith.index_cast %get3A_709 : i32 to index
      %get3A_711 = arith.constant 16 : index
      %get3A_712 = tpu.vector_load %arg5[%get3A_710, %get3A_711] {strides = array<i32>} : memref<16x128xf32, #tpu.memory_space<vmem>>, vector<1x16xf32>,
      %get3A_713 = vector.shape_cast %get3A_712 : vector<1x16xf32> to vector<16xf32>
      %mul3A_714 = arith.mulf %select_n3A_615, %get3A_713 : vector<16xf32>
      %get3A_715 = arith.constant 1 : i32
      %get3A_716 = arith.index_cast %get3A_715 : i32 to index
      %get3A_717 = arith.constant 16 : index
      %get3A_718 = tpu.vector_load %arg5[%get3A_716, %get3A_717] {strides = array<i32>} : memref<16x128xf32, #tpu.memory_space<vmem>>, vector<1x16xf32>,
      %get3A_719 = vector.shape_cast %get3A_718 : vector<1x16xf32> to vector<16xf32>
      %mul3A_720 = arith.mulf %select_n3A_615, %get3A_719 : vector<16xf32>
      %get3A_721 = arith.constant 2 : i32
      %get3A_722 = arith.index_cast %get3A_721 : i32 to index
      %get3A_723 = arith.constant 16 : index
      %get3A_724 = tpu.vector_load %arg5[%get3A_722, %get3A_723] {strides = array<i32>} : memref<16x128xf32, #tpu.memory_space<vmem>>, vector<1x16xf32>,
      %get3A_725 = vector.shape_cast %get3A_724 : vector<1x16xf32> to vector<16xf32>
      %mul3A_726 = arith.mulf %select_n3A_615, %get3A_725 : vector<16xf32>
      %get3A_727 = arith.constant 3 : i32
      %get3A_728 = arith.index_cast %get3A_727 : i32 to index
      %get3A_729 = arith.constant 16 : index
      %get3A_730 = tpu.vector_load %arg5[%get3A_728, %get3A_729] {strides = array<i32>} : memref<16x128xf32, #tpu.memory_space<vmem>>, vector<1x16xf32>,
      %get3A_731 = vector.shape_cast %get3A_730 : vector<1x16xf32> to vector<16xf32>
      %mul3A_732 = arith.mulf %select_n3A_615, %get3A_731 : vector<16xf32>
      %get3A_733 = arith.constant 4 : i32
      %get3A_734 = arith.index_cast %get3A_733 : i32 to index
      %get3A_735 = arith.constant 16 : index
      %get3A_736 = tpu.vector_load %arg5[%get3A_734, %get3A_735] {strides = array<i32>} : memref<16x128xf32, #tpu.memory_space<vmem>>, vector<1x16xf32>,
      %get3A_737 = vector.shape_cast %get3A_736 : vector<1x16xf32> to vector<16xf32>
      %mul3A_738 = arith.mulf %select_n3A_646, %get3A_737 : vector<16xf32>
      %get3A_739 = arith.constant 5 : i32
      %get3A_740 = arith.index_cast %get3A_739 : i32 to index
      %get3A_741 = arith.constant 16 : index
      %get3A_742 = tpu.vector_load %arg5[%get3A_740, %get3A_741] {strides = array<i32>} : memref<16x128xf32, #tpu.memory_space<vmem>>, vector<1x16xf32>,
      %get3A_743 = vector.shape_cast %get3A_742 : vector<1x16xf32> to vector<16xf32>
      %mul3A_744 = arith.mulf %select_n3A_646, %get3A_743 : vector<16xf32>
      %get3A_745 = arith.constant 6 : i32
      %get3A_746 = arith.index_cast %get3A_745 : i32 to index
      %get3A_747 = arith.constant 16 : index
      %get3A_748 = tpu.vector_load %arg5[%get3A_746, %get3A_747] {strides = array<i32>} : memref<16x128xf32, #tpu.memory_space<vmem>>, vector<1x16xf32>,
      %get3A_749 = vector.shape_cast %get3A_748 : vector<1x16xf32> to vector<16xf32>
      %mul3A_750 = arith.mulf %select_n3A_646, %get3A_749 : vector<16xf32>
      %get3A_751 = arith.constant 7 : i32
      %get3A_752 = arith.index_cast %get3A_751 : i32 to index
      %get3A_753 = arith.constant 16 : index
      %get3A_754 = tpu.vector_load %arg5[%get3A_752, %get3A_753] {strides = array<i32>} : memref<16x128xf32, #tpu.memory_space<vmem>>, vector<1x16xf32>,
      %get3A_755 = vector.shape_cast %get3A_754 : vector<1x16xf32> to vector<16xf32>
      %mul3A_756 = arith.mulf %select_n3A_646, %get3A_755 : vector<16xf32>
      %get3A_757 = arith.constant 8 : i32
      %get3A_758 = arith.index_cast %get3A_757 : i32 to index
      %get3A_759 = arith.constant 16 : index
      %get3A_760 = tpu.vector_load %arg5[%get3A_758, %get3A_759] {strides = array<i32>} : memref<16x128xf32, #tpu.memory_space<vmem>>, vector<1x16xf32>,
      %get3A_761 = vector.shape_cast %get3A_760 : vector<1x16xf32> to vector<16xf32>
      %mul3A_762 = arith.mulf %select_n3A_677, %get3A_761 : vector<16xf32>
      %get3A_763 = arith.constant 9 : i32
      %get3A_764 = arith.index_cast %get3A_763 : i32 to index
      %get3A_765 = arith.constant 16 : index
      %get3A_766 = tpu.vector_load %arg5[%get3A_764, %get3A_765] {strides = array<i32>} : memref<16x128xf32, #tpu.memory_space<vmem>>, vector<1x16xf32>,
      %get3A_767 = vector.shape_cast %get3A_766 : vector<1x16xf32> to vector<16xf32>
      %mul3A_768 = arith.mulf %select_n3A_677, %get3A_767 : vector<16xf32>
      %get3A_769 = arith.constant 10 : i32
      %get3A_770 = arith.index_cast %get3A_769 : i32 to index
      %get3A_771 = arith.constant 16 : index
      %get3A_772 = tpu.vector_load %arg5[%get3A_770, %get3A_771] {strides = array<i32>} : memref<16x128xf32, #tpu.memory_space<vmem>>, vector<1x16xf32>,
      %get3A_773 = vector.shape_cast %get3A_772 : vector<1x16xf32> to vector<16xf32>
      %mul3A_774 = arith.mulf %select_n3A_677, %get3A_773 : vector<16xf32>
      %get3A_775 = arith.constant 11 : i32
      %get3A_776 = arith.index_cast %get3A_775 : i32 to index
      %get3A_777 = arith.constant 16 : index
      %get3A_778 = tpu.vector_load %arg5[%get3A_776, %get3A_777] {strides = array<i32>} : memref<16x128xf32, #tpu.memory_space<vmem>>, vector<1x16xf32>,
      %get3A_779 = vector.shape_cast %get3A_778 : vector<1x16xf32> to vector<16xf32>
      %mul3A_780 = arith.mulf %select_n3A_677, %get3A_779 : vector<16xf32>
      %get3A_781 = arith.constant 12 : i32
      %get3A_782 = arith.index_cast %get3A_781 : i32 to index
      %get3A_783 = arith.constant 16 : index
      %get3A_784 = tpu.vector_load %arg5[%get3A_782, %get3A_783] {strides = array<i32>} : memref<16x128xf32, #tpu.memory_space<vmem>>, vector<1x16xf32>,
      %get3A_785 = vector.shape_cast %get3A_784 : vector<1x16xf32> to vector<16xf32>
      %mul3A_786 = arith.mulf %select_n3A_708, %get3A_785 : vector<16xf32>
      %get3A_787 = arith.constant 13 : i32
      %get3A_788 = arith.index_cast %get3A_787 : i32 to index
      %get3A_789 = arith.constant 16 : index
      %get3A_790 = tpu.vector_load %arg5[%get3A_788, %get3A_789] {strides = array<i32>} : memref<16x128xf32, #tpu.memory_space<vmem>>, vector<1x16xf32>,
      %get3A_791 = vector.shape_cast %get3A_790 : vector<1x16xf32> to vector<16xf32>
      %mul3A_792 = arith.mulf %select_n3A_708, %get3A_791 : vector<16xf32>
      %get3A_793 = arith.constant 14 : i32
      %get3A_794 = arith.index_cast %get3A_793 : i32 to index
      %get3A_795 = arith.constant 16 : index
      %get3A_796 = tpu.vector_load %arg5[%get3A_794, %get3A_795] {strides = array<i32>} : memref<16x128xf32, #tpu.memory_space<vmem>>, vector<1x16xf32>,
      %get3A_797 = vector.shape_cast %get3A_796 : vector<1x16xf32> to vector<16xf32>
      %mul3A_798 = arith.mulf %select_n3A_708, %get3A_797 : vector<16xf32>
      %get3A_799 = arith.constant 15 : i32
      %get3A_800 = arith.index_cast %get3A_799 : i32 to index
      %get3A_801 = arith.constant 16 : index
      %get3A_802 = tpu.vector_load %arg5[%get3A_800, %get3A_801] {strides = array<i32>} : memref<16x128xf32, #tpu.memory_space<vmem>>, vector<1x16xf32>,
      %get3A_803 = vector.shape_cast %get3A_802 : vector<1x16xf32> to vector<16xf32>
      %mul3A_804 = arith.mulf %select_n3A_708, %get3A_803 : vector<16xf32>
      %add3A_805 = arith.addf %mul3A_714, %mul3A_720 : vector<16xf32>
      %add3A_806 = arith.addf %add3A_805, %mul3A_726 : vector<16xf32>
      %add3A_807 = arith.addf %add3A_806, %mul3A_732 : vector<16xf32>
      %add3A_808 = arith.addf %add3A_807, %mul3A_738 : vector<16xf32>
      %add3A_809 = arith.addf %add3A_808, %mul3A_744 : vector<16xf32>
      %add3A_810 = arith.addf %add3A_809, %mul3A_750 : vector<16xf32>
      %add3A_811 = arith.addf %add3A_810, %mul3A_756 : vector<16xf32>
      %add3A_812 = arith.addf %add3A_811, %mul3A_762 : vector<16xf32>
      %add3A_813 = arith.addf %add3A_812, %mul3A_768 : vector<16xf32>
      %add3A_814 = arith.addf %add3A_813, %mul3A_774 : vector<16xf32>
      %add3A_815 = arith.addf %add3A_814, %mul3A_780 : vector<16xf32>
      %add3A_816 = arith.addf %add3A_815, %mul3A_786 : vector<16xf32>
      %add3A_817 = arith.addf %add3A_816, %mul3A_792 : vector<16xf32>
      %add3A_818 = arith.addf %add3A_817, %mul3A_798 : vector<16xf32>
      %add3A_819 = arith.addf %add3A_818, %mul3A_804 : vector<16xf32>
      %add3A_820 = arith.constant 9.99999968E-21 : f32
      %add3A_821 = vector.broadcast %add3A_820 : f32 to vector<16xf32>
      %add3A_822 = arith.addf %add3A_819, %add3A_821 : vector<16xf32>
      %div3A_823 = arith.divf %mul3A_714, %add3A_822 : vector<16xf32>
      %swap3A_824 = arith.constant 0 : i32
      %swap3A_825 = arith.index_cast %swap3A_824 : i32 to index
      %swap3A_826 = arith.constant 16 : index
      %swap3A_827 = tpu.vector_load %arg7[%swap3A_825, %swap3A_826] {strides = array<i32>} : memref<16x128xf32, #tpu.memory_space<vmem>>, vector<1x16xf32>,
      %swap3A_828 = vector.shape_cast %swap3A_827 : vector<1x16xf32> to vector<16xf32>
      %swap3A_829 = vector.shape_cast %div3A_823 : vector<16xf32> to vector<1x16xf32>
      tpu.vector_store %arg7[%swap3A_825, %swap3A_826], %swap3A_829 {strides = array<i32>} : memref<16x128xf32, #tpu.memory_space<vmem>>, vector<1x16xf32>,
      %div3A_830 = arith.divf %mul3A_720, %add3A_822 : vector<16xf32>
      %swap3A_831 = arith.constant 1 : i32
      %swap3A_832 = arith.index_cast %swap3A_831 : i32 to index
      %swap3A_833 = arith.constant 16 : index
      %swap3A_834 = tpu.vector_load %arg7[%swap3A_832, %swap3A_833] {strides = array<i32>} : memref<16x128xf32, #tpu.memory_space<vmem>>, vector<1x16xf32>,
      %swap3A_835 = vector.shape_cast %swap3A_834 : vector<1x16xf32> to vector<16xf32>
      %swap3A_836 = vector.shape_cast %div3A_830 : vector<16xf32> to vector<1x16xf32>
      tpu.vector_store %arg7[%swap3A_832, %swap3A_833], %swap3A_836 {strides = array<i32>} : memref<16x128xf32, #tpu.memory_space<vmem>>, vector<1x16xf32>,
      %div3A_837 = arith.divf %mul3A_726, %add3A_822 : vector<16xf32>
      %swap3A_838 = arith.constant 2 : i32
      %swap3A_839 = arith.index_cast %swap3A_838 : i32 to index
      %swap3A_840 = arith.constant 16 : index
      %swap3A_841 = tpu.vector_load %arg7[%swap3A_839, %swap3A_840] {strides = array<i32>} : memref<16x128xf32, #tpu.memory_space<vmem>>, vector<1x16xf32>,
      %swap3A_842 = vector.shape_cast %swap3A_841 : vector<1x16xf32> to vector<16xf32>
      %swap3A_843 = vector.shape_cast %div3A_837 : vector<16xf32> to vector<1x16xf32>
      tpu.vector_store %arg7[%swap3A_839, %swap3A_840], %swap3A_843 {strides = array<i32>} : memref<16x128xf32, #tpu.memory_space<vmem>>, vector<1x16xf32>,
      %div3A_844 = arith.divf %mul3A_732, %add3A_822 : vector<16xf32>
      %swap3A_845 = arith.constant 3 : i32
      %swap3A_846 = arith.index_cast %swap3A_845 : i32 to index
      %swap3A_847 = arith.constant 16 : index
      %swap3A_848 = tpu.vector_load %arg7[%swap3A_846, %swap3A_847] {strides = array<i32>} : memref<16x128xf32, #tpu.memory_space<vmem>>, vector<1x16xf32>,
      %swap3A_849 = vector.shape_cast %swap3A_848 : vector<1x16xf32> to vector<16xf32>
      %swap3A_850 = vector.shape_cast %div3A_844 : vector<16xf32> to vector<1x16xf32>
      tpu.vector_store %arg7[%swap3A_846, %swap3A_847], %swap3A_850 {strides = array<i32>} : memref<16x128xf32, #tpu.memory_space<vmem>>, vector<1x16xf32>,
      %div3A_851 = arith.divf %mul3A_738, %add3A_822 : vector<16xf32>
      %swap3A_852 = arith.constant 4 : i32
      %swap3A_853 = arith.index_cast %swap3A_852 : i32 to index
      %swap3A_854 = arith.constant 16 : index
      %swap3A_855 = tpu.vector_load %arg7[%swap3A_853, %swap3A_854] {strides = array<i32>} : memref<16x128xf32, #tpu.memory_space<vmem>>, vector<1x16xf32>,
      %swap3A_856 = vector.shape_cast %swap3A_855 : vector<1x16xf32> to vector<16xf32>
      %swap3A_857 = vector.shape_cast %div3A_851 : vector<16xf32> to vector<1x16xf32>
      tpu.vector_store %arg7[%swap3A_853, %swap3A_854], %swap3A_857 {strides = array<i32>} : memref<16x128xf32, #tpu.memory_space<vmem>>, vector<1x16xf32>,
      %div3A_858 = arith.divf %mul3A_744, %add3A_822 : vector<16xf32>
      %swap3A_859 = arith.constant 5 : i32
      %swap3A_860 = arith.index_cast %swap3A_859 : i32 to index
      %swap3A_861 = arith.constant 16 : index
      %swap3A_862 = tpu.vector_load %arg7[%swap3A_860, %swap3A_861] {strides = array<i32>} : memref<16x128xf32, #tpu.memory_space<vmem>>, vector<1x16xf32>,
      %swap3A_863 = vector.shape_cast %swap3A_862 : vector<1x16xf32> to vector<16xf32>
      %swap3A_864 = vector.shape_cast %div3A_858 : vector<16xf32> to vector<1x16xf32>
      tpu.vector_store %arg7[%swap3A_860, %swap3A_861], %swap3A_864 {strides = array<i32>} : memref<16x128xf32, #tpu.memory_space<vmem>>, vector<1x16xf32>,
      %div3A_865 = arith.divf %mul3A_750, %add3A_822 : vector<16xf32>
      %swap3A_866 = arith.constant 6 : i32
      %swap3A_867 = arith.index_cast %swap3A_866 : i32 to index
      %swap3A_868 = arith.constant 16 : index
      %swap3A_869 = tpu.vector_load %arg7[%swap3A_867, %swap3A_868] {strides = array<i32>} : memref<16x128xf32, #tpu.memory_space<vmem>>, vector<1x16xf32>,
      %swap3A_870 = vector.shape_cast %swap3A_869 : vector<1x16xf32> to vector<16xf32>
      %swap3A_871 = vector.shape_cast %div3A_865 : vector<16xf32> to vector<1x16xf32>
      tpu.vector_store %arg7[%swap3A_867, %swap3A_868], %swap3A_871 {strides = array<i32>} : memref<16x128xf32, #tpu.memory_space<vmem>>, vector<1x16xf32>,
      %div3A_872 = arith.divf %mul3A_756, %add3A_822 : vector<16xf32>
      %swap3A_873 = arith.constant 7 : i32
      %swap3A_874 = arith.index_cast %swap3A_873 : i32 to index
      %swap3A_875 = arith.constant 16 : index
      %swap3A_876 = tpu.vector_load %arg7[%swap3A_874, %swap3A_875] {strides = array<i32>} : memref<16x128xf32, #tpu.memory_space<vmem>>, vector<1x16xf32>,
      %swap3A_877 = vector.shape_cast %swap3A_876 : vector<1x16xf32> to vector<16xf32>
      %swap3A_878 = vector.shape_cast %div3A_872 : vector<16xf32> to vector<1x16xf32>
      tpu.vector_store %arg7[%swap3A_874, %swap3A_875], %swap3A_878 {strides = array<i32>} : memref<16x128xf32, #tpu.memory_space<vmem>>, vector<1x16xf32>,
      %div3A_879 = arith.divf %mul3A_762, %add3A_822 : vector<16xf32>
      %swap3A_880 = arith.constant 8 : i32
      %swap3A_881 = arith.index_cast %swap3A_880 : i32 to index
      %swap3A_882 = arith.constant 16 : index
      %swap3A_883 = tpu.vector_load %arg7[%swap3A_881, %swap3A_882] {strides = array<i32>} : memref<16x128xf32, #tpu.memory_space<vmem>>, vector<1x16xf32>,
      %swap3A_884 = vector.shape_cast %swap3A_883 : vector<1x16xf32> to vector<16xf32>
      %swap3A_885 = vector.shape_cast %div3A_879 : vector<16xf32> to vector<1x16xf32>
      tpu.vector_store %arg7[%swap3A_881, %swap3A_882], %swap3A_885 {strides = array<i32>} : memref<16x128xf32, #tpu.memory_space<vmem>>, vector<1x16xf32>,
      %div3A_886 = arith.divf %mul3A_768, %add3A_822 : vector<16xf32>
      %swap3A_887 = arith.constant 9 : i32
      %swap3A_888 = arith.index_cast %swap3A_887 : i32 to index
      %swap3A_889 = arith.constant 16 : index
      %swap3A_890 = tpu.vector_load %arg7[%swap3A_888, %swap3A_889] {strides = array<i32>} : memref<16x128xf32, #tpu.memory_space<vmem>>, vector<1x16xf32>,
      %swap3A_891 = vector.shape_cast %swap3A_890 : vector<1x16xf32> to vector<16xf32>
      %swap3A_892 = vector.shape_cast %div3A_886 : vector<16xf32> to vector<1x16xf32>
      tpu.vector_store %arg7[%swap3A_888, %swap3A_889], %swap3A_892 {strides = array<i32>} : memref<16x128xf32, #tpu.memory_space<vmem>>, vector<1x16xf32>,
      %div3A_893 = arith.divf %mul3A_774, %add3A_822 : vector<16xf32>
      %swap3A_894 = arith.constant 10 : i32
      %swap3A_895 = arith.index_cast %swap3A_894 : i32 to index
      %swap3A_896 = arith.constant 16 : index
      %swap3A_897 = tpu.vector_load %arg7[%swap3A_895, %swap3A_896] {strides = array<i32>} : memref<16x128xf32, #tpu.memory_space<vmem>>, vector<1x16xf32>,
      %swap3A_898 = vector.shape_cast %swap3A_897 : vector<1x16xf32> to vector<16xf32>
      %swap3A_899 = vector.shape_cast %div3A_893 : vector<16xf32> to vector<1x16xf32>
      tpu.vector_store %arg7[%swap3A_895, %swap3A_896], %swap3A_899 {strides = array<i32>} : memref<16x128xf32, #tpu.memory_space<vmem>>, vector<1x16xf32>,
      %div3A_900 = arith.divf %mul3A_780, %add3A_822 : vector<16xf32>
      %swap3A_901 = arith.constant 11 : i32
      %swap3A_902 = arith.index_cast %swap3A_901 : i32 to index
      %swap3A_903 = arith.constant 16 : index
      %swap3A_904 = tpu.vector_load %arg7[%swap3A_902, %swap3A_903] {strides = array<i32>} : memref<16x128xf32, #tpu.memory_space<vmem>>, vector<1x16xf32>,
      %swap3A_905 = vector.shape_cast %swap3A_904 : vector<1x16xf32> to vector<16xf32>
      %swap3A_906 = vector.shape_cast %div3A_900 : vector<16xf32> to vector<1x16xf32>
      tpu.vector_store %arg7[%swap3A_902, %swap3A_903], %swap3A_906 {strides = array<i32>} : memref<16x128xf32, #tpu.memory_space<vmem>>, vector<1x16xf32>,
      %div3A_907 = arith.divf %mul3A_786, %add3A_822 : vector<16xf32>
      %swap3A_908 = arith.constant 12 : i32
      %swap3A_909 = arith.index_cast %swap3A_908 : i32 to index
      %swap3A_910 = arith.constant 16 : index
      %swap3A_911 = tpu.vector_load %arg7[%swap3A_909, %swap3A_910] {strides = array<i32>} : memref<16x128xf32, #tpu.memory_space<vmem>>, vector<1x16xf32>,
      %swap3A_912 = vector.shape_cast %swap3A_911 : vector<1x16xf32> to vector<16xf32>
      %swap3A_913 = vector.shape_cast %div3A_907 : vector<16xf32> to vector<1x16xf32>
      tpu.vector_store %arg7[%swap3A_909, %swap3A_910], %swap3A_913 {strides = array<i32>} : memref<16x128xf32, #tpu.memory_space<vmem>>, vector<1x16xf32>,
      %div3A_914 = arith.divf %mul3A_792, %add3A_822 : vector<16xf32>
      %swap3A_915 = arith.constant 13 : i32
      %swap3A_916 = arith.index_cast %swap3A_915 : i32 to index
      %swap3A_917 = arith.constant 16 : index
      %swap3A_918 = tpu.vector_load %arg7[%swap3A_916, %swap3A_917] {strides = array<i32>} : memref<16x128xf32, #tpu.memory_space<vmem>>, vector<1x16xf32>,
      %swap3A_919 = vector.shape_cast %swap3A_918 : vector<1x16xf32> to vector<16xf32>
      %swap3A_920 = vector.shape_cast %div3A_914 : vector<16xf32> to vector<1x16xf32>
      tpu.vector_store %arg7[%swap3A_916, %swap3A_917], %swap3A_920 {strides = array<i32>} : memref<16x128xf32, #tpu.memory_space<vmem>>, vector<1x16xf32>,
      %div3A_921 = arith.divf %mul3A_798, %add3A_822 : vector<16xf32>
      %swap3A_922 = arith.constant 14 : i32
      %swap3A_923 = arith.index_cast %swap3A_922 : i32 to index
      %swap3A_924 = arith.constant 16 : index
      %swap3A_925 = tpu.vector_load %arg7[%swap3A_923, %swap3A_924] {strides = array<i32>} : memref<16x128xf32, #tpu.memory_space<vmem>>, vector<1x16xf32>,
      %swap3A_926 = vector.shape_cast %swap3A_925 : vector<1x16xf32> to vector<16xf32>
      %swap3A_927 = vector.shape_cast %div3A_921 : vector<16xf32> to vector<1x16xf32>
      tpu.vector_store %arg7[%swap3A_923, %swap3A_924], %swap3A_927 {strides = array<i32>} : memref<16x128xf32, #tpu.memory_space<vmem>>, vector<1x16xf32>,
      %div3A_928 = arith.divf %mul3A_804, %add3A_822 : vector<16xf32>
      %swap3A_929 = arith.constant 15 : i32
      %swap3A_930 = arith.index_cast %swap3A_929 : i32 to index
      %swap3A_931 = arith.constant 16 : index
      %swap3A_932 = tpu.vector_load %arg7[%swap3A_930, %swap3A_931] {strides = array<i32>} : memref<16x128xf32, #tpu.memory_space<vmem>>, vector<1x16xf32>,
      %swap3A_933 = vector.shape_cast %swap3A_932 : vector<1x16xf32> to vector<16xf32>
      %swap3A_934 = vector.shape_cast %div3A_928 : vector<16xf32> to vector<1x16xf32>
      tpu.vector_store %arg7[%swap3A_930, %swap3A_931], %swap3A_934 {strides = array<i32>} : memref<16x128xf32, #tpu.memory_space<vmem>>, vector<1x16xf32>,
      %get3A_935 = arith.constant 0 : i32
      %get3A_936 = arith.index_cast %get3A_935 : i32 to index
      %get3A_937 = arith.constant 32 : index
      %get3A_938 = tpu.vector_load %arg6[%get3A_936, %get3A_937] {strides = array<i32>} : memref<16x128xf32, #tpu.memory_space<vmem>>, vector<1x16xf32>,
      %get3A_939 = vector.shape_cast %get3A_938 : vector<1x16xf32> to vector<16xf32>
      %get3A_940 = arith.constant 1 : i32
      %get3A_941 = arith.index_cast %get3A_940 : i32 to index
      %get3A_942 = arith.constant 32 : index
      %get3A_943 = tpu.vector_load %arg6[%get3A_941, %get3A_942] {strides = array<i32>} : memref<16x128xf32, #tpu.memory_space<vmem>>, vector<1x16xf32>,
      %get3A_944 = vector.shape_cast %get3A_943 : vector<1x16xf32> to vector<16xf32>
      %get3A_945 = arith.constant 2 : i32
      %get3A_946 = arith.index_cast %get3A_945 : i32 to index
      %get3A_947 = arith.constant 32 : index
      %get3A_948 = tpu.vector_load %arg6[%get3A_946, %get3A_947] {strides = array<i32>} : memref<16x128xf32, #tpu.memory_space<vmem>>, vector<1x16xf32>,
      %get3A_949 = vector.shape_cast %get3A_948 : vector<1x16xf32> to vector<16xf32>
      %get3A_950 = arith.constant 3 : i32
      %get3A_951 = arith.index_cast %get3A_950 : i32 to index
      %get3A_952 = arith.constant 32 : index
      %get3A_953 = tpu.vector_load %arg6[%get3A_951, %get3A_952] {strides = array<i32>} : memref<16x128xf32, #tpu.memory_space<vmem>>, vector<1x16xf32>,
      %get3A_954 = vector.shape_cast %get3A_953 : vector<1x16xf32> to vector<16xf32>
      %get3A_955 = arith.constant 4 : i32
      %get3A_956 = arith.index_cast %get3A_955 : i32 to index
      %get3A_957 = arith.constant 32 : index
      %get3A_958 = tpu.vector_load %arg6[%get3A_956, %get3A_957] {strides = array<i32>} : memref<16x128xf32, #tpu.memory_space<vmem>>, vector<1x16xf32>,
      %get3A_959 = vector.shape_cast %get3A_958 : vector<1x16xf32> to vector<16xf32>
      %get3A_960 = arith.constant 5 : i32
      %get3A_961 = arith.index_cast %get3A_960 : i32 to index
      %get3A_962 = arith.constant 32 : index
      %get3A_963 = tpu.vector_load %arg6[%get3A_961, %get3A_962] {strides = array<i32>} : memref<16x128xf32, #tpu.memory_space<vmem>>, vector<1x16xf32>,
      %get3A_964 = vector.shape_cast %get3A_963 : vector<1x16xf32> to vector<16xf32>
      %get3A_965 = arith.constant 6 : i32
      %get3A_966 = arith.index_cast %get3A_965 : i32 to index
      %get3A_967 = arith.constant 32 : index
      %get3A_968 = tpu.vector_load %arg6[%get3A_966, %get3A_967] {strides = array<i32>} : memref<16x128xf32, #tpu.memory_space<vmem>>, vector<1x16xf32>,
      %get3A_969 = vector.shape_cast %get3A_968 : vector<1x16xf32> to vector<16xf32>
      %get3A_970 = arith.constant 7 : i32
      %get3A_971 = arith.index_cast %get3A_970 : i32 to index
      %get3A_972 = arith.constant 32 : index
      %get3A_973 = tpu.vector_load %arg6[%get3A_971, %get3A_972] {strides = array<i32>} : memref<16x128xf32, #tpu.memory_space<vmem>>, vector<1x16xf32>,
      %get3A_974 = vector.shape_cast %get3A_973 : vector<1x16xf32> to vector<16xf32>
      %get3A_975 = arith.constant 8 : i32
      %get3A_976 = arith.index_cast %get3A_975 : i32 to index
      %get3A_977 = arith.constant 32 : index
      %get3A_978 = tpu.vector_load %arg6[%get3A_976, %get3A_977] {strides = array<i32>} : memref<16x128xf32, #tpu.memory_space<vmem>>, vector<1x16xf32>,
      %get3A_979 = vector.shape_cast %get3A_978 : vector<1x16xf32> to vector<16xf32>
      %get3A_980 = arith.constant 9 : i32
      %get3A_981 = arith.index_cast %get3A_980 : i32 to index
      %get3A_982 = arith.constant 32 : index
      %get3A_983 = tpu.vector_load %arg6[%get3A_981, %get3A_982] {strides = array<i32>} : memref<16x128xf32, #tpu.memory_space<vmem>>, vector<1x16xf32>,
      %get3A_984 = vector.shape_cast %get3A_983 : vector<1x16xf32> to vector<16xf32>
      %get3A_985 = arith.constant 10 : i32
      %get3A_986 = arith.index_cast %get3A_985 : i32 to index
      %get3A_987 = arith.constant 32 : index
      %get3A_988 = tpu.vector_load %arg6[%get3A_986, %get3A_987] {strides = array<i32>} : memref<16x128xf32, #tpu.memory_space<vmem>>, vector<1x16xf32>,
      %get3A_989 = vector.shape_cast %get3A_988 : vector<1x16xf32> to vector<16xf32>
      %get3A_990 = arith.constant 11 : i32
      %get3A_991 = arith.index_cast %get3A_990 : i32 to index
      %get3A_992 = arith.constant 32 : index
      %get3A_993 = tpu.vector_load %arg6[%get3A_991, %get3A_992] {strides = array<i32>} : memref<16x128xf32, #tpu.memory_space<vmem>>, vector<1x16xf32>,
      %get3A_994 = vector.shape_cast %get3A_993 : vector<1x16xf32> to vector<16xf32>
      %get3A_995 = arith.constant 12 : i32
      %get3A_996 = arith.index_cast %get3A_995 : i32 to index
      %get3A_997 = arith.constant 32 : index
      %get3A_998 = tpu.vector_load %arg6[%get3A_996, %get3A_997] {strides = array<i32>} : memref<16x128xf32, #tpu.memory_space<vmem>>, vector<1x16xf32>,
      %get3A_999 = vector.shape_cast %get3A_998 : vector<1x16xf32> to vector<16xf32>
      %get3A_1000 = arith.constant 13 : i32
      %get3A_1001 = arith.index_cast %get3A_1000 : i32 to index
      %get3A_1002 = arith.constant 32 : index
      %get3A_1003 = tpu.vector_load %arg6[%get3A_1001, %get3A_1002] {strides = array<i32>} : memref<16x128xf32, #tpu.memory_space<vmem>>, vector<1x16xf32>,
      %get3A_1004 = vector.shape_cast %get3A_1003 : vector<1x16xf32> to vector<16xf32>
      %get3A_1005 = arith.constant 14 : i32
      %get3A_1006 = arith.index_cast %get3A_1005 : i32 to index
      %get3A_1007 = arith.constant 32 : index
      %get3A_1008 = tpu.vector_load %arg6[%get3A_1006, %get3A_1007] {strides = array<i32>} : memref<16x128xf32, #tpu.memory_space<vmem>>, vector<1x16xf32>,
      %get3A_1009 = vector.shape_cast %get3A_1008 : vector<1x16xf32> to vector<16xf32>
      %get3A_1010 = arith.constant 15 : i32
      %get3A_1011 = arith.index_cast %get3A_1010 : i32 to index
      %get3A_1012 = arith.constant 32 : index
      %get3A_1013 = tpu.vector_load %arg6[%get3A_1011, %get3A_1012] {strides = array<i32>} : memref<16x128xf32, #tpu.memory_space<vmem>>, vector<1x16xf32>,
      %get3A_1014 = vector.shape_cast %get3A_1013 : vector<1x16xf32> to vector<16xf32>
      %max3A_1015 = arith.maximumf %get3A_939, %get3A_944 : vector<16xf32>
      %min3A_1016 = arith.minimumf %get3A_939, %get3A_944 : vector<16xf32>
      %max3A_1017 = arith.maximumf %get3A_949, %get3A_954 : vector<16xf32>
      %min3A_1018 = arith.minimumf %get3A_949, %get3A_954 : vector<16xf32>
      %max3A_1019 = arith.maximumf %max3A_1015, %max3A_1017 : vector<16xf32>
      %min3A_1020 = arith.minimumf %max3A_1015, %max3A_1017 : vector<16xf32>
      %ge3A_1021 = arith.cmpf oge, %max3A_1015, %max3A_1017 : vector<16xf32>
      %select_n3A_1022 = arith.select %ge3A_1021, %min3A_1016, %min3A_1018 : vector<16xi1>, vector<16xf32>
      %max3A_1023 = arith.maximumf %min3A_1020, %select_n3A_1022 : vector<16xf32>
      %add3A_1024 = arith.addf %max3A_1019, %max3A_1023 : vector<16xf32>
      %max3A_1025 = arith.maximumf %get3A_959, %get3A_964 : vector<16xf32>
      %min3A_1026 = arith.minimumf %get3A_959, %get3A_964 : vector<16xf32>
      %max3A_1027 = arith.maximumf %get3A_969, %get3A_974 : vector<16xf32>
      %min3A_1028 = arith.minimumf %get3A_969, %get3A_974 : vector<16xf32>
      %max3A_1029 = arith.maximumf %max3A_1025, %max3A_1027 : vector<16xf32>
      %min3A_1030 = arith.minimumf %max3A_1025, %max3A_1027 : vector<16xf32>
      %ge3A_1031 = arith.cmpf oge, %max3A_1025, %max3A_1027 : vector<16xf32>
      %select_n3A_1032 = arith.select %ge3A_1031, %min3A_1026, %min3A_1028 : vector<16xi1>, vector<16xf32>
      %max3A_1033 = arith.maximumf %min3A_1030, %select_n3A_1032 : vector<16xf32>
      %add3A_1034 = arith.addf %max3A_1029, %max3A_1033 : vector<16xf32>
      %max3A_1035 = arith.maximumf %get3A_979, %get3A_984 : vector<16xf32>
      %min3A_1036 = arith.minimumf %get3A_979, %get3A_984 : vector<16xf32>
      %max3A_1037 = arith.maximumf %get3A_989, %get3A_994 : vector<16xf32>
      %min3A_1038 = arith.minimumf %get3A_989, %get3A_994 : vector<16xf32>
      %max3A_1039 = arith.maximumf %max3A_1035, %max3A_1037 : vector<16xf32>
      %min3A_1040 = arith.minimumf %max3A_1035, %max3A_1037 : vector<16xf32>
      %ge3A_1041 = arith.cmpf oge, %max3A_1035, %max3A_1037 : vector<16xf32>
      %select_n3A_1042 = arith.select %ge3A_1041, %min3A_1036, %min3A_1038 : vector<16xi1>, vector<16xf32>
      %max3A_1043 = arith.maximumf %min3A_1040, %select_n3A_1042 : vector<16xf32>
      %add3A_1044 = arith.addf %max3A_1039, %max3A_1043 : vector<16xf32>
      %max3A_1045 = arith.maximumf %get3A_999, %get3A_1004 : vector<16xf32>
      %min3A_1046 = arith.minimumf %get3A_999, %get3A_1004 : vector<16xf32>
      %max3A_1047 = arith.maximumf %get3A_1009, %get3A_1014 : vector<16xf32>
      %min3A_1048 = arith.minimumf %get3A_1009, %get3A_1014 : vector<16xf32>
      %max3A_1049 = arith.maximumf %max3A_1045, %max3A_1047 : vector<16xf32>
      %min3A_1050 = arith.minimumf %max3A_1045, %max3A_1047 : vector<16xf32>
      %ge3A_1051 = arith.cmpf oge, %max3A_1045, %max3A_1047 : vector<16xf32>
      %select_n3A_1052 = arith.select %ge3A_1051, %min3A_1046, %min3A_1048 : vector<16xi1>, vector<16xf32>
      %max3A_1053 = arith.maximumf %min3A_1050, %select_n3A_1052 : vector<16xf32>
      %add3A_1054 = arith.addf %max3A_1049, %max3A_1053 : vector<16xf32>
      %broadcast_in_dim3A_1055 = arith.constant 0.000000e+00 : f32
      %broadcast_in_dim3A_1056 = vector.broadcast %broadcast_in_dim3A_1055 : f32 to vector<16xf32>
      %gt3A_1057 = arith.cmpf ogt, %add3A_1034, %add3A_1024 : vector<16xf32>
      %jit3A_1058 = arith.constant 1.000000e+00 : f32
      %jit3A_1059 = arith.constant 0.000000e+00 : f32
      %broadcast_in_dim3A_1060 = vector.broadcast %jit3A_1058 : f32 to vector<16xf32>
      %broadcast_in_dim3A_1061 = vector.broadcast %jit3A_1059 : f32 to vector<16xf32>
      %select_n3A_1062 = arith.select %gt3A_1057, %broadcast_in_dim3A_1060, %broadcast_in_dim3A_1061 : vector<16xi1>, vector<16xf32>
      %add3A_1063 = arith.addf %broadcast_in_dim3A_1056, %select_n3A_1062 : vector<16xf32>
      %gt3A_1064 = arith.cmpf ogt, %add3A_1044, %add3A_1024 : vector<16xf32>
      %jit3A_1065 = arith.constant 1.000000e+00 : f32
      %jit3A_1066 = arith.constant 0.000000e+00 : f32
      %broadcast_in_dim3A_1067 = vector.broadcast %jit3A_1065 : f32 to vector<16xf32>
      %broadcast_in_dim3A_1068 = vector.broadcast %jit3A_1066 : f32 to vector<16xf32>
      %select_n3A_1069 = arith.select %gt3A_1064, %broadcast_in_dim3A_1067, %broadcast_in_dim3A_1068 : vector<16xi1>, vector<16xf32>
      %add3A_1070 = arith.addf %add3A_1063, %select_n3A_1069 : vector<16xf32>
      %gt3A_1071 = arith.cmpf ogt, %add3A_1054, %add3A_1024 : vector<16xf32>
      %jit3A_1072 = arith.constant 1.000000e+00 : f32
      %jit3A_1073 = arith.constant 0.000000e+00 : f32
      %broadcast_in_dim3A_1074 = vector.broadcast %jit3A_1072 : f32 to vector<16xf32>
      %broadcast_in_dim3A_1075 = vector.broadcast %jit3A_1073 : f32 to vector<16xf32>
      %select_n3A_1076 = arith.select %gt3A_1071, %broadcast_in_dim3A_1074, %broadcast_in_dim3A_1075 : vector<16xi1>, vector<16xf32>
      %add3A_1077 = arith.addf %add3A_1070, %select_n3A_1076 : vector<16xf32>
      %lt3A_1078 = arith.constant 2.000000e+00 : f32
      %lt3A_1079 = vector.broadcast %lt3A_1078 : f32 to vector<16xf32>
      %lt3A_1080 = arith.cmpf olt, %add3A_1077, %lt3A_1079 : vector<16xf32>
      %jit3A_1081 = arith.constant 1.000000e+00 : f32
      %jit3A_1082 = arith.constant 0.000000e+00 : f32
      %broadcast_in_dim3A_1083 = vector.broadcast %jit3A_1081 : f32 to vector<16xf32>
      %broadcast_in_dim3A_1084 = vector.broadcast %jit3A_1082 : f32 to vector<16xf32>
      %select_n3A_1085 = arith.select %lt3A_1080, %broadcast_in_dim3A_1083, %broadcast_in_dim3A_1084 : vector<16xi1>, vector<16xf32>
      %broadcast_in_dim3A_1086 = arith.constant 0.000000e+00 : f32
      %broadcast_in_dim3A_1087 = vector.broadcast %broadcast_in_dim3A_1086 : f32 to vector<16xf32>
      %ge3A_1088 = arith.cmpf oge, %add3A_1024, %add3A_1034 : vector<16xf32>
      %jit3A_1089 = arith.constant 1.000000e+00 : f32
      %jit3A_1090 = arith.constant 0.000000e+00 : f32
      %broadcast_in_dim3A_1091 = vector.broadcast %jit3A_1089 : f32 to vector<16xf32>
      %broadcast_in_dim3A_1092 = vector.broadcast %jit3A_1090 : f32 to vector<16xf32>
      %select_n3A_1093 = arith.select %ge3A_1088, %broadcast_in_dim3A_1091, %broadcast_in_dim3A_1092 : vector<16xi1>, vector<16xf32>
      %add3A_1094 = arith.addf %broadcast_in_dim3A_1087, %select_n3A_1093 : vector<16xf32>
      %gt3A_1095 = arith.cmpf ogt, %add3A_1044, %add3A_1034 : vector<16xf32>
      %jit3A_1096 = arith.constant 1.000000e+00 : f32
      %jit3A_1097 = arith.constant 0.000000e+00 : f32
      %broadcast_in_dim3A_1098 = vector.broadcast %jit3A_1096 : f32 to vector<16xf32>
      %broadcast_in_dim3A_1099 = vector.broadcast %jit3A_1097 : f32 to vector<16xf32>
      %select_n3A_1100 = arith.select %gt3A_1095, %broadcast_in_dim3A_1098, %broadcast_in_dim3A_1099 : vector<16xi1>, vector<16xf32>
      %add3A_1101 = arith.addf %add3A_1094, %select_n3A_1100 : vector<16xf32>
      %gt3A_1102 = arith.cmpf ogt, %add3A_1054, %add3A_1034 : vector<16xf32>
      %jit3A_1103 = arith.constant 1.000000e+00 : f32
      %jit3A_1104 = arith.constant 0.000000e+00 : f32
      %broadcast_in_dim3A_1105 = vector.broadcast %jit3A_1103 : f32 to vector<16xf32>
      %broadcast_in_dim3A_1106 = vector.broadcast %jit3A_1104 : f32 to vector<16xf32>
      %select_n3A_1107 = arith.select %gt3A_1102, %broadcast_in_dim3A_1105, %broadcast_in_dim3A_1106 : vector<16xi1>, vector<16xf32>
      %add3A_1108 = arith.addf %add3A_1101, %select_n3A_1107 : vector<16xf32>
      %lt3A_1109 = arith.constant 2.000000e+00 : f32
      %lt3A_1110 = vector.broadcast %lt3A_1109 : f32 to vector<16xf32>
      %lt3A_1111 = arith.cmpf olt, %add3A_1108, %lt3A_1110 : vector<16xf32>
      %jit3A_1112 = arith.constant 1.000000e+00 : f32
      %jit3A_1113 = arith.constant 0.000000e+00 : f32
      %broadcast_in_dim3A_1114 = vector.broadcast %jit3A_1112 : f32 to vector<16xf32>
      %broadcast_in_dim3A_1115 = vector.broadcast %jit3A_1113 : f32 to vector<16xf32>
      %select_n3A_1116 = arith.select %lt3A_1111, %broadcast_in_dim3A_1114, %broadcast_in_dim3A_1115 : vector<16xi1>, vector<16xf32>
      %broadcast_in_dim3A_1117 = arith.constant 0.000000e+00 : f32
      %broadcast_in_dim3A_1118 = vector.broadcast %broadcast_in_dim3A_1117 : f32 to vector<16xf32>
      %ge3A_1119 = arith.cmpf oge, %add3A_1024, %add3A_1044 : vector<16xf32>
      %jit3A_1120 = arith.constant 1.000000e+00 : f32
      %jit3A_1121 = arith.constant 0.000000e+00 : f32
      %broadcast_in_dim3A_1122 = vector.broadcast %jit3A_1120 : f32 to vector<16xf32>
      %broadcast_in_dim3A_1123 = vector.broadcast %jit3A_1121 : f32 to vector<16xf32>
      %select_n3A_1124 = arith.select %ge3A_1119, %broadcast_in_dim3A_1122, %broadcast_in_dim3A_1123 : vector<16xi1>, vector<16xf32>
      %add3A_1125 = arith.addf %broadcast_in_dim3A_1118, %select_n3A_1124 : vector<16xf32>
      %ge3A_1126 = arith.cmpf oge, %add3A_1034, %add3A_1044 : vector<16xf32>
      %jit3A_1127 = arith.constant 1.000000e+00 : f32
      %jit3A_1128 = arith.constant 0.000000e+00 : f32
      %broadcast_in_dim3A_1129 = vector.broadcast %jit3A_1127 : f32 to vector<16xf32>
      %broadcast_in_dim3A_1130 = vector.broadcast %jit3A_1128 : f32 to vector<16xf32>
      %select_n3A_1131 = arith.select %ge3A_1126, %broadcast_in_dim3A_1129, %broadcast_in_dim3A_1130 : vector<16xi1>, vector<16xf32>
      %add3A_1132 = arith.addf %add3A_1125, %select_n3A_1131 : vector<16xf32>
      %gt3A_1133 = arith.cmpf ogt, %add3A_1054, %add3A_1044 : vector<16xf32>
      %jit3A_1134 = arith.constant 1.000000e+00 : f32
      %jit3A_1135 = arith.constant 0.000000e+00 : f32
      %broadcast_in_dim3A_1136 = vector.broadcast %jit3A_1134 : f32 to vector<16xf32>
      %broadcast_in_dim3A_1137 = vector.broadcast %jit3A_1135 : f32 to vector<16xf32>
      %select_n3A_1138 = arith.select %gt3A_1133, %broadcast_in_dim3A_1136, %broadcast_in_dim3A_1137 : vector<16xi1>, vector<16xf32>
      %add3A_1139 = arith.addf %add3A_1132, %select_n3A_1138 : vector<16xf32>
      %lt3A_1140 = arith.constant 2.000000e+00 : f32
      %lt3A_1141 = vector.broadcast %lt3A_1140 : f32 to vector<16xf32>
      %lt3A_1142 = arith.cmpf olt, %add3A_1139, %lt3A_1141 : vector<16xf32>
      %jit3A_1143 = arith.constant 1.000000e+00 : f32
      %jit3A_1144 = arith.constant 0.000000e+00 : f32
      %broadcast_in_dim3A_1145 = vector.broadcast %jit3A_1143 : f32 to vector<16xf32>
      %broadcast_in_dim3A_1146 = vector.broadcast %jit3A_1144 : f32 to vector<16xf32>
      %select_n3A_1147 = arith.select %lt3A_1142, %broadcast_in_dim3A_1145, %broadcast_in_dim3A_1146 : vector<16xi1>, vector<16xf32>
      %broadcast_in_dim3A_1148 = arith.constant 0.000000e+00 : f32
      %broadcast_in_dim3A_1149 = vector.broadcast %broadcast_in_dim3A_1148 : f32 to vector<16xf32>
      %ge3A_1150 = arith.cmpf oge, %add3A_1024, %add3A_1054 : vector<16xf32>
      %jit3A_1151 = arith.constant 1.000000e+00 : f32
      %jit3A_1152 = arith.constant 0.000000e+00 : f32
      %broadcast_in_dim3A_1153 = vector.broadcast %jit3A_1151 : f32 to vector<16xf32>
      %broadcast_in_dim3A_1154 = vector.broadcast %jit3A_1152 : f32 to vector<16xf32>
      %select_n3A_1155 = arith.select %ge3A_1150, %broadcast_in_dim3A_1153, %broadcast_in_dim3A_1154 : vector<16xi1>, vector<16xf32>
      %add3A_1156 = arith.addf %broadcast_in_dim3A_1149, %select_n3A_1155 : vector<16xf32>
      %ge3A_1157 = arith.cmpf oge, %add3A_1034, %add3A_1054 : vector<16xf32>
      %jit3A_1158 = arith.constant 1.000000e+00 : f32
      %jit3A_1159 = arith.constant 0.000000e+00 : f32
      %broadcast_in_dim3A_1160 = vector.broadcast %jit3A_1158 : f32 to vector<16xf32>
      %broadcast_in_dim3A_1161 = vector.broadcast %jit3A_1159 : f32 to vector<16xf32>
      %select_n3A_1162 = arith.select %ge3A_1157, %broadcast_in_dim3A_1160, %broadcast_in_dim3A_1161 : vector<16xi1>, vector<16xf32>
      %add3A_1163 = arith.addf %add3A_1156, %select_n3A_1162 : vector<16xf32>
      %ge3A_1164 = arith.cmpf oge, %add3A_1044, %add3A_1054 : vector<16xf32>
      %jit3A_1165 = arith.constant 1.000000e+00 : f32
      %jit3A_1166 = arith.constant 0.000000e+00 : f32
      %broadcast_in_dim3A_1167 = vector.broadcast %jit3A_1165 : f32 to vector<16xf32>
      %broadcast_in_dim3A_1168 = vector.broadcast %jit3A_1166 : f32 to vector<16xf32>
      %select_n3A_1169 = arith.select %ge3A_1164, %broadcast_in_dim3A_1167, %broadcast_in_dim3A_1168 : vector<16xi1>, vector<16xf32>
      %add3A_1170 = arith.addf %add3A_1163, %select_n3A_1169 : vector<16xf32>
      %lt3A_1171 = arith.constant 2.000000e+00 : f32
      %lt3A_1172 = vector.broadcast %lt3A_1171 : f32 to vector<16xf32>
      %lt3A_1173 = arith.cmpf olt, %add3A_1170, %lt3A_1172 : vector<16xf32>
      %jit3A_1174 = arith.constant 1.000000e+00 : f32
      %jit3A_1175 = arith.constant 0.000000e+00 : f32
      %broadcast_in_dim3A_1176 = vector.broadcast %jit3A_1174 : f32 to vector<16xf32>
      %broadcast_in_dim3A_1177 = vector.broadcast %jit3A_1175 : f32 to vector<16xf32>
      %select_n3A_1178 = arith.select %lt3A_1173, %broadcast_in_dim3A_1176, %broadcast_in_dim3A_1177 : vector<16xi1>, vector<16xf32>
      %get3A_1179 = arith.constant 0 : i32
      %get3A_1180 = arith.index_cast %get3A_1179 : i32 to index
      %get3A_1181 = arith.constant 32 : index
      %get3A_1182 = tpu.vector_load %arg5[%get3A_1180, %get3A_1181] {strides = array<i32>} : memref<16x128xf32, #tpu.memory_space<vmem>>, vector<1x16xf32>,
      %get3A_1183 = vector.shape_cast %get3A_1182 : vector<1x16xf32> to vector<16xf32>
      %mul3A_1184 = arith.mulf %select_n3A_1085, %get3A_1183 : vector<16xf32>
      %get3A_1185 = arith.constant 1 : i32
      %get3A_1186 = arith.index_cast %get3A_1185 : i32 to index
      %get3A_1187 = arith.constant 32 : index
      %get3A_1188 = tpu.vector_load %arg5[%get3A_1186, %get3A_1187] {strides = array<i32>} : memref<16x128xf32, #tpu.memory_space<vmem>>, vector<1x16xf32>,
      %get3A_1189 = vector.shape_cast %get3A_1188 : vector<1x16xf32> to vector<16xf32>
      %mul3A_1190 = arith.mulf %select_n3A_1085, %get3A_1189 : vector<16xf32>
      %get3A_1191 = arith.constant 2 : i32
      %get3A_1192 = arith.index_cast %get3A_1191 : i32 to index
      %get3A_1193 = arith.constant 32 : index
      %get3A_1194 = tpu.vector_load %arg5[%get3A_1192, %get3A_1193] {strides = array<i32>} : memref<16x128xf32, #tpu.memory_space<vmem>>, vector<1x16xf32>,
      %get3A_1195 = vector.shape_cast %get3A_1194 : vector<1x16xf32> to vector<16xf32>
      %mul3A_1196 = arith.mulf %select_n3A_1085, %get3A_1195 : vector<16xf32>
      %get3A_1197 = arith.constant 3 : i32
      %get3A_1198 = arith.index_cast %get3A_1197 : i32 to index
      %get3A_1199 = arith.constant 32 : index
      %get3A_1200 = tpu.vector_load %arg5[%get3A_1198, %get3A_1199] {strides = array<i32>} : memref<16x128xf32, #tpu.memory_space<vmem>>, vector<1x16xf32>,
      %get3A_1201 = vector.shape_cast %get3A_1200 : vector<1x16xf32> to vector<16xf32>
      %mul3A_1202 = arith.mulf %select_n3A_1085, %get3A_1201 : vector<16xf32>
      %get3A_1203 = arith.constant 4 : i32
      %get3A_1204 = arith.index_cast %get3A_1203 : i32 to index
      %get3A_1205 = arith.constant 32 : index
      %get3A_1206 = tpu.vector_load %arg5[%get3A_1204, %get3A_1205] {strides = array<i32>} : memref<16x128xf32, #tpu.memory_space<vmem>>, vector<1x16xf32>,
      %get3A_1207 = vector.shape_cast %get3A_1206 : vector<1x16xf32> to vector<16xf32>
      %mul3A_1208 = arith.mulf %select_n3A_1116, %get3A_1207 : vector<16xf32>
      %get3A_1209 = arith.constant 5 : i32
      %get3A_1210 = arith.index_cast %get3A_1209 : i32 to index
      %get3A_1211 = arith.constant 32 : index
      %get3A_1212 = tpu.vector_load %arg5[%get3A_1210, %get3A_1211] {strides = array<i32>} : memref<16x128xf32, #tpu.memory_space<vmem>>, vector<1x16xf32>,
      %get3A_1213 = vector.shape_cast %get3A_1212 : vector<1x16xf32> to vector<16xf32>
      %mul3A_1214 = arith.mulf %select_n3A_1116, %get3A_1213 : vector<16xf32>
      %get3A_1215 = arith.constant 6 : i32
      %get3A_1216 = arith.index_cast %get3A_1215 : i32 to index
      %get3A_1217 = arith.constant 32 : index
      %get3A_1218 = tpu.vector_load %arg5[%get3A_1216, %get3A_1217] {strides = array<i32>} : memref<16x128xf32, #tpu.memory_space<vmem>>, vector<1x16xf32>,
      %get3A_1219 = vector.shape_cast %get3A_1218 : vector<1x16xf32> to vector<16xf32>
      %mul3A_1220 = arith.mulf %select_n3A_1116, %get3A_1219 : vector<16xf32>
      %get3A_1221 = arith.constant 7 : i32
      %get3A_1222 = arith.index_cast %get3A_1221 : i32 to index
      %get3A_1223 = arith.constant 32 : index
      %get3A_1224 = tpu.vector_load %arg5[%get3A_1222, %get3A_1223] {strides = array<i32>} : memref<16x128xf32, #tpu.memory_space<vmem>>, vector<1x16xf32>,
      %get3A_1225 = vector.shape_cast %get3A_1224 : vector<1x16xf32> to vector<16xf32>
      %mul3A_1226 = arith.mulf %select_n3A_1116, %get3A_1225 : vector<16xf32>
      %get3A_1227 = arith.constant 8 : i32
      %get3A_1228 = arith.index_cast %get3A_1227 : i32 to index
      %get3A_1229 = arith.constant 32 : index
      %get3A_1230 = tpu.vector_load %arg5[%get3A_1228, %get3A_1229] {strides = array<i32>} : memref<16x128xf32, #tpu.memory_space<vmem>>, vector<1x16xf32>,
      %get3A_1231 = vector.shape_cast %get3A_1230 : vector<1x16xf32> to vector<16xf32>
      %mul3A_1232 = arith.mulf %select_n3A_1147, %get3A_1231 : vector<16xf32>
      %get3A_1233 = arith.constant 9 : i32
      %get3A_1234 = arith.index_cast %get3A_1233 : i32 to index
      %get3A_1235 = arith.constant 32 : index
      %get3A_1236 = tpu.vector_load %arg5[%get3A_1234, %get3A_1235] {strides = array<i32>} : memref<16x128xf32, #tpu.memory_space<vmem>>, vector<1x16xf32>,
      %get3A_1237 = vector.shape_cast %get3A_1236 : vector<1x16xf32> to vector<16xf32>
      %mul3A_1238 = arith.mulf %select_n3A_1147, %get3A_1237 : vector<16xf32>
      %get3A_1239 = arith.constant 10 : i32
      %get3A_1240 = arith.index_cast %get3A_1239 : i32 to index
      %get3A_1241 = arith.constant 32 : index
      %get3A_1242 = tpu.vector_load %arg5[%get3A_1240, %get3A_1241] {strides = array<i32>} : memref<16x128xf32, #tpu.memory_space<vmem>>, vector<1x16xf32>,
      %get3A_1243 = vector.shape_cast %get3A_1242 : vector<1x16xf32> to vector<16xf32>
      %mul3A_1244 = arith.mulf %select_n3A_1147, %get3A_1243 : vector<16xf32>
      %get3A_1245 = arith.constant 11 : i32
      %get3A_1246 = arith.index_cast %get3A_1245 : i32 to index
      %get3A_1247 = arith.constant 32 : index
      %get3A_1248 = tpu.vector_load %arg5[%get3A_1246, %get3A_1247] {strides = array<i32>} : memref<16x128xf32, #tpu.memory_space<vmem>>, vector<1x16xf32>,
      %get3A_1249 = vector.shape_cast %get3A_1248 : vector<1x16xf32> to vector<16xf32>
      %mul3A_1250 = arith.mulf %select_n3A_1147, %get3A_1249 : vector<16xf32>
      %get3A_1251 = arith.constant 12 : i32
      %get3A_1252 = arith.index_cast %get3A_1251 : i32 to index
      %get3A_1253 = arith.constant 32 : index
      %get3A_1254 = tpu.vector_load %arg5[%get3A_1252, %get3A_1253] {strides = array<i32>} : memref<16x128xf32, #tpu.memory_space<vmem>>, vector<1x16xf32>,
      %get3A_1255 = vector.shape_cast %get3A_1254 : vector<1x16xf32> to vector<16xf32>
      %mul3A_1256 = arith.mulf %select_n3A_1178, %get3A_1255 : vector<16xf32>
      %get3A_1257 = arith.constant 13 : i32
      %get3A_1258 = arith.index_cast %get3A_1257 : i32 to index
      %get3A_1259 = arith.constant 32 : index
      %get3A_1260 = tpu.vector_load %arg5[%get3A_1258, %get3A_1259] {strides = array<i32>} : memref<16x128xf32, #tpu.memory_space<vmem>>, vector<1x16xf32>,
      %get3A_1261 = vector.shape_cast %get3A_1260 : vector<1x16xf32> to vector<16xf32>
      %mul3A_1262 = arith.mulf %select_n3A_1178, %get3A_1261 : vector<16xf32>
      %get3A_1263 = arith.constant 14 : i32
      %get3A_1264 = arith.index_cast %get3A_1263 : i32 to index
      %get3A_1265 = arith.constant 32 : index
      %get3A_1266 = tpu.vector_load %arg5[%get3A_1264, %get3A_1265] {strides = array<i32>} : memref<16x128xf32, #tpu.memory_space<vmem>>, vector<1x16xf32>,
      %get3A_1267 = vector.shape_cast %get3A_1266 : vector<1x16xf32> to vector<16xf32>
      %mul3A_1268 = arith.mulf %select_n3A_1178, %get3A_1267 : vector<16xf32>
      %get3A_1269 = arith.constant 15 : i32
      %get3A_1270 = arith.index_cast %get3A_1269 : i32 to index
      %get3A_1271 = arith.constant 32 : index
      %get3A_1272 = tpu.vector_load %arg5[%get3A_1270, %get3A_1271] {strides = array<i32>} : memref<16x128xf32, #tpu.memory_space<vmem>>, vector<1x16xf32>,
      %get3A_1273 = vector.shape_cast %get3A_1272 : vector<1x16xf32> to vector<16xf32>
      %mul3A_1274 = arith.mulf %select_n3A_1178, %get3A_1273 : vector<16xf32>
      %add3A_1275 = arith.addf %mul3A_1184, %mul3A_1190 : vector<16xf32>
      %add3A_1276 = arith.addf %add3A_1275, %mul3A_1196 : vector<16xf32>
      %add3A_1277 = arith.addf %add3A_1276, %mul3A_1202 : vector<16xf32>
      %add3A_1278 = arith.addf %add3A_1277, %mul3A_1208 : vector<16xf32>
      %add3A_1279 = arith.addf %add3A_1278, %mul3A_1214 : vector<16xf32>
      %add3A_1280 = arith.addf %add3A_1279, %mul3A_1220 : vector<16xf32>
      %add3A_1281 = arith.addf %add3A_1280, %mul3A_1226 : vector<16xf32>
      %add3A_1282 = arith.addf %add3A_1281, %mul3A_1232 : vector<16xf32>
      %add3A_1283 = arith.addf %add3A_1282, %mul3A_1238 : vector<16xf32>
      %add3A_1284 = arith.addf %add3A_1283, %mul3A_1244 : vector<16xf32>
      %add3A_1285 = arith.addf %add3A_1284, %mul3A_1250 : vector<16xf32>
      %add3A_1286 = arith.addf %add3A_1285, %mul3A_1256 : vector<16xf32>
      %add3A_1287 = arith.addf %add3A_1286, %mul3A_1262 : vector<16xf32>
      %add3A_1288 = arith.addf %add3A_1287, %mul3A_1268 : vector<16xf32>
      %add3A_1289 = arith.addf %add3A_1288, %mul3A_1274 : vector<16xf32>
      %add3A_1290 = arith.constant 9.99999968E-21 : f32
      %add3A_1291 = vector.broadcast %add3A_1290 : f32 to vector<16xf32>
      %add3A_1292 = arith.addf %add3A_1289, %add3A_1291 : vector<16xf32>
      %div3A_1293 = arith.divf %mul3A_1184, %add3A_1292 : vector<16xf32>
      %swap3A_1294 = arith.constant 0 : i32
      %swap3A_1295 = arith.index_cast %swap3A_1294 : i32 to index
      %swap3A_1296 = arith.constant 32 : index
      %swap3A_1297 = tpu.vector_load %arg7[%swap3A_1295, %swap3A_1296] {strides = array<i32>} : memref<16x128xf32, #tpu.memory_space<vmem>>, vector<1x16xf32>,
      %swap3A_1298 = vector.shape_cast %swap3A_1297 : vector<1x16xf32> to vector<16xf32>
      %swap3A_1299 = vector.shape_cast %div3A_1293 : vector<16xf32> to vector<1x16xf32>
      tpu.vector_store %arg7[%swap3A_1295, %swap3A_1296], %swap3A_1299 {strides = array<i32>} : memref<16x128xf32, #tpu.memory_space<vmem>>, vector<1x16xf32>,
      %div3A_1300 = arith.divf %mul3A_1190, %add3A_1292 : vector<16xf32>
      %swap3A_1301 = arith.constant 1 : i32
      %swap3A_1302 = arith.index_cast %swap3A_1301 : i32 to index
      %swap3A_1303 = arith.constant 32 : index
      %swap3A_1304 = tpu.vector_load %arg7[%swap3A_1302, %swap3A_1303] {strides = array<i32>} : memref<16x128xf32, #tpu.memory_space<vmem>>, vector<1x16xf32>,
      %swap3A_1305 = vector.shape_cast %swap3A_1304 : vector<1x16xf32> to vector<16xf32>
      %swap3A_1306 = vector.shape_cast %div3A_1300 : vector<16xf32> to vector<1x16xf32>
      tpu.vector_store %arg7[%swap3A_1302, %swap3A_1303], %swap3A_1306 {strides = array<i32>} : memref<16x128xf32, #tpu.memory_space<vmem>>, vector<1x16xf32>,
      %div3A_1307 = arith.divf %mul3A_1196, %add3A_1292 : vector<16xf32>
      %swap3A_1308 = arith.constant 2 : i32
      %swap3A_1309 = arith.index_cast %swap3A_1308 : i32 to index
      %swap3A_1310 = arith.constant 32 : index
      %swap3A_1311 = tpu.vector_load %arg7[%swap3A_1309, %swap3A_1310] {strides = array<i32>} : memref<16x128xf32, #tpu.memory_space<vmem>>, vector<1x16xf32>,
      %swap3A_1312 = vector.shape_cast %swap3A_1311 : vector<1x16xf32> to vector<16xf32>
      %swap3A_1313 = vector.shape_cast %div3A_1307 : vector<16xf32> to vector<1x16xf32>
      tpu.vector_store %arg7[%swap3A_1309, %swap3A_1310], %swap3A_1313 {strides = array<i32>} : memref<16x128xf32, #tpu.memory_space<vmem>>, vector<1x16xf32>,
      %div3A_1314 = arith.divf %mul3A_1202, %add3A_1292 : vector<16xf32>
      %swap3A_1315 = arith.constant 3 : i32
      %swap3A_1316 = arith.index_cast %swap3A_1315 : i32 to index
      %swap3A_1317 = arith.constant 32 : index
      %swap3A_1318 = tpu.vector_load %arg7[%swap3A_1316, %swap3A_1317] {strides = array<i32>} : memref<16x128xf32, #tpu.memory_space<vmem>>, vector<1x16xf32>,
      %swap3A_1319 = vector.shape_cast %swap3A_1318 : vector<1x16xf32> to vector<16xf32>
      %swap3A_1320 = vector.shape_cast %div3A_1314 : vector<16xf32> to vector<1x16xf32>
      tpu.vector_store %arg7[%swap3A_1316, %swap3A_1317], %swap3A_1320 {strides = array<i32>} : memref<16x128xf32, #tpu.memory_space<vmem>>, vector<1x16xf32>,
      %div3A_1321 = arith.divf %mul3A_1208, %add3A_1292 : vector<16xf32>
      %swap3A_1322 = arith.constant 4 : i32
      %swap3A_1323 = arith.index_cast %swap3A_1322 : i32 to index
      %swap3A_1324 = arith.constant 32 : index
      %swap3A_1325 = tpu.vector_load %arg7[%swap3A_1323, %swap3A_1324] {strides = array<i32>} : memref<16x128xf32, #tpu.memory_space<vmem>>, vector<1x16xf32>,
      %swap3A_1326 = vector.shape_cast %swap3A_1325 : vector<1x16xf32> to vector<16xf32>
      %swap3A_1327 = vector.shape_cast %div3A_1321 : vector<16xf32> to vector<1x16xf32>
      tpu.vector_store %arg7[%swap3A_1323, %swap3A_1324], %swap3A_1327 {strides = array<i32>} : memref<16x128xf32, #tpu.memory_space<vmem>>, vector<1x16xf32>,
      %div3A_1328 = arith.divf %mul3A_1214, %add3A_1292 : vector<16xf32>
      %swap3A_1329 = arith.constant 5 : i32
      %swap3A_1330 = arith.index_cast %swap3A_1329 : i32 to index
      %swap3A_1331 = arith.constant 32 : index
      %swap3A_1332 = tpu.vector_load %arg7[%swap3A_1330, %swap3A_1331] {strides = array<i32>} : memref<16x128xf32, #tpu.memory_space<vmem>>, vector<1x16xf32>,
      %swap3A_1333 = vector.shape_cast %swap3A_1332 : vector<1x16xf32> to vector<16xf32>
      %swap3A_1334 = vector.shape_cast %div3A_1328 : vector<16xf32> to vector<1x16xf32>
      tpu.vector_store %arg7[%swap3A_1330, %swap3A_1331], %swap3A_1334 {strides = array<i32>} : memref<16x128xf32, #tpu.memory_space<vmem>>, vector<1x16xf32>,
      %div3A_1335 = arith.divf %mul3A_1220, %add3A_1292 : vector<16xf32>
      %swap3A_1336 = arith.constant 6 : i32
      %swap3A_1337 = arith.index_cast %swap3A_1336 : i32 to index
      %swap3A_1338 = arith.constant 32 : index
      %swap3A_1339 = tpu.vector_load %arg7[%swap3A_1337, %swap3A_1338] {strides = array<i32>} : memref<16x128xf32, #tpu.memory_space<vmem>>, vector<1x16xf32>,
      %swap3A_1340 = vector.shape_cast %swap3A_1339 : vector<1x16xf32> to vector<16xf32>
      %swap3A_1341 = vector.shape_cast %div3A_1335 : vector<16xf32> to vector<1x16xf32>
      tpu.vector_store %arg7[%swap3A_1337, %swap3A_1338], %swap3A_1341 {strides = array<i32>} : memref<16x128xf32, #tpu.memory_space<vmem>>, vector<1x16xf32>,
      %div3A_1342 = arith.divf %mul3A_1226, %add3A_1292 : vector<16xf32>
      %swap3A_1343 = arith.constant 7 : i32
      %swap3A_1344 = arith.index_cast %swap3A_1343 : i32 to index
      %swap3A_1345 = arith.constant 32 : index
      %swap3A_1346 = tpu.vector_load %arg7[%swap3A_1344, %swap3A_1345] {strides = array<i32>} : memref<16x128xf32, #tpu.memory_space<vmem>>, vector<1x16xf32>,
      %swap3A_1347 = vector.shape_cast %swap3A_1346 : vector<1x16xf32> to vector<16xf32>
      %swap3A_1348 = vector.shape_cast %div3A_1342 : vector<16xf32> to vector<1x16xf32>
      tpu.vector_store %arg7[%swap3A_1344, %swap3A_1345], %swap3A_1348 {strides = array<i32>} : memref<16x128xf32, #tpu.memory_space<vmem>>, vector<1x16xf32>,
      %div3A_1349 = arith.divf %mul3A_1232, %add3A_1292 : vector<16xf32>
      %swap3A_1350 = arith.constant 8 : i32
      %swap3A_1351 = arith.index_cast %swap3A_1350 : i32 to index
      %swap3A_1352 = arith.constant 32 : index
      %swap3A_1353 = tpu.vector_load %arg7[%swap3A_1351, %swap3A_1352] {strides = array<i32>} : memref<16x128xf32, #tpu.memory_space<vmem>>, vector<1x16xf32>,
      %swap3A_1354 = vector.shape_cast %swap3A_1353 : vector<1x16xf32> to vector<16xf32>
      %swap3A_1355 = vector.shape_cast %div3A_1349 : vector<16xf32> to vector<1x16xf32>
      tpu.vector_store %arg7[%swap3A_1351, %swap3A_1352], %swap3A_1355 {strides = array<i32>} : memref<16x128xf32, #tpu.memory_space<vmem>>, vector<1x16xf32>,
      %div3A_1356 = arith.divf %mul3A_1238, %add3A_1292 : vector<16xf32>
      %swap3A_1357 = arith.constant 9 : i32
      %swap3A_1358 = arith.index_cast %swap3A_1357 : i32 to index
      %swap3A_1359 = arith.constant 32 : index
      %swap3A_1360 = tpu.vector_load %arg7[%swap3A_1358, %swap3A_1359] {strides = array<i32>} : memref<16x128xf32, #tpu.memory_space<vmem>>, vector<1x16xf32>,
      %swap3A_1361 = vector.shape_cast %swap3A_1360 : vector<1x16xf32> to vector<16xf32>
      %swap3A_1362 = vector.shape_cast %div3A_1356 : vector<16xf32> to vector<1x16xf32>
      tpu.vector_store %arg7[%swap3A_1358, %swap3A_1359], %swap3A_1362 {strides = array<i32>} : memref<16x128xf32, #tpu.memory_space<vmem>>, vector<1x16xf32>,
      %div3A_1363 = arith.divf %mul3A_1244, %add3A_1292 : vector<16xf32>
      %swap3A_1364 = arith.constant 10 : i32
      %swap3A_1365 = arith.index_cast %swap3A_1364 : i32 to index
      %swap3A_1366 = arith.constant 32 : index
      %swap3A_1367 = tpu.vector_load %arg7[%swap3A_1365, %swap3A_1366] {strides = array<i32>} : memref<16x128xf32, #tpu.memory_space<vmem>>, vector<1x16xf32>,
      %swap3A_1368 = vector.shape_cast %swap3A_1367 : vector<1x16xf32> to vector<16xf32>
      %swap3A_1369 = vector.shape_cast %div3A_1363 : vector<16xf32> to vector<1x16xf32>
      tpu.vector_store %arg7[%swap3A_1365, %swap3A_1366], %swap3A_1369 {strides = array<i32>} : memref<16x128xf32, #tpu.memory_space<vmem>>, vector<1x16xf32>,
      %div3A_1370 = arith.divf %mul3A_1250, %add3A_1292 : vector<16xf32>
      %swap3A_1371 = arith.constant 11 : i32
      %swap3A_1372 = arith.index_cast %swap3A_1371 : i32 to index
      %swap3A_1373 = arith.constant 32 : index
      %swap3A_1374 = tpu.vector_load %arg7[%swap3A_1372, %swap3A_1373] {strides = array<i32>} : memref<16x128xf32, #tpu.memory_space<vmem>>, vector<1x16xf32>,
      %swap3A_1375 = vector.shape_cast %swap3A_1374 : vector<1x16xf32> to vector<16xf32>
      %swap3A_1376 = vector.shape_cast %div3A_1370 : vector<16xf32> to vector<1x16xf32>
      tpu.vector_store %arg7[%swap3A_1372, %swap3A_1373], %swap3A_1376 {strides = array<i32>} : memref<16x128xf32, #tpu.memory_space<vmem>>, vector<1x16xf32>,
      %div3A_1377 = arith.divf %mul3A_1256, %add3A_1292 : vector<16xf32>
      %swap3A_1378 = arith.constant 12 : i32
      %swap3A_1379 = arith.index_cast %swap3A_1378 : i32 to index
      %swap3A_1380 = arith.constant 32 : index
      %swap3A_1381 = tpu.vector_load %arg7[%swap3A_1379, %swap3A_1380] {strides = array<i32>} : memref<16x128xf32, #tpu.memory_space<vmem>>, vector<1x16xf32>,
      %swap3A_1382 = vector.shape_cast %swap3A_1381 : vector<1x16xf32> to vector<16xf32>
      %swap3A_1383 = vector.shape_cast %div3A_1377 : vector<16xf32> to vector<1x16xf32>
      tpu.vector_store %arg7[%swap3A_1379, %swap3A_1380], %swap3A_1383 {strides = array<i32>} : memref<16x128xf32, #tpu.memory_space<vmem>>, vector<1x16xf32>,
      %div3A_1384 = arith.divf %mul3A_1262, %add3A_1292 : vector<16xf32>
      %swap3A_1385 = arith.constant 13 : i32
      %swap3A_1386 = arith.index_cast %swap3A_1385 : i32 to index
      %swap3A_1387 = arith.constant 32 : index
      %swap3A_1388 = tpu.vector_load %arg7[%swap3A_1386, %swap3A_1387] {strides = array<i32>} : memref<16x128xf32, #tpu.memory_space<vmem>>, vector<1x16xf32>,
      %swap3A_1389 = vector.shape_cast %swap3A_1388 : vector<1x16xf32> to vector<16xf32>
      %swap3A_1390 = vector.shape_cast %div3A_1384 : vector<16xf32> to vector<1x16xf32>
      tpu.vector_store %arg7[%swap3A_1386, %swap3A_1387], %swap3A_1390 {strides = array<i32>} : memref<16x128xf32, #tpu.memory_space<vmem>>, vector<1x16xf32>,
      %div3A_1391 = arith.divf %mul3A_1268, %add3A_1292 : vector<16xf32>
      %swap3A_1392 = arith.constant 14 : i32
      %swap3A_1393 = arith.index_cast %swap3A_1392 : i32 to index
      %swap3A_1394 = arith.constant 32 : index
      %swap3A_1395 = tpu.vector_load %arg7[%swap3A_1393, %swap3A_1394] {strides = array<i32>} : memref<16x128xf32, #tpu.memory_space<vmem>>, vector<1x16xf32>,
      %swap3A_1396 = vector.shape_cast %swap3A_1395 : vector<1x16xf32> to vector<16xf32>
      %swap3A_1397 = vector.shape_cast %div3A_1391 : vector<16xf32> to vector<1x16xf32>
      tpu.vector_store %arg7[%swap3A_1393, %swap3A_1394], %swap3A_1397 {strides = array<i32>} : memref<16x128xf32, #tpu.memory_space<vmem>>, vector<1x16xf32>,
      %div3A_1398 = arith.divf %mul3A_1274, %add3A_1292 : vector<16xf32>
      %swap3A_1399 = arith.constant 15 : i32
      %swap3A_1400 = arith.index_cast %swap3A_1399 : i32 to index
      %swap3A_1401 = arith.constant 32 : index
      %swap3A_1402 = tpu.vector_load %arg7[%swap3A_1400, %swap3A_1401] {strides = array<i32>} : memref<16x128xf32, #tpu.memory_space<vmem>>, vector<1x16xf32>,
      %swap3A_1403 = vector.shape_cast %swap3A_1402 : vector<1x16xf32> to vector<16xf32>
      %swap3A_1404 = vector.shape_cast %div3A_1398 : vector<16xf32> to vector<1x16xf32>
      tpu.vector_store %arg7[%swap3A_1400, %swap3A_1401], %swap3A_1404 {strides = array<i32>} : memref<16x128xf32, #tpu.memory_space<vmem>>, vector<1x16xf32>,
      %get3A_1405 = arith.constant 0 : i32
      %get3A_1406 = arith.index_cast %get3A_1405 : i32 to index
      %get3A_1407 = arith.constant 48 : index
      %get3A_1408 = tpu.vector_load %arg6[%get3A_1406, %get3A_1407] {strides = array<i32>} : memref<16x128xf32, #tpu.memory_space<vmem>>, vector<1x16xf32>,
      %get3A_1409 = vector.shape_cast %get3A_1408 : vector<1x16xf32> to vector<16xf32>
      %get3A_1410 = arith.constant 1 : i32
      %get3A_1411 = arith.index_cast %get3A_1410 : i32 to index
      %get3A_1412 = arith.constant 48 : index
      %get3A_1413 = tpu.vector_load %arg6[%get3A_1411, %get3A_1412] {strides = array<i32>} : memref<16x128xf32, #tpu.memory_space<vmem>>, vector<1x16xf32>,
      %get3A_1414 = vector.shape_cast %get3A_1413 : vector<1x16xf32> to vector<16xf32>
      %get3A_1415 = arith.constant 2 : i32
      %get3A_1416 = arith.index_cast %get3A_1415 : i32 to index
      %get3A_1417 = arith.constant 48 : index
      %get3A_1418 = tpu.vector_load %arg6[%get3A_1416, %get3A_1417] {strides = array<i32>} : memref<16x128xf32, #tpu.memory_space<vmem>>, vector<1x16xf32>,
      %get3A_1419 = vector.shape_cast %get3A_1418 : vector<1x16xf32> to vector<16xf32>
      %get3A_1420 = arith.constant 3 : i32
      %get3A_1421 = arith.index_cast %get3A_1420 : i32 to index
      %get3A_1422 = arith.constant 48 : index
      %get3A_1423 = tpu.vector_load %arg6[%get3A_1421, %get3A_1422] {strides = array<i32>} : memref<16x128xf32, #tpu.memory_space<vmem>>, vector<1x16xf32>,
      %get3A_1424 = vector.shape_cast %get3A_1423 : vector<1x16xf32> to vector<16xf32>
      %get3A_1425 = arith.constant 4 : i32
      %get3A_1426 = arith.index_cast %get3A_1425 : i32 to index
      %get3A_1427 = arith.constant 48 : index
      %get3A_1428 = tpu.vector_load %arg6[%get3A_1426, %get3A_1427] {strides = array<i32>} : memref<16x128xf32, #tpu.memory_space<vmem>>, vector<1x16xf32>,
      %get3A_1429 = vector.shape_cast %get3A_1428 : vector<1x16xf32> to vector<16xf32>
      %get3A_1430 = arith.constant 5 : i32
      %get3A_1431 = arith.index_cast %get3A_1430 : i32 to index
      %get3A_1432 = arith.constant 48 : index
      %get3A_1433 = tpu.vector_load %arg6[%get3A_1431, %get3A_1432] {strides = array<i32>} : memref<16x128xf32, #tpu.memory_space<vmem>>, vector<1x16xf32>,
      %get3A_1434 = vector.shape_cast %get3A_1433 : vector<1x16xf32> to vector<16xf32>
      %get3A_1435 = arith.constant 6 : i32
      %get3A_1436 = arith.index_cast %get3A_1435 : i32 to index
      %get3A_1437 = arith.constant 48 : index
      %get3A_1438 = tpu.vector_load %arg6[%get3A_1436, %get3A_1437] {strides = array<i32>} : memref<16x128xf32, #tpu.memory_space<vmem>>, vector<1x16xf32>,
      %get3A_1439 = vector.shape_cast %get3A_1438 : vector<1x16xf32> to vector<16xf32>
      %get3A_1440 = arith.constant 7 : i32
      %get3A_1441 = arith.index_cast %get3A_1440 : i32 to index
      %get3A_1442 = arith.constant 48 : index
      %get3A_1443 = tpu.vector_load %arg6[%get3A_1441, %get3A_1442] {strides = array<i32>} : memref<16x128xf32, #tpu.memory_space<vmem>>, vector<1x16xf32>,
      %get3A_1444 = vector.shape_cast %get3A_1443 : vector<1x16xf32> to vector<16xf32>
      %get3A_1445 = arith.constant 8 : i32
      %get3A_1446 = arith.index_cast %get3A_1445 : i32 to index
      %get3A_1447 = arith.constant 48 : index
      %get3A_1448 = tpu.vector_load %arg6[%get3A_1446, %get3A_1447] {strides = array<i32>} : memref<16x128xf32, #tpu.memory_space<vmem>>, vector<1x16xf32>,
      %get3A_1449 = vector.shape_cast %get3A_1448 : vector<1x16xf32> to vector<16xf32>
      %get3A_1450 = arith.constant 9 : i32
      %get3A_1451 = arith.index_cast %get3A_1450 : i32 to index
      %get3A_1452 = arith.constant 48 : index
      %get3A_1453 = tpu.vector_load %arg6[%get3A_1451, %get3A_1452] {strides = array<i32>} : memref<16x128xf32, #tpu.memory_space<vmem>>, vector<1x16xf32>,
      %get3A_1454 = vector.shape_cast %get3A_1453 : vector<1x16xf32> to vector<16xf32>
      %get3A_1455 = arith.constant 10 : i32
      %get3A_1456 = arith.index_cast %get3A_1455 : i32 to index
      %get3A_1457 = arith.constant 48 : index
      %get3A_1458 = tpu.vector_load %arg6[%get3A_1456, %get3A_1457] {strides = array<i32>} : memref<16x128xf32, #tpu.memory_space<vmem>>, vector<1x16xf32>,
      %get3A_1459 = vector.shape_cast %get3A_1458 : vector<1x16xf32> to vector<16xf32>
      %get3A_1460 = arith.constant 11 : i32
      %get3A_1461 = arith.index_cast %get3A_1460 : i32 to index
      %get3A_1462 = arith.constant 48 : index
      %get3A_1463 = tpu.vector_load %arg6[%get3A_1461, %get3A_1462] {strides = array<i32>} : memref<16x128xf32, #tpu.memory_space<vmem>>, vector<1x16xf32>,
      %get3A_1464 = vector.shape_cast %get3A_1463 : vector<1x16xf32> to vector<16xf32>
      %get3A_1465 = arith.constant 12 : i32
      %get3A_1466 = arith.index_cast %get3A_1465 : i32 to index
      %get3A_1467 = arith.constant 48 : index
      %get3A_1468 = tpu.vector_load %arg6[%get3A_1466, %get3A_1467] {strides = array<i32>} : memref<16x128xf32, #tpu.memory_space<vmem>>, vector<1x16xf32>,
      %get3A_1469 = vector.shape_cast %get3A_1468 : vector<1x16xf32> to vector<16xf32>
      %get3A_1470 = arith.constant 13 : i32
      %get3A_1471 = arith.index_cast %get3A_1470 : i32 to index
      %get3A_1472 = arith.constant 48 : index
      %get3A_1473 = tpu.vector_load %arg6[%get3A_1471, %get3A_1472] {strides = array<i32>} : memref<16x128xf32, #tpu.memory_space<vmem>>, vector<1x16xf32>,
      %get3A_1474 = vector.shape_cast %get3A_1473 : vector<1x16xf32> to vector<16xf32>
      %get3A_1475 = arith.constant 14 : i32
      %get3A_1476 = arith.index_cast %get3A_1475 : i32 to index
      %get3A_1477 = arith.constant 48 : index
      %get3A_1478 = tpu.vector_load %arg6[%get3A_1476, %get3A_1477] {strides = array<i32>} : memref<16x128xf32, #tpu.memory_space<vmem>>, vector<1x16xf32>,
      %get3A_1479 = vector.shape_cast %get3A_1478 : vector<1x16xf32> to vector<16xf32>
      %get3A_1480 = arith.constant 15 : i32
      %get3A_1481 = arith.index_cast %get3A_1480 : i32 to index
      %get3A_1482 = arith.constant 48 : index
      %get3A_1483 = tpu.vector_load %arg6[%get3A_1481, %get3A_1482] {strides = array<i32>} : memref<16x128xf32, #tpu.memory_space<vmem>>, vector<1x16xf32>,
      %get3A_1484 = vector.shape_cast %get3A_1483 : vector<1x16xf32> to vector<16xf32>
      %max3A_1485 = arith.maximumf %get3A_1409, %get3A_1414 : vector<16xf32>
      %min3A_1486 = arith.minimumf %get3A_1409, %get3A_1414 : vector<16xf32>
      %max3A_1487 = arith.maximumf %get3A_1419, %get3A_1424 : vector<16xf32>
      %min3A_1488 = arith.minimumf %get3A_1419, %get3A_1424 : vector<16xf32>
      %max3A_1489 = arith.maximumf %max3A_1485, %max3A_1487 : vector<16xf32>
      %min3A_1490 = arith.minimumf %max3A_1485, %max3A_1487 : vector<16xf32>
      %ge3A_1491 = arith.cmpf oge, %max3A_1485, %max3A_1487 : vector<16xf32>
      %select_n3A_1492 = arith.select %ge3A_1491, %min3A_1486, %min3A_1488 : vector<16xi1>, vector<16xf32>
      %max3A_1493 = arith.maximumf %min3A_1490, %select_n3A_1492 : vector<16xf32>
      %add3A_1494 = arith.addf %max3A_1489, %max3A_1493 : vector<16xf32>
      %max3A_1495 = arith.maximumf %get3A_1429, %get3A_1434 : vector<16xf32>
      %min3A_1496 = arith.minimumf %get3A_1429, %get3A_1434 : vector<16xf32>
      %max3A_1497 = arith.maximumf %get3A_1439, %get3A_1444 : vector<16xf32>
      %min3A_1498 = arith.minimumf %get3A_1439, %get3A_1444 : vector<16xf32>
      %max3A_1499 = arith.maximumf %max3A_1495, %max3A_1497 : vector<16xf32>
      %min3A_1500 = arith.minimumf %max3A_1495, %max3A_1497 : vector<16xf32>
      %ge3A_1501 = arith.cmpf oge, %max3A_1495, %max3A_1497 : vector<16xf32>
      %select_n3A_1502 = arith.select %ge3A_1501, %min3A_1496, %min3A_1498 : vector<16xi1>, vector<16xf32>
      %max3A_1503 = arith.maximumf %min3A_1500, %select_n3A_1502 : vector<16xf32>
      %add3A_1504 = arith.addf %max3A_1499, %max3A_1503 : vector<16xf32>
      %max3A_1505 = arith.maximumf %get3A_1449, %get3A_1454 : vector<16xf32>
      %min3A_1506 = arith.minimumf %get3A_1449, %get3A_1454 : vector<16xf32>
      %max3A_1507 = arith.maximumf %get3A_1459, %get3A_1464 : vector<16xf32>
      %min3A_1508 = arith.minimumf %get3A_1459, %get3A_1464 : vector<16xf32>
      %max3A_1509 = arith.maximumf %max3A_1505, %max3A_1507 : vector<16xf32>
      %min3A_1510 = arith.minimumf %max3A_1505, %max3A_1507 : vector<16xf32>
      %ge3A_1511 = arith.cmpf oge, %max3A_1505, %max3A_1507 : vector<16xf32>
      %select_n3A_1512 = arith.select %ge3A_1511, %min3A_1506, %min3A_1508 : vector<16xi1>, vector<16xf32>
      %max3A_1513 = arith.maximumf %min3A_1510, %select_n3A_1512 : vector<16xf32>
      %add3A_1514 = arith.addf %max3A_1509, %max3A_1513 : vector<16xf32>
      %max3A_1515 = arith.maximumf %get3A_1469, %get3A_1474 : vector<16xf32>
      %min3A_1516 = arith.minimumf %get3A_1469, %get3A_1474 : vector<16xf32>
      %max3A_1517 = arith.maximumf %get3A_1479, %get3A_1484 : vector<16xf32>
      %min3A_1518 = arith.minimumf %get3A_1479, %get3A_1484 : vector<16xf32>
      %max3A_1519 = arith.maximumf %max3A_1515, %max3A_1517 : vector<16xf32>
      %min3A_1520 = arith.minimumf %max3A_1515, %max3A_1517 : vector<16xf32>
      %ge3A_1521 = arith.cmpf oge, %max3A_1515, %max3A_1517 : vector<16xf32>
      %select_n3A_1522 = arith.select %ge3A_1521, %min3A_1516, %min3A_1518 : vector<16xi1>, vector<16xf32>
      %max3A_1523 = arith.maximumf %min3A_1520, %select_n3A_1522 : vector<16xf32>
      %add3A_1524 = arith.addf %max3A_1519, %max3A_1523 : vector<16xf32>
      %broadcast_in_dim3A_1525 = arith.constant 0.000000e+00 : f32
      %broadcast_in_dim3A_1526 = vector.broadcast %broadcast_in_dim3A_1525 : f32 to vector<16xf32>
      %gt3A_1527 = arith.cmpf ogt, %add3A_1504, %add3A_1494 : vector<16xf32>
      %jit3A_1528 = arith.constant 1.000000e+00 : f32
      %jit3A_1529 = arith.constant 0.000000e+00 : f32
      %broadcast_in_dim3A_1530 = vector.broadcast %jit3A_1528 : f32 to vector<16xf32>
      %broadcast_in_dim3A_1531 = vector.broadcast %jit3A_1529 : f32 to vector<16xf32>
      %select_n3A_1532 = arith.select %gt3A_1527, %broadcast_in_dim3A_1530, %broadcast_in_dim3A_1531 : vector<16xi1>, vector<16xf32>
      %add3A_1533 = arith.addf %broadcast_in_dim3A_1526, %select_n3A_1532 : vector<16xf32>
      %gt3A_1534 = arith.cmpf ogt, %add3A_1514, %add3A_1494 : vector<16xf32>
      %jit3A_1535 = arith.constant 1.000000e+00 : f32
      %jit3A_1536 = arith.constant 0.000000e+00 : f32
      %broadcast_in_dim3A_1537 = vector.broadcast %jit3A_1535 : f32 to vector<16xf32>
      %broadcast_in_dim3A_1538 = vector.broadcast %jit3A_1536 : f32 to vector<16xf32>
      %select_n3A_1539 = arith.select %gt3A_1534, %broadcast_in_dim3A_1537, %broadcast_in_dim3A_1538 : vector<16xi1>, vector<16xf32>
      %add3A_1540 = arith.addf %add3A_1533, %select_n3A_1539 : vector<16xf32>
      %gt3A_1541 = arith.cmpf ogt, %add3A_1524, %add3A_1494 : vector<16xf32>
      %jit3A_1542 = arith.constant 1.000000e+00 : f32
      %jit3A_1543 = arith.constant 0.000000e+00 : f32
      %broadcast_in_dim3A_1544 = vector.broadcast %jit3A_1542 : f32 to vector<16xf32>
      %broadcast_in_dim3A_1545 = vector.broadcast %jit3A_1543 : f32 to vector<16xf32>
      %select_n3A_1546 = arith.select %gt3A_1541, %broadcast_in_dim3A_1544, %broadcast_in_dim3A_1545 : vector<16xi1>, vector<16xf32>
      %add3A_1547 = arith.addf %add3A_1540, %select_n3A_1546 : vector<16xf32>
      %lt3A_1548 = arith.constant 2.000000e+00 : f32
      %lt3A_1549 = vector.broadcast %lt3A_1548 : f32 to vector<16xf32>
      %lt3A_1550 = arith.cmpf olt, %add3A_1547, %lt3A_1549 : vector<16xf32>
      %jit3A_1551 = arith.constant 1.000000e+00 : f32
      %jit3A_1552 = arith.constant 0.000000e+00 : f32
      %broadcast_in_dim3A_1553 = vector.broadcast %jit3A_1551 : f32 to vector<16xf32>
      %broadcast_in_dim3A_1554 = vector.broadcast %jit3A_1552 : f32 to vector<16xf32>
      %select_n3A_1555 = arith.select %lt3A_1550, %broadcast_in_dim3A_1553, %broadcast_in_dim3A_1554 : vector<16xi1>, vector<16xf32>
      %broadcast_in_dim3A_1556 = arith.constant 0.000000e+00 : f32
      %broadcast_in_dim3A_1557 = vector.broadcast %broadcast_in_dim3A_1556 : f32 to vector<16xf32>
      %ge3A_1558 = arith.cmpf oge, %add3A_1494, %add3A_1504 : vector<16xf32>
      %jit3A_1559 = arith.constant 1.000000e+00 : f32
      %jit3A_1560 = arith.constant 0.000000e+00 : f32
      %broadcast_in_dim3A_1561 = vector.broadcast %jit3A_1559 : f32 to vector<16xf32>
      %broadcast_in_dim3A_1562 = vector.broadcast %jit3A_1560 : f32 to vector<16xf32>
      %select_n3A_1563 = arith.select %ge3A_1558, %broadcast_in_dim3A_1561, %broadcast_in_dim3A_1562 : vector<16xi1>, vector<16xf32>
      %add3A_1564 = arith.addf %broadcast_in_dim3A_1557, %select_n3A_1563 : vector<16xf32>
      %gt3A_1565 = arith.cmpf ogt, %add3A_1514, %add3A_1504 : vector<16xf32>
      %jit3A_1566 = arith.constant 1.000000e+00 : f32
      %jit3A_1567 = arith.constant 0.000000e+00 : f32
      %broadcast_in_dim3A_1568 = vector.broadcast %jit3A_1566 : f32 to vector<16xf32>
      %broadcast_in_dim3A_1569 = vector.broadcast %jit3A_1567 : f32 to vector<16xf32>
      %select_n3A_1570 = arith.select %gt3A_1565, %broadcast_in_dim3A_1568, %broadcast_in_dim3A_1569 : vector<16xi1>, vector<16xf32>
      %add3A_1571 = arith.addf %add3A_1564, %select_n3A_1570 : vector<16xf32>
      %gt3A_1572 = arith.cmpf ogt, %add3A_1524, %add3A_1504 : vector<16xf32>
      %jit3A_1573 = arith.constant 1.000000e+00 : f32
      %jit3A_1574 = arith.constant 0.000000e+00 : f32
      %broadcast_in_dim3A_1575 = vector.broadcast %jit3A_1573 : f32 to vector<16xf32>
      %broadcast_in_dim3A_1576 = vector.broadcast %jit3A_1574 : f32 to vector<16xf32>
      %select_n3A_1577 = arith.select %gt3A_1572, %broadcast_in_dim3A_1575, %broadcast_in_dim3A_1576 : vector<16xi1>, vector<16xf32>
      %add3A_1578 = arith.addf %add3A_1571, %select_n3A_1577 : vector<16xf32>
      %lt3A_1579 = arith.constant 2.000000e+00 : f32
      %lt3A_1580 = vector.broadcast %lt3A_1579 : f32 to vector<16xf32>
      %lt3A_1581 = arith.cmpf olt, %add3A_1578, %lt3A_1580 : vector<16xf32>
      %jit3A_1582 = arith.constant 1.000000e+00 : f32
      %jit3A_1583 = arith.constant 0.000000e+00 : f32
      %broadcast_in_dim3A_1584 = vector.broadcast %jit3A_1582 : f32 to vector<16xf32>
      %broadcast_in_dim3A_1585 = vector.broadcast %jit3A_1583 : f32 to vector<16xf32>
      %select_n3A_1586 = arith.select %lt3A_1581, %broadcast_in_dim3A_1584, %broadcast_in_dim3A_1585 : vector<16xi1>, vector<16xf32>
      %broadcast_in_dim3A_1587 = arith.constant 0.000000e+00 : f32
      %broadcast_in_dim3A_1588 = vector.broadcast %broadcast_in_dim3A_1587 : f32 to vector<16xf32>
      %ge3A_1589 = arith.cmpf oge, %add3A_1494, %add3A_1514 : vector<16xf32>
      %jit3A_1590 = arith.constant 1.000000e+00 : f32
      %jit3A_1591 = arith.constant 0.000000e+00 : f32
      %broadcast_in_dim3A_1592 = vector.broadcast %jit3A_1590 : f32 to vector<16xf32>
      %broadcast_in_dim3A_1593 = vector.broadcast %jit3A_1591 : f32 to vector<16xf32>
      %select_n3A_1594 = arith.select %ge3A_1589, %broadcast_in_dim3A_1592, %broadcast_in_dim3A_1593 : vector<16xi1>, vector<16xf32>
      %add3A_1595 = arith.addf %broadcast_in_dim3A_1588, %select_n3A_1594 : vector<16xf32>
      %ge3A_1596 = arith.cmpf oge, %add3A_1504, %add3A_1514 : vector<16xf32>
      %jit3A_1597 = arith.constant 1.000000e+00 : f32
      %jit3A_1598 = arith.constant 0.000000e+00 : f32
      %broadcast_in_dim3A_1599 = vector.broadcast %jit3A_1597 : f32 to vector<16xf32>
      %broadcast_in_dim3A_1600 = vector.broadcast %jit3A_1598 : f32 to vector<16xf32>
      %select_n3A_1601 = arith.select %ge3A_1596, %broadcast_in_dim3A_1599, %broadcast_in_dim3A_1600 : vector<16xi1>, vector<16xf32>
      %add3A_1602 = arith.addf %add3A_1595, %select_n3A_1601 : vector<16xf32>
      %gt3A_1603 = arith.cmpf ogt, %add3A_1524, %add3A_1514 : vector<16xf32>
      %jit3A_1604 = arith.constant 1.000000e+00 : f32
      %jit3A_1605 = arith.constant 0.000000e+00 : f32
      %broadcast_in_dim3A_1606 = vector.broadcast %jit3A_1604 : f32 to vector<16xf32>
      %broadcast_in_dim3A_1607 = vector.broadcast %jit3A_1605 : f32 to vector<16xf32>
      %select_n3A_1608 = arith.select %gt3A_1603, %broadcast_in_dim3A_1606, %broadcast_in_dim3A_1607 : vector<16xi1>, vector<16xf32>
      %add3A_1609 = arith.addf %add3A_1602, %select_n3A_1608 : vector<16xf32>
      %lt3A_1610 = arith.constant 2.000000e+00 : f32
      %lt3A_1611 = vector.broadcast %lt3A_1610 : f32 to vector<16xf32>
      %lt3A_1612 = arith.cmpf olt, %add3A_1609, %lt3A_1611 : vector<16xf32>
      %jit3A_1613 = arith.constant 1.000000e+00 : f32
      %jit3A_1614 = arith.constant 0.000000e+00 : f32
      %broadcast_in_dim3A_1615 = vector.broadcast %jit3A_1613 : f32 to vector<16xf32>
      %broadcast_in_dim3A_1616 = vector.broadcast %jit3A_1614 : f32 to vector<16xf32>
      %select_n3A_1617 = arith.select %lt3A_1612, %broadcast_in_dim3A_1615, %broadcast_in_dim3A_1616 : vector<16xi1>, vector<16xf32>
      %broadcast_in_dim3A_1618 = arith.constant 0.000000e+00 : f32
      %broadcast_in_dim3A_1619 = vector.broadcast %broadcast_in_dim3A_1618 : f32 to vector<16xf32>
      %ge3A_1620 = arith.cmpf oge, %add3A_1494, %add3A_1524 : vector<16xf32>
      %jit3A_1621 = arith.constant 1.000000e+00 : f32
      %jit3A_1622 = arith.constant 0.000000e+00 : f32
      %broadcast_in_dim3A_1623 = vector.broadcast %jit3A_1621 : f32 to vector<16xf32>
      %broadcast_in_dim3A_1624 = vector.broadcast %jit3A_1622 : f32 to vector<16xf32>
      %select_n3A_1625 = arith.select %ge3A_1620, %broadcast_in_dim3A_1623, %broadcast_in_dim3A_1624 : vector<16xi1>, vector<16xf32>
      %add3A_1626 = arith.addf %broadcast_in_dim3A_1619, %select_n3A_1625 : vector<16xf32>
      %ge3A_1627 = arith.cmpf oge, %add3A_1504, %add3A_1524 : vector<16xf32>
      %jit3A_1628 = arith.constant 1.000000e+00 : f32
      %jit3A_1629 = arith.constant 0.000000e+00 : f32
      %broadcast_in_dim3A_1630 = vector.broadcast %jit3A_1628 : f32 to vector<16xf32>
      %broadcast_in_dim3A_1631 = vector.broadcast %jit3A_1629 : f32 to vector<16xf32>
      %select_n3A_1632 = arith.select %ge3A_1627, %broadcast_in_dim3A_1630, %broadcast_in_dim3A_1631 : vector<16xi1>, vector<16xf32>
      %add3A_1633 = arith.addf %add3A_1626, %select_n3A_1632 : vector<16xf32>
      %ge3A_1634 = arith.cmpf oge, %add3A_1514, %add3A_1524 : vector<16xf32>
      %jit3A_1635 = arith.constant 1.000000e+00 : f32
      %jit3A_1636 = arith.constant 0.000000e+00 : f32
      %broadcast_in_dim3A_1637 = vector.broadcast %jit3A_1635 : f32 to vector<16xf32>
      %broadcast_in_dim3A_1638 = vector.broadcast %jit3A_1636 : f32 to vector<16xf32>
      %select_n3A_1639 = arith.select %ge3A_1634, %broadcast_in_dim3A_1637, %broadcast_in_dim3A_1638 : vector<16xi1>, vector<16xf32>
      %add3A_1640 = arith.addf %add3A_1633, %select_n3A_1639 : vector<16xf32>
      %lt3A_1641 = arith.constant 2.000000e+00 : f32
      %lt3A_1642 = vector.broadcast %lt3A_1641 : f32 to vector<16xf32>
      %lt3A_1643 = arith.cmpf olt, %add3A_1640, %lt3A_1642 : vector<16xf32>
      %jit3A_1644 = arith.constant 1.000000e+00 : f32
      %jit3A_1645 = arith.constant 0.000000e+00 : f32
      %broadcast_in_dim3A_1646 = vector.broadcast %jit3A_1644 : f32 to vector<16xf32>
      %broadcast_in_dim3A_1647 = vector.broadcast %jit3A_1645 : f32 to vector<16xf32>
      %select_n3A_1648 = arith.select %lt3A_1643, %broadcast_in_dim3A_1646, %broadcast_in_dim3A_1647 : vector<16xi1>, vector<16xf32>
      %get3A_1649 = arith.constant 0 : i32
      %get3A_1650 = arith.index_cast %get3A_1649 : i32 to index
      %get3A_1651 = arith.constant 48 : index
      %get3A_1652 = tpu.vector_load %arg5[%get3A_1650, %get3A_1651] {strides = array<i32>} : memref<16x128xf32, #tpu.memory_space<vmem>>, vector<1x16xf32>,
      %get3A_1653 = vector.shape_cast %get3A_1652 : vector<1x16xf32> to vector<16xf32>
      %mul3A_1654 = arith.mulf %select_n3A_1555, %get3A_1653 : vector<16xf32>
      %get3A_1655 = arith.constant 1 : i32
      %get3A_1656 = arith.index_cast %get3A_1655 : i32 to index
      %get3A_1657 = arith.constant 48 : index
      %get3A_1658 = tpu.vector_load %arg5[%get3A_1656, %get3A_1657] {strides = array<i32>} : memref<16x128xf32, #tpu.memory_space<vmem>>, vector<1x16xf32>,
      %get3A_1659 = vector.shape_cast %get3A_1658 : vector<1x16xf32> to vector<16xf32>
      %mul3A_1660 = arith.mulf %select_n3A_1555, %get3A_1659 : vector<16xf32>
      %get3A_1661 = arith.constant 2 : i32
      %get3A_1662 = arith.index_cast %get3A_1661 : i32 to index
      %get3A_1663 = arith.constant 48 : index
      %get3A_1664 = tpu.vector_load %arg5[%get3A_1662, %get3A_1663] {strides = array<i32>} : memref<16x128xf32, #tpu.memory_space<vmem>>, vector<1x16xf32>,
      %get3A_1665 = vector.shape_cast %get3A_1664 : vector<1x16xf32> to vector<16xf32>
      %mul3A_1666 = arith.mulf %select_n3A_1555, %get3A_1665 : vector<16xf32>
      %get3A_1667 = arith.constant 3 : i32
      %get3A_1668 = arith.index_cast %get3A_1667 : i32 to index
      %get3A_1669 = arith.constant 48 : index
      %get3A_1670 = tpu.vector_load %arg5[%get3A_1668, %get3A_1669] {strides = array<i32>} : memref<16x128xf32, #tpu.memory_space<vmem>>, vector<1x16xf32>,
      %get3A_1671 = vector.shape_cast %get3A_1670 : vector<1x16xf32> to vector<16xf32>
      %mul3A_1672 = arith.mulf %select_n3A_1555, %get3A_1671 : vector<16xf32>
      %get3A_1673 = arith.constant 4 : i32
      %get3A_1674 = arith.index_cast %get3A_1673 : i32 to index
      %get3A_1675 = arith.constant 48 : index
      %get3A_1676 = tpu.vector_load %arg5[%get3A_1674, %get3A_1675] {strides = array<i32>} : memref<16x128xf32, #tpu.memory_space<vmem>>, vector<1x16xf32>,
      %get3A_1677 = vector.shape_cast %get3A_1676 : vector<1x16xf32> to vector<16xf32>
      %mul3A_1678 = arith.mulf %select_n3A_1586, %get3A_1677 : vector<16xf32>
      %get3A_1679 = arith.constant 5 : i32
      %get3A_1680 = arith.index_cast %get3A_1679 : i32 to index
      %get3A_1681 = arith.constant 48 : index
      %get3A_1682 = tpu.vector_load %arg5[%get3A_1680, %get3A_1681] {strides = array<i32>} : memref<16x128xf32, #tpu.memory_space<vmem>>, vector<1x16xf32>,
      %get3A_1683 = vector.shape_cast %get3A_1682 : vector<1x16xf32> to vector<16xf32>
      %mul3A_1684 = arith.mulf %select_n3A_1586, %get3A_1683 : vector<16xf32>
      %get3A_1685 = arith.constant 6 : i32
      %get3A_1686 = arith.index_cast %get3A_1685 : i32 to index
      %get3A_1687 = arith.constant 48 : index
      %get3A_1688 = tpu.vector_load %arg5[%get3A_1686, %get3A_1687] {strides = array<i32>} : memref<16x128xf32, #tpu.memory_space<vmem>>, vector<1x16xf32>,
      %get3A_1689 = vector.shape_cast %get3A_1688 : vector<1x16xf32> to vector<16xf32>
      %mul3A_1690 = arith.mulf %select_n3A_1586, %get3A_1689 : vector<16xf32>
      %get3A_1691 = arith.constant 7 : i32
      %get3A_1692 = arith.index_cast %get3A_1691 : i32 to index
      %get3A_1693 = arith.constant 48 : index
      %get3A_1694 = tpu.vector_load %arg5[%get3A_1692, %get3A_1693] {strides = array<i32>} : memref<16x128xf32, #tpu.memory_space<vmem>>, vector<1x16xf32>,
      %get3A_1695 = vector.shape_cast %get3A_1694 : vector<1x16xf32> to vector<16xf32>
      %mul3A_1696 = arith.mulf %select_n3A_1586, %get3A_1695 : vector<16xf32>
      %get3A_1697 = arith.constant 8 : i32
      %get3A_1698 = arith.index_cast %get3A_1697 : i32 to index
      %get3A_1699 = arith.constant 48 : index
      %get3A_1700 = tpu.vector_load %arg5[%get3A_1698, %get3A_1699] {strides = array<i32>} : memref<16x128xf32, #tpu.memory_space<vmem>>, vector<1x16xf32>,
      %get3A_1701 = vector.shape_cast %get3A_1700 : vector<1x16xf32> to vector<16xf32>
      %mul3A_1702 = arith.mulf %select_n3A_1617, %get3A_1701 : vector<16xf32>
      %get3A_1703 = arith.constant 9 : i32
      %get3A_1704 = arith.index_cast %get3A_1703 : i32 to index
      %get3A_1705 = arith.constant 48 : index
      %get3A_1706 = tpu.vector_load %arg5[%get3A_1704, %get3A_1705] {strides = array<i32>} : memref<16x128xf32, #tpu.memory_space<vmem>>, vector<1x16xf32>,
      %get3A_1707 = vector.shape_cast %get3A_1706 : vector<1x16xf32> to vector<16xf32>
      %mul3A_1708 = arith.mulf %select_n3A_1617, %get3A_1707 : vector<16xf32>
      %get3A_1709 = arith.constant 10 : i32
      %get3A_1710 = arith.index_cast %get3A_1709 : i32 to index
      %get3A_1711 = arith.constant 48 : index
      %get3A_1712 = tpu.vector_load %arg5[%get3A_1710, %get3A_1711] {strides = array<i32>} : memref<16x128xf32, #tpu.memory_space<vmem>>, vector<1x16xf32>,
      %get3A_1713 = vector.shape_cast %get3A_1712 : vector<1x16xf32> to vector<16xf32>
      %mul3A_1714 = arith.mulf %select_n3A_1617, %get3A_1713 : vector<16xf32>
      %get3A_1715 = arith.constant 11 : i32
      %get3A_1716 = arith.index_cast %get3A_1715 : i32 to index
      %get3A_1717 = arith.constant 48 : index
      %get3A_1718 = tpu.vector_load %arg5[%get3A_1716, %get3A_1717] {strides = array<i32>} : memref<16x128xf32, #tpu.memory_space<vmem>>, vector<1x16xf32>,
      %get3A_1719 = vector.shape_cast %get3A_1718 : vector<1x16xf32> to vector<16xf32>
      %mul3A_1720 = arith.mulf %select_n3A_1617, %get3A_1719 : vector<16xf32>
      %get3A_1721 = arith.constant 12 : i32
      %get3A_1722 = arith.index_cast %get3A_1721 : i32 to index
      %get3A_1723 = arith.constant 48 : index
      %get3A_1724 = tpu.vector_load %arg5[%get3A_1722, %get3A_1723] {strides = array<i32>} : memref<16x128xf32, #tpu.memory_space<vmem>>, vector<1x16xf32>,
      %get3A_1725 = vector.shape_cast %get3A_1724 : vector<1x16xf32> to vector<16xf32>
      %mul3A_1726 = arith.mulf %select_n3A_1648, %get3A_1725 : vector<16xf32>
      %get3A_1727 = arith.constant 13 : i32
      %get3A_1728 = arith.index_cast %get3A_1727 : i32 to index
      %get3A_1729 = arith.constant 48 : index
      %get3A_1730 = tpu.vector_load %arg5[%get3A_1728, %get3A_1729] {strides = array<i32>} : memref<16x128xf32, #tpu.memory_space<vmem>>, vector<1x16xf32>,
      %get3A_1731 = vector.shape_cast %get3A_1730 : vector<1x16xf32> to vector<16xf32>
      %mul3A_1732 = arith.mulf %select_n3A_1648, %get3A_1731 : vector<16xf32>
      %get3A_1733 = arith.constant 14 : i32
      %get3A_1734 = arith.index_cast %get3A_1733 : i32 to index
      %get3A_1735 = arith.constant 48 : index
      %get3A_1736 = tpu.vector_load %arg5[%get3A_1734, %get3A_1735] {strides = array<i32>} : memref<16x128xf32, #tpu.memory_space<vmem>>, vector<1x16xf32>,
      %get3A_1737 = vector.shape_cast %get3A_1736 : vector<1x16xf32> to vector<16xf32>
      %mul3A_1738 = arith.mulf %select_n3A_1648, %get3A_1737 : vector<16xf32>
      %get3A_1739 = arith.constant 15 : i32
      %get3A_1740 = arith.index_cast %get3A_1739 : i32 to index
      %get3A_1741 = arith.constant 48 : index
      %get3A_1742 = tpu.vector_load %arg5[%get3A_1740, %get3A_1741] {strides = array<i32>} : memref<16x128xf32, #tpu.memory_space<vmem>>, vector<1x16xf32>,
      %get3A_1743 = vector.shape_cast %get3A_1742 : vector<1x16xf32> to vector<16xf32>
      %mul3A_1744 = arith.mulf %select_n3A_1648, %get3A_1743 : vector<16xf32>
      %add3A_1745 = arith.addf %mul3A_1654, %mul3A_1660 : vector<16xf32>
      %add3A_1746 = arith.addf %add3A_1745, %mul3A_1666 : vector<16xf32>
      %add3A_1747 = arith.addf %add3A_1746, %mul3A_1672 : vector<16xf32>
      %add3A_1748 = arith.addf %add3A_1747, %mul3A_1678 : vector<16xf32>
      %add3A_1749 = arith.addf %add3A_1748, %mul3A_1684 : vector<16xf32>
      %add3A_1750 = arith.addf %add3A_1749, %mul3A_1690 : vector<16xf32>
      %add3A_1751 = arith.addf %add3A_1750, %mul3A_1696 : vector<16xf32>
      %add3A_1752 = arith.addf %add3A_1751, %mul3A_1702 : vector<16xf32>
      %add3A_1753 = arith.addf %add3A_1752, %mul3A_1708 : vector<16xf32>
      %add3A_1754 = arith.addf %add3A_1753, %mul3A_1714 : vector<16xf32>
      %add3A_1755 = arith.addf %add3A_1754, %mul3A_1720 : vector<16xf32>
      %add3A_1756 = arith.addf %add3A_1755, %mul3A_1726 : vector<16xf32>
      %add3A_1757 = arith.addf %add3A_1756, %mul3A_1732 : vector<16xf32>
      %add3A_1758 = arith.addf %add3A_1757, %mul3A_1738 : vector<16xf32>
      %add3A_1759 = arith.addf %add3A_1758, %mul3A_1744 : vector<16xf32>
      %add3A_1760 = arith.constant 9.99999968E-21 : f32
      %add3A_1761 = vector.broadcast %add3A_1760 : f32 to vector<16xf32>
      %add3A_1762 = arith.addf %add3A_1759, %add3A_1761 : vector<16xf32>
      %div3A_1763 = arith.divf %mul3A_1654, %add3A_1762 : vector<16xf32>
      %swap3A_1764 = arith.constant 0 : i32
      %swap3A_1765 = arith.index_cast %swap3A_1764 : i32 to index
      %swap3A_1766 = arith.constant 48 : index
      %swap3A_1767 = tpu.vector_load %arg7[%swap3A_1765, %swap3A_1766] {strides = array<i32>} : memref<16x128xf32, #tpu.memory_space<vmem>>, vector<1x16xf32>,
      %swap3A_1768 = vector.shape_cast %swap3A_1767 : vector<1x16xf32> to vector<16xf32>
      %swap3A_1769 = vector.shape_cast %div3A_1763 : vector<16xf32> to vector<1x16xf32>
      tpu.vector_store %arg7[%swap3A_1765, %swap3A_1766], %swap3A_1769 {strides = array<i32>} : memref<16x128xf32, #tpu.memory_space<vmem>>, vector<1x16xf32>,
      %div3A_1770 = arith.divf %mul3A_1660, %add3A_1762 : vector<16xf32>
      %swap3A_1771 = arith.constant 1 : i32
      %swap3A_1772 = arith.index_cast %swap3A_1771 : i32 to index
      %swap3A_1773 = arith.constant 48 : index
      %swap3A_1774 = tpu.vector_load %arg7[%swap3A_1772, %swap3A_1773] {strides = array<i32>} : memref<16x128xf32, #tpu.memory_space<vmem>>, vector<1x16xf32>,
      %swap3A_1775 = vector.shape_cast %swap3A_1774 : vector<1x16xf32> to vector<16xf32>
      %swap3A_1776 = vector.shape_cast %div3A_1770 : vector<16xf32> to vector<1x16xf32>
      tpu.vector_store %arg7[%swap3A_1772, %swap3A_1773], %swap3A_1776 {strides = array<i32>} : memref<16x128xf32, #tpu.memory_space<vmem>>, vector<1x16xf32>,
      %div3A_1777 = arith.divf %mul3A_1666, %add3A_1762 : vector<16xf32>
      %swap3A_1778 = arith.constant 2 : i32
      %swap3A_1779 = arith.index_cast %swap3A_1778 : i32 to index
      %swap3A_1780 = arith.constant 48 : index
      %swap3A_1781 = tpu.vector_load %arg7[%swap3A_1779, %swap3A_1780] {strides = array<i32>} : memref<16x128xf32, #tpu.memory_space<vmem>>, vector<1x16xf32>,
      %swap3A_1782 = vector.shape_cast %swap3A_1781 : vector<1x16xf32> to vector<16xf32>
      %swap3A_1783 = vector.shape_cast %div3A_1777 : vector<16xf32> to vector<1x16xf32>
      tpu.vector_store %arg7[%swap3A_1779, %swap3A_1780], %swap3A_1783 {strides = array<i32>} : memref<16x128xf32, #tpu.memory_space<vmem>>, vector<1x16xf32>,
      %div3A_1784 = arith.divf %mul3A_1672, %add3A_1762 : vector<16xf32>
      %swap3A_1785 = arith.constant 3 : i32
      %swap3A_1786 = arith.index_cast %swap3A_1785 : i32 to index
      %swap3A_1787 = arith.constant 48 : index
      %swap3A_1788 = tpu.vector_load %arg7[%swap3A_1786, %swap3A_1787] {strides = array<i32>} : memref<16x128xf32, #tpu.memory_space<vmem>>, vector<1x16xf32>,
      %swap3A_1789 = vector.shape_cast %swap3A_1788 : vector<1x16xf32> to vector<16xf32>
      %swap3A_1790 = vector.shape_cast %div3A_1784 : vector<16xf32> to vector<1x16xf32>
      tpu.vector_store %arg7[%swap3A_1786, %swap3A_1787], %swap3A_1790 {strides = array<i32>} : memref<16x128xf32, #tpu.memory_space<vmem>>, vector<1x16xf32>,
      %div3A_1791 = arith.divf %mul3A_1678, %add3A_1762 : vector<16xf32>
      %swap3A_1792 = arith.constant 4 : i32
      %swap3A_1793 = arith.index_cast %swap3A_1792 : i32 to index
      %swap3A_1794 = arith.constant 48 : index
      %swap3A_1795 = tpu.vector_load %arg7[%swap3A_1793, %swap3A_1794] {strides = array<i32>} : memref<16x128xf32, #tpu.memory_space<vmem>>, vector<1x16xf32>,
      %swap3A_1796 = vector.shape_cast %swap3A_1795 : vector<1x16xf32> to vector<16xf32>
      %swap3A_1797 = vector.shape_cast %div3A_1791 : vector<16xf32> to vector<1x16xf32>
      tpu.vector_store %arg7[%swap3A_1793, %swap3A_1794], %swap3A_1797 {strides = array<i32>} : memref<16x128xf32, #tpu.memory_space<vmem>>, vector<1x16xf32>,
      %div3A_1798 = arith.divf %mul3A_1684, %add3A_1762 : vector<16xf32>
      %swap3A_1799 = arith.constant 5 : i32
      %swap3A_1800 = arith.index_cast %swap3A_1799 : i32 to index
      %swap3A_1801 = arith.constant 48 : index
      %swap3A_1802 = tpu.vector_load %arg7[%swap3A_1800, %swap3A_1801] {strides = array<i32>} : memref<16x128xf32, #tpu.memory_space<vmem>>, vector<1x16xf32>,
      %swap3A_1803 = vector.shape_cast %swap3A_1802 : vector<1x16xf32> to vector<16xf32>
      %swap3A_1804 = vector.shape_cast %div3A_1798 : vector<16xf32> to vector<1x16xf32>
      tpu.vector_store %arg7[%swap3A_1800, %swap3A_1801], %swap3A_1804 {strides = array<i32>} : memref<16x128xf32, #tpu.memory_space<vmem>>, vector<1x16xf32>,
      %div3A_1805 = arith.divf %mul3A_1690, %add3A_1762 : vector<16xf32>
      %swap3A_1806 = arith.constant 6 : i32
      %swap3A_1807 = arith.index_cast %swap3A_1806 : i32 to index
      %swap3A_1808 = arith.constant 48 : index
      %swap3A_1809 = tpu.vector_load %arg7[%swap3A_1807, %swap3A_1808] {strides = array<i32>} : memref<16x128xf32, #tpu.memory_space<vmem>>, vector<1x16xf32>,
      %swap3A_1810 = vector.shape_cast %swap3A_1809 : vector<1x16xf32> to vector<16xf32>
      %swap3A_1811 = vector.shape_cast %div3A_1805 : vector<16xf32> to vector<1x16xf32>
      tpu.vector_store %arg7[%swap3A_1807, %swap3A_1808], %swap3A_1811 {strides = array<i32>} : memref<16x128xf32, #tpu.memory_space<vmem>>, vector<1x16xf32>,
      %div3A_1812 = arith.divf %mul3A_1696, %add3A_1762 : vector<16xf32>
      %swap3A_1813 = arith.constant 7 : i32
      %swap3A_1814 = arith.index_cast %swap3A_1813 : i32 to index
      %swap3A_1815 = arith.constant 48 : index
      %swap3A_1816 = tpu.vector_load %arg7[%swap3A_1814, %swap3A_1815] {strides = array<i32>} : memref<16x128xf32, #tpu.memory_space<vmem>>, vector<1x16xf32>,
      %swap3A_1817 = vector.shape_cast %swap3A_1816 : vector<1x16xf32> to vector<16xf32>
      %swap3A_1818 = vector.shape_cast %div3A_1812 : vector<16xf32> to vector<1x16xf32>
      tpu.vector_store %arg7[%swap3A_1814, %swap3A_1815], %swap3A_1818 {strides = array<i32>} : memref<16x128xf32, #tpu.memory_space<vmem>>, vector<1x16xf32>,
      %div3A_1819 = arith.divf %mul3A_1702, %add3A_1762 : vector<16xf32>
      %swap3A_1820 = arith.constant 8 : i32
      %swap3A_1821 = arith.index_cast %swap3A_1820 : i32 to index
      %swap3A_1822 = arith.constant 48 : index
      %swap3A_1823 = tpu.vector_load %arg7[%swap3A_1821, %swap3A_1822] {strides = array<i32>} : memref<16x128xf32, #tpu.memory_space<vmem>>, vector<1x16xf32>,
      %swap3A_1824 = vector.shape_cast %swap3A_1823 : vector<1x16xf32> to vector<16xf32>
      %swap3A_1825 = vector.shape_cast %div3A_1819 : vector<16xf32> to vector<1x16xf32>
      tpu.vector_store %arg7[%swap3A_1821, %swap3A_1822], %swap3A_1825 {strides = array<i32>} : memref<16x128xf32, #tpu.memory_space<vmem>>, vector<1x16xf32>,
      %div3A_1826 = arith.divf %mul3A_1708, %add3A_1762 : vector<16xf32>
      %swap3A_1827 = arith.constant 9 : i32
      %swap3A_1828 = arith.index_cast %swap3A_1827 : i32 to index
      %swap3A_1829 = arith.constant 48 : index
      %swap3A_1830 = tpu.vector_load %arg7[%swap3A_1828, %swap3A_1829] {strides = array<i32>} : memref<16x128xf32, #tpu.memory_space<vmem>>, vector<1x16xf32>,
      %swap3A_1831 = vector.shape_cast %swap3A_1830 : vector<1x16xf32> to vector<16xf32>
      %swap3A_1832 = vector.shape_cast %div3A_1826 : vector<16xf32> to vector<1x16xf32>
      tpu.vector_store %arg7[%swap3A_1828, %swap3A_1829], %swap3A_1832 {strides = array<i32>} : memref<16x128xf32, #tpu.memory_space<vmem>>, vector<1x16xf32>,
      %div3A_1833 = arith.divf %mul3A_1714, %add3A_1762 : vector<16xf32>
      %swap3A_1834 = arith.constant 10 : i32
      %swap3A_1835 = arith.index_cast %swap3A_1834 : i32 to index
      %swap3A_1836 = arith.constant 48 : index
      %swap3A_1837 = tpu.vector_load %arg7[%swap3A_1835, %swap3A_1836] {strides = array<i32>} : memref<16x128xf32, #tpu.memory_space<vmem>>, vector<1x16xf32>,
      %swap3A_1838 = vector.shape_cast %swap3A_1837 : vector<1x16xf32> to vector<16xf32>
      %swap3A_1839 = vector.shape_cast %div3A_1833 : vector<16xf32> to vector<1x16xf32>
      tpu.vector_store %arg7[%swap3A_1835, %swap3A_1836], %swap3A_1839 {strides = array<i32>} : memref<16x128xf32, #tpu.memory_space<vmem>>, vector<1x16xf32>,
      %div3A_1840 = arith.divf %mul3A_1720, %add3A_1762 : vector<16xf32>
      %swap3A_1841 = arith.constant 11 : i32
      %swap3A_1842 = arith.index_cast %swap3A_1841 : i32 to index
      %swap3A_1843 = arith.constant 48 : index
      %swap3A_1844 = tpu.vector_load %arg7[%swap3A_1842, %swap3A_1843] {strides = array<i32>} : memref<16x128xf32, #tpu.memory_space<vmem>>, vector<1x16xf32>,
      %swap3A_1845 = vector.shape_cast %swap3A_1844 : vector<1x16xf32> to vector<16xf32>
      %swap3A_1846 = vector.shape_cast %div3A_1840 : vector<16xf32> to vector<1x16xf32>
      tpu.vector_store %arg7[%swap3A_1842, %swap3A_1843], %swap3A_1846 {strides = array<i32>} : memref<16x128xf32, #tpu.memory_space<vmem>>, vector<1x16xf32>,
      %div3A_1847 = arith.divf %mul3A_1726, %add3A_1762 : vector<16xf32>
      %swap3A_1848 = arith.constant 12 : i32
      %swap3A_1849 = arith.index_cast %swap3A_1848 : i32 to index
      %swap3A_1850 = arith.constant 48 : index
      %swap3A_1851 = tpu.vector_load %arg7[%swap3A_1849, %swap3A_1850] {strides = array<i32>} : memref<16x128xf32, #tpu.memory_space<vmem>>, vector<1x16xf32>,
      %swap3A_1852 = vector.shape_cast %swap3A_1851 : vector<1x16xf32> to vector<16xf32>
      %swap3A_1853 = vector.shape_cast %div3A_1847 : vector<16xf32> to vector<1x16xf32>
      tpu.vector_store %arg7[%swap3A_1849, %swap3A_1850], %swap3A_1853 {strides = array<i32>} : memref<16x128xf32, #tpu.memory_space<vmem>>, vector<1x16xf32>,
      %div3A_1854 = arith.divf %mul3A_1732, %add3A_1762 : vector<16xf32>
      %swap3A_1855 = arith.constant 13 : i32
      %swap3A_1856 = arith.index_cast %swap3A_1855 : i32 to index
      %swap3A_1857 = arith.constant 48 : index
      %swap3A_1858 = tpu.vector_load %arg7[%swap3A_1856, %swap3A_1857] {strides = array<i32>} : memref<16x128xf32, #tpu.memory_space<vmem>>, vector<1x16xf32>,
      %swap3A_1859 = vector.shape_cast %swap3A_1858 : vector<1x16xf32> to vector<16xf32>
      %swap3A_1860 = vector.shape_cast %div3A_1854 : vector<16xf32> to vector<1x16xf32>
      tpu.vector_store %arg7[%swap3A_1856, %swap3A_1857], %swap3A_1860 {strides = array<i32>} : memref<16x128xf32, #tpu.memory_space<vmem>>, vector<1x16xf32>,
      %div3A_1861 = arith.divf %mul3A_1738, %add3A_1762 : vector<16xf32>
      %swap3A_1862 = arith.constant 14 : i32
      %swap3A_1863 = arith.index_cast %swap3A_1862 : i32 to index
      %swap3A_1864 = arith.constant 48 : index
      %swap3A_1865 = tpu.vector_load %arg7[%swap3A_1863, %swap3A_1864] {strides = array<i32>} : memref<16x128xf32, #tpu.memory_space<vmem>>, vector<1x16xf32>,
      %swap3A_1866 = vector.shape_cast %swap3A_1865 : vector<1x16xf32> to vector<16xf32>
      %swap3A_1867 = vector.shape_cast %div3A_1861 : vector<16xf32> to vector<1x16xf32>
      tpu.vector_store %arg7[%swap3A_1863, %swap3A_1864], %swap3A_1867 {strides = array<i32>} : memref<16x128xf32, #tpu.memory_space<vmem>>, vector<1x16xf32>,
      %div3A_1868 = arith.divf %mul3A_1744, %add3A_1762 : vector<16xf32>
      %swap3A_1869 = arith.constant 15 : i32
      %swap3A_1870 = arith.index_cast %swap3A_1869 : i32 to index
      %swap3A_1871 = arith.constant 48 : index
      %swap3A_1872 = tpu.vector_load %arg7[%swap3A_1870, %swap3A_1871] {strides = array<i32>} : memref<16x128xf32, #tpu.memory_space<vmem>>, vector<1x16xf32>,
      %swap3A_1873 = vector.shape_cast %swap3A_1872 : vector<1x16xf32> to vector<16xf32>
      %swap3A_1874 = vector.shape_cast %div3A_1868 : vector<16xf32> to vector<1x16xf32>
      tpu.vector_store %arg7[%swap3A_1870, %swap3A_1871], %swap3A_1874 {strides = array<i32>} : memref<16x128xf32, #tpu.memory_space<vmem>>, vector<1x16xf32>,
      %get3A_1875 = arith.constant 0 : i32
      %get3A_1876 = arith.index_cast %get3A_1875 : i32 to index
      %get3A_1877 = arith.constant 64 : index
      %get3A_1878 = tpu.vector_load %arg6[%get3A_1876, %get3A_1877] {strides = array<i32>} : memref<16x128xf32, #tpu.memory_space<vmem>>, vector<1x16xf32>,
      %get3A_1879 = vector.shape_cast %get3A_1878 : vector<1x16xf32> to vector<16xf32>
      %get3A_1880 = arith.constant 1 : i32
      %get3A_1881 = arith.index_cast %get3A_1880 : i32 to index
      %get3A_1882 = arith.constant 64 : index
      %get3A_1883 = tpu.vector_load %arg6[%get3A_1881, %get3A_1882] {strides = array<i32>} : memref<16x128xf32, #tpu.memory_space<vmem>>, vector<1x16xf32>,
      %get3A_1884 = vector.shape_cast %get3A_1883 : vector<1x16xf32> to vector<16xf32>
      %get3A_1885 = arith.constant 2 : i32
      %get3A_1886 = arith.index_cast %get3A_1885 : i32 to index
      %get3A_1887 = arith.constant 64 : index
      %get3A_1888 = tpu.vector_load %arg6[%get3A_1886, %get3A_1887] {strides = array<i32>} : memref<16x128xf32, #tpu.memory_space<vmem>>, vector<1x16xf32>,
      %get3A_1889 = vector.shape_cast %get3A_1888 : vector<1x16xf32> to vector<16xf32>
      %get3A_1890 = arith.constant 3 : i32
      %get3A_1891 = arith.index_cast %get3A_1890 : i32 to index
      %get3A_1892 = arith.constant 64 : index
      %get3A_1893 = tpu.vector_load %arg6[%get3A_1891, %get3A_1892] {strides = array<i32>} : memref<16x128xf32, #tpu.memory_space<vmem>>, vector<1x16xf32>,
      %get3A_1894 = vector.shape_cast %get3A_1893 : vector<1x16xf32> to vector<16xf32>
      %get3A_1895 = arith.constant 4 : i32
      %get3A_1896 = arith.index_cast %get3A_1895 : i32 to index
      %get3A_1897 = arith.constant 64 : index
      %get3A_1898 = tpu.vector_load %arg6[%get3A_1896, %get3A_1897] {strides = array<i32>} : memref<16x128xf32, #tpu.memory_space<vmem>>, vector<1x16xf32>,
      %get3A_1899 = vector.shape_cast %get3A_1898 : vector<1x16xf32> to vector<16xf32>
      %get3A_1900 = arith.constant 5 : i32
      %get3A_1901 = arith.index_cast %get3A_1900 : i32 to index
      %get3A_1902 = arith.constant 64 : index
      %get3A_1903 = tpu.vector_load %arg6[%get3A_1901, %get3A_1902] {strides = array<i32>} : memref<16x128xf32, #tpu.memory_space<vmem>>, vector<1x16xf32>,
      %get3A_1904 = vector.shape_cast %get3A_1903 : vector<1x16xf32> to vector<16xf32>
      %get3A_1905 = arith.constant 6 : i32
      %get3A_1906 = arith.index_cast %get3A_1905 : i32 to index
      %get3A_1907 = arith.constant 64 : index
      %get3A_1908 = tpu.vector_load %arg6[%get3A_1906, %get3A_1907] {strides = array<i32>} : memref<16x128xf32, #tpu.memory_space<vmem>>, vector<1x16xf32>,
      %get3A_1909 = vector.shape_cast %get3A_1908 : vector<1x16xf32> to vector<16xf32>
      %get3A_1910 = arith.constant 7 : i32
      %get3A_1911 = arith.index_cast %get3A_1910 : i32 to index
      %get3A_1912 = arith.constant 64 : index
      %get3A_1913 = tpu.vector_load %arg6[%get3A_1911, %get3A_1912] {strides = array<i32>} : memref<16x128xf32, #tpu.memory_space<vmem>>, vector<1x16xf32>,
      %get3A_1914 = vector.shape_cast %get3A_1913 : vector<1x16xf32> to vector<16xf32>
      %get3A_1915 = arith.constant 8 : i32
      %get3A_1916 = arith.index_cast %get3A_1915 : i32 to index
      %get3A_1917 = arith.constant 64 : index
      %get3A_1918 = tpu.vector_load %arg6[%get3A_1916, %get3A_1917] {strides = array<i32>} : memref<16x128xf32, #tpu.memory_space<vmem>>, vector<1x16xf32>,
      %get3A_1919 = vector.shape_cast %get3A_1918 : vector<1x16xf32> to vector<16xf32>
      %get3A_1920 = arith.constant 9 : i32
      %get3A_1921 = arith.index_cast %get3A_1920 : i32 to index
      %get3A_1922 = arith.constant 64 : index
      %get3A_1923 = tpu.vector_load %arg6[%get3A_1921, %get3A_1922] {strides = array<i32>} : memref<16x128xf32, #tpu.memory_space<vmem>>, vector<1x16xf32>,
      %get3A_1924 = vector.shape_cast %get3A_1923 : vector<1x16xf32> to vector<16xf32>
      %get3A_1925 = arith.constant 10 : i32
      %get3A_1926 = arith.index_cast %get3A_1925 : i32 to index
      %get3A_1927 = arith.constant 64 : index
      %get3A_1928 = tpu.vector_load %arg6[%get3A_1926, %get3A_1927] {strides = array<i32>} : memref<16x128xf32, #tpu.memory_space<vmem>>, vector<1x16xf32>,
      %get3A_1929 = vector.shape_cast %get3A_1928 : vector<1x16xf32> to vector<16xf32>
      %get3A_1930 = arith.constant 11 : i32
      %get3A_1931 = arith.index_cast %get3A_1930 : i32 to index
      %get3A_1932 = arith.constant 64 : index
      %get3A_1933 = tpu.vector_load %arg6[%get3A_1931, %get3A_1932] {strides = array<i32>} : memref<16x128xf32, #tpu.memory_space<vmem>>, vector<1x16xf32>,
      %get3A_1934 = vector.shape_cast %get3A_1933 : vector<1x16xf32> to vector<16xf32>
      %get3A_1935 = arith.constant 12 : i32
      %get3A_1936 = arith.index_cast %get3A_1935 : i32 to index
      %get3A_1937 = arith.constant 64 : index
      %get3A_1938 = tpu.vector_load %arg6[%get3A_1936, %get3A_1937] {strides = array<i32>} : memref<16x128xf32, #tpu.memory_space<vmem>>, vector<1x16xf32>,
      %get3A_1939 = vector.shape_cast %get3A_1938 : vector<1x16xf32> to vector<16xf32>
      %get3A_1940 = arith.constant 13 : i32
      %get3A_1941 = arith.index_cast %get3A_1940 : i32 to index
      %get3A_1942 = arith.constant 64 : index
      %get3A_1943 = tpu.vector_load %arg6[%get3A_1941, %get3A_1942] {strides = array<i32>} : memref<16x128xf32, #tpu.memory_space<vmem>>, vector<1x16xf32>,
      %get3A_1944 = vector.shape_cast %get3A_1943 : vector<1x16xf32> to vector<16xf32>
      %get3A_1945 = arith.constant 14 : i32
      %get3A_1946 = arith.index_cast %get3A_1945 : i32 to index
      %get3A_1947 = arith.constant 64 : index
      %get3A_1948 = tpu.vector_load %arg6[%get3A_1946, %get3A_1947] {strides = array<i32>} : memref<16x128xf32, #tpu.memory_space<vmem>>, vector<1x16xf32>,
      %get3A_1949 = vector.shape_cast %get3A_1948 : vector<1x16xf32> to vector<16xf32>
      %get3A_1950 = arith.constant 15 : i32
      %get3A_1951 = arith.index_cast %get3A_1950 : i32 to index
      %get3A_1952 = arith.constant 64 : index
      %get3A_1953 = tpu.vector_load %arg6[%get3A_1951, %get3A_1952] {strides = array<i32>} : memref<16x128xf32, #tpu.memory_space<vmem>>, vector<1x16xf32>,
      %get3A_1954 = vector.shape_cast %get3A_1953 : vector<1x16xf32> to vector<16xf32>
      %max3A_1955 = arith.maximumf %get3A_1879, %get3A_1884 : vector<16xf32>
      %min3A_1956 = arith.minimumf %get3A_1879, %get3A_1884 : vector<16xf32>
      %max3A_1957 = arith.maximumf %get3A_1889, %get3A_1894 : vector<16xf32>
      %min3A_1958 = arith.minimumf %get3A_1889, %get3A_1894 : vector<16xf32>
      %max3A_1959 = arith.maximumf %max3A_1955, %max3A_1957 : vector<16xf32>
      %min3A_1960 = arith.minimumf %max3A_1955, %max3A_1957 : vector<16xf32>
      %ge3A_1961 = arith.cmpf oge, %max3A_1955, %max3A_1957 : vector<16xf32>
      %select_n3A_1962 = arith.select %ge3A_1961, %min3A_1956, %min3A_1958 : vector<16xi1>, vector<16xf32>
      %max3A_1963 = arith.maximumf %min3A_1960, %select_n3A_1962 : vector<16xf32>
      %add3A_1964 = arith.addf %max3A_1959, %max3A_1963 : vector<16xf32>
      %max3A_1965 = arith.maximumf %get3A_1899, %get3A_1904 : vector<16xf32>
      %min3A_1966 = arith.minimumf %get3A_1899, %get3A_1904 : vector<16xf32>
      %max3A_1967 = arith.maximumf %get3A_1909, %get3A_1914 : vector<16xf32>
      %min3A_1968 = arith.minimumf %get3A_1909, %get3A_1914 : vector<16xf32>
      %max3A_1969 = arith.maximumf %max3A_1965, %max3A_1967 : vector<16xf32>
      %min3A_1970 = arith.minimumf %max3A_1965, %max3A_1967 : vector<16xf32>
      %ge3A_1971 = arith.cmpf oge, %max3A_1965, %max3A_1967 : vector<16xf32>
      %select_n3A_1972 = arith.select %ge3A_1971, %min3A_1966, %min3A_1968 : vector<16xi1>, vector<16xf32>
      %max3A_1973 = arith.maximumf %min3A_1970, %select_n3A_1972 : vector<16xf32>
      %add3A_1974 = arith.addf %max3A_1969, %max3A_1973 : vector<16xf32>
      %max3A_1975 = arith.maximumf %get3A_1919, %get3A_1924 : vector<16xf32>
      %min3A_1976 = arith.minimumf %get3A_1919, %get3A_1924 : vector<16xf32>
      %max3A_1977 = arith.maximumf %get3A_1929, %get3A_1934 : vector<16xf32>
      %min3A_1978 = arith.minimumf %get3A_1929, %get3A_1934 : vector<16xf32>
      %max3A_1979 = arith.maximumf %max3A_1975, %max3A_1977 : vector<16xf32>
      %min3A_1980 = arith.minimumf %max3A_1975, %max3A_1977 : vector<16xf32>
      %ge3A_1981 = arith.cmpf oge, %max3A_1975, %max3A_1977 : vector<16xf32>
      %select_n3A_1982 = arith.select %ge3A_1981, %min3A_1976, %min3A_1978 : vector<16xi1>, vector<16xf32>
      %max3A_1983 = arith.maximumf %min3A_1980, %select_n3A_1982 : vector<16xf32>
      %add3A_1984 = arith.addf %max3A_1979, %max3A_1983 : vector<16xf32>
      %max3A_1985 = arith.maximumf %get3A_1939, %get3A_1944 : vector<16xf32>
      %min3A_1986 = arith.minimumf %get3A_1939, %get3A_1944 : vector<16xf32>
      %max3A_1987 = arith.maximumf %get3A_1949, %get3A_1954 : vector<16xf32>
      %min3A_1988 = arith.minimumf %get3A_1949, %get3A_1954 : vector<16xf32>
      %max3A_1989 = arith.maximumf %max3A_1985, %max3A_1987 : vector<16xf32>
      %min3A_1990 = arith.minimumf %max3A_1985, %max3A_1987 : vector<16xf32>
      %ge3A_1991 = arith.cmpf oge, %max3A_1985, %max3A_1987 : vector<16xf32>
      %select_n3A_1992 = arith.select %ge3A_1991, %min3A_1986, %min3A_1988 : vector<16xi1>, vector<16xf32>
      %max3A_1993 = arith.maximumf %min3A_1990, %select_n3A_1992 : vector<16xf32>
      %add3A_1994 = arith.addf %max3A_1989, %max3A_1993 : vector<16xf32>
      %broadcast_in_dim3A_1995 = arith.constant 0.000000e+00 : f32
      %broadcast_in_dim3A_1996 = vector.broadcast %broadcast_in_dim3A_1995 : f32 to vector<16xf32>
      %gt3A_1997 = arith.cmpf ogt, %add3A_1974, %add3A_1964 : vector<16xf32>
      %jit3A_1998 = arith.constant 1.000000e+00 : f32
      %jit3A_1999 = arith.constant 0.000000e+00 : f32
      %broadcast_in_dim3A_2000 = vector.broadcast %jit3A_1998 : f32 to vector<16xf32>
      %broadcast_in_dim3A_2001 = vector.broadcast %jit3A_1999 : f32 to vector<16xf32>
      %select_n3A_2002 = arith.select %gt3A_1997, %broadcast_in_dim3A_2000, %broadcast_in_dim3A_2001 : vector<16xi1>, vector<16xf32>
      %add3A_2003 = arith.addf %broadcast_in_dim3A_1996, %select_n3A_2002 : vector<16xf32>
      %gt3A_2004 = arith.cmpf ogt, %add3A_1984, %add3A_1964 : vector<16xf32>
      %jit3A_2005 = arith.constant 1.000000e+00 : f32
      %jit3A_2006 = arith.constant 0.000000e+00 : f32
      %broadcast_in_dim3A_2007 = vector.broadcast %jit3A_2005 : f32 to vector<16xf32>
      %broadcast_in_dim3A_2008 = vector.broadcast %jit3A_2006 : f32 to vector<16xf32>
      %select_n3A_2009 = arith.select %gt3A_2004, %broadcast_in_dim3A_2007, %broadcast_in_dim3A_2008 : vector<16xi1>, vector<16xf32>
      %add3A_2010 = arith.addf %add3A_2003, %select_n3A_2009 : vector<16xf32>
      %gt3A_2011 = arith.cmpf ogt, %add3A_1994, %add3A_1964 : vector<16xf32>
      %jit3A_2012 = arith.constant 1.000000e+00 : f32
      %jit3A_2013 = arith.constant 0.000000e+00 : f32
      %broadcast_in_dim3A_2014 = vector.broadcast %jit3A_2012 : f32 to vector<16xf32>
      %broadcast_in_dim3A_2015 = vector.broadcast %jit3A_2013 : f32 to vector<16xf32>
      %select_n3A_2016 = arith.select %gt3A_2011, %broadcast_in_dim3A_2014, %broadcast_in_dim3A_2015 : vector<16xi1>, vector<16xf32>
      %add3A_2017 = arith.addf %add3A_2010, %select_n3A_2016 : vector<16xf32>
      %lt3A_2018 = arith.constant 2.000000e+00 : f32
      %lt3A_2019 = vector.broadcast %lt3A_2018 : f32 to vector<16xf32>
      %lt3A_2020 = arith.cmpf olt, %add3A_2017, %lt3A_2019 : vector<16xf32>
      %jit3A_2021 = arith.constant 1.000000e+00 : f32
      %jit3A_2022 = arith.constant 0.000000e+00 : f32
      %broadcast_in_dim3A_2023 = vector.broadcast %jit3A_2021 : f32 to vector<16xf32>
      %broadcast_in_dim3A_2024 = vector.broadcast %jit3A_2022 : f32 to vector<16xf32>
      %select_n3A_2025 = arith.select %lt3A_2020, %broadcast_in_dim3A_2023, %broadcast_in_dim3A_2024 : vector<16xi1>, vector<16xf32>
      %broadcast_in_dim3A_2026 = arith.constant 0.000000e+00 : f32
      %broadcast_in_dim3A_2027 = vector.broadcast %broadcast_in_dim3A_2026 : f32 to vector<16xf32>
      %ge3A_2028 = arith.cmpf oge, %add3A_1964, %add3A_1974 : vector<16xf32>
      %jit3A_2029 = arith.constant 1.000000e+00 : f32
      %jit3A_2030 = arith.constant 0.000000e+00 : f32
      %broadcast_in_dim3A_2031 = vector.broadcast %jit3A_2029 : f32 to vector<16xf32>
      %broadcast_in_dim3A_2032 = vector.broadcast %jit3A_2030 : f32 to vector<16xf32>
      %select_n3A_2033 = arith.select %ge3A_2028, %broadcast_in_dim3A_2031, %broadcast_in_dim3A_2032 : vector<16xi1>, vector<16xf32>
      %add3A_2034 = arith.addf %broadcast_in_dim3A_2027, %select_n3A_2033 : vector<16xf32>
      %gt3A_2035 = arith.cmpf ogt, %add3A_1984, %add3A_1974 : vector<16xf32>
      %jit3A_2036 = arith.constant 1.000000e+00 : f32
      %jit3A_2037 = arith.constant 0.000000e+00 : f32
      %broadcast_in_dim3A_2038 = vector.broadcast %jit3A_2036 : f32 to vector<16xf32>
      %broadcast_in_dim3A_2039 = vector.broadcast %jit3A_2037 : f32 to vector<16xf32>
      %select_n3A_2040 = arith.select %gt3A_2035, %broadcast_in_dim3A_2038, %broadcast_in_dim3A_2039 : vector<16xi1>, vector<16xf32>
      %add3A_2041 = arith.addf %add3A_2034, %select_n3A_2040 : vector<16xf32>
      %gt3A_2042 = arith.cmpf ogt, %add3A_1994, %add3A_1974 : vector<16xf32>
      %jit3A_2043 = arith.constant 1.000000e+00 : f32
      %jit3A_2044 = arith.constant 0.000000e+00 : f32
      %broadcast_in_dim3A_2045 = vector.broadcast %jit3A_2043 : f32 to vector<16xf32>
      %broadcast_in_dim3A_2046 = vector.broadcast %jit3A_2044 : f32 to vector<16xf32>
      %select_n3A_2047 = arith.select %gt3A_2042, %broadcast_in_dim3A_2045, %broadcast_in_dim3A_2046 : vector<16xi1>, vector<16xf32>
      %add3A_2048 = arith.addf %add3A_2041, %select_n3A_2047 : vector<16xf32>
      %lt3A_2049 = arith.constant 2.000000e+00 : f32
      %lt3A_2050 = vector.broadcast %lt3A_2049 : f32 to vector<16xf32>
      %lt3A_2051 = arith.cmpf olt, %add3A_2048, %lt3A_2050 : vector<16xf32>
      %jit3A_2052 = arith.constant 1.000000e+00 : f32
      %jit3A_2053 = arith.constant 0.000000e+00 : f32
      %broadcast_in_dim3A_2054 = vector.broadcast %jit3A_2052 : f32 to vector<16xf32>
      %broadcast_in_dim3A_2055 = vector.broadcast %jit3A_2053 : f32 to vector<16xf32>
      %select_n3A_2056 = arith.select %lt3A_2051, %broadcast_in_dim3A_2054, %broadcast_in_dim3A_2055 : vector<16xi1>, vector<16xf32>
      %broadcast_in_dim3A_2057 = arith.constant 0.000000e+00 : f32
      %broadcast_in_dim3A_2058 = vector.broadcast %broadcast_in_dim3A_2057 : f32 to vector<16xf32>
      %ge3A_2059 = arith.cmpf oge, %add3A_1964, %add3A_1984 : vector<16xf32>
      %jit3A_2060 = arith.constant 1.000000e+00 : f32
      %jit3A_2061 = arith.constant 0.000000e+00 : f32
      %broadcast_in_dim3A_2062 = vector.broadcast %jit3A_2060 : f32 to vector<16xf32>
      %broadcast_in_dim3A_2063 = vector.broadcast %jit3A_2061 : f32 to vector<16xf32>
      %select_n3A_2064 = arith.select %ge3A_2059, %broadcast_in_dim3A_2062, %broadcast_in_dim3A_2063 : vector<16xi1>, vector<16xf32>
      %add3A_2065 = arith.addf %broadcast_in_dim3A_2058, %select_n3A_2064 : vector<16xf32>
      %ge3A_2066 = arith.cmpf oge, %add3A_1974, %add3A_1984 : vector<16xf32>
      %jit3A_2067 = arith.constant 1.000000e+00 : f32
      %jit3A_2068 = arith.constant 0.000000e+00 : f32
      %broadcast_in_dim3A_2069 = vector.broadcast %jit3A_2067 : f32 to vector<16xf32>
      %broadcast_in_dim3A_2070 = vector.broadcast %jit3A_2068 : f32 to vector<16xf32>
      %select_n3A_2071 = arith.select %ge3A_2066, %broadcast_in_dim3A_2069, %broadcast_in_dim3A_2070 : vector<16xi1>, vector<16xf32>
      %add3A_2072 = arith.addf %add3A_2065, %select_n3A_2071 : vector<16xf32>
      %gt3A_2073 = arith.cmpf ogt, %add3A_1994, %add3A_1984 : vector<16xf32>
      %jit3A_2074 = arith.constant 1.000000e+00 : f32
      %jit3A_2075 = arith.constant 0.000000e+00 : f32
      %broadcast_in_dim3A_2076 = vector.broadcast %jit3A_2074 : f32 to vector<16xf32>
      %broadcast_in_dim3A_2077 = vector.broadcast %jit3A_2075 : f32 to vector<16xf32>
      %select_n3A_2078 = arith.select %gt3A_2073, %broadcast_in_dim3A_2076, %broadcast_in_dim3A_2077 : vector<16xi1>, vector<16xf32>
      %add3A_2079 = arith.addf %add3A_2072, %select_n3A_2078 : vector<16xf32>
      %lt3A_2080 = arith.constant 2.000000e+00 : f32
      %lt3A_2081 = vector.broadcast %lt3A_2080 : f32 to vector<16xf32>
      %lt3A_2082 = arith.cmpf olt, %add3A_2079, %lt3A_2081 : vector<16xf32>
      %jit3A_2083 = arith.constant 1.000000e+00 : f32
      %jit3A_2084 = arith.constant 0.000000e+00 : f32
      %broadcast_in_dim3A_2085 = vector.broadcast %jit3A_2083 : f32 to vector<16xf32>
      %broadcast_in_dim3A_2086 = vector.broadcast %jit3A_2084 : f32 to vector<16xf32>
      %select_n3A_2087 = arith.select %lt3A_2082, %broadcast_in_dim3A_2085, %broadcast_in_dim3A_2086 : vector<16xi1>, vector<16xf32>
      %broadcast_in_dim3A_2088 = arith.constant 0.000000e+00 : f32
      %broadcast_in_dim3A_2089 = vector.broadcast %broadcast_in_dim3A_2088 : f32 to vector<16xf32>
      %ge3A_2090 = arith.cmpf oge, %add3A_1964, %add3A_1994 : vector<16xf32>
      %jit3A_2091 = arith.constant 1.000000e+00 : f32
      %jit3A_2092 = arith.constant 0.000000e+00 : f32
      %broadcast_in_dim3A_2093 = vector.broadcast %jit3A_2091 : f32 to vector<16xf32>
      %broadcast_in_dim3A_2094 = vector.broadcast %jit3A_2092 : f32 to vector<16xf32>
      %select_n3A_2095 = arith.select %ge3A_2090, %broadcast_in_dim3A_2093, %broadcast_in_dim3A_2094 : vector<16xi1>, vector<16xf32>
      %add3A_2096 = arith.addf %broadcast_in_dim3A_2089, %select_n3A_2095 : vector<16xf32>
      %ge3A_2097 = arith.cmpf oge, %add3A_1974, %add3A_1994 : vector<16xf32>
      %jit3A_2098 = arith.constant 1.000000e+00 : f32
      %jit3A_2099 = arith.constant 0.000000e+00 : f32
      %broadcast_in_dim3A_2100 = vector.broadcast %jit3A_2098 : f32 to vector<16xf32>
      %broadcast_in_dim3A_2101 = vector.broadcast %jit3A_2099 : f32 to vector<16xf32>
      %select_n3A_2102 = arith.select %ge3A_2097, %broadcast_in_dim3A_2100, %broadcast_in_dim3A_2101 : vector<16xi1>, vector<16xf32>
      %add3A_2103 = arith.addf %add3A_2096, %select_n3A_2102 : vector<16xf32>
      %ge3A_2104 = arith.cmpf oge, %add3A_1984, %add3A_1994 : vector<16xf32>
      %jit3A_2105 = arith.constant 1.000000e+00 : f32
      %jit3A_2106 = arith.constant 0.000000e+00 : f32
      %broadcast_in_dim3A_2107 = vector.broadcast %jit3A_2105 : f32 to vector<16xf32>
      %broadcast_in_dim3A_2108 = vector.broadcast %jit3A_2106 : f32 to vector<16xf32>
      %select_n3A_2109 = arith.select %ge3A_2104, %broadcast_in_dim3A_2107, %broadcast_in_dim3A_2108 : vector<16xi1>, vector<16xf32>
      %add3A_2110 = arith.addf %add3A_2103, %select_n3A_2109 : vector<16xf32>
      %lt3A_2111 = arith.constant 2.000000e+00 : f32
      %lt3A_2112 = vector.broadcast %lt3A_2111 : f32 to vector<16xf32>
      %lt3A_2113 = arith.cmpf olt, %add3A_2110, %lt3A_2112 : vector<16xf32>
      %jit3A_2114 = arith.constant 1.000000e+00 : f32
      %jit3A_2115 = arith.constant 0.000000e+00 : f32
      %broadcast_in_dim3A_2116 = vector.broadcast %jit3A_2114 : f32 to vector<16xf32>
      %broadcast_in_dim3A_2117 = vector.broadcast %jit3A_2115 : f32 to vector<16xf32>
      %select_n3A_2118 = arith.select %lt3A_2113, %broadcast_in_dim3A_2116, %broadcast_in_dim3A_2117 : vector<16xi1>, vector<16xf32>
      %get3A_2119 = arith.constant 0 : i32
      %get3A_2120 = arith.index_cast %get3A_2119 : i32 to index
      %get3A_2121 = arith.constant 64 : index
      %get3A_2122 = tpu.vector_load %arg5[%get3A_2120, %get3A_2121] {strides = array<i32>} : memref<16x128xf32, #tpu.memory_space<vmem>>, vector<1x16xf32>,
      %get3A_2123 = vector.shape_cast %get3A_2122 : vector<1x16xf32> to vector<16xf32>
      %mul3A_2124 = arith.mulf %select_n3A_2025, %get3A_2123 : vector<16xf32>
      %get3A_2125 = arith.constant 1 : i32
      %get3A_2126 = arith.index_cast %get3A_2125 : i32 to index
      %get3A_2127 = arith.constant 64 : index
      %get3A_2128 = tpu.vector_load %arg5[%get3A_2126, %get3A_2127] {strides = array<i32>} : memref<16x128xf32, #tpu.memory_space<vmem>>, vector<1x16xf32>,
      %get3A_2129 = vector.shape_cast %get3A_2128 : vector<1x16xf32> to vector<16xf32>
      %mul3A_2130 = arith.mulf %select_n3A_2025, %get3A_2129 : vector<16xf32>
      %get3A_2131 = arith.constant 2 : i32
      %get3A_2132 = arith.index_cast %get3A_2131 : i32 to index
      %get3A_2133 = arith.constant 64 : index
      %get3A_2134 = tpu.vector_load %arg5[%get3A_2132, %get3A_2133] {strides = array<i32>} : memref<16x128xf32, #tpu.memory_space<vmem>>, vector<1x16xf32>,
      %get3A_2135 = vector.shape_cast %get3A_2134 : vector<1x16xf32> to vector<16xf32>
      %mul3A_2136 = arith.mulf %select_n3A_2025, %get3A_2135 : vector<16xf32>
      %get3A_2137 = arith.constant 3 : i32
      %get3A_2138 = arith.index_cast %get3A_2137 : i32 to index
      %get3A_2139 = arith.constant 64 : index
      %get3A_2140 = tpu.vector_load %arg5[%get3A_2138, %get3A_2139] {strides = array<i32>} : memref<16x128xf32, #tpu.memory_space<vmem>>, vector<1x16xf32>,
      %get3A_2141 = vector.shape_cast %get3A_2140 : vector<1x16xf32> to vector<16xf32>
      %mul3A_2142 = arith.mulf %select_n3A_2025, %get3A_2141 : vector<16xf32>
      %get3A_2143 = arith.constant 4 : i32
      %get3A_2144 = arith.index_cast %get3A_2143 : i32 to index
      %get3A_2145 = arith.constant 64 : index
      %get3A_2146 = tpu.vector_load %arg5[%get3A_2144, %get3A_2145] {strides = array<i32>} : memref<16x128xf32, #tpu.memory_space<vmem>>, vector<1x16xf32>,
      %get3A_2147 = vector.shape_cast %get3A_2146 : vector<1x16xf32> to vector<16xf32>
      %mul3A_2148 = arith.mulf %select_n3A_2056, %get3A_2147 : vector<16xf32>
      %get3A_2149 = arith.constant 5 : i32
      %get3A_2150 = arith.index_cast %get3A_2149 : i32 to index
      %get3A_2151 = arith.constant 64 : index
      %get3A_2152 = tpu.vector_load %arg5[%get3A_2150, %get3A_2151] {strides = array<i32>} : memref<16x128xf32, #tpu.memory_space<vmem>>, vector<1x16xf32>,
      %get3A_2153 = vector.shape_cast %get3A_2152 : vector<1x16xf32> to vector<16xf32>
      %mul3A_2154 = arith.mulf %select_n3A_2056, %get3A_2153 : vector<16xf32>
      %get3A_2155 = arith.constant 6 : i32
      %get3A_2156 = arith.index_cast %get3A_2155 : i32 to index
      %get3A_2157 = arith.constant 64 : index
      %get3A_2158 = tpu.vector_load %arg5[%get3A_2156, %get3A_2157] {strides = array<i32>} : memref<16x128xf32, #tpu.memory_space<vmem>>, vector<1x16xf32>,
      %get3A_2159 = vector.shape_cast %get3A_2158 : vector<1x16xf32> to vector<16xf32>
      %mul3A_2160 = arith.mulf %select_n3A_2056, %get3A_2159 : vector<16xf32>
      %get3A_2161 = arith.constant 7 : i32
      %get3A_2162 = arith.index_cast %get3A_2161 : i32 to index
      %get3A_2163 = arith.constant 64 : index
      %get3A_2164 = tpu.vector_load %arg5[%get3A_2162, %get3A_2163] {strides = array<i32>} : memref<16x128xf32, #tpu.memory_space<vmem>>, vector<1x16xf32>,
      %get3A_2165 = vector.shape_cast %get3A_2164 : vector<1x16xf32> to vector<16xf32>
      %mul3A_2166 = arith.mulf %select_n3A_2056, %get3A_2165 : vector<16xf32>
      %get3A_2167 = arith.constant 8 : i32
      %get3A_2168 = arith.index_cast %get3A_2167 : i32 to index
      %get3A_2169 = arith.constant 64 : index
      %get3A_2170 = tpu.vector_load %arg5[%get3A_2168, %get3A_2169] {strides = array<i32>} : memref<16x128xf32, #tpu.memory_space<vmem>>, vector<1x16xf32>,
      %get3A_2171 = vector.shape_cast %get3A_2170 : vector<1x16xf32> to vector<16xf32>
      %mul3A_2172 = arith.mulf %select_n3A_2087, %get3A_2171 : vector<16xf32>
      %get3A_2173 = arith.constant 9 : i32
      %get3A_2174 = arith.index_cast %get3A_2173 : i32 to index
      %get3A_2175 = arith.constant 64 : index
      %get3A_2176 = tpu.vector_load %arg5[%get3A_2174, %get3A_2175] {strides = array<i32>} : memref<16x128xf32, #tpu.memory_space<vmem>>, vector<1x16xf32>,
      %get3A_2177 = vector.shape_cast %get3A_2176 : vector<1x16xf32> to vector<16xf32>
      %mul3A_2178 = arith.mulf %select_n3A_2087, %get3A_2177 : vector<16xf32>
      %get3A_2179 = arith.constant 10 : i32
      %get3A_2180 = arith.index_cast %get3A_2179 : i32 to index
      %get3A_2181 = arith.constant 64 : index
      %get3A_2182 = tpu.vector_load %arg5[%get3A_2180, %get3A_2181] {strides = array<i32>} : memref<16x128xf32, #tpu.memory_space<vmem>>, vector<1x16xf32>,
      %get3A_2183 = vector.shape_cast %get3A_2182 : vector<1x16xf32> to vector<16xf32>
      %mul3A_2184 = arith.mulf %select_n3A_2087, %get3A_2183 : vector<16xf32>
      %get3A_2185 = arith.constant 11 : i32
      %get3A_2186 = arith.index_cast %get3A_2185 : i32 to index
      %get3A_2187 = arith.constant 64 : index
      %get3A_2188 = tpu.vector_load %arg5[%get3A_2186, %get3A_2187] {strides = array<i32>} : memref<16x128xf32, #tpu.memory_space<vmem>>, vector<1x16xf32>,
      %get3A_2189 = vector.shape_cast %get3A_2188 : vector<1x16xf32> to vector<16xf32>
      %mul3A_2190 = arith.mulf %select_n3A_2087, %get3A_2189 : vector<16xf32>
      %get3A_2191 = arith.constant 12 : i32
      %get3A_2192 = arith.index_cast %get3A_2191 : i32 to index
      %get3A_2193 = arith.constant 64 : index
      %get3A_2194 = tpu.vector_load %arg5[%get3A_2192, %get3A_2193] {strides = array<i32>} : memref<16x128xf32, #tpu.memory_space<vmem>>, vector<1x16xf32>,
      %get3A_2195 = vector.shape_cast %get3A_2194 : vector<1x16xf32> to vector<16xf32>
      %mul3A_2196 = arith.mulf %select_n3A_2118, %get3A_2195 : vector<16xf32>
      %get3A_2197 = arith.constant 13 : i32
      %get3A_2198 = arith.index_cast %get3A_2197 : i32 to index
      %get3A_2199 = arith.constant 64 : index
      %get3A_2200 = tpu.vector_load %arg5[%get3A_2198, %get3A_2199] {strides = array<i32>} : memref<16x128xf32, #tpu.memory_space<vmem>>, vector<1x16xf32>,
      %get3A_2201 = vector.shape_cast %get3A_2200 : vector<1x16xf32> to vector<16xf32>
      %mul3A_2202 = arith.mulf %select_n3A_2118, %get3A_2201 : vector<16xf32>
      %get3A_2203 = arith.constant 14 : i32
      %get3A_2204 = arith.index_cast %get3A_2203 : i32 to index
      %get3A_2205 = arith.constant 64 : index
      %get3A_2206 = tpu.vector_load %arg5[%get3A_2204, %get3A_2205] {strides = array<i32>} : memref<16x128xf32, #tpu.memory_space<vmem>>, vector<1x16xf32>,
      %get3A_2207 = vector.shape_cast %get3A_2206 : vector<1x16xf32> to vector<16xf32>
      %mul3A_2208 = arith.mulf %select_n3A_2118, %get3A_2207 : vector<16xf32>
      %get3A_2209 = arith.constant 15 : i32
      %get3A_2210 = arith.index_cast %get3A_2209 : i32 to index
      %get3A_2211 = arith.constant 64 : index
      %get3A_2212 = tpu.vector_load %arg5[%get3A_2210, %get3A_2211] {strides = array<i32>} : memref<16x128xf32, #tpu.memory_space<vmem>>, vector<1x16xf32>,
      %get3A_2213 = vector.shape_cast %get3A_2212 : vector<1x16xf32> to vector<16xf32>
      %mul3A_2214 = arith.mulf %select_n3A_2118, %get3A_2213 : vector<16xf32>
      %add3A_2215 = arith.addf %mul3A_2124, %mul3A_2130 : vector<16xf32>
      %add3A_2216 = arith.addf %add3A_2215, %mul3A_2136 : vector<16xf32>
      %add3A_2217 = arith.addf %add3A_2216, %mul3A_2142 : vector<16xf32>
      %add3A_2218 = arith.addf %add3A_2217, %mul3A_2148 : vector<16xf32>
      %add3A_2219 = arith.addf %add3A_2218, %mul3A_2154 : vector<16xf32>
      %add3A_2220 = arith.addf %add3A_2219, %mul3A_2160 : vector<16xf32>
      %add3A_2221 = arith.addf %add3A_2220, %mul3A_2166 : vector<16xf32>
      %add3A_2222 = arith.addf %add3A_2221, %mul3A_2172 : vector<16xf32>
      %add3A_2223 = arith.addf %add3A_2222, %mul3A_2178 : vector<16xf32>
      %add3A_2224 = arith.addf %add3A_2223, %mul3A_2184 : vector<16xf32>
      %add3A_2225 = arith.addf %add3A_2224, %mul3A_2190 : vector<16xf32>
      %add3A_2226 = arith.addf %add3A_2225, %mul3A_2196 : vector<16xf32>
      %add3A_2227 = arith.addf %add3A_2226, %mul3A_2202 : vector<16xf32>
      %add3A_2228 = arith.addf %add3A_2227, %mul3A_2208 : vector<16xf32>
      %add3A_2229 = arith.addf %add3A_2228, %mul3A_2214 : vector<16xf32>
      %add3A_2230 = arith.constant 9.99999968E-21 : f32
      %add3A_2231 = vector.broadcast %add3A_2230 : f32 to vector<16xf32>
      %add3A_2232 = arith.addf %add3A_2229, %add3A_2231 : vector<16xf32>
      %div3A_2233 = arith.divf %mul3A_2124, %add3A_2232 : vector<16xf32>
      %swap3A_2234 = arith.constant 0 : i32
      %swap3A_2235 = arith.index_cast %swap3A_2234 : i32 to index
      %swap3A_2236 = arith.constant 64 : index
      %swap3A_2237 = tpu.vector_load %arg7[%swap3A_2235, %swap3A_2236] {strides = array<i32>} : memref<16x128xf32, #tpu.memory_space<vmem>>, vector<1x16xf32>,
      %swap3A_2238 = vector.shape_cast %swap3A_2237 : vector<1x16xf32> to vector<16xf32>
      %swap3A_2239 = vector.shape_cast %div3A_2233 : vector<16xf32> to vector<1x16xf32>
      tpu.vector_store %arg7[%swap3A_2235, %swap3A_2236], %swap3A_2239 {strides = array<i32>} : memref<16x128xf32, #tpu.memory_space<vmem>>, vector<1x16xf32>,
      %div3A_2240 = arith.divf %mul3A_2130, %add3A_2232 : vector<16xf32>
      %swap3A_2241 = arith.constant 1 : i32
      %swap3A_2242 = arith.index_cast %swap3A_2241 : i32 to index
      %swap3A_2243 = arith.constant 64 : index
      %swap3A_2244 = tpu.vector_load %arg7[%swap3A_2242, %swap3A_2243] {strides = array<i32>} : memref<16x128xf32, #tpu.memory_space<vmem>>, vector<1x16xf32>,
      %swap3A_2245 = vector.shape_cast %swap3A_2244 : vector<1x16xf32> to vector<16xf32>
      %swap3A_2246 = vector.shape_cast %div3A_2240 : vector<16xf32> to vector<1x16xf32>
      tpu.vector_store %arg7[%swap3A_2242, %swap3A_2243], %swap3A_2246 {strides = array<i32>} : memref<16x128xf32, #tpu.memory_space<vmem>>, vector<1x16xf32>,
      %div3A_2247 = arith.divf %mul3A_2136, %add3A_2232 : vector<16xf32>
      %swap3A_2248 = arith.constant 2 : i32
      %swap3A_2249 = arith.index_cast %swap3A_2248 : i32 to index
      %swap3A_2250 = arith.constant 64 : index
      %swap3A_2251 = tpu.vector_load %arg7[%swap3A_2249, %swap3A_2250] {strides = array<i32>} : memref<16x128xf32, #tpu.memory_space<vmem>>, vector<1x16xf32>,
      %swap3A_2252 = vector.shape_cast %swap3A_2251 : vector<1x16xf32> to vector<16xf32>
      %swap3A_2253 = vector.shape_cast %div3A_2247 : vector<16xf32> to vector<1x16xf32>
      tpu.vector_store %arg7[%swap3A_2249, %swap3A_2250], %swap3A_2253 {strides = array<i32>} : memref<16x128xf32, #tpu.memory_space<vmem>>, vector<1x16xf32>,
      %div3A_2254 = arith.divf %mul3A_2142, %add3A_2232 : vector<16xf32>
      %swap3A_2255 = arith.constant 3 : i32
      %swap3A_2256 = arith.index_cast %swap3A_2255 : i32 to index
      %swap3A_2257 = arith.constant 64 : index
      %swap3A_2258 = tpu.vector_load %arg7[%swap3A_2256, %swap3A_2257] {strides = array<i32>} : memref<16x128xf32, #tpu.memory_space<vmem>>, vector<1x16xf32>,
      %swap3A_2259 = vector.shape_cast %swap3A_2258 : vector<1x16xf32> to vector<16xf32>
      %swap3A_2260 = vector.shape_cast %div3A_2254 : vector<16xf32> to vector<1x16xf32>
      tpu.vector_store %arg7[%swap3A_2256, %swap3A_2257], %swap3A_2260 {strides = array<i32>} : memref<16x128xf32, #tpu.memory_space<vmem>>, vector<1x16xf32>,
      %div3A_2261 = arith.divf %mul3A_2148, %add3A_2232 : vector<16xf32>
      %swap3A_2262 = arith.constant 4 : i32
      %swap3A_2263 = arith.index_cast %swap3A_2262 : i32 to index
      %swap3A_2264 = arith.constant 64 : index
      %swap3A_2265 = tpu.vector_load %arg7[%swap3A_2263, %swap3A_2264] {strides = array<i32>} : memref<16x128xf32, #tpu.memory_space<vmem>>, vector<1x16xf32>,
      %swap3A_2266 = vector.shape_cast %swap3A_2265 : vector<1x16xf32> to vector<16xf32>
      %swap3A_2267 = vector.shape_cast %div3A_2261 : vector<16xf32> to vector<1x16xf32>
      tpu.vector_store %arg7[%swap3A_2263, %swap3A_2264], %swap3A_2267 {strides = array<i32>} : memref<16x128xf32, #tpu.memory_space<vmem>>, vector<1x16xf32>,
      %div3A_2268 = arith.divf %mul3A_2154, %add3A_2232 : vector<16xf32>
      %swap3A_2269 = arith.constant 5 : i32
      %swap3A_2270 = arith.index_cast %swap3A_2269 : i32 to index
      %swap3A_2271 = arith.constant 64 : index
      %swap3A_2272 = tpu.vector_load %arg7[%swap3A_2270, %swap3A_2271] {strides = array<i32>} : memref<16x128xf32, #tpu.memory_space<vmem>>, vector<1x16xf32>,
      %swap3A_2273 = vector.shape_cast %swap3A_2272 : vector<1x16xf32> to vector<16xf32>
      %swap3A_2274 = vector.shape_cast %div3A_2268 : vector<16xf32> to vector<1x16xf32>
      tpu.vector_store %arg7[%swap3A_2270, %swap3A_2271], %swap3A_2274 {strides = array<i32>} : memref<16x128xf32, #tpu.memory_space<vmem>>, vector<1x16xf32>,
      %div3A_2275 = arith.divf %mul3A_2160, %add3A_2232 : vector<16xf32>
      %swap3A_2276 = arith.constant 6 : i32
      %swap3A_2277 = arith.index_cast %swap3A_2276 : i32 to index
      %swap3A_2278 = arith.constant 64 : index
      %swap3A_2279 = tpu.vector_load %arg7[%swap3A_2277, %swap3A_2278] {strides = array<i32>} : memref<16x128xf32, #tpu.memory_space<vmem>>, vector<1x16xf32>,
      %swap3A_2280 = vector.shape_cast %swap3A_2279 : vector<1x16xf32> to vector<16xf32>
      %swap3A_2281 = vector.shape_cast %div3A_2275 : vector<16xf32> to vector<1x16xf32>
      tpu.vector_store %arg7[%swap3A_2277, %swap3A_2278], %swap3A_2281 {strides = array<i32>} : memref<16x128xf32, #tpu.memory_space<vmem>>, vector<1x16xf32>,
      %div3A_2282 = arith.divf %mul3A_2166, %add3A_2232 : vector<16xf32>
      %swap3A_2283 = arith.constant 7 : i32
      %swap3A_2284 = arith.index_cast %swap3A_2283 : i32 to index
      %swap3A_2285 = arith.constant 64 : index
      %swap3A_2286 = tpu.vector_load %arg7[%swap3A_2284, %swap3A_2285] {strides = array<i32>} : memref<16x128xf32, #tpu.memory_space<vmem>>, vector<1x16xf32>,
      %swap3A_2287 = vector.shape_cast %swap3A_2286 : vector<1x16xf32> to vector<16xf32>
      %swap3A_2288 = vector.shape_cast %div3A_2282 : vector<16xf32> to vector<1x16xf32>
      tpu.vector_store %arg7[%swap3A_2284, %swap3A_2285], %swap3A_2288 {strides = array<i32>} : memref<16x128xf32, #tpu.memory_space<vmem>>, vector<1x16xf32>,
      %div3A_2289 = arith.divf %mul3A_2172, %add3A_2232 : vector<16xf32>
      %swap3A_2290 = arith.constant 8 : i32
      %swap3A_2291 = arith.index_cast %swap3A_2290 : i32 to index
      %swap3A_2292 = arith.constant 64 : index
      %swap3A_2293 = tpu.vector_load %arg7[%swap3A_2291, %swap3A_2292] {strides = array<i32>} : memref<16x128xf32, #tpu.memory_space<vmem>>, vector<1x16xf32>,
      %swap3A_2294 = vector.shape_cast %swap3A_2293 : vector<1x16xf32> to vector<16xf32>
      %swap3A_2295 = vector.shape_cast %div3A_2289 : vector<16xf32> to vector<1x16xf32>
      tpu.vector_store %arg7[%swap3A_2291, %swap3A_2292], %swap3A_2295 {strides = array<i32>} : memref<16x128xf32, #tpu.memory_space<vmem>>, vector<1x16xf32>,
      %div3A_2296 = arith.divf %mul3A_2178, %add3A_2232 : vector<16xf32>
      %swap3A_2297 = arith.constant 9 : i32
      %swap3A_2298 = arith.index_cast %swap3A_2297 : i32 to index
      %swap3A_2299 = arith.constant 64 : index
      %swap3A_2300 = tpu.vector_load %arg7[%swap3A_2298, %swap3A_2299] {strides = array<i32>} : memref<16x128xf32, #tpu.memory_space<vmem>>, vector<1x16xf32>,
      %swap3A_2301 = vector.shape_cast %swap3A_2300 : vector<1x16xf32> to vector<16xf32>
      %swap3A_2302 = vector.shape_cast %div3A_2296 : vector<16xf32> to vector<1x16xf32>
      tpu.vector_store %arg7[%swap3A_2298, %swap3A_2299], %swap3A_2302 {strides = array<i32>} : memref<16x128xf32, #tpu.memory_space<vmem>>, vector<1x16xf32>,
      %div3A_2303 = arith.divf %mul3A_2184, %add3A_2232 : vector<16xf32>
      %swap3A_2304 = arith.constant 10 : i32
      %swap3A_2305 = arith.index_cast %swap3A_2304 : i32 to index
      %swap3A_2306 = arith.constant 64 : index
      %swap3A_2307 = tpu.vector_load %arg7[%swap3A_2305, %swap3A_2306] {strides = array<i32>} : memref<16x128xf32, #tpu.memory_space<vmem>>, vector<1x16xf32>,
      %swap3A_2308 = vector.shape_cast %swap3A_2307 : vector<1x16xf32> to vector<16xf32>
      %swap3A_2309 = vector.shape_cast %div3A_2303 : vector<16xf32> to vector<1x16xf32>
      tpu.vector_store %arg7[%swap3A_2305, %swap3A_2306], %swap3A_2309 {strides = array<i32>} : memref<16x128xf32, #tpu.memory_space<vmem>>, vector<1x16xf32>,
      %div3A_2310 = arith.divf %mul3A_2190, %add3A_2232 : vector<16xf32>
      %swap3A_2311 = arith.constant 11 : i32
      %swap3A_2312 = arith.index_cast %swap3A_2311 : i32 to index
      %swap3A_2313 = arith.constant 64 : index
      %swap3A_2314 = tpu.vector_load %arg7[%swap3A_2312, %swap3A_2313] {strides = array<i32>} : memref<16x128xf32, #tpu.memory_space<vmem>>, vector<1x16xf32>,
      %swap3A_2315 = vector.shape_cast %swap3A_2314 : vector<1x16xf32> to vector<16xf32>
      %swap3A_2316 = vector.shape_cast %div3A_2310 : vector<16xf32> to vector<1x16xf32>
      tpu.vector_store %arg7[%swap3A_2312, %swap3A_2313], %swap3A_2316 {strides = array<i32>} : memref<16x128xf32, #tpu.memory_space<vmem>>, vector<1x16xf32>,
      %div3A_2317 = arith.divf %mul3A_2196, %add3A_2232 : vector<16xf32>
      %swap3A_2318 = arith.constant 12 : i32
      %swap3A_2319 = arith.index_cast %swap3A_2318 : i32 to index
      %swap3A_2320 = arith.constant 64 : index
      %swap3A_2321 = tpu.vector_load %arg7[%swap3A_2319, %swap3A_2320] {strides = array<i32>} : memref<16x128xf32, #tpu.memory_space<vmem>>, vector<1x16xf32>,
      %swap3A_2322 = vector.shape_cast %swap3A_2321 : vector<1x16xf32> to vector<16xf32>
      %swap3A_2323 = vector.shape_cast %div3A_2317 : vector<16xf32> to vector<1x16xf32>
      tpu.vector_store %arg7[%swap3A_2319, %swap3A_2320], %swap3A_2323 {strides = array<i32>} : memref<16x128xf32, #tpu.memory_space<vmem>>, vector<1x16xf32>,
      %div3A_2324 = arith.divf %mul3A_2202, %add3A_2232 : vector<16xf32>
      %swap3A_2325 = arith.constant 13 : i32
      %swap3A_2326 = arith.index_cast %swap3A_2325 : i32 to index
      %swap3A_2327 = arith.constant 64 : index
      %swap3A_2328 = tpu.vector_load %arg7[%swap3A_2326, %swap3A_2327] {strides = array<i32>} : memref<16x128xf32, #tpu.memory_space<vmem>>, vector<1x16xf32>,
      %swap3A_2329 = vector.shape_cast %swap3A_2328 : vector<1x16xf32> to vector<16xf32>
      %swap3A_2330 = vector.shape_cast %div3A_2324 : vector<16xf32> to vector<1x16xf32>
      tpu.vector_store %arg7[%swap3A_2326, %swap3A_2327], %swap3A_2330 {strides = array<i32>} : memref<16x128xf32, #tpu.memory_space<vmem>>, vector<1x16xf32>,
      %div3A_2331 = arith.divf %mul3A_2208, %add3A_2232 : vector<16xf32>
      %swap3A_2332 = arith.constant 14 : i32
      %swap3A_2333 = arith.index_cast %swap3A_2332 : i32 to index
      %swap3A_2334 = arith.constant 64 : index
      %swap3A_2335 = tpu.vector_load %arg7[%swap3A_2333, %swap3A_2334] {strides = array<i32>} : memref<16x128xf32, #tpu.memory_space<vmem>>, vector<1x16xf32>,
      %swap3A_2336 = vector.shape_cast %swap3A_2335 : vector<1x16xf32> to vector<16xf32>
      %swap3A_2337 = vector.shape_cast %div3A_2331 : vector<16xf32> to vector<1x16xf32>
      tpu.vector_store %arg7[%swap3A_2333, %swap3A_2334], %swap3A_2337 {strides = array<i32>} : memref<16x128xf32, #tpu.memory_space<vmem>>, vector<1x16xf32>,
      %div3A_2338 = arith.divf %mul3A_2214, %add3A_2232 : vector<16xf32>
      %swap3A_2339 = arith.constant 15 : i32
      %swap3A_2340 = arith.index_cast %swap3A_2339 : i32 to index
      %swap3A_2341 = arith.constant 64 : index
      %swap3A_2342 = tpu.vector_load %arg7[%swap3A_2340, %swap3A_2341] {strides = array<i32>} : memref<16x128xf32, #tpu.memory_space<vmem>>, vector<1x16xf32>,
      %swap3A_2343 = vector.shape_cast %swap3A_2342 : vector<1x16xf32> to vector<16xf32>
      %swap3A_2344 = vector.shape_cast %div3A_2338 : vector<16xf32> to vector<1x16xf32>
      tpu.vector_store %arg7[%swap3A_2340, %swap3A_2341], %swap3A_2344 {strides = array<i32>} : memref<16x128xf32, #tpu.memory_space<vmem>>, vector<1x16xf32>,
      %get3A_2345 = arith.constant 0 : i32
      %get3A_2346 = arith.index_cast %get3A_2345 : i32 to index
      %get3A_2347 = arith.constant 80 : index
      %get3A_2348 = tpu.vector_load %arg6[%get3A_2346, %get3A_2347] {strides = array<i32>} : memref<16x128xf32, #tpu.memory_space<vmem>>, vector<1x16xf32>,
      %get3A_2349 = vector.shape_cast %get3A_2348 : vector<1x16xf32> to vector<16xf32>
      %get3A_2350 = arith.constant 1 : i32
      %get3A_2351 = arith.index_cast %get3A_2350 : i32 to index
      %get3A_2352 = arith.constant 80 : index
      %get3A_2353 = tpu.vector_load %arg6[%get3A_2351, %get3A_2352] {strides = array<i32>} : memref<16x128xf32, #tpu.memory_space<vmem>>, vector<1x16xf32>,
      %get3A_2354 = vector.shape_cast %get3A_2353 : vector<1x16xf32> to vector<16xf32>
      %get3A_2355 = arith.constant 2 : i32
      %get3A_2356 = arith.index_cast %get3A_2355 : i32 to index
      %get3A_2357 = arith.constant 80 : index
      %get3A_2358 = tpu.vector_load %arg6[%get3A_2356, %get3A_2357] {strides = array<i32>} : memref<16x128xf32, #tpu.memory_space<vmem>>, vector<1x16xf32>,
      %get3A_2359 = vector.shape_cast %get3A_2358 : vector<1x16xf32> to vector<16xf32>
      %get3A_2360 = arith.constant 3 : i32
      %get3A_2361 = arith.index_cast %get3A_2360 : i32 to index
      %get3A_2362 = arith.constant 80 : index
      %get3A_2363 = tpu.vector_load %arg6[%get3A_2361, %get3A_2362] {strides = array<i32>} : memref<16x128xf32, #tpu.memory_space<vmem>>, vector<1x16xf32>,
      %get3A_2364 = vector.shape_cast %get3A_2363 : vector<1x16xf32> to vector<16xf32>
      %get3A_2365 = arith.constant 4 : i32
      %get3A_2366 = arith.index_cast %get3A_2365 : i32 to index
      %get3A_2367 = arith.constant 80 : index
      %get3A_2368 = tpu.vector_load %arg6[%get3A_2366, %get3A_2367] {strides = array<i32>} : memref<16x128xf32, #tpu.memory_space<vmem>>, vector<1x16xf32>,
      %get3A_2369 = vector.shape_cast %get3A_2368 : vector<1x16xf32> to vector<16xf32>
      %get3A_2370 = arith.constant 5 : i32
      %get3A_2371 = arith.index_cast %get3A_2370 : i32 to index
      %get3A_2372 = arith.constant 80 : index
      %get3A_2373 = tpu.vector_load %arg6[%get3A_2371, %get3A_2372] {strides = array<i32>} : memref<16x128xf32, #tpu.memory_space<vmem>>, vector<1x16xf32>,
      %get3A_2374 = vector.shape_cast %get3A_2373 : vector<1x16xf32> to vector<16xf32>
      %get3A_2375 = arith.constant 6 : i32
      %get3A_2376 = arith.index_cast %get3A_2375 : i32 to index
      %get3A_2377 = arith.constant 80 : index
      %get3A_2378 = tpu.vector_load %arg6[%get3A_2376, %get3A_2377] {strides = array<i32>} : memref<16x128xf32, #tpu.memory_space<vmem>>, vector<1x16xf32>,
      %get3A_2379 = vector.shape_cast %get3A_2378 : vector<1x16xf32> to vector<16xf32>
      %get3A_2380 = arith.constant 7 : i32
      %get3A_2381 = arith.index_cast %get3A_2380 : i32 to index
      %get3A_2382 = arith.constant 80 : index
      %get3A_2383 = tpu.vector_load %arg6[%get3A_2381, %get3A_2382] {strides = array<i32>} : memref<16x128xf32, #tpu.memory_space<vmem>>, vector<1x16xf32>,
      %get3A_2384 = vector.shape_cast %get3A_2383 : vector<1x16xf32> to vector<16xf32>
      %get3A_2385 = arith.constant 8 : i32
      %get3A_2386 = arith.index_cast %get3A_2385 : i32 to index
      %get3A_2387 = arith.constant 80 : index
      %get3A_2388 = tpu.vector_load %arg6[%get3A_2386, %get3A_2387] {strides = array<i32>} : memref<16x128xf32, #tpu.memory_space<vmem>>, vector<1x16xf32>,
      %get3A_2389 = vector.shape_cast %get3A_2388 : vector<1x16xf32> to vector<16xf32>
      %get3A_2390 = arith.constant 9 : i32
      %get3A_2391 = arith.index_cast %get3A_2390 : i32 to index
      %get3A_2392 = arith.constant 80 : index
      %get3A_2393 = tpu.vector_load %arg6[%get3A_2391, %get3A_2392] {strides = array<i32>} : memref<16x128xf32, #tpu.memory_space<vmem>>, vector<1x16xf32>,
      %get3A_2394 = vector.shape_cast %get3A_2393 : vector<1x16xf32> to vector<16xf32>
      %get3A_2395 = arith.constant 10 : i32
      %get3A_2396 = arith.index_cast %get3A_2395 : i32 to index
      %get3A_2397 = arith.constant 80 : index
      %get3A_2398 = tpu.vector_load %arg6[%get3A_2396, %get3A_2397] {strides = array<i32>} : memref<16x128xf32, #tpu.memory_space<vmem>>, vector<1x16xf32>,
      %get3A_2399 = vector.shape_cast %get3A_2398 : vector<1x16xf32> to vector<16xf32>
      %get3A_2400 = arith.constant 11 : i32
      %get3A_2401 = arith.index_cast %get3A_2400 : i32 to index
      %get3A_2402 = arith.constant 80 : index
      %get3A_2403 = tpu.vector_load %arg6[%get3A_2401, %get3A_2402] {strides = array<i32>} : memref<16x128xf32, #tpu.memory_space<vmem>>, vector<1x16xf32>,
      %get3A_2404 = vector.shape_cast %get3A_2403 : vector<1x16xf32> to vector<16xf32>
      %get3A_2405 = arith.constant 12 : i32
      %get3A_2406 = arith.index_cast %get3A_2405 : i32 to index
      %get3A_2407 = arith.constant 80 : index
      %get3A_2408 = tpu.vector_load %arg6[%get3A_2406, %get3A_2407] {strides = array<i32>} : memref<16x128xf32, #tpu.memory_space<vmem>>, vector<1x16xf32>,
      %get3A_2409 = vector.shape_cast %get3A_2408 : vector<1x16xf32> to vector<16xf32>
      %get3A_2410 = arith.constant 13 : i32
      %get3A_2411 = arith.index_cast %get3A_2410 : i32 to index
      %get3A_2412 = arith.constant 80 : index
      %get3A_2413 = tpu.vector_load %arg6[%get3A_2411, %get3A_2412] {strides = array<i32>} : memref<16x128xf32, #tpu.memory_space<vmem>>, vector<1x16xf32>,
      %get3A_2414 = vector.shape_cast %get3A_2413 : vector<1x16xf32> to vector<16xf32>
      %get3A_2415 = arith.constant 14 : i32
      %get3A_2416 = arith.index_cast %get3A_2415 : i32 to index
      %get3A_2417 = arith.constant 80 : index
      %get3A_2418 = tpu.vector_load %arg6[%get3A_2416, %get3A_2417] {strides = array<i32>} : memref<16x128xf32, #tpu.memory_space<vmem>>, vector<1x16xf32>,
      %get3A_2419 = vector.shape_cast %get3A_2418 : vector<1x16xf32> to vector<16xf32>
      %get3A_2420 = arith.constant 15 : i32
      %get3A_2421 = arith.index_cast %get3A_2420 : i32 to index
      %get3A_2422 = arith.constant 80 : index
      %get3A_2423 = tpu.vector_load %arg6[%get3A_2421, %get3A_2422] {strides = array<i32>} : memref<16x128xf32, #tpu.memory_space<vmem>>, vector<1x16xf32>,
      %get3A_2424 = vector.shape_cast %get3A_2423 : vector<1x16xf32> to vector<16xf32>
      %max3A_2425 = arith.maximumf %get3A_2349, %get3A_2354 : vector<16xf32>
      %min3A_2426 = arith.minimumf %get3A_2349, %get3A_2354 : vector<16xf32>
      %max3A_2427 = arith.maximumf %get3A_2359, %get3A_2364 : vector<16xf32>
      %min3A_2428 = arith.minimumf %get3A_2359, %get3A_2364 : vector<16xf32>
      %max3A_2429 = arith.maximumf %max3A_2425, %max3A_2427 : vector<16xf32>
      %min3A_2430 = arith.minimumf %max3A_2425, %max3A_2427 : vector<16xf32>
      %ge3A_2431 = arith.cmpf oge, %max3A_2425, %max3A_2427 : vector<16xf32>
      %select_n3A_2432 = arith.select %ge3A_2431, %min3A_2426, %min3A_2428 : vector<16xi1>, vector<16xf32>
      %max3A_2433 = arith.maximumf %min3A_2430, %select_n3A_2432 : vector<16xf32>
      %add3A_2434 = arith.addf %max3A_2429, %max3A_2433 : vector<16xf32>
      %max3A_2435 = arith.maximumf %get3A_2369, %get3A_2374 : vector<16xf32>
      %min3A_2436 = arith.minimumf %get3A_2369, %get3A_2374 : vector<16xf32>
      %max3A_2437 = arith.maximumf %get3A_2379, %get3A_2384 : vector<16xf32>
      %min3A_2438 = arith.minimumf %get3A_2379, %get3A_2384 : vector<16xf32>
      %max3A_2439 = arith.maximumf %max3A_2435, %max3A_2437 : vector<16xf32>
      %min3A_2440 = arith.minimumf %max3A_2435, %max3A_2437 : vector<16xf32>
      %ge3A_2441 = arith.cmpf oge, %max3A_2435, %max3A_2437 : vector<16xf32>
      %select_n3A_2442 = arith.select %ge3A_2441, %min3A_2436, %min3A_2438 : vector<16xi1>, vector<16xf32>
      %max3A_2443 = arith.maximumf %min3A_2440, %select_n3A_2442 : vector<16xf32>
      %add3A_2444 = arith.addf %max3A_2439, %max3A_2443 : vector<16xf32>
      %max3A_2445 = arith.maximumf %get3A_2389, %get3A_2394 : vector<16xf32>
      %min3A_2446 = arith.minimumf %get3A_2389, %get3A_2394 : vector<16xf32>
      %max3A_2447 = arith.maximumf %get3A_2399, %get3A_2404 : vector<16xf32>
      %min3A_2448 = arith.minimumf %get3A_2399, %get3A_2404 : vector<16xf32>
      %max3A_2449 = arith.maximumf %max3A_2445, %max3A_2447 : vector<16xf32>
      %min3A_2450 = arith.minimumf %max3A_2445, %max3A_2447 : vector<16xf32>
      %ge3A_2451 = arith.cmpf oge, %max3A_2445, %max3A_2447 : vector<16xf32>
      %select_n3A_2452 = arith.select %ge3A_2451, %min3A_2446, %min3A_2448 : vector<16xi1>, vector<16xf32>
      %max3A_2453 = arith.maximumf %min3A_2450, %select_n3A_2452 : vector<16xf32>
      %add3A_2454 = arith.addf %max3A_2449, %max3A_2453 : vector<16xf32>
      %max3A_2455 = arith.maximumf %get3A_2409, %get3A_2414 : vector<16xf32>
      %min3A_2456 = arith.minimumf %get3A_2409, %get3A_2414 : vector<16xf32>
      %max3A_2457 = arith.maximumf %get3A_2419, %get3A_2424 : vector<16xf32>
      %min3A_2458 = arith.minimumf %get3A_2419, %get3A_2424 : vector<16xf32>
      %max3A_2459 = arith.maximumf %max3A_2455, %max3A_2457 : vector<16xf32>
      %min3A_2460 = arith.minimumf %max3A_2455, %max3A_2457 : vector<16xf32>
      %ge3A_2461 = arith.cmpf oge, %max3A_2455, %max3A_2457 : vector<16xf32>
      %select_n3A_2462 = arith.select %ge3A_2461, %min3A_2456, %min3A_2458 : vector<16xi1>, vector<16xf32>
      %max3A_2463 = arith.maximumf %min3A_2460, %select_n3A_2462 : vector<16xf32>
      %add3A_2464 = arith.addf %max3A_2459, %max3A_2463 : vector<16xf32>
      %broadcast_in_dim3A_2465 = arith.constant 0.000000e+00 : f32
      %broadcast_in_dim3A_2466 = vector.broadcast %broadcast_in_dim3A_2465 : f32 to vector<16xf32>
      %gt3A_2467 = arith.cmpf ogt, %add3A_2444, %add3A_2434 : vector<16xf32>
      %jit3A_2468 = arith.constant 1.000000e+00 : f32
      %jit3A_2469 = arith.constant 0.000000e+00 : f32
      %broadcast_in_dim3A_2470 = vector.broadcast %jit3A_2468 : f32 to vector<16xf32>
      %broadcast_in_dim3A_2471 = vector.broadcast %jit3A_2469 : f32 to vector<16xf32>
      %select_n3A_2472 = arith.select %gt3A_2467, %broadcast_in_dim3A_2470, %broadcast_in_dim3A_2471 : vector<16xi1>, vector<16xf32>
      %add3A_2473 = arith.addf %broadcast_in_dim3A_2466, %select_n3A_2472 : vector<16xf32>
      %gt3A_2474 = arith.cmpf ogt, %add3A_2454, %add3A_2434 : vector<16xf32>
      %jit3A_2475 = arith.constant 1.000000e+00 : f32
      %jit3A_2476 = arith.constant 0.000000e+00 : f32
      %broadcast_in_dim3A_2477 = vector.broadcast %jit3A_2475 : f32 to vector<16xf32>
      %broadcast_in_dim3A_2478 = vector.broadcast %jit3A_2476 : f32 to vector<16xf32>
      %select_n3A_2479 = arith.select %gt3A_2474, %broadcast_in_dim3A_2477, %broadcast_in_dim3A_2478 : vector<16xi1>, vector<16xf32>
      %add3A_2480 = arith.addf %add3A_2473, %select_n3A_2479 : vector<16xf32>
      %gt3A_2481 = arith.cmpf ogt, %add3A_2464, %add3A_2434 : vector<16xf32>
      %jit3A_2482 = arith.constant 1.000000e+00 : f32
      %jit3A_2483 = arith.constant 0.000000e+00 : f32
      %broadcast_in_dim3A_2484 = vector.broadcast %jit3A_2482 : f32 to vector<16xf32>
      %broadcast_in_dim3A_2485 = vector.broadcast %jit3A_2483 : f32 to vector<16xf32>
      %select_n3A_2486 = arith.select %gt3A_2481, %broadcast_in_dim3A_2484, %broadcast_in_dim3A_2485 : vector<16xi1>, vector<16xf32>
      %add3A_2487 = arith.addf %add3A_2480, %select_n3A_2486 : vector<16xf32>
      %lt3A_2488 = arith.constant 2.000000e+00 : f32
      %lt3A_2489 = vector.broadcast %lt3A_2488 : f32 to vector<16xf32>
      %lt3A_2490 = arith.cmpf olt, %add3A_2487, %lt3A_2489 : vector<16xf32>
      %jit3A_2491 = arith.constant 1.000000e+00 : f32
      %jit3A_2492 = arith.constant 0.000000e+00 : f32
      %broadcast_in_dim3A_2493 = vector.broadcast %jit3A_2491 : f32 to vector<16xf32>
      %broadcast_in_dim3A_2494 = vector.broadcast %jit3A_2492 : f32 to vector<16xf32>
      %select_n3A_2495 = arith.select %lt3A_2490, %broadcast_in_dim3A_2493, %broadcast_in_dim3A_2494 : vector<16xi1>, vector<16xf32>
      %broadcast_in_dim3A_2496 = arith.constant 0.000000e+00 : f32
      %broadcast_in_dim3A_2497 = vector.broadcast %broadcast_in_dim3A_2496 : f32 to vector<16xf32>
      %ge3A_2498 = arith.cmpf oge, %add3A_2434, %add3A_2444 : vector<16xf32>
      %jit3A_2499 = arith.constant 1.000000e+00 : f32
      %jit3A_2500 = arith.constant 0.000000e+00 : f32
      %broadcast_in_dim3A_2501 = vector.broadcast %jit3A_2499 : f32 to vector<16xf32>
      %broadcast_in_dim3A_2502 = vector.broadcast %jit3A_2500 : f32 to vector<16xf32>
      %select_n3A_2503 = arith.select %ge3A_2498, %broadcast_in_dim3A_2501, %broadcast_in_dim3A_2502 : vector<16xi1>, vector<16xf32>
      %add3A_2504 = arith.addf %broadcast_in_dim3A_2497, %select_n3A_2503 : vector<16xf32>
      %gt3A_2505 = arith.cmpf ogt, %add3A_2454, %add3A_2444 : vector<16xf32>
      %jit3A_2506 = arith.constant 1.000000e+00 : f32
      %jit3A_2507 = arith.constant 0.000000e+00 : f32
      %broadcast_in_dim3A_2508 = vector.broadcast %jit3A_2506 : f32 to vector<16xf32>
      %broadcast_in_dim3A_2509 = vector.broadcast %jit3A_2507 : f32 to vector<16xf32>
      %select_n3A_2510 = arith.select %gt3A_2505, %broadcast_in_dim3A_2508, %broadcast_in_dim3A_2509 : vector<16xi1>, vector<16xf32>
      %add3A_2511 = arith.addf %add3A_2504, %select_n3A_2510 : vector<16xf32>
      %gt3A_2512 = arith.cmpf ogt, %add3A_2464, %add3A_2444 : vector<16xf32>
      %jit3A_2513 = arith.constant 1.000000e+00 : f32
      %jit3A_2514 = arith.constant 0.000000e+00 : f32
      %broadcast_in_dim3A_2515 = vector.broadcast %jit3A_2513 : f32 to vector<16xf32>
      %broadcast_in_dim3A_2516 = vector.broadcast %jit3A_2514 : f32 to vector<16xf32>
      %select_n3A_2517 = arith.select %gt3A_2512, %broadcast_in_dim3A_2515, %broadcast_in_dim3A_2516 : vector<16xi1>, vector<16xf32>
      %add3A_2518 = arith.addf %add3A_2511, %select_n3A_2517 : vector<16xf32>
      %lt3A_2519 = arith.constant 2.000000e+00 : f32
      %lt3A_2520 = vector.broadcast %lt3A_2519 : f32 to vector<16xf32>
      %lt3A_2521 = arith.cmpf olt, %add3A_2518, %lt3A_2520 : vector<16xf32>
      %jit3A_2522 = arith.constant 1.000000e+00 : f32
      %jit3A_2523 = arith.constant 0.000000e+00 : f32
      %broadcast_in_dim3A_2524 = vector.broadcast %jit3A_2522 : f32 to vector<16xf32>
      %broadcast_in_dim3A_2525 = vector.broadcast %jit3A_2523 : f32 to vector<16xf32>
      %select_n3A_2526 = arith.select %lt3A_2521, %broadcast_in_dim3A_2524, %broadcast_in_dim3A_2525 : vector<16xi1>, vector<16xf32>
      %broadcast_in_dim3A_2527 = arith.constant 0.000000e+00 : f32
      %broadcast_in_dim3A_2528 = vector.broadcast %broadcast_in_dim3A_2527 : f32 to vector<16xf32>
      %ge3A_2529 = arith.cmpf oge, %add3A_2434, %add3A_2454 : vector<16xf32>
      %jit3A_2530 = arith.constant 1.000000e+00 : f32
      %jit3A_2531 = arith.constant 0.000000e+00 : f32
      %broadcast_in_dim3A_2532 = vector.broadcast %jit3A_2530 : f32 to vector<16xf32>
      %broadcast_in_dim3A_2533 = vector.broadcast %jit3A_2531 : f32 to vector<16xf32>
      %select_n3A_2534 = arith.select %ge3A_2529, %broadcast_in_dim3A_2532, %broadcast_in_dim3A_2533 : vector<16xi1>, vector<16xf32>
      %add3A_2535 = arith.addf %broadcast_in_dim3A_2528, %select_n3A_2534 : vector<16xf32>
      %ge3A_2536 = arith.cmpf oge, %add3A_2444, %add3A_2454 : vector<16xf32>
      %jit3A_2537 = arith.constant 1.000000e+00 : f32
      %jit3A_2538 = arith.constant 0.000000e+00 : f32
      %broadcast_in_dim3A_2539 = vector.broadcast %jit3A_2537 : f32 to vector<16xf32>
      %broadcast_in_dim3A_2540 = vector.broadcast %jit3A_2538 : f32 to vector<16xf32>
      %select_n3A_2541 = arith.select %ge3A_2536, %broadcast_in_dim3A_2539, %broadcast_in_dim3A_2540 : vector<16xi1>, vector<16xf32>
      %add3A_2542 = arith.addf %add3A_2535, %select_n3A_2541 : vector<16xf32>
      %gt3A_2543 = arith.cmpf ogt, %add3A_2464, %add3A_2454 : vector<16xf32>
      %jit3A_2544 = arith.constant 1.000000e+00 : f32
      %jit3A_2545 = arith.constant 0.000000e+00 : f32
      %broadcast_in_dim3A_2546 = vector.broadcast %jit3A_2544 : f32 to vector<16xf32>
      %broadcast_in_dim3A_2547 = vector.broadcast %jit3A_2545 : f32 to vector<16xf32>
      %select_n3A_2548 = arith.select %gt3A_2543, %broadcast_in_dim3A_2546, %broadcast_in_dim3A_2547 : vector<16xi1>, vector<16xf32>
      %add3A_2549 = arith.addf %add3A_2542, %select_n3A_2548 : vector<16xf32>
      %lt3A_2550 = arith.constant 2.000000e+00 : f32
      %lt3A_2551 = vector.broadcast %lt3A_2550 : f32 to vector<16xf32>
      %lt3A_2552 = arith.cmpf olt, %add3A_2549, %lt3A_2551 : vector<16xf32>
      %jit3A_2553 = arith.constant 1.000000e+00 : f32
      %jit3A_2554 = arith.constant 0.000000e+00 : f32
      %broadcast_in_dim3A_2555 = vector.broadcast %jit3A_2553 : f32 to vector<16xf32>
      %broadcast_in_dim3A_2556 = vector.broadcast %jit3A_2554 : f32 to vector<16xf32>
      %select_n3A_2557 = arith.select %lt3A_2552, %broadcast_in_dim3A_2555, %broadcast_in_dim3A_2556 : vector<16xi1>, vector<16xf32>
      %broadcast_in_dim3A_2558 = arith.constant 0.000000e+00 : f32
      %broadcast_in_dim3A_2559 = vector.broadcast %broadcast_in_dim3A_2558 : f32 to vector<16xf32>
      %ge3A_2560 = arith.cmpf oge, %add3A_2434, %add3A_2464 : vector<16xf32>
      %jit3A_2561 = arith.constant 1.000000e+00 : f32
      %jit3A_2562 = arith.constant 0.000000e+00 : f32
      %broadcast_in_dim3A_2563 = vector.broadcast %jit3A_2561 : f32 to vector<16xf32>
      %broadcast_in_dim3A_2564 = vector.broadcast %jit3A_2562 : f32 to vector<16xf32>
      %select_n3A_2565 = arith.select %ge3A_2560, %broadcast_in_dim3A_2563, %broadcast_in_dim3A_2564 : vector<16xi1>, vector<16xf32>
      %add3A_2566 = arith.addf %broadcast_in_dim3A_2559, %select_n3A_2565 : vector<16xf32>
      %ge3A_2567 = arith.cmpf oge, %add3A_2444, %add3A_2464 : vector<16xf32>
      %jit3A_2568 = arith.constant 1.000000e+00 : f32
      %jit3A_2569 = arith.constant 0.000000e+00 : f32
      %broadcast_in_dim3A_2570 = vector.broadcast %jit3A_2568 : f32 to vector<16xf32>
      %broadcast_in_dim3A_2571 = vector.broadcast %jit3A_2569 : f32 to vector<16xf32>
      %select_n3A_2572 = arith.select %ge3A_2567, %broadcast_in_dim3A_2570, %broadcast_in_dim3A_2571 : vector<16xi1>, vector<16xf32>
      %add3A_2573 = arith.addf %add3A_2566, %select_n3A_2572 : vector<16xf32>
      %ge3A_2574 = arith.cmpf oge, %add3A_2454, %add3A_2464 : vector<16xf32>
      %jit3A_2575 = arith.constant 1.000000e+00 : f32
      %jit3A_2576 = arith.constant 0.000000e+00 : f32
      %broadcast_in_dim3A_2577 = vector.broadcast %jit3A_2575 : f32 to vector<16xf32>
      %broadcast_in_dim3A_2578 = vector.broadcast %jit3A_2576 : f32 to vector<16xf32>
      %select_n3A_2579 = arith.select %ge3A_2574, %broadcast_in_dim3A_2577, %broadcast_in_dim3A_2578 : vector<16xi1>, vector<16xf32>
      %add3A_2580 = arith.addf %add3A_2573, %select_n3A_2579 : vector<16xf32>
      %lt3A_2581 = arith.constant 2.000000e+00 : f32
      %lt3A_2582 = vector.broadcast %lt3A_2581 : f32 to vector<16xf32>
      %lt3A_2583 = arith.cmpf olt, %add3A_2580, %lt3A_2582 : vector<16xf32>
      %jit3A_2584 = arith.constant 1.000000e+00 : f32
      %jit3A_2585 = arith.constant 0.000000e+00 : f32
      %broadcast_in_dim3A_2586 = vector.broadcast %jit3A_2584 : f32 to vector<16xf32>
      %broadcast_in_dim3A_2587 = vector.broadcast %jit3A_2585 : f32 to vector<16xf32>
      %select_n3A_2588 = arith.select %lt3A_2583, %broadcast_in_dim3A_2586, %broadcast_in_dim3A_2587 : vector<16xi1>, vector<16xf32>
      %get3A_2589 = arith.constant 0 : i32
      %get3A_2590 = arith.index_cast %get3A_2589 : i32 to index
      %get3A_2591 = arith.constant 80 : index
      %get3A_2592 = tpu.vector_load %arg5[%get3A_2590, %get3A_2591] {strides = array<i32>} : memref<16x128xf32, #tpu.memory_space<vmem>>, vector<1x16xf32>,
      %get3A_2593 = vector.shape_cast %get3A_2592 : vector<1x16xf32> to vector<16xf32>
      %mul3A_2594 = arith.mulf %select_n3A_2495, %get3A_2593 : vector<16xf32>
      %get3A_2595 = arith.constant 1 : i32
      %get3A_2596 = arith.index_cast %get3A_2595 : i32 to index
      %get3A_2597 = arith.constant 80 : index
      %get3A_2598 = tpu.vector_load %arg5[%get3A_2596, %get3A_2597] {strides = array<i32>} : memref<16x128xf32, #tpu.memory_space<vmem>>, vector<1x16xf32>,
      %get3A_2599 = vector.shape_cast %get3A_2598 : vector<1x16xf32> to vector<16xf32>
      %mul3A_2600 = arith.mulf %select_n3A_2495, %get3A_2599 : vector<16xf32>
      %get3A_2601 = arith.constant 2 : i32
      %get3A_2602 = arith.index_cast %get3A_2601 : i32 to index
      %get3A_2603 = arith.constant 80 : index
      %get3A_2604 = tpu.vector_load %arg5[%get3A_2602, %get3A_2603] {strides = array<i32>} : memref<16x128xf32, #tpu.memory_space<vmem>>, vector<1x16xf32>,
      %get3A_2605 = vector.shape_cast %get3A_2604 : vector<1x16xf32> to vector<16xf32>
      %mul3A_2606 = arith.mulf %select_n3A_2495, %get3A_2605 : vector<16xf32>
      %get3A_2607 = arith.constant 3 : i32
      %get3A_2608 = arith.index_cast %get3A_2607 : i32 to index
      %get3A_2609 = arith.constant 80 : index
      %get3A_2610 = tpu.vector_load %arg5[%get3A_2608, %get3A_2609] {strides = array<i32>} : memref<16x128xf32, #tpu.memory_space<vmem>>, vector<1x16xf32>,
      %get3A_2611 = vector.shape_cast %get3A_2610 : vector<1x16xf32> to vector<16xf32>
      %mul3A_2612 = arith.mulf %select_n3A_2495, %get3A_2611 : vector<16xf32>
      %get3A_2613 = arith.constant 4 : i32
      %get3A_2614 = arith.index_cast %get3A_2613 : i32 to index
      %get3A_2615 = arith.constant 80 : index
      %get3A_2616 = tpu.vector_load %arg5[%get3A_2614, %get3A_2615] {strides = array<i32>} : memref<16x128xf32, #tpu.memory_space<vmem>>, vector<1x16xf32>,
      %get3A_2617 = vector.shape_cast %get3A_2616 : vector<1x16xf32> to vector<16xf32>
      %mul3A_2618 = arith.mulf %select_n3A_2526, %get3A_2617 : vector<16xf32>
      %get3A_2619 = arith.constant 5 : i32
      %get3A_2620 = arith.index_cast %get3A_2619 : i32 to index
      %get3A_2621 = arith.constant 80 : index
      %get3A_2622 = tpu.vector_load %arg5[%get3A_2620, %get3A_2621] {strides = array<i32>} : memref<16x128xf32, #tpu.memory_space<vmem>>, vector<1x16xf32>,
      %get3A_2623 = vector.shape_cast %get3A_2622 : vector<1x16xf32> to vector<16xf32>
      %mul3A_2624 = arith.mulf %select_n3A_2526, %get3A_2623 : vector<16xf32>
      %get3A_2625 = arith.constant 6 : i32
      %get3A_2626 = arith.index_cast %get3A_2625 : i32 to index
      %get3A_2627 = arith.constant 80 : index
      %get3A_2628 = tpu.vector_load %arg5[%get3A_2626, %get3A_2627] {strides = array<i32>} : memref<16x128xf32, #tpu.memory_space<vmem>>, vector<1x16xf32>,
      %get3A_2629 = vector.shape_cast %get3A_2628 : vector<1x16xf32> to vector<16xf32>
      %mul3A_2630 = arith.mulf %select_n3A_2526, %get3A_2629 : vector<16xf32>
      %get3A_2631 = arith.constant 7 : i32
      %get3A_2632 = arith.index_cast %get3A_2631 : i32 to index
      %get3A_2633 = arith.constant 80 : index
      %get3A_2634 = tpu.vector_load %arg5[%get3A_2632, %get3A_2633] {strides = array<i32>} : memref<16x128xf32, #tpu.memory_space<vmem>>, vector<1x16xf32>,
      %get3A_2635 = vector.shape_cast %get3A_2634 : vector<1x16xf32> to vector<16xf32>
      %mul3A_2636 = arith.mulf %select_n3A_2526, %get3A_2635 : vector<16xf32>
      %get3A_2637 = arith.constant 8 : i32
      %get3A_2638 = arith.index_cast %get3A_2637 : i32 to index
      %get3A_2639 = arith.constant 80 : index
      %get3A_2640 = tpu.vector_load %arg5[%get3A_2638, %get3A_2639] {strides = array<i32>} : memref<16x128xf32, #tpu.memory_space<vmem>>, vector<1x16xf32>,
      %get3A_2641 = vector.shape_cast %get3A_2640 : vector<1x16xf32> to vector<16xf32>
      %mul3A_2642 = arith.mulf %select_n3A_2557, %get3A_2641 : vector<16xf32>
      %get3A_2643 = arith.constant 9 : i32
      %get3A_2644 = arith.index_cast %get3A_2643 : i32 to index
      %get3A_2645 = arith.constant 80 : index
      %get3A_2646 = tpu.vector_load %arg5[%get3A_2644, %get3A_2645] {strides = array<i32>} : memref<16x128xf32, #tpu.memory_space<vmem>>, vector<1x16xf32>,
      %get3A_2647 = vector.shape_cast %get3A_2646 : vector<1x16xf32> to vector<16xf32>
      %mul3A_2648 = arith.mulf %select_n3A_2557, %get3A_2647 : vector<16xf32>
      %get3A_2649 = arith.constant 10 : i32
      %get3A_2650 = arith.index_cast %get3A_2649 : i32 to index
      %get3A_2651 = arith.constant 80 : index
      %get3A_2652 = tpu.vector_load %arg5[%get3A_2650, %get3A_2651] {strides = array<i32>} : memref<16x128xf32, #tpu.memory_space<vmem>>, vector<1x16xf32>,
      %get3A_2653 = vector.shape_cast %get3A_2652 : vector<1x16xf32> to vector<16xf32>
      %mul3A_2654 = arith.mulf %select_n3A_2557, %get3A_2653 : vector<16xf32>
      %get3A_2655 = arith.constant 11 : i32
      %get3A_2656 = arith.index_cast %get3A_2655 : i32 to index
      %get3A_2657 = arith.constant 80 : index
      %get3A_2658 = tpu.vector_load %arg5[%get3A_2656, %get3A_2657] {strides = array<i32>} : memref<16x128xf32, #tpu.memory_space<vmem>>, vector<1x16xf32>,
      %get3A_2659 = vector.shape_cast %get3A_2658 : vector<1x16xf32> to vector<16xf32>
      %mul3A_2660 = arith.mulf %select_n3A_2557, %get3A_2659 : vector<16xf32>
      %get3A_2661 = arith.constant 12 : i32
      %get3A_2662 = arith.index_cast %get3A_2661 : i32 to index
      %get3A_2663 = arith.constant 80 : index
      %get3A_2664 = tpu.vector_load %arg5[%get3A_2662, %get3A_2663] {strides = array<i32>} : memref<16x128xf32, #tpu.memory_space<vmem>>, vector<1x16xf32>,
      %get3A_2665 = vector.shape_cast %get3A_2664 : vector<1x16xf32> to vector<16xf32>
      %mul3A_2666 = arith.mulf %select_n3A_2588, %get3A_2665 : vector<16xf32>
      %get3A_2667 = arith.constant 13 : i32
      %get3A_2668 = arith.index_cast %get3A_2667 : i32 to index
      %get3A_2669 = arith.constant 80 : index
      %get3A_2670 = tpu.vector_load %arg5[%get3A_2668, %get3A_2669] {strides = array<i32>} : memref<16x128xf32, #tpu.memory_space<vmem>>, vector<1x16xf32>,
      %get3A_2671 = vector.shape_cast %get3A_2670 : vector<1x16xf32> to vector<16xf32>
      %mul3A_2672 = arith.mulf %select_n3A_2588, %get3A_2671 : vector<16xf32>
      %get3A_2673 = arith.constant 14 : i32
      %get3A_2674 = arith.index_cast %get3A_2673 : i32 to index
      %get3A_2675 = arith.constant 80 : index
      %get3A_2676 = tpu.vector_load %arg5[%get3A_2674, %get3A_2675] {strides = array<i32>} : memref<16x128xf32, #tpu.memory_space<vmem>>, vector<1x16xf32>,
      %get3A_2677 = vector.shape_cast %get3A_2676 : vector<1x16xf32> to vector<16xf32>
      %mul3A_2678 = arith.mulf %select_n3A_2588, %get3A_2677 : vector<16xf32>
      %get3A_2679 = arith.constant 15 : i32
      %get3A_2680 = arith.index_cast %get3A_2679 : i32 to index
      %get3A_2681 = arith.constant 80 : index
      %get3A_2682 = tpu.vector_load %arg5[%get3A_2680, %get3A_2681] {strides = array<i32>} : memref<16x128xf32, #tpu.memory_space<vmem>>, vector<1x16xf32>,
      %get3A_2683 = vector.shape_cast %get3A_2682 : vector<1x16xf32> to vector<16xf32>
      %mul3A_2684 = arith.mulf %select_n3A_2588, %get3A_2683 : vector<16xf32>
      %add3A_2685 = arith.addf %mul3A_2594, %mul3A_2600 : vector<16xf32>
      %add3A_2686 = arith.addf %add3A_2685, %mul3A_2606 : vector<16xf32>
      %add3A_2687 = arith.addf %add3A_2686, %mul3A_2612 : vector<16xf32>
      %add3A_2688 = arith.addf %add3A_2687, %mul3A_2618 : vector<16xf32>
      %add3A_2689 = arith.addf %add3A_2688, %mul3A_2624 : vector<16xf32>
      %add3A_2690 = arith.addf %add3A_2689, %mul3A_2630 : vector<16xf32>
      %add3A_2691 = arith.addf %add3A_2690, %mul3A_2636 : vector<16xf32>
      %add3A_2692 = arith.addf %add3A_2691, %mul3A_2642 : vector<16xf32>
      %add3A_2693 = arith.addf %add3A_2692, %mul3A_2648 : vector<16xf32>
      %add3A_2694 = arith.addf %add3A_2693, %mul3A_2654 : vector<16xf32>
      %add3A_2695 = arith.addf %add3A_2694, %mul3A_2660 : vector<16xf32>
      %add3A_2696 = arith.addf %add3A_2695, %mul3A_2666 : vector<16xf32>
      %add3A_2697 = arith.addf %add3A_2696, %mul3A_2672 : vector<16xf32>
      %add3A_2698 = arith.addf %add3A_2697, %mul3A_2678 : vector<16xf32>
      %add3A_2699 = arith.addf %add3A_2698, %mul3A_2684 : vector<16xf32>
      %add3A_2700 = arith.constant 9.99999968E-21 : f32
      %add3A_2701 = vector.broadcast %add3A_2700 : f32 to vector<16xf32>
      %add3A_2702 = arith.addf %add3A_2699, %add3A_2701 : vector<16xf32>
      %div3A_2703 = arith.divf %mul3A_2594, %add3A_2702 : vector<16xf32>
      %swap3A_2704 = arith.constant 0 : i32
      %swap3A_2705 = arith.index_cast %swap3A_2704 : i32 to index
      %swap3A_2706 = arith.constant 80 : index
      %swap3A_2707 = tpu.vector_load %arg7[%swap3A_2705, %swap3A_2706] {strides = array<i32>} : memref<16x128xf32, #tpu.memory_space<vmem>>, vector<1x16xf32>,
      %swap3A_2708 = vector.shape_cast %swap3A_2707 : vector<1x16xf32> to vector<16xf32>
      %swap3A_2709 = vector.shape_cast %div3A_2703 : vector<16xf32> to vector<1x16xf32>
      tpu.vector_store %arg7[%swap3A_2705, %swap3A_2706], %swap3A_2709 {strides = array<i32>} : memref<16x128xf32, #tpu.memory_space<vmem>>, vector<1x16xf32>,
      %div3A_2710 = arith.divf %mul3A_2600, %add3A_2702 : vector<16xf32>
      %swap3A_2711 = arith.constant 1 : i32
      %swap3A_2712 = arith.index_cast %swap3A_2711 : i32 to index
      %swap3A_2713 = arith.constant 80 : index
      %swap3A_2714 = tpu.vector_load %arg7[%swap3A_2712, %swap3A_2713] {strides = array<i32>} : memref<16x128xf32, #tpu.memory_space<vmem>>, vector<1x16xf32>,
      %swap3A_2715 = vector.shape_cast %swap3A_2714 : vector<1x16xf32> to vector<16xf32>
      %swap3A_2716 = vector.shape_cast %div3A_2710 : vector<16xf32> to vector<1x16xf32>
      tpu.vector_store %arg7[%swap3A_2712, %swap3A_2713], %swap3A_2716 {strides = array<i32>} : memref<16x128xf32, #tpu.memory_space<vmem>>, vector<1x16xf32>,
      %div3A_2717 = arith.divf %mul3A_2606, %add3A_2702 : vector<16xf32>
      %swap3A_2718 = arith.constant 2 : i32
      %swap3A_2719 = arith.index_cast %swap3A_2718 : i32 to index
      %swap3A_2720 = arith.constant 80 : index
      %swap3A_2721 = tpu.vector_load %arg7[%swap3A_2719, %swap3A_2720] {strides = array<i32>} : memref<16x128xf32, #tpu.memory_space<vmem>>, vector<1x16xf32>,
      %swap3A_2722 = vector.shape_cast %swap3A_2721 : vector<1x16xf32> to vector<16xf32>
      %swap3A_2723 = vector.shape_cast %div3A_2717 : vector<16xf32> to vector<1x16xf32>
      tpu.vector_store %arg7[%swap3A_2719, %swap3A_2720], %swap3A_2723 {strides = array<i32>} : memref<16x128xf32, #tpu.memory_space<vmem>>, vector<1x16xf32>,
      %div3A_2724 = arith.divf %mul3A_2612, %add3A_2702 : vector<16xf32>
      %swap3A_2725 = arith.constant 3 : i32
      %swap3A_2726 = arith.index_cast %swap3A_2725 : i32 to index
      %swap3A_2727 = arith.constant 80 : index
      %swap3A_2728 = tpu.vector_load %arg7[%swap3A_2726, %swap3A_2727] {strides = array<i32>} : memref<16x128xf32, #tpu.memory_space<vmem>>, vector<1x16xf32>,
      %swap3A_2729 = vector.shape_cast %swap3A_2728 : vector<1x16xf32> to vector<16xf32>
      %swap3A_2730 = vector.shape_cast %div3A_2724 : vector<16xf32> to vector<1x16xf32>
      tpu.vector_store %arg7[%swap3A_2726, %swap3A_2727], %swap3A_2730 {strides = array<i32>} : memref<16x128xf32, #tpu.memory_space<vmem>>, vector<1x16xf32>,
      %div3A_2731 = arith.divf %mul3A_2618, %add3A_2702 : vector<16xf32>
      %swap3A_2732 = arith.constant 4 : i32
      %swap3A_2733 = arith.index_cast %swap3A_2732 : i32 to index
      %swap3A_2734 = arith.constant 80 : index
      %swap3A_2735 = tpu.vector_load %arg7[%swap3A_2733, %swap3A_2734] {strides = array<i32>} : memref<16x128xf32, #tpu.memory_space<vmem>>, vector<1x16xf32>,
      %swap3A_2736 = vector.shape_cast %swap3A_2735 : vector<1x16xf32> to vector<16xf32>
      %swap3A_2737 = vector.shape_cast %div3A_2731 : vector<16xf32> to vector<1x16xf32>
      tpu.vector_store %arg7[%swap3A_2733, %swap3A_2734], %swap3A_2737 {strides = array<i32>} : memref<16x128xf32, #tpu.memory_space<vmem>>, vector<1x16xf32>,
      %div3A_2738 = arith.divf %mul3A_2624, %add3A_2702 : vector<16xf32>
      %swap3A_2739 = arith.constant 5 : i32
      %swap3A_2740 = arith.index_cast %swap3A_2739 : i32 to index
      %swap3A_2741 = arith.constant 80 : index
      %swap3A_2742 = tpu.vector_load %arg7[%swap3A_2740, %swap3A_2741] {strides = array<i32>} : memref<16x128xf32, #tpu.memory_space<vmem>>, vector<1x16xf32>,
      %swap3A_2743 = vector.shape_cast %swap3A_2742 : vector<1x16xf32> to vector<16xf32>
      %swap3A_2744 = vector.shape_cast %div3A_2738 : vector<16xf32> to vector<1x16xf32>
      tpu.vector_store %arg7[%swap3A_2740, %swap3A_2741], %swap3A_2744 {strides = array<i32>} : memref<16x128xf32, #tpu.memory_space<vmem>>, vector<1x16xf32>,
      %div3A_2745 = arith.divf %mul3A_2630, %add3A_2702 : vector<16xf32>
      %swap3A_2746 = arith.constant 6 : i32
      %swap3A_2747 = arith.index_cast %swap3A_2746 : i32 to index
      %swap3A_2748 = arith.constant 80 : index
      %swap3A_2749 = tpu.vector_load %arg7[%swap3A_2747, %swap3A_2748] {strides = array<i32>} : memref<16x128xf32, #tpu.memory_space<vmem>>, vector<1x16xf32>,
      %swap3A_2750 = vector.shape_cast %swap3A_2749 : vector<1x16xf32> to vector<16xf32>
      %swap3A_2751 = vector.shape_cast %div3A_2745 : vector<16xf32> to vector<1x16xf32>
      tpu.vector_store %arg7[%swap3A_2747, %swap3A_2748], %swap3A_2751 {strides = array<i32>} : memref<16x128xf32, #tpu.memory_space<vmem>>, vector<1x16xf32>,
      %div3A_2752 = arith.divf %mul3A_2636, %add3A_2702 : vector<16xf32>
      %swap3A_2753 = arith.constant 7 : i32
      %swap3A_2754 = arith.index_cast %swap3A_2753 : i32 to index
      %swap3A_2755 = arith.constant 80 : index
      %swap3A_2756 = tpu.vector_load %arg7[%swap3A_2754, %swap3A_2755] {strides = array<i32>} : memref<16x128xf32, #tpu.memory_space<vmem>>, vector<1x16xf32>,
      %swap3A_2757 = vector.shape_cast %swap3A_2756 : vector<1x16xf32> to vector<16xf32>
      %swap3A_2758 = vector.shape_cast %div3A_2752 : vector<16xf32> to vector<1x16xf32>
      tpu.vector_store %arg7[%swap3A_2754, %swap3A_2755], %swap3A_2758 {strides = array<i32>} : memref<16x128xf32, #tpu.memory_space<vmem>>, vector<1x16xf32>,
      %div3A_2759 = arith.divf %mul3A_2642, %add3A_2702 : vector<16xf32>
      %swap3A_2760 = arith.constant 8 : i32
      %swap3A_2761 = arith.index_cast %swap3A_2760 : i32 to index
      %swap3A_2762 = arith.constant 80 : index
      %swap3A_2763 = tpu.vector_load %arg7[%swap3A_2761, %swap3A_2762] {strides = array<i32>} : memref<16x128xf32, #tpu.memory_space<vmem>>, vector<1x16xf32>,
      %swap3A_2764 = vector.shape_cast %swap3A_2763 : vector<1x16xf32> to vector<16xf32>
      %swap3A_2765 = vector.shape_cast %div3A_2759 : vector<16xf32> to vector<1x16xf32>
      tpu.vector_store %arg7[%swap3A_2761, %swap3A_2762], %swap3A_2765 {strides = array<i32>} : memref<16x128xf32, #tpu.memory_space<vmem>>, vector<1x16xf32>,
      %div3A_2766 = arith.divf %mul3A_2648, %add3A_2702 : vector<16xf32>
      %swap3A_2767 = arith.constant 9 : i32
      %swap3A_2768 = arith.index_cast %swap3A_2767 : i32 to index
      %swap3A_2769 = arith.constant 80 : index
      %swap3A_2770 = tpu.vector_load %arg7[%swap3A_2768, %swap3A_2769] {strides = array<i32>} : memref<16x128xf32, #tpu.memory_space<vmem>>, vector<1x16xf32>,
      %swap3A_2771 = vector.shape_cast %swap3A_2770 : vector<1x16xf32> to vector<16xf32>
      %swap3A_2772 = vector.shape_cast %div3A_2766 : vector<16xf32> to vector<1x16xf32>
      tpu.vector_store %arg7[%swap3A_2768, %swap3A_2769], %swap3A_2772 {strides = array<i32>} : memref<16x128xf32, #tpu.memory_space<vmem>>, vector<1x16xf32>,
      %div3A_2773 = arith.divf %mul3A_2654, %add3A_2702 : vector<16xf32>
      %swap3A_2774 = arith.constant 10 : i32
      %swap3A_2775 = arith.index_cast %swap3A_2774 : i32 to index
      %swap3A_2776 = arith.constant 80 : index
      %swap3A_2777 = tpu.vector_load %arg7[%swap3A_2775, %swap3A_2776] {strides = array<i32>} : memref<16x128xf32, #tpu.memory_space<vmem>>, vector<1x16xf32>,
      %swap3A_2778 = vector.shape_cast %swap3A_2777 : vector<1x16xf32> to vector<16xf32>
      %swap3A_2779 = vector.shape_cast %div3A_2773 : vector<16xf32> to vector<1x16xf32>
      tpu.vector_store %arg7[%swap3A_2775, %swap3A_2776], %swap3A_2779 {strides = array<i32>} : memref<16x128xf32, #tpu.memory_space<vmem>>, vector<1x16xf32>,
      %div3A_2780 = arith.divf %mul3A_2660, %add3A_2702 : vector<16xf32>
      %swap3A_2781 = arith.constant 11 : i32
      %swap3A_2782 = arith.index_cast %swap3A_2781 : i32 to index
      %swap3A_2783 = arith.constant 80 : index
      %swap3A_2784 = tpu.vector_load %arg7[%swap3A_2782, %swap3A_2783] {strides = array<i32>} : memref<16x128xf32, #tpu.memory_space<vmem>>, vector<1x16xf32>,
      %swap3A_2785 = vector.shape_cast %swap3A_2784 : vector<1x16xf32> to vector<16xf32>
      %swap3A_2786 = vector.shape_cast %div3A_2780 : vector<16xf32> to vector<1x16xf32>
      tpu.vector_store %arg7[%swap3A_2782, %swap3A_2783], %swap3A_2786 {strides = array<i32>} : memref<16x128xf32, #tpu.memory_space<vmem>>, vector<1x16xf32>,
      %div3A_2787 = arith.divf %mul3A_2666, %add3A_2702 : vector<16xf32>
      %swap3A_2788 = arith.constant 12 : i32
      %swap3A_2789 = arith.index_cast %swap3A_2788 : i32 to index
      %swap3A_2790 = arith.constant 80 : index
      %swap3A_2791 = tpu.vector_load %arg7[%swap3A_2789, %swap3A_2790] {strides = array<i32>} : memref<16x128xf32, #tpu.memory_space<vmem>>, vector<1x16xf32>,
      %swap3A_2792 = vector.shape_cast %swap3A_2791 : vector<1x16xf32> to vector<16xf32>
      %swap3A_2793 = vector.shape_cast %div3A_2787 : vector<16xf32> to vector<1x16xf32>
      tpu.vector_store %arg7[%swap3A_2789, %swap3A_2790], %swap3A_2793 {strides = array<i32>} : memref<16x128xf32, #tpu.memory_space<vmem>>, vector<1x16xf32>,
      %div3A_2794 = arith.divf %mul3A_2672, %add3A_2702 : vector<16xf32>
      %swap3A_2795 = arith.constant 13 : i32
      %swap3A_2796 = arith.index_cast %swap3A_2795 : i32 to index
      %swap3A_2797 = arith.constant 80 : index
      %swap3A_2798 = tpu.vector_load %arg7[%swap3A_2796, %swap3A_2797] {strides = array<i32>} : memref<16x128xf32, #tpu.memory_space<vmem>>, vector<1x16xf32>,
      %swap3A_2799 = vector.shape_cast %swap3A_2798 : vector<1x16xf32> to vector<16xf32>
      %swap3A_2800 = vector.shape_cast %div3A_2794 : vector<16xf32> to vector<1x16xf32>
      tpu.vector_store %arg7[%swap3A_2796, %swap3A_2797], %swap3A_2800 {strides = array<i32>} : memref<16x128xf32, #tpu.memory_space<vmem>>, vector<1x16xf32>,
      %div3A_2801 = arith.divf %mul3A_2678, %add3A_2702 : vector<16xf32>
      %swap3A_2802 = arith.constant 14 : i32
      %swap3A_2803 = arith.index_cast %swap3A_2802 : i32 to index
      %swap3A_2804 = arith.constant 80 : index
      %swap3A_2805 = tpu.vector_load %arg7[%swap3A_2803, %swap3A_2804] {strides = array<i32>} : memref<16x128xf32, #tpu.memory_space<vmem>>, vector<1x16xf32>,
      %swap3A_2806 = vector.shape_cast %swap3A_2805 : vector<1x16xf32> to vector<16xf32>
      %swap3A_2807 = vector.shape_cast %div3A_2801 : vector<16xf32> to vector<1x16xf32>
      tpu.vector_store %arg7[%swap3A_2803, %swap3A_2804], %swap3A_2807 {strides = array<i32>} : memref<16x128xf32, #tpu.memory_space<vmem>>, vector<1x16xf32>,
      %div3A_2808 = arith.divf %mul3A_2684, %add3A_2702 : vector<16xf32>
      %swap3A_2809 = arith.constant 15 : i32
      %swap3A_2810 = arith.index_cast %swap3A_2809 : i32 to index
      %swap3A_2811 = arith.constant 80 : index
      %swap3A_2812 = tpu.vector_load %arg7[%swap3A_2810, %swap3A_2811] {strides = array<i32>} : memref<16x128xf32, #tpu.memory_space<vmem>>, vector<1x16xf32>,
      %swap3A_2813 = vector.shape_cast %swap3A_2812 : vector<1x16xf32> to vector<16xf32>
      %swap3A_2814 = vector.shape_cast %div3A_2808 : vector<16xf32> to vector<1x16xf32>
      tpu.vector_store %arg7[%swap3A_2810, %swap3A_2811], %swap3A_2814 {strides = array<i32>} : memref<16x128xf32, #tpu.memory_space<vmem>>, vector<1x16xf32>,
      %get3A_2815 = arith.constant 0 : i32
      %get3A_2816 = arith.index_cast %get3A_2815 : i32 to index
      %get3A_2817 = arith.constant 96 : index
      %get3A_2818 = tpu.vector_load %arg6[%get3A_2816, %get3A_2817] {strides = array<i32>} : memref<16x128xf32, #tpu.memory_space<vmem>>, vector<1x16xf32>,
      %get3A_2819 = vector.shape_cast %get3A_2818 : vector<1x16xf32> to vector<16xf32>
      %get3A_2820 = arith.constant 1 : i32
      %get3A_2821 = arith.index_cast %get3A_2820 : i32 to index
      %get3A_2822 = arith.constant 96 : index
      %get3A_2823 = tpu.vector_load %arg6[%get3A_2821, %get3A_2822] {strides = array<i32>} : memref<16x128xf32, #tpu.memory_space<vmem>>, vector<1x16xf32>,
      %get3A_2824 = vector.shape_cast %get3A_2823 : vector<1x16xf32> to vector<16xf32>
      %get3A_2825 = arith.constant 2 : i32
      %get3A_2826 = arith.index_cast %get3A_2825 : i32 to index
      %get3A_2827 = arith.constant 96 : index
      %get3A_2828 = tpu.vector_load %arg6[%get3A_2826, %get3A_2827] {strides = array<i32>} : memref<16x128xf32, #tpu.memory_space<vmem>>, vector<1x16xf32>,
      %get3A_2829 = vector.shape_cast %get3A_2828 : vector<1x16xf32> to vector<16xf32>
      %get3A_2830 = arith.constant 3 : i32
      %get3A_2831 = arith.index_cast %get3A_2830 : i32 to index
      %get3A_2832 = arith.constant 96 : index
      %get3A_2833 = tpu.vector_load %arg6[%get3A_2831, %get3A_2832] {strides = array<i32>} : memref<16x128xf32, #tpu.memory_space<vmem>>, vector<1x16xf32>,
      %get3A_2834 = vector.shape_cast %get3A_2833 : vector<1x16xf32> to vector<16xf32>
      %get3A_2835 = arith.constant 4 : i32
      %get3A_2836 = arith.index_cast %get3A_2835 : i32 to index
      %get3A_2837 = arith.constant 96 : index
      %get3A_2838 = tpu.vector_load %arg6[%get3A_2836, %get3A_2837] {strides = array<i32>} : memref<16x128xf32, #tpu.memory_space<vmem>>, vector<1x16xf32>,
      %get3A_2839 = vector.shape_cast %get3A_2838 : vector<1x16xf32> to vector<16xf32>
      %get3A_2840 = arith.constant 5 : i32
      %get3A_2841 = arith.index_cast %get3A_2840 : i32 to index
      %get3A_2842 = arith.constant 96 : index
      %get3A_2843 = tpu.vector_load %arg6[%get3A_2841, %get3A_2842] {strides = array<i32>} : memref<16x128xf32, #tpu.memory_space<vmem>>, vector<1x16xf32>,
      %get3A_2844 = vector.shape_cast %get3A_2843 : vector<1x16xf32> to vector<16xf32>
      %get3A_2845 = arith.constant 6 : i32
      %get3A_2846 = arith.index_cast %get3A_2845 : i32 to index
      %get3A_2847 = arith.constant 96 : index
      %get3A_2848 = tpu.vector_load %arg6[%get3A_2846, %get3A_2847] {strides = array<i32>} : memref<16x128xf32, #tpu.memory_space<vmem>>, vector<1x16xf32>,
      %get3A_2849 = vector.shape_cast %get3A_2848 : vector<1x16xf32> to vector<16xf32>
      %get3A_2850 = arith.constant 7 : i32
      %get3A_2851 = arith.index_cast %get3A_2850 : i32 to index
      %get3A_2852 = arith.constant 96 : index
      %get3A_2853 = tpu.vector_load %arg6[%get3A_2851, %get3A_2852] {strides = array<i32>} : memref<16x128xf32, #tpu.memory_space<vmem>>, vector<1x16xf32>,
      %get3A_2854 = vector.shape_cast %get3A_2853 : vector<1x16xf32> to vector<16xf32>
      %get3A_2855 = arith.constant 8 : i32
      %get3A_2856 = arith.index_cast %get3A_2855 : i32 to index
      %get3A_2857 = arith.constant 96 : index
      %get3A_2858 = tpu.vector_load %arg6[%get3A_2856, %get3A_2857] {strides = array<i32>} : memref<16x128xf32, #tpu.memory_space<vmem>>, vector<1x16xf32>,
      %get3A_2859 = vector.shape_cast %get3A_2858 : vector<1x16xf32> to vector<16xf32>
      %get3A_2860 = arith.constant 9 : i32
      %get3A_2861 = arith.index_cast %get3A_2860 : i32 to index
      %get3A_2862 = arith.constant 96 : index
      %get3A_2863 = tpu.vector_load %arg6[%get3A_2861, %get3A_2862] {strides = array<i32>} : memref<16x128xf32, #tpu.memory_space<vmem>>, vector<1x16xf32>,
      %get3A_2864 = vector.shape_cast %get3A_2863 : vector<1x16xf32> to vector<16xf32>
      %get3A_2865 = arith.constant 10 : i32
      %get3A_2866 = arith.index_cast %get3A_2865 : i32 to index
      %get3A_2867 = arith.constant 96 : index
      %get3A_2868 = tpu.vector_load %arg6[%get3A_2866, %get3A_2867] {strides = array<i32>} : memref<16x128xf32, #tpu.memory_space<vmem>>, vector<1x16xf32>,
      %get3A_2869 = vector.shape_cast %get3A_2868 : vector<1x16xf32> to vector<16xf32>
      %get3A_2870 = arith.constant 11 : i32
      %get3A_2871 = arith.index_cast %get3A_2870 : i32 to index
      %get3A_2872 = arith.constant 96 : index
      %get3A_2873 = tpu.vector_load %arg6[%get3A_2871, %get3A_2872] {strides = array<i32>} : memref<16x128xf32, #tpu.memory_space<vmem>>, vector<1x16xf32>,
      %get3A_2874 = vector.shape_cast %get3A_2873 : vector<1x16xf32> to vector<16xf32>
      %get3A_2875 = arith.constant 12 : i32
      %get3A_2876 = arith.index_cast %get3A_2875 : i32 to index
      %get3A_2877 = arith.constant 96 : index
      %get3A_2878 = tpu.vector_load %arg6[%get3A_2876, %get3A_2877] {strides = array<i32>} : memref<16x128xf32, #tpu.memory_space<vmem>>, vector<1x16xf32>,
      %get3A_2879 = vector.shape_cast %get3A_2878 : vector<1x16xf32> to vector<16xf32>
      %get3A_2880 = arith.constant 13 : i32
      %get3A_2881 = arith.index_cast %get3A_2880 : i32 to index
      %get3A_2882 = arith.constant 96 : index
      %get3A_2883 = tpu.vector_load %arg6[%get3A_2881, %get3A_2882] {strides = array<i32>} : memref<16x128xf32, #tpu.memory_space<vmem>>, vector<1x16xf32>,
      %get3A_2884 = vector.shape_cast %get3A_2883 : vector<1x16xf32> to vector<16xf32>
      %get3A_2885 = arith.constant 14 : i32
      %get3A_2886 = arith.index_cast %get3A_2885 : i32 to index
      %get3A_2887 = arith.constant 96 : index
      %get3A_2888 = tpu.vector_load %arg6[%get3A_2886, %get3A_2887] {strides = array<i32>} : memref<16x128xf32, #tpu.memory_space<vmem>>, vector<1x16xf32>,
      %get3A_2889 = vector.shape_cast %get3A_2888 : vector<1x16xf32> to vector<16xf32>
      %get3A_2890 = arith.constant 15 : i32
      %get3A_2891 = arith.index_cast %get3A_2890 : i32 to index
      %get3A_2892 = arith.constant 96 : index
      %get3A_2893 = tpu.vector_load %arg6[%get3A_2891, %get3A_2892] {strides = array<i32>} : memref<16x128xf32, #tpu.memory_space<vmem>>, vector<1x16xf32>,
      %get3A_2894 = vector.shape_cast %get3A_2893 : vector<1x16xf32> to vector<16xf32>
      %max3A_2895 = arith.maximumf %get3A_2819, %get3A_2824 : vector<16xf32>
      %min3A_2896 = arith.minimumf %get3A_2819, %get3A_2824 : vector<16xf32>
      %max3A_2897 = arith.maximumf %get3A_2829, %get3A_2834 : vector<16xf32>
      %min3A_2898 = arith.minimumf %get3A_2829, %get3A_2834 : vector<16xf32>
      %max3A_2899 = arith.maximumf %max3A_2895, %max3A_2897 : vector<16xf32>
      %min3A_2900 = arith.minimumf %max3A_2895, %max3A_2897 : vector<16xf32>
      %ge3A_2901 = arith.cmpf oge, %max3A_2895, %max3A_2897 : vector<16xf32>
      %select_n3A_2902 = arith.select %ge3A_2901, %min3A_2896, %min3A_2898 : vector<16xi1>, vector<16xf32>
      %max3A_2903 = arith.maximumf %min3A_2900, %select_n3A_2902 : vector<16xf32>
      %add3A_2904 = arith.addf %max3A_2899, %max3A_2903 : vector<16xf32>
      %max3A_2905 = arith.maximumf %get3A_2839, %get3A_2844 : vector<16xf32>
      %min3A_2906 = arith.minimumf %get3A_2839, %get3A_2844 : vector<16xf32>
      %max3A_2907 = arith.maximumf %get3A_2849, %get3A_2854 : vector<16xf32>
      %min3A_2908 = arith.minimumf %get3A_2849, %get3A_2854 : vector<16xf32>
      %max3A_2909 = arith.maximumf %max3A_2905, %max3A_2907 : vector<16xf32>
      %min3A_2910 = arith.minimumf %max3A_2905, %max3A_2907 : vector<16xf32>
      %ge3A_2911 = arith.cmpf oge, %max3A_2905, %max3A_2907 : vector<16xf32>
      %select_n3A_2912 = arith.select %ge3A_2911, %min3A_2906, %min3A_2908 : vector<16xi1>, vector<16xf32>
      %max3A_2913 = arith.maximumf %min3A_2910, %select_n3A_2912 : vector<16xf32>
      %add3A_2914 = arith.addf %max3A_2909, %max3A_2913 : vector<16xf32>
      %max3A_2915 = arith.maximumf %get3A_2859, %get3A_2864 : vector<16xf32>
      %min3A_2916 = arith.minimumf %get3A_2859, %get3A_2864 : vector<16xf32>
      %max3A_2917 = arith.maximumf %get3A_2869, %get3A_2874 : vector<16xf32>
      %min3A_2918 = arith.minimumf %get3A_2869, %get3A_2874 : vector<16xf32>
      %max3A_2919 = arith.maximumf %max3A_2915, %max3A_2917 : vector<16xf32>
      %min3A_2920 = arith.minimumf %max3A_2915, %max3A_2917 : vector<16xf32>
      %ge3A_2921 = arith.cmpf oge, %max3A_2915, %max3A_2917 : vector<16xf32>
      %select_n3A_2922 = arith.select %ge3A_2921, %min3A_2916, %min3A_2918 : vector<16xi1>, vector<16xf32>
      %max3A_2923 = arith.maximumf %min3A_2920, %select_n3A_2922 : vector<16xf32>
      %add3A_2924 = arith.addf %max3A_2919, %max3A_2923 : vector<16xf32>
      %max3A_2925 = arith.maximumf %get3A_2879, %get3A_2884 : vector<16xf32>
      %min3A_2926 = arith.minimumf %get3A_2879, %get3A_2884 : vector<16xf32>
      %max3A_2927 = arith.maximumf %get3A_2889, %get3A_2894 : vector<16xf32>
      %min3A_2928 = arith.minimumf %get3A_2889, %get3A_2894 : vector<16xf32>
      %max3A_2929 = arith.maximumf %max3A_2925, %max3A_2927 : vector<16xf32>
      %min3A_2930 = arith.minimumf %max3A_2925, %max3A_2927 : vector<16xf32>
      %ge3A_2931 = arith.cmpf oge, %max3A_2925, %max3A_2927 : vector<16xf32>
      %select_n3A_2932 = arith.select %ge3A_2931, %min3A_2926, %min3A_2928 : vector<16xi1>, vector<16xf32>
      %max3A_2933 = arith.maximumf %min3A_2930, %select_n3A_2932 : vector<16xf32>
      %add3A_2934 = arith.addf %max3A_2929, %max3A_2933 : vector<16xf32>
      %broadcast_in_dim3A_2935 = arith.constant 0.000000e+00 : f32
      %broadcast_in_dim3A_2936 = vector.broadcast %broadcast_in_dim3A_2935 : f32 to vector<16xf32>
      %gt3A_2937 = arith.cmpf ogt, %add3A_2914, %add3A_2904 : vector<16xf32>
      %jit3A_2938 = arith.constant 1.000000e+00 : f32
      %jit3A_2939 = arith.constant 0.000000e+00 : f32
      %broadcast_in_dim3A_2940 = vector.broadcast %jit3A_2938 : f32 to vector<16xf32>
      %broadcast_in_dim3A_2941 = vector.broadcast %jit3A_2939 : f32 to vector<16xf32>
      %select_n3A_2942 = arith.select %gt3A_2937, %broadcast_in_dim3A_2940, %broadcast_in_dim3A_2941 : vector<16xi1>, vector<16xf32>
      %add3A_2943 = arith.addf %broadcast_in_dim3A_2936, %select_n3A_2942 : vector<16xf32>
      %gt3A_2944 = arith.cmpf ogt, %add3A_2924, %add3A_2904 : vector<16xf32>
      %jit3A_2945 = arith.constant 1.000000e+00 : f32
      %jit3A_2946 = arith.constant 0.000000e+00 : f32
      %broadcast_in_dim3A_2947 = vector.broadcast %jit3A_2945 : f32 to vector<16xf32>
      %broadcast_in_dim3A_2948 = vector.broadcast %jit3A_2946 : f32 to vector<16xf32>
      %select_n3A_2949 = arith.select %gt3A_2944, %broadcast_in_dim3A_2947, %broadcast_in_dim3A_2948 : vector<16xi1>, vector<16xf32>
      %add3A_2950 = arith.addf %add3A_2943, %select_n3A_2949 : vector<16xf32>
      %gt3A_2951 = arith.cmpf ogt, %add3A_2934, %add3A_2904 : vector<16xf32>
      %jit3A_2952 = arith.constant 1.000000e+00 : f32
      %jit3A_2953 = arith.constant 0.000000e+00 : f32
      %broadcast_in_dim3A_2954 = vector.broadcast %jit3A_2952 : f32 to vector<16xf32>
      %broadcast_in_dim3A_2955 = vector.broadcast %jit3A_2953 : f32 to vector<16xf32>
      %select_n3A_2956 = arith.select %gt3A_2951, %broadcast_in_dim3A_2954, %broadcast_in_dim3A_2955 : vector<16xi1>, vector<16xf32>
      %add3A_2957 = arith.addf %add3A_2950, %select_n3A_2956 : vector<16xf32>
      %lt3A_2958 = arith.constant 2.000000e+00 : f32
      %lt3A_2959 = vector.broadcast %lt3A_2958 : f32 to vector<16xf32>
      %lt3A_2960 = arith.cmpf olt, %add3A_2957, %lt3A_2959 : vector<16xf32>
      %jit3A_2961 = arith.constant 1.000000e+00 : f32
      %jit3A_2962 = arith.constant 0.000000e+00 : f32
      %broadcast_in_dim3A_2963 = vector.broadcast %jit3A_2961 : f32 to vector<16xf32>
      %broadcast_in_dim3A_2964 = vector.broadcast %jit3A_2962 : f32 to vector<16xf32>
      %select_n3A_2965 = arith.select %lt3A_2960, %broadcast_in_dim3A_2963, %broadcast_in_dim3A_2964 : vector<16xi1>, vector<16xf32>
      %broadcast_in_dim3A_2966 = arith.constant 0.000000e+00 : f32
      %broadcast_in_dim3A_2967 = vector.broadcast %broadcast_in_dim3A_2966 : f32 to vector<16xf32>
      %ge3A_2968 = arith.cmpf oge, %add3A_2904, %add3A_2914 : vector<16xf32>
      %jit3A_2969 = arith.constant 1.000000e+00 : f32
      %jit3A_2970 = arith.constant 0.000000e+00 : f32
      %broadcast_in_dim3A_2971 = vector.broadcast %jit3A_2969 : f32 to vector<16xf32>
      %broadcast_in_dim3A_2972 = vector.broadcast %jit3A_2970 : f32 to vector<16xf32>
      %select_n3A_2973 = arith.select %ge3A_2968, %broadcast_in_dim3A_2971, %broadcast_in_dim3A_2972 : vector<16xi1>, vector<16xf32>
      %add3A_2974 = arith.addf %broadcast_in_dim3A_2967, %select_n3A_2973 : vector<16xf32>
      %gt3A_2975 = arith.cmpf ogt, %add3A_2924, %add3A_2914 : vector<16xf32>
      %jit3A_2976 = arith.constant 1.000000e+00 : f32
      %jit3A_2977 = arith.constant 0.000000e+00 : f32
      %broadcast_in_dim3A_2978 = vector.broadcast %jit3A_2976 : f32 to vector<16xf32>
      %broadcast_in_dim3A_2979 = vector.broadcast %jit3A_2977 : f32 to vector<16xf32>
      %select_n3A_2980 = arith.select %gt3A_2975, %broadcast_in_dim3A_2978, %broadcast_in_dim3A_2979 : vector<16xi1>, vector<16xf32>
      %add3A_2981 = arith.addf %add3A_2974, %select_n3A_2980 : vector<16xf32>
      %gt3A_2982 = arith.cmpf ogt, %add3A_2934, %add3A_2914 : vector<16xf32>
      %jit3A_2983 = arith.constant 1.000000e+00 : f32
      %jit3A_2984 = arith.constant 0.000000e+00 : f32
      %broadcast_in_dim3A_2985 = vector.broadcast %jit3A_2983 : f32 to vector<16xf32>
      %broadcast_in_dim3A_2986 = vector.broadcast %jit3A_2984 : f32 to vector<16xf32>
      %select_n3A_2987 = arith.select %gt3A_2982, %broadcast_in_dim3A_2985, %broadcast_in_dim3A_2986 : vector<16xi1>, vector<16xf32>
      %add3A_2988 = arith.addf %add3A_2981, %select_n3A_2987 : vector<16xf32>
      %lt3A_2989 = arith.constant 2.000000e+00 : f32
      %lt3A_2990 = vector.broadcast %lt3A_2989 : f32 to vector<16xf32>
      %lt3A_2991 = arith.cmpf olt, %add3A_2988, %lt3A_2990 : vector<16xf32>
      %jit3A_2992 = arith.constant 1.000000e+00 : f32
      %jit3A_2993 = arith.constant 0.000000e+00 : f32
      %broadcast_in_dim3A_2994 = vector.broadcast %jit3A_2992 : f32 to vector<16xf32>
      %broadcast_in_dim3A_2995 = vector.broadcast %jit3A_2993 : f32 to vector<16xf32>
      %select_n3A_2996 = arith.select %lt3A_2991, %broadcast_in_dim3A_2994, %broadcast_in_dim3A_2995 : vector<16xi1>, vector<16xf32>
      %broadcast_in_dim3A_2997 = arith.constant 0.000000e+00 : f32
      %broadcast_in_dim3A_2998 = vector.broadcast %broadcast_in_dim3A_2997 : f32 to vector<16xf32>
      %ge3A_2999 = arith.cmpf oge, %add3A_2904, %add3A_2924 : vector<16xf32>
      %jit3A_3000 = arith.constant 1.000000e+00 : f32
      %jit3A_3001 = arith.constant 0.000000e+00 : f32
      %broadcast_in_dim3A_3002 = vector.broadcast %jit3A_3000 : f32 to vector<16xf32>
      %broadcast_in_dim3A_3003 = vector.broadcast %jit3A_3001 : f32 to vector<16xf32>
      %select_n3A_3004 = arith.select %ge3A_2999, %broadcast_in_dim3A_3002, %broadcast_in_dim3A_3003 : vector<16xi1>, vector<16xf32>
      %add3A_3005 = arith.addf %broadcast_in_dim3A_2998, %select_n3A_3004 : vector<16xf32>
      %ge3A_3006 = arith.cmpf oge, %add3A_2914, %add3A_2924 : vector<16xf32>
      %jit3A_3007 = arith.constant 1.000000e+00 : f32
      %jit3A_3008 = arith.constant 0.000000e+00 : f32
      %broadcast_in_dim3A_3009 = vector.broadcast %jit3A_3007 : f32 to vector<16xf32>
      %broadcast_in_dim3A_3010 = vector.broadcast %jit3A_3008 : f32 to vector<16xf32>
      %select_n3A_3011 = arith.select %ge3A_3006, %broadcast_in_dim3A_3009, %broadcast_in_dim3A_3010 : vector<16xi1>, vector<16xf32>
      %add3A_3012 = arith.addf %add3A_3005, %select_n3A_3011 : vector<16xf32>
      %gt3A_3013 = arith.cmpf ogt, %add3A_2934, %add3A_2924 : vector<16xf32>
      %jit3A_3014 = arith.constant 1.000000e+00 : f32
      %jit3A_3015 = arith.constant 0.000000e+00 : f32
      %broadcast_in_dim3A_3016 = vector.broadcast %jit3A_3014 : f32 to vector<16xf32>
      %broadcast_in_dim3A_3017 = vector.broadcast %jit3A_3015 : f32 to vector<16xf32>
      %select_n3A_3018 = arith.select %gt3A_3013, %broadcast_in_dim3A_3016, %broadcast_in_dim3A_3017 : vector<16xi1>, vector<16xf32>
      %add3A_3019 = arith.addf %add3A_3012, %select_n3A_3018 : vector<16xf32>
      %lt3A_3020 = arith.constant 2.000000e+00 : f32
      %lt3A_3021 = vector.broadcast %lt3A_3020 : f32 to vector<16xf32>
      %lt3A_3022 = arith.cmpf olt, %add3A_3019, %lt3A_3021 : vector<16xf32>
      %jit3A_3023 = arith.constant 1.000000e+00 : f32
      %jit3A_3024 = arith.constant 0.000000e+00 : f32
      %broadcast_in_dim3A_3025 = vector.broadcast %jit3A_3023 : f32 to vector<16xf32>
      %broadcast_in_dim3A_3026 = vector.broadcast %jit3A_3024 : f32 to vector<16xf32>
      %select_n3A_3027 = arith.select %lt3A_3022, %broadcast_in_dim3A_3025, %broadcast_in_dim3A_3026 : vector<16xi1>, vector<16xf32>
      %broadcast_in_dim3A_3028 = arith.constant 0.000000e+00 : f32
      %broadcast_in_dim3A_3029 = vector.broadcast %broadcast_in_dim3A_3028 : f32 to vector<16xf32>
      %ge3A_3030 = arith.cmpf oge, %add3A_2904, %add3A_2934 : vector<16xf32>
      %jit3A_3031 = arith.constant 1.000000e+00 : f32
      %jit3A_3032 = arith.constant 0.000000e+00 : f32
      %broadcast_in_dim3A_3033 = vector.broadcast %jit3A_3031 : f32 to vector<16xf32>
      %broadcast_in_dim3A_3034 = vector.broadcast %jit3A_3032 : f32 to vector<16xf32>
      %select_n3A_3035 = arith.select %ge3A_3030, %broadcast_in_dim3A_3033, %broadcast_in_dim3A_3034 : vector<16xi1>, vector<16xf32>
      %add3A_3036 = arith.addf %broadcast_in_dim3A_3029, %select_n3A_3035 : vector<16xf32>
      %ge3A_3037 = arith.cmpf oge, %add3A_2914, %add3A_2934 : vector<16xf32>
      %jit3A_3038 = arith.constant 1.000000e+00 : f32
      %jit3A_3039 = arith.constant 0.000000e+00 : f32
      %broadcast_in_dim3A_3040 = vector.broadcast %jit3A_3038 : f32 to vector<16xf32>
      %broadcast_in_dim3A_3041 = vector.broadcast %jit3A_3039 : f32 to vector<16xf32>
      %select_n3A_3042 = arith.select %ge3A_3037, %broadcast_in_dim3A_3040, %broadcast_in_dim3A_3041 : vector<16xi1>, vector<16xf32>
      %add3A_3043 = arith.addf %add3A_3036, %select_n3A_3042 : vector<16xf32>
      %ge3A_3044 = arith.cmpf oge, %add3A_2924, %add3A_2934 : vector<16xf32>
      %jit3A_3045 = arith.constant 1.000000e+00 : f32
      %jit3A_3046 = arith.constant 0.000000e+00 : f32
      %broadcast_in_dim3A_3047 = vector.broadcast %jit3A_3045 : f32 to vector<16xf32>
      %broadcast_in_dim3A_3048 = vector.broadcast %jit3A_3046 : f32 to vector<16xf32>
      %select_n3A_3049 = arith.select %ge3A_3044, %broadcast_in_dim3A_3047, %broadcast_in_dim3A_3048 : vector<16xi1>, vector<16xf32>
      %add3A_3050 = arith.addf %add3A_3043, %select_n3A_3049 : vector<16xf32>
      %lt3A_3051 = arith.constant 2.000000e+00 : f32
      %lt3A_3052 = vector.broadcast %lt3A_3051 : f32 to vector<16xf32>
      %lt3A_3053 = arith.cmpf olt, %add3A_3050, %lt3A_3052 : vector<16xf32>
      %jit3A_3054 = arith.constant 1.000000e+00 : f32
      %jit3A_3055 = arith.constant 0.000000e+00 : f32
      %broadcast_in_dim3A_3056 = vector.broadcast %jit3A_3054 : f32 to vector<16xf32>
      %broadcast_in_dim3A_3057 = vector.broadcast %jit3A_3055 : f32 to vector<16xf32>
      %select_n3A_3058 = arith.select %lt3A_3053, %broadcast_in_dim3A_3056, %broadcast_in_dim3A_3057 : vector<16xi1>, vector<16xf32>
      %get3A_3059 = arith.constant 0 : i32
      %get3A_3060 = arith.index_cast %get3A_3059 : i32 to index
      %get3A_3061 = arith.constant 96 : index
      %get3A_3062 = tpu.vector_load %arg5[%get3A_3060, %get3A_3061] {strides = array<i32>} : memref<16x128xf32, #tpu.memory_space<vmem>>, vector<1x16xf32>,
      %get3A_3063 = vector.shape_cast %get3A_3062 : vector<1x16xf32> to vector<16xf32>
      %mul3A_3064 = arith.mulf %select_n3A_2965, %get3A_3063 : vector<16xf32>
      %get3A_3065 = arith.constant 1 : i32
      %get3A_3066 = arith.index_cast %get3A_3065 : i32 to index
      %get3A_3067 = arith.constant 96 : index
      %get3A_3068 = tpu.vector_load %arg5[%get3A_3066, %get3A_3067] {strides = array<i32>} : memref<16x128xf32, #tpu.memory_space<vmem>>, vector<1x16xf32>,
      %get3A_3069 = vector.shape_cast %get3A_3068 : vector<1x16xf32> to vector<16xf32>
      %mul3A_3070 = arith.mulf %select_n3A_2965, %get3A_3069 : vector<16xf32>
      %get3A_3071 = arith.constant 2 : i32
      %get3A_3072 = arith.index_cast %get3A_3071 : i32 to index
      %get3A_3073 = arith.constant 96 : index
      %get3A_3074 = tpu.vector_load %arg5[%get3A_3072, %get3A_3073] {strides = array<i32>} : memref<16x128xf32, #tpu.memory_space<vmem>>, vector<1x16xf32>,
      %get3A_3075 = vector.shape_cast %get3A_3074 : vector<1x16xf32> to vector<16xf32>
      %mul3A_3076 = arith.mulf %select_n3A_2965, %get3A_3075 : vector<16xf32>
      %get3A_3077 = arith.constant 3 : i32
      %get3A_3078 = arith.index_cast %get3A_3077 : i32 to index
      %get3A_3079 = arith.constant 96 : index
      %get3A_3080 = tpu.vector_load %arg5[%get3A_3078, %get3A_3079] {strides = array<i32>} : memref<16x128xf32, #tpu.memory_space<vmem>>, vector<1x16xf32>,
      %get3A_3081 = vector.shape_cast %get3A_3080 : vector<1x16xf32> to vector<16xf32>
      %mul3A_3082 = arith.mulf %select_n3A_2965, %get3A_3081 : vector<16xf32>
      %get3A_3083 = arith.constant 4 : i32
      %get3A_3084 = arith.index_cast %get3A_3083 : i32 to index
      %get3A_3085 = arith.constant 96 : index
      %get3A_3086 = tpu.vector_load %arg5[%get3A_3084, %get3A_3085] {strides = array<i32>} : memref<16x128xf32, #tpu.memory_space<vmem>>, vector<1x16xf32>,
      %get3A_3087 = vector.shape_cast %get3A_3086 : vector<1x16xf32> to vector<16xf32>
      %mul3A_3088 = arith.mulf %select_n3A_2996, %get3A_3087 : vector<16xf32>
      %get3A_3089 = arith.constant 5 : i32
      %get3A_3090 = arith.index_cast %get3A_3089 : i32 to index
      %get3A_3091 = arith.constant 96 : index
      %get3A_3092 = tpu.vector_load %arg5[%get3A_3090, %get3A_3091] {strides = array<i32>} : memref<16x128xf32, #tpu.memory_space<vmem>>, vector<1x16xf32>,
      %get3A_3093 = vector.shape_cast %get3A_3092 : vector<1x16xf32> to vector<16xf32>
      %mul3A_3094 = arith.mulf %select_n3A_2996, %get3A_3093 : vector<16xf32>
      %get3A_3095 = arith.constant 6 : i32
      %get3A_3096 = arith.index_cast %get3A_3095 : i32 to index
      %get3A_3097 = arith.constant 96 : index
      %get3A_3098 = tpu.vector_load %arg5[%get3A_3096, %get3A_3097] {strides = array<i32>} : memref<16x128xf32, #tpu.memory_space<vmem>>, vector<1x16xf32>,
      %get3A_3099 = vector.shape_cast %get3A_3098 : vector<1x16xf32> to vector<16xf32>
      %mul3A_3100 = arith.mulf %select_n3A_2996, %get3A_3099 : vector<16xf32>
      %get3A_3101 = arith.constant 7 : i32
      %get3A_3102 = arith.index_cast %get3A_3101 : i32 to index
      %get3A_3103 = arith.constant 96 : index
      %get3A_3104 = tpu.vector_load %arg5[%get3A_3102, %get3A_3103] {strides = array<i32>} : memref<16x128xf32, #tpu.memory_space<vmem>>, vector<1x16xf32>,
      %get3A_3105 = vector.shape_cast %get3A_3104 : vector<1x16xf32> to vector<16xf32>
      %mul3A_3106 = arith.mulf %select_n3A_2996, %get3A_3105 : vector<16xf32>
      %get3A_3107 = arith.constant 8 : i32
      %get3A_3108 = arith.index_cast %get3A_3107 : i32 to index
      %get3A_3109 = arith.constant 96 : index
      %get3A_3110 = tpu.vector_load %arg5[%get3A_3108, %get3A_3109] {strides = array<i32>} : memref<16x128xf32, #tpu.memory_space<vmem>>, vector<1x16xf32>,
      %get3A_3111 = vector.shape_cast %get3A_3110 : vector<1x16xf32> to vector<16xf32>
      %mul3A_3112 = arith.mulf %select_n3A_3027, %get3A_3111 : vector<16xf32>
      %get3A_3113 = arith.constant 9 : i32
      %get3A_3114 = arith.index_cast %get3A_3113 : i32 to index
      %get3A_3115 = arith.constant 96 : index
      %get3A_3116 = tpu.vector_load %arg5[%get3A_3114, %get3A_3115] {strides = array<i32>} : memref<16x128xf32, #tpu.memory_space<vmem>>, vector<1x16xf32>,
      %get3A_3117 = vector.shape_cast %get3A_3116 : vector<1x16xf32> to vector<16xf32>
      %mul3A_3118 = arith.mulf %select_n3A_3027, %get3A_3117 : vector<16xf32>
      %get3A_3119 = arith.constant 10 : i32
      %get3A_3120 = arith.index_cast %get3A_3119 : i32 to index
      %get3A_3121 = arith.constant 96 : index
      %get3A_3122 = tpu.vector_load %arg5[%get3A_3120, %get3A_3121] {strides = array<i32>} : memref<16x128xf32, #tpu.memory_space<vmem>>, vector<1x16xf32>,
      %get3A_3123 = vector.shape_cast %get3A_3122 : vector<1x16xf32> to vector<16xf32>
      %mul3A_3124 = arith.mulf %select_n3A_3027, %get3A_3123 : vector<16xf32>
      %get3A_3125 = arith.constant 11 : i32
      %get3A_3126 = arith.index_cast %get3A_3125 : i32 to index
      %get3A_3127 = arith.constant 96 : index
      %get3A_3128 = tpu.vector_load %arg5[%get3A_3126, %get3A_3127] {strides = array<i32>} : memref<16x128xf32, #tpu.memory_space<vmem>>, vector<1x16xf32>,
      %get3A_3129 = vector.shape_cast %get3A_3128 : vector<1x16xf32> to vector<16xf32>
      %mul3A_3130 = arith.mulf %select_n3A_3027, %get3A_3129 : vector<16xf32>
      %get3A_3131 = arith.constant 12 : i32
      %get3A_3132 = arith.index_cast %get3A_3131 : i32 to index
      %get3A_3133 = arith.constant 96 : index
      %get3A_3134 = tpu.vector_load %arg5[%get3A_3132, %get3A_3133] {strides = array<i32>} : memref<16x128xf32, #tpu.memory_space<vmem>>, vector<1x16xf32>,
      %get3A_3135 = vector.shape_cast %get3A_3134 : vector<1x16xf32> to vector<16xf32>
      %mul3A_3136 = arith.mulf %select_n3A_3058, %get3A_3135 : vector<16xf32>
      %get3A_3137 = arith.constant 13 : i32
      %get3A_3138 = arith.index_cast %get3A_3137 : i32 to index
      %get3A_3139 = arith.constant 96 : index
      %get3A_3140 = tpu.vector_load %arg5[%get3A_3138, %get3A_3139] {strides = array<i32>} : memref<16x128xf32, #tpu.memory_space<vmem>>, vector<1x16xf32>,
      %get3A_3141 = vector.shape_cast %get3A_3140 : vector<1x16xf32> to vector<16xf32>
      %mul3A_3142 = arith.mulf %select_n3A_3058, %get3A_3141 : vector<16xf32>
      %get3A_3143 = arith.constant 14 : i32
      %get3A_3144 = arith.index_cast %get3A_3143 : i32 to index
      %get3A_3145 = arith.constant 96 : index
      %get3A_3146 = tpu.vector_load %arg5[%get3A_3144, %get3A_3145] {strides = array<i32>} : memref<16x128xf32, #tpu.memory_space<vmem>>, vector<1x16xf32>,
      %get3A_3147 = vector.shape_cast %get3A_3146 : vector<1x16xf32> to vector<16xf32>
      %mul3A_3148 = arith.mulf %select_n3A_3058, %get3A_3147 : vector<16xf32>
      %get3A_3149 = arith.constant 15 : i32
      %get3A_3150 = arith.index_cast %get3A_3149 : i32 to index
      %get3A_3151 = arith.constant 96 : index
      %get3A_3152 = tpu.vector_load %arg5[%get3A_3150, %get3A_3151] {strides = array<i32>} : memref<16x128xf32, #tpu.memory_space<vmem>>, vector<1x16xf32>,
      %get3A_3153 = vector.shape_cast %get3A_3152 : vector<1x16xf32> to vector<16xf32>
      %mul3A_3154 = arith.mulf %select_n3A_3058, %get3A_3153 : vector<16xf32>
      %add3A_3155 = arith.addf %mul3A_3064, %mul3A_3070 : vector<16xf32>
      %add3A_3156 = arith.addf %add3A_3155, %mul3A_3076 : vector<16xf32>
      %add3A_3157 = arith.addf %add3A_3156, %mul3A_3082 : vector<16xf32>
      %add3A_3158 = arith.addf %add3A_3157, %mul3A_3088 : vector<16xf32>
      %add3A_3159 = arith.addf %add3A_3158, %mul3A_3094 : vector<16xf32>
      %add3A_3160 = arith.addf %add3A_3159, %mul3A_3100 : vector<16xf32>
      %add3A_3161 = arith.addf %add3A_3160, %mul3A_3106 : vector<16xf32>
      %add3A_3162 = arith.addf %add3A_3161, %mul3A_3112 : vector<16xf32>
      %add3A_3163 = arith.addf %add3A_3162, %mul3A_3118 : vector<16xf32>
      %add3A_3164 = arith.addf %add3A_3163, %mul3A_3124 : vector<16xf32>
      %add3A_3165 = arith.addf %add3A_3164, %mul3A_3130 : vector<16xf32>
      %add3A_3166 = arith.addf %add3A_3165, %mul3A_3136 : vector<16xf32>
      %add3A_3167 = arith.addf %add3A_3166, %mul3A_3142 : vector<16xf32>
      %add3A_3168 = arith.addf %add3A_3167, %mul3A_3148 : vector<16xf32>
      %add3A_3169 = arith.addf %add3A_3168, %mul3A_3154 : vector<16xf32>
      %add3A_3170 = arith.constant 9.99999968E-21 : f32
      %add3A_3171 = vector.broadcast %add3A_3170 : f32 to vector<16xf32>
      %add3A_3172 = arith.addf %add3A_3169, %add3A_3171 : vector<16xf32>
      %div3A_3173 = arith.divf %mul3A_3064, %add3A_3172 : vector<16xf32>
      %swap3A_3174 = arith.constant 0 : i32
      %swap3A_3175 = arith.index_cast %swap3A_3174 : i32 to index
      %swap3A_3176 = arith.constant 96 : index
      %swap3A_3177 = tpu.vector_load %arg7[%swap3A_3175, %swap3A_3176] {strides = array<i32>} : memref<16x128xf32, #tpu.memory_space<vmem>>, vector<1x16xf32>,
      %swap3A_3178 = vector.shape_cast %swap3A_3177 : vector<1x16xf32> to vector<16xf32>
      %swap3A_3179 = vector.shape_cast %div3A_3173 : vector<16xf32> to vector<1x16xf32>
      tpu.vector_store %arg7[%swap3A_3175, %swap3A_3176], %swap3A_3179 {strides = array<i32>} : memref<16x128xf32, #tpu.memory_space<vmem>>, vector<1x16xf32>,
      %div3A_3180 = arith.divf %mul3A_3070, %add3A_3172 : vector<16xf32>
      %swap3A_3181 = arith.constant 1 : i32
      %swap3A_3182 = arith.index_cast %swap3A_3181 : i32 to index
      %swap3A_3183 = arith.constant 96 : index
      %swap3A_3184 = tpu.vector_load %arg7[%swap3A_3182, %swap3A_3183] {strides = array<i32>} : memref<16x128xf32, #tpu.memory_space<vmem>>, vector<1x16xf32>,
      %swap3A_3185 = vector.shape_cast %swap3A_3184 : vector<1x16xf32> to vector<16xf32>
      %swap3A_3186 = vector.shape_cast %div3A_3180 : vector<16xf32> to vector<1x16xf32>
      tpu.vector_store %arg7[%swap3A_3182, %swap3A_3183], %swap3A_3186 {strides = array<i32>} : memref<16x128xf32, #tpu.memory_space<vmem>>, vector<1x16xf32>,
      %div3A_3187 = arith.divf %mul3A_3076, %add3A_3172 : vector<16xf32>
      %swap3A_3188 = arith.constant 2 : i32
      %swap3A_3189 = arith.index_cast %swap3A_3188 : i32 to index
      %swap3A_3190 = arith.constant 96 : index
      %swap3A_3191 = tpu.vector_load %arg7[%swap3A_3189, %swap3A_3190] {strides = array<i32>} : memref<16x128xf32, #tpu.memory_space<vmem>>, vector<1x16xf32>,
      %swap3A_3192 = vector.shape_cast %swap3A_3191 : vector<1x16xf32> to vector<16xf32>
      %swap3A_3193 = vector.shape_cast %div3A_3187 : vector<16xf32> to vector<1x16xf32>
      tpu.vector_store %arg7[%swap3A_3189, %swap3A_3190], %swap3A_3193 {strides = array<i32>} : memref<16x128xf32, #tpu.memory_space<vmem>>, vector<1x16xf32>,
      %div3A_3194 = arith.divf %mul3A_3082, %add3A_3172 : vector<16xf32>
      %swap3A_3195 = arith.constant 3 : i32
      %swap3A_3196 = arith.index_cast %swap3A_3195 : i32 to index
      %swap3A_3197 = arith.constant 96 : index
      %swap3A_3198 = tpu.vector_load %arg7[%swap3A_3196, %swap3A_3197] {strides = array<i32>} : memref<16x128xf32, #tpu.memory_space<vmem>>, vector<1x16xf32>,
      %swap3A_3199 = vector.shape_cast %swap3A_3198 : vector<1x16xf32> to vector<16xf32>
      %swap3A_3200 = vector.shape_cast %div3A_3194 : vector<16xf32> to vector<1x16xf32>
      tpu.vector_store %arg7[%swap3A_3196, %swap3A_3197], %swap3A_3200 {strides = array<i32>} : memref<16x128xf32, #tpu.memory_space<vmem>>, vector<1x16xf32>,
      %div3A_3201 = arith.divf %mul3A_3088, %add3A_3172 : vector<16xf32>
      %swap3A_3202 = arith.constant 4 : i32
      %swap3A_3203 = arith.index_cast %swap3A_3202 : i32 to index
      %swap3A_3204 = arith.constant 96 : index
      %swap3A_3205 = tpu.vector_load %arg7[%swap3A_3203, %swap3A_3204] {strides = array<i32>} : memref<16x128xf32, #tpu.memory_space<vmem>>, vector<1x16xf32>,
      %swap3A_3206 = vector.shape_cast %swap3A_3205 : vector<1x16xf32> to vector<16xf32>
      %swap3A_3207 = vector.shape_cast %div3A_3201 : vector<16xf32> to vector<1x16xf32>
      tpu.vector_store %arg7[%swap3A_3203, %swap3A_3204], %swap3A_3207 {strides = array<i32>} : memref<16x128xf32, #tpu.memory_space<vmem>>, vector<1x16xf32>,
      %div3A_3208 = arith.divf %mul3A_3094, %add3A_3172 : vector<16xf32>
      %swap3A_3209 = arith.constant 5 : i32
      %swap3A_3210 = arith.index_cast %swap3A_3209 : i32 to index
      %swap3A_3211 = arith.constant 96 : index
      %swap3A_3212 = tpu.vector_load %arg7[%swap3A_3210, %swap3A_3211] {strides = array<i32>} : memref<16x128xf32, #tpu.memory_space<vmem>>, vector<1x16xf32>,
      %swap3A_3213 = vector.shape_cast %swap3A_3212 : vector<1x16xf32> to vector<16xf32>
      %swap3A_3214 = vector.shape_cast %div3A_3208 : vector<16xf32> to vector<1x16xf32>
      tpu.vector_store %arg7[%swap3A_3210, %swap3A_3211], %swap3A_3214 {strides = array<i32>} : memref<16x128xf32, #tpu.memory_space<vmem>>, vector<1x16xf32>,
      %div3A_3215 = arith.divf %mul3A_3100, %add3A_3172 : vector<16xf32>
      %swap3A_3216 = arith.constant 6 : i32
      %swap3A_3217 = arith.index_cast %swap3A_3216 : i32 to index
      %swap3A_3218 = arith.constant 96 : index
      %swap3A_3219 = tpu.vector_load %arg7[%swap3A_3217, %swap3A_3218] {strides = array<i32>} : memref<16x128xf32, #tpu.memory_space<vmem>>, vector<1x16xf32>,
      %swap3A_3220 = vector.shape_cast %swap3A_3219 : vector<1x16xf32> to vector<16xf32>
      %swap3A_3221 = vector.shape_cast %div3A_3215 : vector<16xf32> to vector<1x16xf32>
      tpu.vector_store %arg7[%swap3A_3217, %swap3A_3218], %swap3A_3221 {strides = array<i32>} : memref<16x128xf32, #tpu.memory_space<vmem>>, vector<1x16xf32>,
      %div3A_3222 = arith.divf %mul3A_3106, %add3A_3172 : vector<16xf32>
      %swap3A_3223 = arith.constant 7 : i32
      %swap3A_3224 = arith.index_cast %swap3A_3223 : i32 to index
      %swap3A_3225 = arith.constant 96 : index
      %swap3A_3226 = tpu.vector_load %arg7[%swap3A_3224, %swap3A_3225] {strides = array<i32>} : memref<16x128xf32, #tpu.memory_space<vmem>>, vector<1x16xf32>,
      %swap3A_3227 = vector.shape_cast %swap3A_3226 : vector<1x16xf32> to vector<16xf32>
      %swap3A_3228 = vector.shape_cast %div3A_3222 : vector<16xf32> to vector<1x16xf32>
      tpu.vector_store %arg7[%swap3A_3224, %swap3A_3225], %swap3A_3228 {strides = array<i32>} : memref<16x128xf32, #tpu.memory_space<vmem>>, vector<1x16xf32>,
      %div3A_3229 = arith.divf %mul3A_3112, %add3A_3172 : vector<16xf32>
      %swap3A_3230 = arith.constant 8 : i32
      %swap3A_3231 = arith.index_cast %swap3A_3230 : i32 to index
      %swap3A_3232 = arith.constant 96 : index
      %swap3A_3233 = tpu.vector_load %arg7[%swap3A_3231, %swap3A_3232] {strides = array<i32>} : memref<16x128xf32, #tpu.memory_space<vmem>>, vector<1x16xf32>,
      %swap3A_3234 = vector.shape_cast %swap3A_3233 : vector<1x16xf32> to vector<16xf32>
      %swap3A_3235 = vector.shape_cast %div3A_3229 : vector<16xf32> to vector<1x16xf32>
      tpu.vector_store %arg7[%swap3A_3231, %swap3A_3232], %swap3A_3235 {strides = array<i32>} : memref<16x128xf32, #tpu.memory_space<vmem>>, vector<1x16xf32>,
      %div3A_3236 = arith.divf %mul3A_3118, %add3A_3172 : vector<16xf32>
      %swap3A_3237 = arith.constant 9 : i32
      %swap3A_3238 = arith.index_cast %swap3A_3237 : i32 to index
      %swap3A_3239 = arith.constant 96 : index
      %swap3A_3240 = tpu.vector_load %arg7[%swap3A_3238, %swap3A_3239] {strides = array<i32>} : memref<16x128xf32, #tpu.memory_space<vmem>>, vector<1x16xf32>,
      %swap3A_3241 = vector.shape_cast %swap3A_3240 : vector<1x16xf32> to vector<16xf32>
      %swap3A_3242 = vector.shape_cast %div3A_3236 : vector<16xf32> to vector<1x16xf32>
      tpu.vector_store %arg7[%swap3A_3238, %swap3A_3239], %swap3A_3242 {strides = array<i32>} : memref<16x128xf32, #tpu.memory_space<vmem>>, vector<1x16xf32>,
      %div3A_3243 = arith.divf %mul3A_3124, %add3A_3172 : vector<16xf32>
      %swap3A_3244 = arith.constant 10 : i32
      %swap3A_3245 = arith.index_cast %swap3A_3244 : i32 to index
      %swap3A_3246 = arith.constant 96 : index
      %swap3A_3247 = tpu.vector_load %arg7[%swap3A_3245, %swap3A_3246] {strides = array<i32>} : memref<16x128xf32, #tpu.memory_space<vmem>>, vector<1x16xf32>,
      %swap3A_3248 = vector.shape_cast %swap3A_3247 : vector<1x16xf32> to vector<16xf32>
      %swap3A_3249 = vector.shape_cast %div3A_3243 : vector<16xf32> to vector<1x16xf32>
      tpu.vector_store %arg7[%swap3A_3245, %swap3A_3246], %swap3A_3249 {strides = array<i32>} : memref<16x128xf32, #tpu.memory_space<vmem>>, vector<1x16xf32>,
      %div3A_3250 = arith.divf %mul3A_3130, %add3A_3172 : vector<16xf32>
      %swap3A_3251 = arith.constant 11 : i32
      %swap3A_3252 = arith.index_cast %swap3A_3251 : i32 to index
      %swap3A_3253 = arith.constant 96 : index
      %swap3A_3254 = tpu.vector_load %arg7[%swap3A_3252, %swap3A_3253] {strides = array<i32>} : memref<16x128xf32, #tpu.memory_space<vmem>>, vector<1x16xf32>,
      %swap3A_3255 = vector.shape_cast %swap3A_3254 : vector<1x16xf32> to vector<16xf32>
      %swap3A_3256 = vector.shape_cast %div3A_3250 : vector<16xf32> to vector<1x16xf32>
      tpu.vector_store %arg7[%swap3A_3252, %swap3A_3253], %swap3A_3256 {strides = array<i32>} : memref<16x128xf32, #tpu.memory_space<vmem>>, vector<1x16xf32>,
      %div3A_3257 = arith.divf %mul3A_3136, %add3A_3172 : vector<16xf32>
      %swap3A_3258 = arith.constant 12 : i32
      %swap3A_3259 = arith.index_cast %swap3A_3258 : i32 to index
      %swap3A_3260 = arith.constant 96 : index
      %swap3A_3261 = tpu.vector_load %arg7[%swap3A_3259, %swap3A_3260] {strides = array<i32>} : memref<16x128xf32, #tpu.memory_space<vmem>>, vector<1x16xf32>,
      %swap3A_3262 = vector.shape_cast %swap3A_3261 : vector<1x16xf32> to vector<16xf32>
      %swap3A_3263 = vector.shape_cast %div3A_3257 : vector<16xf32> to vector<1x16xf32>
      tpu.vector_store %arg7[%swap3A_3259, %swap3A_3260], %swap3A_3263 {strides = array<i32>} : memref<16x128xf32, #tpu.memory_space<vmem>>, vector<1x16xf32>,
      %div3A_3264 = arith.divf %mul3A_3142, %add3A_3172 : vector<16xf32>
      %swap3A_3265 = arith.constant 13 : i32
      %swap3A_3266 = arith.index_cast %swap3A_3265 : i32 to index
      %swap3A_3267 = arith.constant 96 : index
      %swap3A_3268 = tpu.vector_load %arg7[%swap3A_3266, %swap3A_3267] {strides = array<i32>} : memref<16x128xf32, #tpu.memory_space<vmem>>, vector<1x16xf32>,
      %swap3A_3269 = vector.shape_cast %swap3A_3268 : vector<1x16xf32> to vector<16xf32>
      %swap3A_3270 = vector.shape_cast %div3A_3264 : vector<16xf32> to vector<1x16xf32>
      tpu.vector_store %arg7[%swap3A_3266, %swap3A_3267], %swap3A_3270 {strides = array<i32>} : memref<16x128xf32, #tpu.memory_space<vmem>>, vector<1x16xf32>,
      %div3A_3271 = arith.divf %mul3A_3148, %add3A_3172 : vector<16xf32>
      %swap3A_3272 = arith.constant 14 : i32
      %swap3A_3273 = arith.index_cast %swap3A_3272 : i32 to index
      %swap3A_3274 = arith.constant 96 : index
      %swap3A_3275 = tpu.vector_load %arg7[%swap3A_3273, %swap3A_3274] {strides = array<i32>} : memref<16x128xf32, #tpu.memory_space<vmem>>, vector<1x16xf32>,
      %swap3A_3276 = vector.shape_cast %swap3A_3275 : vector<1x16xf32> to vector<16xf32>
      %swap3A_3277 = vector.shape_cast %div3A_3271 : vector<16xf32> to vector<1x16xf32>
      tpu.vector_store %arg7[%swap3A_3273, %swap3A_3274], %swap3A_3277 {strides = array<i32>} : memref<16x128xf32, #tpu.memory_space<vmem>>, vector<1x16xf32>,
      %div3A_3278 = arith.divf %mul3A_3154, %add3A_3172 : vector<16xf32>
      %swap3A_3279 = arith.constant 15 : i32
      %swap3A_3280 = arith.index_cast %swap3A_3279 : i32 to index
      %swap3A_3281 = arith.constant 96 : index
      %swap3A_3282 = tpu.vector_load %arg7[%swap3A_3280, %swap3A_3281] {strides = array<i32>} : memref<16x128xf32, #tpu.memory_space<vmem>>, vector<1x16xf32>,
      %swap3A_3283 = vector.shape_cast %swap3A_3282 : vector<1x16xf32> to vector<16xf32>
      %swap3A_3284 = vector.shape_cast %div3A_3278 : vector<16xf32> to vector<1x16xf32>
      tpu.vector_store %arg7[%swap3A_3280, %swap3A_3281], %swap3A_3284 {strides = array<i32>} : memref<16x128xf32, #tpu.memory_space<vmem>>, vector<1x16xf32>,
      %get3A_3285 = arith.constant 0 : i32
      %get3A_3286 = arith.index_cast %get3A_3285 : i32 to index
      %get3A_3287 = arith.constant 112 : index
      %get3A_3288 = tpu.vector_load %arg6[%get3A_3286, %get3A_3287] {strides = array<i32>} : memref<16x128xf32, #tpu.memory_space<vmem>>, vector<1x16xf32>,
      %get3A_3289 = vector.shape_cast %get3A_3288 : vector<1x16xf32> to vector<16xf32>
      %get3A_3290 = arith.constant 1 : i32
      %get3A_3291 = arith.index_cast %get3A_3290 : i32 to index
      %get3A_3292 = arith.constant 112 : index
      %get3A_3293 = tpu.vector_load %arg6[%get3A_3291, %get3A_3292] {strides = array<i32>} : memref<16x128xf32, #tpu.memory_space<vmem>>, vector<1x16xf32>,
      %get3A_3294 = vector.shape_cast %get3A_3293 : vector<1x16xf32> to vector<16xf32>
      %get3A_3295 = arith.constant 2 : i32
      %get3A_3296 = arith.index_cast %get3A_3295 : i32 to index
      %get3A_3297 = arith.constant 112 : index
      %get3A_3298 = tpu.vector_load %arg6[%get3A_3296, %get3A_3297] {strides = array<i32>} : memref<16x128xf32, #tpu.memory_space<vmem>>, vector<1x16xf32>,
      %get3A_3299 = vector.shape_cast %get3A_3298 : vector<1x16xf32> to vector<16xf32>
      %get3A_3300 = arith.constant 3 : i32
      %get3A_3301 = arith.index_cast %get3A_3300 : i32 to index
      %get3A_3302 = arith.constant 112 : index
      %get3A_3303 = tpu.vector_load %arg6[%get3A_3301, %get3A_3302] {strides = array<i32>} : memref<16x128xf32, #tpu.memory_space<vmem>>, vector<1x16xf32>,
      %get3A_3304 = vector.shape_cast %get3A_3303 : vector<1x16xf32> to vector<16xf32>
      %get3A_3305 = arith.constant 4 : i32
      %get3A_3306 = arith.index_cast %get3A_3305 : i32 to index
      %get3A_3307 = arith.constant 112 : index
      %get3A_3308 = tpu.vector_load %arg6[%get3A_3306, %get3A_3307] {strides = array<i32>} : memref<16x128xf32, #tpu.memory_space<vmem>>, vector<1x16xf32>,
      %get3A_3309 = vector.shape_cast %get3A_3308 : vector<1x16xf32> to vector<16xf32>
      %get3A_3310 = arith.constant 5 : i32
      %get3A_3311 = arith.index_cast %get3A_3310 : i32 to index
      %get3A_3312 = arith.constant 112 : index
      %get3A_3313 = tpu.vector_load %arg6[%get3A_3311, %get3A_3312] {strides = array<i32>} : memref<16x128xf32, #tpu.memory_space<vmem>>, vector<1x16xf32>,
      %get3A_3314 = vector.shape_cast %get3A_3313 : vector<1x16xf32> to vector<16xf32>
      %get3A_3315 = arith.constant 6 : i32
      %get3A_3316 = arith.index_cast %get3A_3315 : i32 to index
      %get3A_3317 = arith.constant 112 : index
      %get3A_3318 = tpu.vector_load %arg6[%get3A_3316, %get3A_3317] {strides = array<i32>} : memref<16x128xf32, #tpu.memory_space<vmem>>, vector<1x16xf32>,
      %get3A_3319 = vector.shape_cast %get3A_3318 : vector<1x16xf32> to vector<16xf32>
      %get3A_3320 = arith.constant 7 : i32
      %get3A_3321 = arith.index_cast %get3A_3320 : i32 to index
      %get3A_3322 = arith.constant 112 : index
      %get3A_3323 = tpu.vector_load %arg6[%get3A_3321, %get3A_3322] {strides = array<i32>} : memref<16x128xf32, #tpu.memory_space<vmem>>, vector<1x16xf32>,
      %get3A_3324 = vector.shape_cast %get3A_3323 : vector<1x16xf32> to vector<16xf32>
      %get3A_3325 = arith.constant 8 : i32
      %get3A_3326 = arith.index_cast %get3A_3325 : i32 to index
      %get3A_3327 = arith.constant 112 : index
      %get3A_3328 = tpu.vector_load %arg6[%get3A_3326, %get3A_3327] {strides = array<i32>} : memref<16x128xf32, #tpu.memory_space<vmem>>, vector<1x16xf32>,
      %get3A_3329 = vector.shape_cast %get3A_3328 : vector<1x16xf32> to vector<16xf32>
      %get3A_3330 = arith.constant 9 : i32
      %get3A_3331 = arith.index_cast %get3A_3330 : i32 to index
      %get3A_3332 = arith.constant 112 : index
      %get3A_3333 = tpu.vector_load %arg6[%get3A_3331, %get3A_3332] {strides = array<i32>} : memref<16x128xf32, #tpu.memory_space<vmem>>, vector<1x16xf32>,
      %get3A_3334 = vector.shape_cast %get3A_3333 : vector<1x16xf32> to vector<16xf32>
      %get3A_3335 = arith.constant 10 : i32
      %get3A_3336 = arith.index_cast %get3A_3335 : i32 to index
      %get3A_3337 = arith.constant 112 : index
      %get3A_3338 = tpu.vector_load %arg6[%get3A_3336, %get3A_3337] {strides = array<i32>} : memref<16x128xf32, #tpu.memory_space<vmem>>, vector<1x16xf32>,
      %get3A_3339 = vector.shape_cast %get3A_3338 : vector<1x16xf32> to vector<16xf32>
      %get3A_3340 = arith.constant 11 : i32
      %get3A_3341 = arith.index_cast %get3A_3340 : i32 to index
      %get3A_3342 = arith.constant 112 : index
      %get3A_3343 = tpu.vector_load %arg6[%get3A_3341, %get3A_3342] {strides = array<i32>} : memref<16x128xf32, #tpu.memory_space<vmem>>, vector<1x16xf32>,
      %get3A_3344 = vector.shape_cast %get3A_3343 : vector<1x16xf32> to vector<16xf32>
      %get3A_3345 = arith.constant 12 : i32
      %get3A_3346 = arith.index_cast %get3A_3345 : i32 to index
      %get3A_3347 = arith.constant 112 : index
      %get3A_3348 = tpu.vector_load %arg6[%get3A_3346, %get3A_3347] {strides = array<i32>} : memref<16x128xf32, #tpu.memory_space<vmem>>, vector<1x16xf32>,
      %get3A_3349 = vector.shape_cast %get3A_3348 : vector<1x16xf32> to vector<16xf32>
      %get3A_3350 = arith.constant 13 : i32
      %get3A_3351 = arith.index_cast %get3A_3350 : i32 to index
      %get3A_3352 = arith.constant 112 : index
      %get3A_3353 = tpu.vector_load %arg6[%get3A_3351, %get3A_3352] {strides = array<i32>} : memref<16x128xf32, #tpu.memory_space<vmem>>, vector<1x16xf32>,
      %get3A_3354 = vector.shape_cast %get3A_3353 : vector<1x16xf32> to vector<16xf32>
      %get3A_3355 = arith.constant 14 : i32
      %get3A_3356 = arith.index_cast %get3A_3355 : i32 to index
      %get3A_3357 = arith.constant 112 : index
      %get3A_3358 = tpu.vector_load %arg6[%get3A_3356, %get3A_3357] {strides = array<i32>} : memref<16x128xf32, #tpu.memory_space<vmem>>, vector<1x16xf32>,
      %get3A_3359 = vector.shape_cast %get3A_3358 : vector<1x16xf32> to vector<16xf32>
      %get3A_3360 = arith.constant 15 : i32
      %get3A_3361 = arith.index_cast %get3A_3360 : i32 to index
      %get3A_3362 = arith.constant 112 : index
      %get3A_3363 = tpu.vector_load %arg6[%get3A_3361, %get3A_3362] {strides = array<i32>} : memref<16x128xf32, #tpu.memory_space<vmem>>, vector<1x16xf32>,
      %get3A_3364 = vector.shape_cast %get3A_3363 : vector<1x16xf32> to vector<16xf32>
      %max3A_3365 = arith.maximumf %get3A_3289, %get3A_3294 : vector<16xf32>
      %min3A_3366 = arith.minimumf %get3A_3289, %get3A_3294 : vector<16xf32>
      %max3A_3367 = arith.maximumf %get3A_3299, %get3A_3304 : vector<16xf32>
      %min3A_3368 = arith.minimumf %get3A_3299, %get3A_3304 : vector<16xf32>
      %max3A_3369 = arith.maximumf %max3A_3365, %max3A_3367 : vector<16xf32>
      %min3A_3370 = arith.minimumf %max3A_3365, %max3A_3367 : vector<16xf32>
      %ge3A_3371 = arith.cmpf oge, %max3A_3365, %max3A_3367 : vector<16xf32>
      %select_n3A_3372 = arith.select %ge3A_3371, %min3A_3366, %min3A_3368 : vector<16xi1>, vector<16xf32>
      %max3A_3373 = arith.maximumf %min3A_3370, %select_n3A_3372 : vector<16xf32>
      %add3A_3374 = arith.addf %max3A_3369, %max3A_3373 : vector<16xf32>
      %max3A_3375 = arith.maximumf %get3A_3309, %get3A_3314 : vector<16xf32>
      %min3A_3376 = arith.minimumf %get3A_3309, %get3A_3314 : vector<16xf32>
      %max3A_3377 = arith.maximumf %get3A_3319, %get3A_3324 : vector<16xf32>
      %min3A_3378 = arith.minimumf %get3A_3319, %get3A_3324 : vector<16xf32>
      %max3A_3379 = arith.maximumf %max3A_3375, %max3A_3377 : vector<16xf32>
      %min3A_3380 = arith.minimumf %max3A_3375, %max3A_3377 : vector<16xf32>
      %ge3A_3381 = arith.cmpf oge, %max3A_3375, %max3A_3377 : vector<16xf32>
      %select_n3A_3382 = arith.select %ge3A_3381, %min3A_3376, %min3A_3378 : vector<16xi1>, vector<16xf32>
      %max3A_3383 = arith.maximumf %min3A_3380, %select_n3A_3382 : vector<16xf32>
      %add3A_3384 = arith.addf %max3A_3379, %max3A_3383 : vector<16xf32>
      %max3A_3385 = arith.maximumf %get3A_3329, %get3A_3334 : vector<16xf32>
      %min3A_3386 = arith.minimumf %get3A_3329, %get3A_3334 : vector<16xf32>
      %max3A_3387 = arith.maximumf %get3A_3339, %get3A_3344 : vector<16xf32>
      %min3A_3388 = arith.minimumf %get3A_3339, %get3A_3344 : vector<16xf32>
      %max3A_3389 = arith.maximumf %max3A_3385, %max3A_3387 : vector<16xf32>
      %min3A_3390 = arith.minimumf %max3A_3385, %max3A_3387 : vector<16xf32>
      %ge3A_3391 = arith.cmpf oge, %max3A_3385, %max3A_3387 : vector<16xf32>
      %select_n3A_3392 = arith.select %ge3A_3391, %min3A_3386, %min3A_3388 : vector<16xi1>, vector<16xf32>
      %max3A_3393 = arith.maximumf %min3A_3390, %select_n3A_3392 : vector<16xf32>
      %add3A_3394 = arith.addf %max3A_3389, %max3A_3393 : vector<16xf32>
      %max3A_3395 = arith.maximumf %get3A_3349, %get3A_3354 : vector<16xf32>
      %min3A_3396 = arith.minimumf %get3A_3349, %get3A_3354 : vector<16xf32>
      %max3A_3397 = arith.maximumf %get3A_3359, %get3A_3364 : vector<16xf32>
      %min3A_3398 = arith.minimumf %get3A_3359, %get3A_3364 : vector<16xf32>
      %max3A_3399 = arith.maximumf %max3A_3395, %max3A_3397 : vector<16xf32>
      %min3A_3400 = arith.minimumf %max3A_3395, %max3A_3397 : vector<16xf32>
      %ge3A_3401 = arith.cmpf oge, %max3A_3395, %max3A_3397 : vector<16xf32>
      %select_n3A_3402 = arith.select %ge3A_3401, %min3A_3396, %min3A_3398 : vector<16xi1>, vector<16xf32>
      %max3A_3403 = arith.maximumf %min3A_3400, %select_n3A_3402 : vector<16xf32>
      %add3A_3404 = arith.addf %max3A_3399, %max3A_3403 : vector<16xf32>
      %broadcast_in_dim3A_3405 = arith.constant 0.000000e+00 : f32
      %broadcast_in_dim3A_3406 = vector.broadcast %broadcast_in_dim3A_3405 : f32 to vector<16xf32>
      %gt3A_3407 = arith.cmpf ogt, %add3A_3384, %add3A_3374 : vector<16xf32>
      %jit3A_3408 = arith.constant 1.000000e+00 : f32
      %jit3A_3409 = arith.constant 0.000000e+00 : f32
      %broadcast_in_dim3A_3410 = vector.broadcast %jit3A_3408 : f32 to vector<16xf32>
      %broadcast_in_dim3A_3411 = vector.broadcast %jit3A_3409 : f32 to vector<16xf32>
      %select_n3A_3412 = arith.select %gt3A_3407, %broadcast_in_dim3A_3410, %broadcast_in_dim3A_3411 : vector<16xi1>, vector<16xf32>
      %add3A_3413 = arith.addf %broadcast_in_dim3A_3406, %select_n3A_3412 : vector<16xf32>
      %gt3A_3414 = arith.cmpf ogt, %add3A_3394, %add3A_3374 : vector<16xf32>
      %jit3A_3415 = arith.constant 1.000000e+00 : f32
      %jit3A_3416 = arith.constant 0.000000e+00 : f32
      %broadcast_in_dim3A_3417 = vector.broadcast %jit3A_3415 : f32 to vector<16xf32>
      %broadcast_in_dim3A_3418 = vector.broadcast %jit3A_3416 : f32 to vector<16xf32>
      %select_n3A_3419 = arith.select %gt3A_3414, %broadcast_in_dim3A_3417, %broadcast_in_dim3A_3418 : vector<16xi1>, vector<16xf32>
      %add3A_3420 = arith.addf %add3A_3413, %select_n3A_3419 : vector<16xf32>
      %gt3A_3421 = arith.cmpf ogt, %add3A_3404, %add3A_3374 : vector<16xf32>
      %jit3A_3422 = arith.constant 1.000000e+00 : f32
      %jit3A_3423 = arith.constant 0.000000e+00 : f32
      %broadcast_in_dim3A_3424 = vector.broadcast %jit3A_3422 : f32 to vector<16xf32>
      %broadcast_in_dim3A_3425 = vector.broadcast %jit3A_3423 : f32 to vector<16xf32>
      %select_n3A_3426 = arith.select %gt3A_3421, %broadcast_in_dim3A_3424, %broadcast_in_dim3A_3425 : vector<16xi1>, vector<16xf32>
      %add3A_3427 = arith.addf %add3A_3420, %select_n3A_3426 : vector<16xf32>
      %lt3A_3428 = arith.constant 2.000000e+00 : f32
      %lt3A_3429 = vector.broadcast %lt3A_3428 : f32 to vector<16xf32>
      %lt3A_3430 = arith.cmpf olt, %add3A_3427, %lt3A_3429 : vector<16xf32>
      %jit3A_3431 = arith.constant 1.000000e+00 : f32
      %jit3A_3432 = arith.constant 0.000000e+00 : f32
      %broadcast_in_dim3A_3433 = vector.broadcast %jit3A_3431 : f32 to vector<16xf32>
      %broadcast_in_dim3A_3434 = vector.broadcast %jit3A_3432 : f32 to vector<16xf32>
      %select_n3A_3435 = arith.select %lt3A_3430, %broadcast_in_dim3A_3433, %broadcast_in_dim3A_3434 : vector<16xi1>, vector<16xf32>
      %broadcast_in_dim3A_3436 = arith.constant 0.000000e+00 : f32
      %broadcast_in_dim3A_3437 = vector.broadcast %broadcast_in_dim3A_3436 : f32 to vector<16xf32>
      %ge3A_3438 = arith.cmpf oge, %add3A_3374, %add3A_3384 : vector<16xf32>
      %jit3A_3439 = arith.constant 1.000000e+00 : f32
      %jit3A_3440 = arith.constant 0.000000e+00 : f32
      %broadcast_in_dim3A_3441 = vector.broadcast %jit3A_3439 : f32 to vector<16xf32>
      %broadcast_in_dim3A_3442 = vector.broadcast %jit3A_3440 : f32 to vector<16xf32>
      %select_n3A_3443 = arith.select %ge3A_3438, %broadcast_in_dim3A_3441, %broadcast_in_dim3A_3442 : vector<16xi1>, vector<16xf32>
      %add3A_3444 = arith.addf %broadcast_in_dim3A_3437, %select_n3A_3443 : vector<16xf32>
      %gt3A_3445 = arith.cmpf ogt, %add3A_3394, %add3A_3384 : vector<16xf32>
      %jit3A_3446 = arith.constant 1.000000e+00 : f32
      %jit3A_3447 = arith.constant 0.000000e+00 : f32
      %broadcast_in_dim3A_3448 = vector.broadcast %jit3A_3446 : f32 to vector<16xf32>
      %broadcast_in_dim3A_3449 = vector.broadcast %jit3A_3447 : f32 to vector<16xf32>
      %select_n3A_3450 = arith.select %gt3A_3445, %broadcast_in_dim3A_3448, %broadcast_in_dim3A_3449 : vector<16xi1>, vector<16xf32>
      %add3A_3451 = arith.addf %add3A_3444, %select_n3A_3450 : vector<16xf32>
      %gt3A_3452 = arith.cmpf ogt, %add3A_3404, %add3A_3384 : vector<16xf32>
      %jit3A_3453 = arith.constant 1.000000e+00 : f32
      %jit3A_3454 = arith.constant 0.000000e+00 : f32
      %broadcast_in_dim3A_3455 = vector.broadcast %jit3A_3453 : f32 to vector<16xf32>
      %broadcast_in_dim3A_3456 = vector.broadcast %jit3A_3454 : f32 to vector<16xf32>
      %select_n3A_3457 = arith.select %gt3A_3452, %broadcast_in_dim3A_3455, %broadcast_in_dim3A_3456 : vector<16xi1>, vector<16xf32>
      %add3A_3458 = arith.addf %add3A_3451, %select_n3A_3457 : vector<16xf32>
      %lt3A_3459 = arith.constant 2.000000e+00 : f32
      %lt3A_3460 = vector.broadcast %lt3A_3459 : f32 to vector<16xf32>
      %lt3A_3461 = arith.cmpf olt, %add3A_3458, %lt3A_3460 : vector<16xf32>
      %jit3A_3462 = arith.constant 1.000000e+00 : f32
      %jit3A_3463 = arith.constant 0.000000e+00 : f32
      %broadcast_in_dim3A_3464 = vector.broadcast %jit3A_3462 : f32 to vector<16xf32>
      %broadcast_in_dim3A_3465 = vector.broadcast %jit3A_3463 : f32 to vector<16xf32>
      %select_n3A_3466 = arith.select %lt3A_3461, %broadcast_in_dim3A_3464, %broadcast_in_dim3A_3465 : vector<16xi1>, vector<16xf32>
      %broadcast_in_dim3A_3467 = arith.constant 0.000000e+00 : f32
      %broadcast_in_dim3A_3468 = vector.broadcast %broadcast_in_dim3A_3467 : f32 to vector<16xf32>
      %ge3A_3469 = arith.cmpf oge, %add3A_3374, %add3A_3394 : vector<16xf32>
      %jit3A_3470 = arith.constant 1.000000e+00 : f32
      %jit3A_3471 = arith.constant 0.000000e+00 : f32
      %broadcast_in_dim3A_3472 = vector.broadcast %jit3A_3470 : f32 to vector<16xf32>
      %broadcast_in_dim3A_3473 = vector.broadcast %jit3A_3471 : f32 to vector<16xf32>
      %select_n3A_3474 = arith.select %ge3A_3469, %broadcast_in_dim3A_3472, %broadcast_in_dim3A_3473 : vector<16xi1>, vector<16xf32>
      %add3A_3475 = arith.addf %broadcast_in_dim3A_3468, %select_n3A_3474 : vector<16xf32>
      %ge3A_3476 = arith.cmpf oge, %add3A_3384, %add3A_3394 : vector<16xf32>
      %jit3A_3477 = arith.constant 1.000000e+00 : f32
      %jit3A_3478 = arith.constant 0.000000e+00 : f32
      %broadcast_in_dim3A_3479 = vector.broadcast %jit3A_3477 : f32 to vector<16xf32>
      %broadcast_in_dim3A_3480 = vector.broadcast %jit3A_3478 : f32 to vector<16xf32>
      %select_n3A_3481 = arith.select %ge3A_3476, %broadcast_in_dim3A_3479, %broadcast_in_dim3A_3480 : vector<16xi1>, vector<16xf32>
      %add3A_3482 = arith.addf %add3A_3475, %select_n3A_3481 : vector<16xf32>
      %gt3A_3483 = arith.cmpf ogt, %add3A_3404, %add3A_3394 : vector<16xf32>
      %jit3A_3484 = arith.constant 1.000000e+00 : f32
      %jit3A_3485 = arith.constant 0.000000e+00 : f32
      %broadcast_in_dim3A_3486 = vector.broadcast %jit3A_3484 : f32 to vector<16xf32>
      %broadcast_in_dim3A_3487 = vector.broadcast %jit3A_3485 : f32 to vector<16xf32>
      %select_n3A_3488 = arith.select %gt3A_3483, %broadcast_in_dim3A_3486, %broadcast_in_dim3A_3487 : vector<16xi1>, vector<16xf32>
      %add3A_3489 = arith.addf %add3A_3482, %select_n3A_3488 : vector<16xf32>
      %lt3A_3490 = arith.constant 2.000000e+00 : f32
      %lt3A_3491 = vector.broadcast %lt3A_3490 : f32 to vector<16xf32>
      %lt3A_3492 = arith.cmpf olt, %add3A_3489, %lt3A_3491 : vector<16xf32>
      %jit3A_3493 = arith.constant 1.000000e+00 : f32
      %jit3A_3494 = arith.constant 0.000000e+00 : f32
      %broadcast_in_dim3A_3495 = vector.broadcast %jit3A_3493 : f32 to vector<16xf32>
      %broadcast_in_dim3A_3496 = vector.broadcast %jit3A_3494 : f32 to vector<16xf32>
      %select_n3A_3497 = arith.select %lt3A_3492, %broadcast_in_dim3A_3495, %broadcast_in_dim3A_3496 : vector<16xi1>, vector<16xf32>
      %broadcast_in_dim3A_3498 = arith.constant 0.000000e+00 : f32
      %broadcast_in_dim3A_3499 = vector.broadcast %broadcast_in_dim3A_3498 : f32 to vector<16xf32>
      %ge3A_3500 = arith.cmpf oge, %add3A_3374, %add3A_3404 : vector<16xf32>
      %jit3A_3501 = arith.constant 1.000000e+00 : f32
      %jit3A_3502 = arith.constant 0.000000e+00 : f32
      %broadcast_in_dim3A_3503 = vector.broadcast %jit3A_3501 : f32 to vector<16xf32>
      %broadcast_in_dim3A_3504 = vector.broadcast %jit3A_3502 : f32 to vector<16xf32>
      %select_n3A_3505 = arith.select %ge3A_3500, %broadcast_in_dim3A_3503, %broadcast_in_dim3A_3504 : vector<16xi1>, vector<16xf32>
      %add3A_3506 = arith.addf %broadcast_in_dim3A_3499, %select_n3A_3505 : vector<16xf32>
      %ge3A_3507 = arith.cmpf oge, %add3A_3384, %add3A_3404 : vector<16xf32>
      %jit3A_3508 = arith.constant 1.000000e+00 : f32
      %jit3A_3509 = arith.constant 0.000000e+00 : f32
      %broadcast_in_dim3A_3510 = vector.broadcast %jit3A_3508 : f32 to vector<16xf32>
      %broadcast_in_dim3A_3511 = vector.broadcast %jit3A_3509 : f32 to vector<16xf32>
      %select_n3A_3512 = arith.select %ge3A_3507, %broadcast_in_dim3A_3510, %broadcast_in_dim3A_3511 : vector<16xi1>, vector<16xf32>
      %add3A_3513 = arith.addf %add3A_3506, %select_n3A_3512 : vector<16xf32>
      %ge3A_3514 = arith.cmpf oge, %add3A_3394, %add3A_3404 : vector<16xf32>
      %jit3A_3515 = arith.constant 1.000000e+00 : f32
      %jit3A_3516 = arith.constant 0.000000e+00 : f32
      %broadcast_in_dim3A_3517 = vector.broadcast %jit3A_3515 : f32 to vector<16xf32>
      %broadcast_in_dim3A_3518 = vector.broadcast %jit3A_3516 : f32 to vector<16xf32>
      %select_n3A_3519 = arith.select %ge3A_3514, %broadcast_in_dim3A_3517, %broadcast_in_dim3A_3518 : vector<16xi1>, vector<16xf32>
      %add3A_3520 = arith.addf %add3A_3513, %select_n3A_3519 : vector<16xf32>
      %lt3A_3521 = arith.constant 2.000000e+00 : f32
      %lt3A_3522 = vector.broadcast %lt3A_3521 : f32 to vector<16xf32>
      %lt3A_3523 = arith.cmpf olt, %add3A_3520, %lt3A_3522 : vector<16xf32>
      %jit3A_3524 = arith.constant 1.000000e+00 : f32
      %jit3A_3525 = arith.constant 0.000000e+00 : f32
      %broadcast_in_dim3A_3526 = vector.broadcast %jit3A_3524 : f32 to vector<16xf32>
      %broadcast_in_dim3A_3527 = vector.broadcast %jit3A_3525 : f32 to vector<16xf32>
      %select_n3A_3528 = arith.select %lt3A_3523, %broadcast_in_dim3A_3526, %broadcast_in_dim3A_3527 : vector<16xi1>, vector<16xf32>
      %get3A_3529 = arith.constant 0 : i32
      %get3A_3530 = arith.index_cast %get3A_3529 : i32 to index
      %get3A_3531 = arith.constant 112 : index
      %get3A_3532 = tpu.vector_load %arg5[%get3A_3530, %get3A_3531] {strides = array<i32>} : memref<16x128xf32, #tpu.memory_space<vmem>>, vector<1x16xf32>,
      %get3A_3533 = vector.shape_cast %get3A_3532 : vector<1x16xf32> to vector<16xf32>
      %mul3A_3534 = arith.mulf %select_n3A_3435, %get3A_3533 : vector<16xf32>
      %get3A_3535 = arith.constant 1 : i32
      %get3A_3536 = arith.index_cast %get3A_3535 : i32 to index
      %get3A_3537 = arith.constant 112 : index
      %get3A_3538 = tpu.vector_load %arg5[%get3A_3536, %get3A_3537] {strides = array<i32>} : memref<16x128xf32, #tpu.memory_space<vmem>>, vector<1x16xf32>,
      %get3A_3539 = vector.shape_cast %get3A_3538 : vector<1x16xf32> to vector<16xf32>
      %mul3A_3540 = arith.mulf %select_n3A_3435, %get3A_3539 : vector<16xf32>
      %get3A_3541 = arith.constant 2 : i32
      %get3A_3542 = arith.index_cast %get3A_3541 : i32 to index
      %get3A_3543 = arith.constant 112 : index
      %get3A_3544 = tpu.vector_load %arg5[%get3A_3542, %get3A_3543] {strides = array<i32>} : memref<16x128xf32, #tpu.memory_space<vmem>>, vector<1x16xf32>,
      %get3A_3545 = vector.shape_cast %get3A_3544 : vector<1x16xf32> to vector<16xf32>
      %mul3A_3546 = arith.mulf %select_n3A_3435, %get3A_3545 : vector<16xf32>
      %get3A_3547 = arith.constant 3 : i32
      %get3A_3548 = arith.index_cast %get3A_3547 : i32 to index
      %get3A_3549 = arith.constant 112 : index
      %get3A_3550 = tpu.vector_load %arg5[%get3A_3548, %get3A_3549] {strides = array<i32>} : memref<16x128xf32, #tpu.memory_space<vmem>>, vector<1x16xf32>,
      %get3A_3551 = vector.shape_cast %get3A_3550 : vector<1x16xf32> to vector<16xf32>
      %mul3A_3552 = arith.mulf %select_n3A_3435, %get3A_3551 : vector<16xf32>
      %get3A_3553 = arith.constant 4 : i32
      %get3A_3554 = arith.index_cast %get3A_3553 : i32 to index
      %get3A_3555 = arith.constant 112 : index
      %get3A_3556 = tpu.vector_load %arg5[%get3A_3554, %get3A_3555] {strides = array<i32>} : memref<16x128xf32, #tpu.memory_space<vmem>>, vector<1x16xf32>,
      %get3A_3557 = vector.shape_cast %get3A_3556 : vector<1x16xf32> to vector<16xf32>
      %mul3A_3558 = arith.mulf %select_n3A_3466, %get3A_3557 : vector<16xf32>
      %get3A_3559 = arith.constant 5 : i32
      %get3A_3560 = arith.index_cast %get3A_3559 : i32 to index
      %get3A_3561 = arith.constant 112 : index
      %get3A_3562 = tpu.vector_load %arg5[%get3A_3560, %get3A_3561] {strides = array<i32>} : memref<16x128xf32, #tpu.memory_space<vmem>>, vector<1x16xf32>,
      %get3A_3563 = vector.shape_cast %get3A_3562 : vector<1x16xf32> to vector<16xf32>
      %mul3A_3564 = arith.mulf %select_n3A_3466, %get3A_3563 : vector<16xf32>
      %get3A_3565 = arith.constant 6 : i32
      %get3A_3566 = arith.index_cast %get3A_3565 : i32 to index
      %get3A_3567 = arith.constant 112 : index
      %get3A_3568 = tpu.vector_load %arg5[%get3A_3566, %get3A_3567] {strides = array<i32>} : memref<16x128xf32, #tpu.memory_space<vmem>>, vector<1x16xf32>,
      %get3A_3569 = vector.shape_cast %get3A_3568 : vector<1x16xf32> to vector<16xf32>
      %mul3A_3570 = arith.mulf %select_n3A_3466, %get3A_3569 : vector<16xf32>
      %get3A_3571 = arith.constant 7 : i32
      %get3A_3572 = arith.index_cast %get3A_3571 : i32 to index
      %get3A_3573 = arith.constant 112 : index
      %get3A_3574 = tpu.vector_load %arg5[%get3A_3572, %get3A_3573] {strides = array<i32>} : memref<16x128xf32, #tpu.memory_space<vmem>>, vector<1x16xf32>,
      %get3A_3575 = vector.shape_cast %get3A_3574 : vector<1x16xf32> to vector<16xf32>
      %mul3A_3576 = arith.mulf %select_n3A_3466, %get3A_3575 : vector<16xf32>
      %get3A_3577 = arith.constant 8 : i32
      %get3A_3578 = arith.index_cast %get3A_3577 : i32 to index
      %get3A_3579 = arith.constant 112 : index
      %get3A_3580 = tpu.vector_load %arg5[%get3A_3578, %get3A_3579] {strides = array<i32>} : memref<16x128xf32, #tpu.memory_space<vmem>>, vector<1x16xf32>,
      %get3A_3581 = vector.shape_cast %get3A_3580 : vector<1x16xf32> to vector<16xf32>
      %mul3A_3582 = arith.mulf %select_n3A_3497, %get3A_3581 : vector<16xf32>
      %get3A_3583 = arith.constant 9 : i32
      %get3A_3584 = arith.index_cast %get3A_3583 : i32 to index
      %get3A_3585 = arith.constant 112 : index
      %get3A_3586 = tpu.vector_load %arg5[%get3A_3584, %get3A_3585] {strides = array<i32>} : memref<16x128xf32, #tpu.memory_space<vmem>>, vector<1x16xf32>,
      %get3A_3587 = vector.shape_cast %get3A_3586 : vector<1x16xf32> to vector<16xf32>
      %mul3A_3588 = arith.mulf %select_n3A_3497, %get3A_3587 : vector<16xf32>
      %get3A_3589 = arith.constant 10 : i32
      %get3A_3590 = arith.index_cast %get3A_3589 : i32 to index
      %get3A_3591 = arith.constant 112 : index
      %get3A_3592 = tpu.vector_load %arg5[%get3A_3590, %get3A_3591] {strides = array<i32>} : memref<16x128xf32, #tpu.memory_space<vmem>>, vector<1x16xf32>,
      %get3A_3593 = vector.shape_cast %get3A_3592 : vector<1x16xf32> to vector<16xf32>
      %mul3A_3594 = arith.mulf %select_n3A_3497, %get3A_3593 : vector<16xf32>
      %get3A_3595 = arith.constant 11 : i32
      %get3A_3596 = arith.index_cast %get3A_3595 : i32 to index
      %get3A_3597 = arith.constant 112 : index
      %get3A_3598 = tpu.vector_load %arg5[%get3A_3596, %get3A_3597] {strides = array<i32>} : memref<16x128xf32, #tpu.memory_space<vmem>>, vector<1x16xf32>,
      %get3A_3599 = vector.shape_cast %get3A_3598 : vector<1x16xf32> to vector<16xf32>
      %mul3A_3600 = arith.mulf %select_n3A_3497, %get3A_3599 : vector<16xf32>
      %get3A_3601 = arith.constant 12 : i32
      %get3A_3602 = arith.index_cast %get3A_3601 : i32 to index
      %get3A_3603 = arith.constant 112 : index
      %get3A_3604 = tpu.vector_load %arg5[%get3A_3602, %get3A_3603] {strides = array<i32>} : memref<16x128xf32, #tpu.memory_space<vmem>>, vector<1x16xf32>,
      %get3A_3605 = vector.shape_cast %get3A_3604 : vector<1x16xf32> to vector<16xf32>
      %mul3A_3606 = arith.mulf %select_n3A_3528, %get3A_3605 : vector<16xf32>
      %get3A_3607 = arith.constant 13 : i32
      %get3A_3608 = arith.index_cast %get3A_3607 : i32 to index
      %get3A_3609 = arith.constant 112 : index
      %get3A_3610 = tpu.vector_load %arg5[%get3A_3608, %get3A_3609] {strides = array<i32>} : memref<16x128xf32, #tpu.memory_space<vmem>>, vector<1x16xf32>,
      %get3A_3611 = vector.shape_cast %get3A_3610 : vector<1x16xf32> to vector<16xf32>
      %mul3A_3612 = arith.mulf %select_n3A_3528, %get3A_3611 : vector<16xf32>
      %get3A_3613 = arith.constant 14 : i32
      %get3A_3614 = arith.index_cast %get3A_3613 : i32 to index
      %get3A_3615 = arith.constant 112 : index
      %get3A_3616 = tpu.vector_load %arg5[%get3A_3614, %get3A_3615] {strides = array<i32>} : memref<16x128xf32, #tpu.memory_space<vmem>>, vector<1x16xf32>,
      %get3A_3617 = vector.shape_cast %get3A_3616 : vector<1x16xf32> to vector<16xf32>
      %mul3A_3618 = arith.mulf %select_n3A_3528, %get3A_3617 : vector<16xf32>
      %get3A_3619 = arith.constant 15 : i32
      %get3A_3620 = arith.index_cast %get3A_3619 : i32 to index
      %get3A_3621 = arith.constant 112 : index
      %get3A_3622 = tpu.vector_load %arg5[%get3A_3620, %get3A_3621] {strides = array<i32>} : memref<16x128xf32, #tpu.memory_space<vmem>>, vector<1x16xf32>,
      %get3A_3623 = vector.shape_cast %get3A_3622 : vector<1x16xf32> to vector<16xf32>
      %mul3A_3624 = arith.mulf %select_n3A_3528, %get3A_3623 : vector<16xf32>
      %add3A_3625 = arith.addf %mul3A_3534, %mul3A_3540 : vector<16xf32>
      %add3A_3626 = arith.addf %add3A_3625, %mul3A_3546 : vector<16xf32>
      %add3A_3627 = arith.addf %add3A_3626, %mul3A_3552 : vector<16xf32>
      %add3A_3628 = arith.addf %add3A_3627, %mul3A_3558 : vector<16xf32>
      %add3A_3629 = arith.addf %add3A_3628, %mul3A_3564 : vector<16xf32>
      %add3A_3630 = arith.addf %add3A_3629, %mul3A_3570 : vector<16xf32>
      %add3A_3631 = arith.addf %add3A_3630, %mul3A_3576 : vector<16xf32>
      %add3A_3632 = arith.addf %add3A_3631, %mul3A_3582 : vector<16xf32>
      %add3A_3633 = arith.addf %add3A_3632, %mul3A_3588 : vector<16xf32>
      %add3A_3634 = arith.addf %add3A_3633, %mul3A_3594 : vector<16xf32>
      %add3A_3635 = arith.addf %add3A_3634, %mul3A_3600 : vector<16xf32>
      %add3A_3636 = arith.addf %add3A_3635, %mul3A_3606 : vector<16xf32>
      %add3A_3637 = arith.addf %add3A_3636, %mul3A_3612 : vector<16xf32>
      %add3A_3638 = arith.addf %add3A_3637, %mul3A_3618 : vector<16xf32>
      %add3A_3639 = arith.addf %add3A_3638, %mul3A_3624 : vector<16xf32>
      %add3A_3640 = arith.constant 9.99999968E-21 : f32
      %add3A_3641 = vector.broadcast %add3A_3640 : f32 to vector<16xf32>
      %add3A_3642 = arith.addf %add3A_3639, %add3A_3641 : vector<16xf32>
      %div3A_3643 = arith.divf %mul3A_3534, %add3A_3642 : vector<16xf32>
      %swap3A_3644 = arith.constant 0 : i32
      %swap3A_3645 = arith.index_cast %swap3A_3644 : i32 to index
      %swap3A_3646 = arith.constant 112 : index
      %swap3A_3647 = tpu.vector_load %arg7[%swap3A_3645, %swap3A_3646] {strides = array<i32>} : memref<16x128xf32, #tpu.memory_space<vmem>>, vector<1x16xf32>,
      %swap3A_3648 = vector.shape_cast %swap3A_3647 : vector<1x16xf32> to vector<16xf32>
      %swap3A_3649 = vector.shape_cast %div3A_3643 : vector<16xf32> to vector<1x16xf32>
      tpu.vector_store %arg7[%swap3A_3645, %swap3A_3646], %swap3A_3649 {strides = array<i32>} : memref<16x128xf32, #tpu.memory_space<vmem>>, vector<1x16xf32>,
      %div3A_3650 = arith.divf %mul3A_3540, %add3A_3642 : vector<16xf32>
      %swap3A_3651 = arith.constant 1 : i32
      %swap3A_3652 = arith.index_cast %swap3A_3651 : i32 to index
      %swap3A_3653 = arith.constant 112 : index
      %swap3A_3654 = tpu.vector_load %arg7[%swap3A_3652, %swap3A_3653] {strides = array<i32>} : memref<16x128xf32, #tpu.memory_space<vmem>>, vector<1x16xf32>,
      %swap3A_3655 = vector.shape_cast %swap3A_3654 : vector<1x16xf32> to vector<16xf32>
      %swap3A_3656 = vector.shape_cast %div3A_3650 : vector<16xf32> to vector<1x16xf32>
      tpu.vector_store %arg7[%swap3A_3652, %swap3A_3653], %swap3A_3656 {strides = array<i32>} : memref<16x128xf32, #tpu.memory_space<vmem>>, vector<1x16xf32>,
      %div3A_3657 = arith.divf %mul3A_3546, %add3A_3642 : vector<16xf32>
      %swap3A_3658 = arith.constant 2 : i32
      %swap3A_3659 = arith.index_cast %swap3A_3658 : i32 to index
      %swap3A_3660 = arith.constant 112 : index
      %swap3A_3661 = tpu.vector_load %arg7[%swap3A_3659, %swap3A_3660] {strides = array<i32>} : memref<16x128xf32, #tpu.memory_space<vmem>>, vector<1x16xf32>,
      %swap3A_3662 = vector.shape_cast %swap3A_3661 : vector<1x16xf32> to vector<16xf32>
      %swap3A_3663 = vector.shape_cast %div3A_3657 : vector<16xf32> to vector<1x16xf32>
      tpu.vector_store %arg7[%swap3A_3659, %swap3A_3660], %swap3A_3663 {strides = array<i32>} : memref<16x128xf32, #tpu.memory_space<vmem>>, vector<1x16xf32>,
      %div3A_3664 = arith.divf %mul3A_3552, %add3A_3642 : vector<16xf32>
      %swap3A_3665 = arith.constant 3 : i32
      %swap3A_3666 = arith.index_cast %swap3A_3665 : i32 to index
      %swap3A_3667 = arith.constant 112 : index
      %swap3A_3668 = tpu.vector_load %arg7[%swap3A_3666, %swap3A_3667] {strides = array<i32>} : memref<16x128xf32, #tpu.memory_space<vmem>>, vector<1x16xf32>,
      %swap3A_3669 = vector.shape_cast %swap3A_3668 : vector<1x16xf32> to vector<16xf32>
      %swap3A_3670 = vector.shape_cast %div3A_3664 : vector<16xf32> to vector<1x16xf32>
      tpu.vector_store %arg7[%swap3A_3666, %swap3A_3667], %swap3A_3670 {strides = array<i32>} : memref<16x128xf32, #tpu.memory_space<vmem>>, vector<1x16xf32>,
      %div3A_3671 = arith.divf %mul3A_3558, %add3A_3642 : vector<16xf32>
      %swap3A_3672 = arith.constant 4 : i32
      %swap3A_3673 = arith.index_cast %swap3A_3672 : i32 to index
      %swap3A_3674 = arith.constant 112 : index
      %swap3A_3675 = tpu.vector_load %arg7[%swap3A_3673, %swap3A_3674] {strides = array<i32>} : memref<16x128xf32, #tpu.memory_space<vmem>>, vector<1x16xf32>,
      %swap3A_3676 = vector.shape_cast %swap3A_3675 : vector<1x16xf32> to vector<16xf32>
      %swap3A_3677 = vector.shape_cast %div3A_3671 : vector<16xf32> to vector<1x16xf32>
      tpu.vector_store %arg7[%swap3A_3673, %swap3A_3674], %swap3A_3677 {strides = array<i32>} : memref<16x128xf32, #tpu.memory_space<vmem>>, vector<1x16xf32>,
      %div3A_3678 = arith.divf %mul3A_3564, %add3A_3642 : vector<16xf32>
      %swap3A_3679 = arith.constant 5 : i32
      %swap3A_3680 = arith.index_cast %swap3A_3679 : i32 to index
      %swap3A_3681 = arith.constant 112 : index
      %swap3A_3682 = tpu.vector_load %arg7[%swap3A_3680, %swap3A_3681] {strides = array<i32>} : memref<16x128xf32, #tpu.memory_space<vmem>>, vector<1x16xf32>,
      %swap3A_3683 = vector.shape_cast %swap3A_3682 : vector<1x16xf32> to vector<16xf32>
      %swap3A_3684 = vector.shape_cast %div3A_3678 : vector<16xf32> to vector<1x16xf32>
      tpu.vector_store %arg7[%swap3A_3680, %swap3A_3681], %swap3A_3684 {strides = array<i32>} : memref<16x128xf32, #tpu.memory_space<vmem>>, vector<1x16xf32>,
      %div3A_3685 = arith.divf %mul3A_3570, %add3A_3642 : vector<16xf32>
      %swap3A_3686 = arith.constant 6 : i32
      %swap3A_3687 = arith.index_cast %swap3A_3686 : i32 to index
      %swap3A_3688 = arith.constant 112 : index
      %swap3A_3689 = tpu.vector_load %arg7[%swap3A_3687, %swap3A_3688] {strides = array<i32>} : memref<16x128xf32, #tpu.memory_space<vmem>>, vector<1x16xf32>,
      %swap3A_3690 = vector.shape_cast %swap3A_3689 : vector<1x16xf32> to vector<16xf32>
      %swap3A_3691 = vector.shape_cast %div3A_3685 : vector<16xf32> to vector<1x16xf32>
      tpu.vector_store %arg7[%swap3A_3687, %swap3A_3688], %swap3A_3691 {strides = array<i32>} : memref<16x128xf32, #tpu.memory_space<vmem>>, vector<1x16xf32>,
      %div3A_3692 = arith.divf %mul3A_3576, %add3A_3642 : vector<16xf32>
      %swap3A_3693 = arith.constant 7 : i32
      %swap3A_3694 = arith.index_cast %swap3A_3693 : i32 to index
      %swap3A_3695 = arith.constant 112 : index
      %swap3A_3696 = tpu.vector_load %arg7[%swap3A_3694, %swap3A_3695] {strides = array<i32>} : memref<16x128xf32, #tpu.memory_space<vmem>>, vector<1x16xf32>,
      %swap3A_3697 = vector.shape_cast %swap3A_3696 : vector<1x16xf32> to vector<16xf32>
      %swap3A_3698 = vector.shape_cast %div3A_3692 : vector<16xf32> to vector<1x16xf32>
      tpu.vector_store %arg7[%swap3A_3694, %swap3A_3695], %swap3A_3698 {strides = array<i32>} : memref<16x128xf32, #tpu.memory_space<vmem>>, vector<1x16xf32>,
      %div3A_3699 = arith.divf %mul3A_3582, %add3A_3642 : vector<16xf32>
      %swap3A_3700 = arith.constant 8 : i32
      %swap3A_3701 = arith.index_cast %swap3A_3700 : i32 to index
      %swap3A_3702 = arith.constant 112 : index
      %swap3A_3703 = tpu.vector_load %arg7[%swap3A_3701, %swap3A_3702] {strides = array<i32>} : memref<16x128xf32, #tpu.memory_space<vmem>>, vector<1x16xf32>,
      %swap3A_3704 = vector.shape_cast %swap3A_3703 : vector<1x16xf32> to vector<16xf32>
      %swap3A_3705 = vector.shape_cast %div3A_3699 : vector<16xf32> to vector<1x16xf32>
      tpu.vector_store %arg7[%swap3A_3701, %swap3A_3702], %swap3A_3705 {strides = array<i32>} : memref<16x128xf32, #tpu.memory_space<vmem>>, vector<1x16xf32>,
      %div3A_3706 = arith.divf %mul3A_3588, %add3A_3642 : vector<16xf32>
      %swap3A_3707 = arith.constant 9 : i32
      %swap3A_3708 = arith.index_cast %swap3A_3707 : i32 to index
      %swap3A_3709 = arith.constant 112 : index
      %swap3A_3710 = tpu.vector_load %arg7[%swap3A_3708, %swap3A_3709] {strides = array<i32>} : memref<16x128xf32, #tpu.memory_space<vmem>>, vector<1x16xf32>,
      %swap3A_3711 = vector.shape_cast %swap3A_3710 : vector<1x16xf32> to vector<16xf32>
      %swap3A_3712 = vector.shape_cast %div3A_3706 : vector<16xf32> to vector<1x16xf32>
      tpu.vector_store %arg7[%swap3A_3708, %swap3A_3709], %swap3A_3712 {strides = array<i32>} : memref<16x128xf32, #tpu.memory_space<vmem>>, vector<1x16xf32>,
      %div3A_3713 = arith.divf %mul3A_3594, %add3A_3642 : vector<16xf32>
      %swap3A_3714 = arith.constant 10 : i32
      %swap3A_3715 = arith.index_cast %swap3A_3714 : i32 to index
      %swap3A_3716 = arith.constant 112 : index
      %swap3A_3717 = tpu.vector_load %arg7[%swap3A_3715, %swap3A_3716] {strides = array<i32>} : memref<16x128xf32, #tpu.memory_space<vmem>>, vector<1x16xf32>,
      %swap3A_3718 = vector.shape_cast %swap3A_3717 : vector<1x16xf32> to vector<16xf32>
      %swap3A_3719 = vector.shape_cast %div3A_3713 : vector<16xf32> to vector<1x16xf32>
      tpu.vector_store %arg7[%swap3A_3715, %swap3A_3716], %swap3A_3719 {strides = array<i32>} : memref<16x128xf32, #tpu.memory_space<vmem>>, vector<1x16xf32>,
      %div3A_3720 = arith.divf %mul3A_3600, %add3A_3642 : vector<16xf32>
      %swap3A_3721 = arith.constant 11 : i32
      %swap3A_3722 = arith.index_cast %swap3A_3721 : i32 to index
      %swap3A_3723 = arith.constant 112 : index
      %swap3A_3724 = tpu.vector_load %arg7[%swap3A_3722, %swap3A_3723] {strides = array<i32>} : memref<16x128xf32, #tpu.memory_space<vmem>>, vector<1x16xf32>,
      %swap3A_3725 = vector.shape_cast %swap3A_3724 : vector<1x16xf32> to vector<16xf32>
      %swap3A_3726 = vector.shape_cast %div3A_3720 : vector<16xf32> to vector<1x16xf32>
      tpu.vector_store %arg7[%swap3A_3722, %swap3A_3723], %swap3A_3726 {strides = array<i32>} : memref<16x128xf32, #tpu.memory_space<vmem>>, vector<1x16xf32>,
      %div3A_3727 = arith.divf %mul3A_3606, %add3A_3642 : vector<16xf32>
      %swap3A_3728 = arith.constant 12 : i32
      %swap3A_3729 = arith.index_cast %swap3A_3728 : i32 to index
      %swap3A_3730 = arith.constant 112 : index
      %swap3A_3731 = tpu.vector_load %arg7[%swap3A_3729, %swap3A_3730] {strides = array<i32>} : memref<16x128xf32, #tpu.memory_space<vmem>>, vector<1x16xf32>,
      %swap3A_3732 = vector.shape_cast %swap3A_3731 : vector<1x16xf32> to vector<16xf32>
      %swap3A_3733 = vector.shape_cast %div3A_3727 : vector<16xf32> to vector<1x16xf32>
      tpu.vector_store %arg7[%swap3A_3729, %swap3A_3730], %swap3A_3733 {strides = array<i32>} : memref<16x128xf32, #tpu.memory_space<vmem>>, vector<1x16xf32>,
      %div3A_3734 = arith.divf %mul3A_3612, %add3A_3642 : vector<16xf32>
      %swap3A_3735 = arith.constant 13 : i32
      %swap3A_3736 = arith.index_cast %swap3A_3735 : i32 to index
      %swap3A_3737 = arith.constant 112 : index
      %swap3A_3738 = tpu.vector_load %arg7[%swap3A_3736, %swap3A_3737] {strides = array<i32>} : memref<16x128xf32, #tpu.memory_space<vmem>>, vector<1x16xf32>,
      %swap3A_3739 = vector.shape_cast %swap3A_3738 : vector<1x16xf32> to vector<16xf32>
      %swap3A_3740 = vector.shape_cast %div3A_3734 : vector<16xf32> to vector<1x16xf32>
      tpu.vector_store %arg7[%swap3A_3736, %swap3A_3737], %swap3A_3740 {strides = array<i32>} : memref<16x128xf32, #tpu.memory_space<vmem>>, vector<1x16xf32>,
      %div3A_3741 = arith.divf %mul3A_3618, %add3A_3642 : vector<16xf32>
      %swap3A_3742 = arith.constant 14 : i32
      %swap3A_3743 = arith.index_cast %swap3A_3742 : i32 to index
      %swap3A_3744 = arith.constant 112 : index
      %swap3A_3745 = tpu.vector_load %arg7[%swap3A_3743, %swap3A_3744] {strides = array<i32>} : memref<16x128xf32, #tpu.memory_space<vmem>>, vector<1x16xf32>,
      %swap3A_3746 = vector.shape_cast %swap3A_3745 : vector<1x16xf32> to vector<16xf32>
      %swap3A_3747 = vector.shape_cast %div3A_3741 : vector<16xf32> to vector<1x16xf32>
      tpu.vector_store %arg7[%swap3A_3743, %swap3A_3744], %swap3A_3747 {strides = array<i32>} : memref<16x128xf32, #tpu.memory_space<vmem>>, vector<1x16xf32>,
      %div3A_3748 = arith.divf %mul3A_3624, %add3A_3642 : vector<16xf32>
      %swap3A_3749 = arith.constant 15 : i32
      %swap3A_3750 = arith.index_cast %swap3A_3749 : i32 to index
      %swap3A_3751 = arith.constant 112 : index
      %swap3A_3752 = tpu.vector_load %arg7[%swap3A_3750, %swap3A_3751] {strides = array<i32>} : memref<16x128xf32, #tpu.memory_space<vmem>>, vector<1x16xf32>,
      %swap3A_3753 = vector.shape_cast %swap3A_3752 : vector<1x16xf32> to vector<16xf32>
      %swap3A_3754 = vector.shape_cast %div3A_3748 : vector<16xf32> to vector<1x16xf32>
      tpu.vector_store %arg7[%swap3A_3750, %swap3A_3751], %swap3A_3754 {strides = array<i32>} : memref<16x128xf32, #tpu.memory_space<vmem>>, vector<1x16xf32>,
      "tpu.region"() ({
        %run_scoped3A = tpu.sem_alloc : memref<!tpu.dma_semaphore, #tpu.memory_space<semaphore_mem>>
        %dma_start3A = arith.constant 0 : i32
        %dma_start3A_3755 = tpu.memref_slice %arg4[%dma_start3A, %mul3A_4] : memref<16x2048xf32, #tpu.memory_space<hbm>> -> memref<16x128xf32, #tpu.memory_space<hbm>>
        %dma_start3A_3756 = arith.constant 0 : i32
        %dma_start3A_3757 = tpu.memref_slice %arg4[%dma_start3A_3756, %mul3A_4] : memref<16x2048xf32, #tpu.memory_space<hbm>> -> memref<16x128xf32, #tpu.memory_space<hbm>>
        tpu.enqueue_dma source(%arg7 : memref<16x128xf32, #tpu.memory_space<vmem>>) target(%dma_start3A_3757 : memref<16x128xf32, #tpu.memory_space<hbm>>) target_semaphore(%run_scoped3A : memref<!tpu.dma_semaphore, #tpu.memory_space<semaphore_mem>>)
        %dma_wait3A = arith.constant 0 : i32
        %dma_wait3A_3758 = tpu.memref_slice %arg4[%dma_wait3A, %mul3A_4] : memref<16x2048xf32, #tpu.memory_space<hbm>> -> memref<16x128xf32, #tpu.memory_space<hbm>>
        %dma_wait3A_3759 = arith.constant 0 : i32
        %dma_wait3A_3760 = tpu.memref_slice %arg4[%dma_wait3A_3759, %mul3A_4] : memref<16x2048xf32, #tpu.memory_space<hbm>> -> memref<16x128xf32, #tpu.memory_space<hbm>>
        tpu.wait_dma2 semaphore(%run_scoped3A : memref<!tpu.dma_semaphore, #tpu.memory_space<semaphore_mem>>) src(%arg7 : memref<16x128xf32, #tpu.memory_space<vmem>>) dst(%dma_wait3A_3760 : memref<16x128xf32, #tpu.memory_space<hbm>>)
        tpu.yield
      }) : () -> ()
    } else {
    }
    return
  }
}

module attributes {stable_mosaic.version = 14 : i64} {
  func.func @_expert_body(%arg0: i32, %arg1: memref<2048x1024xbf16, #tpu.memory_space<vmem>>, %arg2: memref<1x512x1024xf32, #tpu.memory_space<vmem>>, %arg3: memref<1x512x1024xf32, #tpu.memory_space<vmem>>, %arg4: memref<1x1024x512xf32, #tpu.memory_space<vmem>>, %arg5: memref<1x1x2048xf32, #tpu.memory_space<vmem>>, %arg6: memref<2048x1024xf32, #tpu.memory_space<vmem>>) attributes {dimension_semantics = [#tpu.dimension_semantics<arbitrary>], iteration_bounds = array<i64: 16>, scalar_prefetch = 0 : i64, scratch_operands = 0 : i64, tpu.core_type = #tpu.core_type<tc>, window_params = [{pipeline_mode = #tpu.pipeline_mode<synchronous>, transform_indices = @transform_0, window_bounds = array<i64: 2048, 1024>}, {transform_indices = @transform_1, window_bounds = array<i64: 1, 512, 1024>}, {transform_indices = @transform_2, window_bounds = array<i64: 1, 512, 1024>}, {transform_indices = @transform_3, window_bounds = array<i64: 1, 1024, 512>}, {transform_indices = @transform_4, window_bounds = array<i64: 1, 1, 2048>}, {pipeline_mode = #tpu.pipeline_mode<synchronous>, transform_indices = @transform_5, window_bounds = array<i64: 2048, 1024>}]} {
    %get3A = arith.constant 0 : index
    %get3A_0 = arith.constant 0 : index
    %get3A_1 = arith.constant 0 : index
    %get3A_2 = vector.load %arg2[%get3A, %get3A_0, %get3A_1] : memref<1x512x1024xf32, #tpu.memory_space<vmem>>, vector<1x512x1024xf32>
    %get3A_3 = vector.shape_cast %get3A_2 : vector<1x512x1024xf32> to vector<512x1024xf32>
    %convert_element_type3A = arith.truncf %get3A_3 : vector<512x1024xf32> to vector<512x1024xbf16>
    %get3A_4 = arith.constant 0 : index
    %get3A_5 = arith.constant 0 : index
    %get3A_6 = arith.constant 0 : index
    %get3A_7 = vector.load %arg3[%get3A_4, %get3A_5, %get3A_6] : memref<1x512x1024xf32, #tpu.memory_space<vmem>>, vector<1x512x1024xf32>
    %get3A_8 = vector.shape_cast %get3A_7 : vector<1x512x1024xf32> to vector<512x1024xf32>
    %convert_element_type3A_9 = arith.truncf %get3A_8 : vector<512x1024xf32> to vector<512x1024xbf16>
    %get3A_10 = arith.constant 0 : index
    %get3A_11 = arith.constant 0 : index
    %get3A_12 = arith.constant 0 : index
    %get3A_13 = vector.load %arg4[%get3A_10, %get3A_11, %get3A_12] : memref<1x1024x512xf32, #tpu.memory_space<vmem>>, vector<1x1024x512xf32>
    %get3A_14 = vector.shape_cast %get3A_13 : vector<1x1024x512xf32> to vector<1024x512xf32>
    %convert_element_type3A_15 = arith.truncf %get3A_14 : vector<1024x512xf32> to vector<1024x512xbf16>
    %get3A_16 = arith.constant 0 : index
    %get3A_17 = arith.constant 0 : index
    %get3A_18 = arith.constant 0 : index
    %get3A_19 = vector.load %arg5[%get3A_16, %get3A_17, %get3A_18] : memref<1x1x2048xf32, #tpu.memory_space<vmem>>, vector<1x1x2048xf32>
    %get3A_20 = vector.shape_cast %get3A_19 : vector<1x1x2048xf32> to vector<1x2048xf32>
    %transpose3A = tpu.transpose %get3A_20, [1, 0] : vector<1x2048xf32> -> vector<2048x1xf32>
    %get3A_21 = arith.constant 0 : index
    %get3A_22 = arith.constant 0 : index
    %get3A_23 = vector.load %arg1[%get3A_21, %get3A_22] : memref<2048x1024xbf16, #tpu.memory_space<vmem>>, vector<1024x1024xbf16>
    %dot_general3A = arith.constant dense<0.000000e+00> : vector<1024x512xf32>
    %dot_general3A_24 = tpu.matmul %get3A_23, %convert_element_type3A, %dot_general3A {dimension_numbers = #tpu.dot_dimension_numbers<[1], [1], [0], [0], [0, 0, 1, 0], [], []>, transpose_lhs_hint = false} : vector<1024x1024xbf16>, vector<512x1024xbf16>, vector<1024x512xf32> -> vector<1024x512xf32>
    %dot_general3A_25 = arith.constant dense<0.000000e+00> : vector<1024x512xf32>
    %dot_general3A_26 = tpu.matmul %get3A_23, %convert_element_type3A_9, %dot_general3A_25 {dimension_numbers = #tpu.dot_dimension_numbers<[1], [1], [0], [0], [0, 0, 1, 0], [], []>, transpose_lhs_hint = false} : vector<1024x1024xbf16>, vector<512x1024xbf16>, vector<1024x512xf32> -> vector<1024x512xf32>
    %neg3A = arith.constant 0.000000e+00 : f32
    %neg3A_27 = vector.broadcast %neg3A : f32 to vector<1024x512xf32>
    %neg3A_28 = arith.subf %neg3A_27, %dot_general3A_24 : vector<1024x512xf32>
    %exp3A = math.exp %neg3A_28 : vector<1024x512xf32>
    %add3A = arith.constant 1.000000e+00 : f32
    %add3A_29 = vector.broadcast %add3A : f32 to vector<1024x512xf32>
    %add3A_30 = arith.addf %add3A_29, %exp3A : vector<1024x512xf32>
    %div3A = arith.divf %dot_general3A_24, %add3A_30 : vector<1024x512xf32>
    %slice3A = vector.extract_strided_slice %transpose3A {offsets = [0, 0], sizes = [1024, 1], strides = [1, 1]} : vector<2048x1xf32> to vector<1024x1xf32>
    %mul3A = vector.broadcast %slice3A : vector<1024x1xf32> to vector<1024x512xf32>
    %mul3A_31 = arith.mulf %dot_general3A_26, %mul3A : vector<1024x512xf32>
    %mul3A_32 = arith.mulf %div3A, %mul3A_31 : vector<1024x512xf32>
    %convert_element_type3A_33 = arith.truncf %mul3A_32 : vector<1024x512xf32> to vector<1024x512xbf16>
    %dot_general3A_34 = arith.constant dense<0.000000e+00> : vector<1024x1024xf32>
    %dot_general3A_35 = tpu.matmul %convert_element_type3A_33, %convert_element_type3A_15, %dot_general3A_34 {dimension_numbers = #tpu.dot_dimension_numbers<[1], [1], [0], [0], [0, 0, 1, 0], [], []>, transpose_lhs_hint = false} : vector<1024x512xbf16>, vector<1024x512xbf16>, vector<1024x1024xf32> -> vector<1024x1024xf32>
    %eq3A = arith.constant 0 : i32
    %eq3A_36 = arith.cmpi eq, %arg0, %eq3A : i32
    %convert_element_type3A_37 = arith.extui %eq3A_36 : i1 to i32
    %cond3A = arith.constant 0 : i32
    %cond3A_38 = arith.cmpi ne, %convert_element_type3A_37, %cond3A : i32
    scf.if %cond3A_38 {
      %swap3A = arith.constant 0 : index
      %swap3A_75 = arith.constant 0 : index
      %swap3A_76 = vector.load %arg6[%swap3A, %swap3A_75] : memref<2048x1024xf32, #tpu.memory_space<vmem>>, vector<1024x1024xf32>
      tpu.vector_store %arg6[%swap3A, %swap3A_75], %dot_general3A_35 {strides = array<i32>} : memref<2048x1024xf32, #tpu.memory_space<vmem>>, vector<1024x1024xf32>,
    } else {
    }
    %ne3A = arith.constant 0 : i32
    %ne3A_39 = arith.cmpi ne, %arg0, %ne3A : i32
    %convert_element_type3A_40 = arith.extui %ne3A_39 : i1 to i32
    %cond3A_41 = arith.constant 0 : i32
    %cond3A_42 = arith.cmpi ne, %convert_element_type3A_40, %cond3A_41 : i32
    scf.if %cond3A_42 {
      %get3A_75 = arith.constant 0 : index
      %get3A_76 = arith.constant 0 : index
      %get3A_77 = vector.load %arg6[%get3A_75, %get3A_76] : memref<2048x1024xf32, #tpu.memory_space<vmem>>, vector<1024x1024xf32>
      %add3A_78 = arith.addf %get3A_77, %dot_general3A_35 : vector<1024x1024xf32>
      %swap3A = arith.constant 0 : index
      %swap3A_79 = arith.constant 0 : index
      %swap3A_80 = vector.load %arg6[%swap3A, %swap3A_79] : memref<2048x1024xf32, #tpu.memory_space<vmem>>, vector<1024x1024xf32>
      tpu.vector_store %arg6[%swap3A, %swap3A_79], %add3A_78 {strides = array<i32>} : memref<2048x1024xf32, #tpu.memory_space<vmem>>, vector<1024x1024xf32>,
    } else {
    }
    %get3A_43 = arith.constant 1024 : index
    %get3A_44 = arith.constant 0 : index
    %get3A_45 = vector.load %arg1[%get3A_43, %get3A_44] : memref<2048x1024xbf16, #tpu.memory_space<vmem>>, vector<1024x1024xbf16>
    %dot_general3A_46 = arith.constant dense<0.000000e+00> : vector<1024x512xf32>
    %dot_general3A_47 = tpu.matmul %get3A_45, %convert_element_type3A, %dot_general3A_46 {dimension_numbers = #tpu.dot_dimension_numbers<[1], [1], [0], [0], [0, 0, 1, 0], [], []>, transpose_lhs_hint = false} : vector<1024x1024xbf16>, vector<512x1024xbf16>, vector<1024x512xf32> -> vector<1024x512xf32>
    %dot_general3A_48 = arith.constant dense<0.000000e+00> : vector<1024x512xf32>
    %dot_general3A_49 = tpu.matmul %get3A_45, %convert_element_type3A_9, %dot_general3A_48 {dimension_numbers = #tpu.dot_dimension_numbers<[1], [1], [0], [0], [0, 0, 1, 0], [], []>, transpose_lhs_hint = false} : vector<1024x1024xbf16>, vector<512x1024xbf16>, vector<1024x512xf32> -> vector<1024x512xf32>
    %neg3A_50 = arith.constant 0.000000e+00 : f32
    %neg3A_51 = vector.broadcast %neg3A_50 : f32 to vector<1024x512xf32>
    %neg3A_52 = arith.subf %neg3A_51, %dot_general3A_47 : vector<1024x512xf32>
    %exp3A_53 = math.exp %neg3A_52 : vector<1024x512xf32>
    %add3A_54 = arith.constant 1.000000e+00 : f32
    %add3A_55 = vector.broadcast %add3A_54 : f32 to vector<1024x512xf32>
    %add3A_56 = arith.addf %add3A_55, %exp3A_53 : vector<1024x512xf32>
    %div3A_57 = arith.divf %dot_general3A_47, %add3A_56 : vector<1024x512xf32>
    %slice3A_58 = vector.extract_strided_slice %transpose3A {offsets = [1024, 0], sizes = [1024, 1], strides = [1, 1]} : vector<2048x1xf32> to vector<1024x1xf32>
    %mul3A_59 = vector.broadcast %slice3A_58 : vector<1024x1xf32> to vector<1024x512xf32>
    %mul3A_60 = arith.mulf %dot_general3A_49, %mul3A_59 : vector<1024x512xf32>
    %mul3A_61 = arith.mulf %div3A_57, %mul3A_60 : vector<1024x512xf32>
    %convert_element_type3A_62 = arith.truncf %mul3A_61 : vector<1024x512xf32> to vector<1024x512xbf16>
    %dot_general3A_63 = arith.constant dense<0.000000e+00> : vector<1024x1024xf32>
    %dot_general3A_64 = tpu.matmul %convert_element_type3A_62, %convert_element_type3A_15, %dot_general3A_63 {dimension_numbers = #tpu.dot_dimension_numbers<[1], [1], [0], [0], [0, 0, 1, 0], [], []>, transpose_lhs_hint = false} : vector<1024x512xbf16>, vector<1024x512xbf16>, vector<1024x1024xf32> -> vector<1024x1024xf32>
    %eq3A_65 = arith.constant 0 : i32
    %eq3A_66 = arith.cmpi eq, %arg0, %eq3A_65 : i32
    %convert_element_type3A_67 = arith.extui %eq3A_66 : i1 to i32
    %cond3A_68 = arith.constant 0 : i32
    %cond3A_69 = arith.cmpi ne, %convert_element_type3A_67, %cond3A_68 : i32
    scf.if %cond3A_69 {
      %swap3A = arith.constant 1024 : index
      %swap3A_75 = arith.constant 0 : index
      %swap3A_76 = vector.load %arg6[%swap3A, %swap3A_75] : memref<2048x1024xf32, #tpu.memory_space<vmem>>, vector<1024x1024xf32>
      tpu.vector_store %arg6[%swap3A, %swap3A_75], %dot_general3A_64 {strides = array<i32>} : memref<2048x1024xf32, #tpu.memory_space<vmem>>, vector<1024x1024xf32>,
    } else {
    }
    %ne3A_70 = arith.constant 0 : i32
    %ne3A_71 = arith.cmpi ne, %arg0, %ne3A_70 : i32
    %convert_element_type3A_72 = arith.extui %ne3A_71 : i1 to i32
    %cond3A_73 = arith.constant 0 : i32
    %cond3A_74 = arith.cmpi ne, %convert_element_type3A_72, %cond3A_73 : i32
    scf.if %cond3A_74 {
      %get3A_75 = arith.constant 1024 : index
      %get3A_76 = arith.constant 0 : index
      %get3A_77 = vector.load %arg6[%get3A_75, %get3A_76] : memref<2048x1024xf32, #tpu.memory_space<vmem>>, vector<1024x1024xf32>
      %add3A_78 = arith.addf %get3A_77, %dot_general3A_64 : vector<1024x1024xf32>
      %swap3A = arith.constant 1024 : index
      %swap3A_79 = arith.constant 0 : index
      %swap3A_80 = vector.load %arg6[%swap3A, %swap3A_79] : memref<2048x1024xf32, #tpu.memory_space<vmem>>, vector<1024x1024xf32>
      tpu.vector_store %arg6[%swap3A, %swap3A_79], %add3A_78 {strides = array<i32>} : memref<2048x1024xf32, #tpu.memory_space<vmem>>, vector<1024x1024xf32>,
    } else {
    }
    return
  }
  func.func @transform_0(%arg0: i32) -> (i32, i32) {
    %c0_i32 = arith.constant 0 : i32
    %c0_i32_0 = arith.constant 0 : i32
    %c0_i32_1 = arith.constant 0 : i32
    return %c0_i32, %c0_i32_0 : i32, i32
  }
  func.func @transform_1(%arg0: i32) -> (i32, i32, i32) {
    %c0_i32 = arith.constant 0 : i32
    %c0_i32_0 = arith.constant 0 : i32
    %c0_i32_1 = arith.constant 0 : i32
    return %arg0, %c0_i32, %c0_i32_0 : i32, i32, i32
  }
  func.func @transform_2(%arg0: i32) -> (i32, i32, i32) {
    %c0_i32 = arith.constant 0 : i32
    %c0_i32_0 = arith.constant 0 : i32
    %c0_i32_1 = arith.constant 0 : i32
    return %arg0, %c0_i32, %c0_i32_0 : i32, i32, i32
  }
  func.func @transform_3(%arg0: i32) -> (i32, i32, i32) {
    %c0_i32 = arith.constant 0 : i32
    %c0_i32_0 = arith.constant 0 : i32
    %c0_i32_1 = arith.constant 0 : i32
    return %arg0, %c0_i32, %c0_i32_0 : i32, i32, i32
  }
  func.func @transform_4(%arg0: i32) -> (i32, i32, i32) {
    %c0_i32 = arith.constant 0 : i32
    %c0_i32_0 = arith.constant 0 : i32
    %c0_i32_1 = arith.constant 0 : i32
    return %arg0, %c0_i32, %c0_i32_0 : i32, i32, i32
  }
  func.func @transform_5(%arg0: i32) -> (i32, i32) {
    %c0_i32 = arith.constant 0 : i32
    %c0_i32_0 = arith.constant 0 : i32
    %c0_i32_1 = arith.constant 0 : i32
    return %c0_i32, %c0_i32_0 : i32, i32
  }
}

module attributes {stable_mosaic.version = 14 : i64} {
  func.func @_gate_body(%arg0: memref<2048x1024xf32, #tpu.memory_space<vmem>>, %arg1: memref<16x1024xf32, #tpu.memory_space<vmem>>, %arg2: memref<16x1xf32, #tpu.memory_space<vmem>>, %arg3: memref<16x2048xf32, #tpu.memory_space<vmem>>, %arg4: memref<16x2048xf32, #tpu.memory_space<vmem>>, %arg5: memref<2048x1024xbf16, #tpu.memory_space<vmem>>) attributes {dimension_semantics = [], scalar_prefetch = 0 : i64, scratch_operands = 0 : i64, tpu.core_type = #tpu.core_type<tc>} {
    %get3A = arith.constant 0 : index
    %get3A_0 = arith.constant 0 : index
    %get3A_1 = vector.load %arg0[%get3A, %get3A_0] : memref<2048x1024xf32, #tpu.memory_space<vmem>>, vector<2048x1024xf32>
    %get3A_2 = arith.constant 0 : index
    %get3A_3 = arith.constant 0 : index
    %get3A_4 = vector.load %arg1[%get3A_2, %get3A_3] : memref<16x1024xf32, #tpu.memory_space<vmem>>, vector<16x1024xf32>
    %dot_general3A = arith.constant dense<0.000000e+00> : vector<2048x16xf32>
    %dot_general3A_5 = tpu.matmul %get3A_1, %get3A_4, %dot_general3A {dimension_numbers = #tpu.dot_dimension_numbers<[1], [1], [0], [0], [0, 0, 1, 0], [], []>, transpose_lhs_hint = false} : vector<2048x1024xf32>, vector<16x1024xf32>, vector<2048x16xf32> -> vector<2048x16xf32>
    %neg3A = arith.constant 0.000000e+00 : f32
    %neg3A_6 = vector.broadcast %neg3A : f32 to vector<2048x16xf32>
    %neg3A_7 = arith.subf %neg3A_6, %dot_general3A_5 : vector<2048x16xf32>
    %exp3A = math.exp %neg3A_7 : vector<2048x16xf32>
    %add3A = arith.constant 1.000000e+00 : f32
    %add3A_8 = vector.broadcast %add3A : f32 to vector<2048x16xf32>
    %add3A_9 = arith.addf %add3A_8, %exp3A : vector<2048x16xf32>
    %div3A = arith.constant 1.000000e+00 : f32
    %div3A_10 = vector.broadcast %div3A : f32 to vector<2048x16xf32>
    %div3A_11 = arith.divf %div3A_10, %add3A_9 : vector<2048x16xf32>
    %transpose3A = tpu.transpose %div3A_11, [1, 0] : vector<2048x16xf32> -> vector<16x2048xf32>
    %swap3A = arith.constant 0 : index
    %swap3A_12 = arith.constant 0 : index
    %swap3A_13 = vector.load %arg3[%swap3A, %swap3A_12] : memref<16x2048xf32, #tpu.memory_space<vmem>>, vector<16x2048xf32>
    tpu.vector_store %arg3[%swap3A, %swap3A_12], %transpose3A {strides = array<i32>} : memref<16x2048xf32, #tpu.memory_space<vmem>>, vector<16x2048xf32>,
    %transpose3A_14 = tpu.transpose %div3A_11, [1, 0] : vector<2048x16xf32> -> vector<16x2048xf32>
    %get3A_15 = arith.constant 0 : index
    %get3A_16 = arith.constant 0 : index
    %get3A_17 = vector.load %arg2[%get3A_15, %get3A_16] : memref<16x1xf32, #tpu.memory_space<vmem>>, vector<16x1xf32>
    %add3A_18 = vector.broadcast %get3A_17 : vector<16x1xf32> to vector<16x2048xf32>
    %add3A_19 = arith.addf %transpose3A_14, %add3A_18 : vector<16x2048xf32>
    %swap3A_20 = arith.constant 0 : index
    %swap3A_21 = arith.constant 0 : index
    %swap3A_22 = vector.load %arg4[%swap3A_20, %swap3A_21] : memref<16x2048xf32, #tpu.memory_space<vmem>>, vector<16x2048xf32>
    tpu.vector_store %arg4[%swap3A_20, %swap3A_21], %add3A_19 {strides = array<i32>} : memref<16x2048xf32, #tpu.memory_space<vmem>>, vector<16x2048xf32>,
    %convert_element_type3A = arith.truncf %get3A_1 : vector<2048x1024xf32> to vector<2048x1024xbf16>
    %swap3A_23 = arith.constant 0 : index
    %swap3A_24 = arith.constant 0 : index
    %swap3A_25 = vector.load %arg5[%swap3A_23, %swap3A_24] : memref<2048x1024xbf16, #tpu.memory_space<vmem>>, vector<2048x1024xbf16>
    tpu.vector_store %arg5[%swap3A_23, %swap3A_24], %convert_element_type3A {strides = array<i32>} : memref<2048x1024xbf16, #tpu.memory_space<vmem>>, vector<2048x1024xbf16>,
    return
  }
}

</mosaic_0001>

<sc_bundles>
// kernel: kernel.5.cloned.1.call-start
scs
__scs_entry_jumppad:
0x0: {  	(pc) =	sbr.rel $0x88, $3  }
0x1: {  	(tag) =	ssettag $0x0;
	lr =	simm.s32 $0x1  }
0x2: {  	[smem:$0x3F9B] =	sst lr;
	_ =	strace $0xD0000000  }
0x3: {  	_ = 	snop  }
0x4: {  	_ = 	snop  }
0x5: {  	_ = 	snop  }
0x6: {  	_ = 	snop  }
0x7: {  	_ = 	snop  }
__scs_overlays_trampoline_lowered:
0x8: {  	[smem:$0x3FAA] =	sst s0  }
0x9: {  	[smem:$0x3FAB] =	sst s1  }
0xa: {  	[smem:$0x3FAC] =	sst s2  }
0xb: {  	[smem:$0x3FAD] =	sst s3  }
0xc: {  	[smem:$0x3FAE] =	sst s4  }
0xd: {  	[smem:$0x3FAF] =	sst s5  }
0xe: {  	[smem:$0x3FB0] =	sst s6  }
0xf: {  	[smem:$0x3FB1] =	sst s7  }
0x10: {  	[smem:$0x3FB2] =	sst s8  }
0x11: {  	[smem:$0x3FB3] =	sst s9;
	s0 =	simm.s32 @!p0 $0x0  }
0x12: {  	s1 =	sld [smem:$0x3F99];
	s0 =	simm.s32 @p0 $0x1  }
0x13: {  	[smem:$0x3FB4] =	sst s0;
	s0 =	simm.s32 @!p1 $0x0  }
0x14: {  	s2 =	sld [smem:$0x3F98];
	s0 =	simm.s32 @p1 $0x1  }
0x15: {  	[smem:$0x3FB5] =	sst s0;
	s0 =	simm.s32 @!p2 $0x0  }
0x16: {  	s3 =	sld [smem:$0x3FDB];
	s0 =	simm.s32 @p2 $0x1  }
0x17: {  	s4 =	simm.s32 $0x1BF5;
	[smem:$0x3FB7] =	sst s0  }
0x18: {  	s0 =	sld [smem:$0x3F9A];
	_ =	swait.ge [sflag:s4], $0x0  }
0x19: {  	s7 =	sld [smem:$0x3F9B]  }
0x1a: {  	s8 =	sadd.s32 $0xFFFFE003, lr  }
0x1b: {  	s9 =	sadd.s32 $0xFFFFFEF7, lr;
	s5 =	simm.s32 $0xFFFFFFFF;
	p2 =	slt.u32 s8, $0xFFFFF086  }
0x1c: {  	p1 =	slt.u32 s9, $0xF7A;
	s5 =	simm.s32 @!p2 $0x0  }
0x1d: {  	s5 =	simm.s32 @p1 $0x1;
	p0 =	seq.s32 s7, s2  }
0x1e: {  	s7 =	smul.u32 @!p0 $0xF7A, s2;
	p2 =	seq.s32 @!p0 s5, $0x0  }
0x1f: {  	s9 =	smul.u32 $0xF7A, s1;
	s8 =	simm.s32 @!p0 $0x1BF5;
	p2 =	por !p2, p0  }
0x20: {  	[sflag:s8] =	ssyncset.s32 @!p0 $0xFFFFF086;
	s6 =	sadd.s32 @!p0 s3, s7;
	s7 =	simm.s32 @!p0 $0x108  }
0x21: {  	s3 =	sadd.s32 s3, s9;
	s6 =	sadd.s32 @!p0 $0x88, s6;
	s7 =	simm.s32 @p2 $0x1082  }
0x22: {  	[simem:s7], [sflag:s8] =	dma.local @!p0 [hbm:s6], $0xF7A  }
0x23: {  	s9 =	sor.u32 $0xD0000000, s2;
	s6 =	simm.s32 $0x108;
	_ =	swait.ge @!p0 [sflag:s8], $0x0  }
0x24: {  	s3 =	sadd.s32 $0x88, s3;
	s6 =	simm.s32 @!p1 $0x1082;
	[sflag:s4] =	ssyncset.s32 $0xFFFFF086  }
0x25: {  	[simem:s6], [sflag:s4] =	dma.local [hbm:s3], $0xF7A  }
0x26: {  	[smem:$0x3F9B] =	sst s1;
	(tag) =	ssettag s2;
	_ =	strace s9  }
0x27: {  	s1 =	sld [smem:$0x3FAB]  }
0x28: {  	s2 =	sld [smem:$0x3FAC]  }
0x29: {  	s4 =	sld [smem:$0x3FAE]  }
0x2a: {  	p0 =	seq.s32 s5, $0x0;
	s5 =	sld [smem:$0x3FAF]  }
0x2b: {  	s6 =	sld [smem:$0x3FB0]  }
0x2c: {  	s7 =	sld [smem:$0x3FB1]  }
0x2d: {  	s3 =	simm.s32 $0x108;
	s8 =	sld [smem:$0x3FB2]  }
0x2e: {  	s3 =	simm.s32 @!p0 $0x1082;
	s9 =	sld [smem:$0x3FB3]  }
0x2f: {  	lr =	sadd.s32 s0, s3;
	s0 =	sld [smem:$0x3FAA]  }
0x30: {  	s3 =	sld [smem:$0x3FAD]  }
0x31: {  	[smem:$0x3FB6] =	sst s10  }
0x32: {  	s10 =	sld [smem:$0x3FB4];
	_ =	sdelay $0x3  }
0x33: {  	p0 =	seq.s32 s10, $0x1;
	s10 =	sld [smem:$0x3FB6];
	_ =	sdelay $0x3  }
0x34: {  	[smem:$0x3FB6] =	sst s10  }
0x35: {  	s10 =	sld [smem:$0x3FB5];
	_ =	sdelay $0x3  }
0x36: {  	p1 =	seq.s32 s10, $0x1;
	s10 =	sld [smem:$0x3FB6];
	_ =	sdelay $0x3  }
0x37: {  	[smem:$0x3FB6] =	sst s10  }
0x38: {  	s10 =	sld [smem:$0x3FB7]  }
0x39: {  	_ = 	snop;
	(pc) =	sbr.ind lr, $3  }
0x3a: {  	_ = 	snop  }
0x3b: {  	_ = 	snop  }
0x3c: {  	p2 =	seq.s32 s10, $0x1;
	s10 =	sld [smem:$0x3FB6]  }
0x3d: {  	_ =	shalt  }
0x3e: {  	_ =	shalt  }
0x3f: {  	_ =	shalt  }
0x40: {  	_ =	shalt  }
0x41: {  	_ =	shalt  }
0x42: {  	_ =	shalt  }
0x43: {  	_ =	shalt  }
0x44: {  	_ =	shalt  }
0x45: {  	_ =	shalt  }
0x46: {  	_ =	shalt  }
0x47: {  	_ =	shalt  }
0x48: {  	_ =	shalt  }
0x49: {  	_ =	shalt  }
0x4a: {  	_ =	shalt  }
0x4b: {  	_ =	shalt  }
0x4c: {  	_ =	shalt  }
0x4d: {  	_ =	shalt  }
0x4e: {  	_ =	shalt  }
0x4f: {  	_ =	shalt  }
0x50: {  	_ =	shalt  }
0x51: {  	_ =	shalt  }
0x52: {  	_ =	shalt  }
0x53: {  	_ =	shalt  }
0x54: {  	_ =	shalt  }
0x55: {  	_ =	shalt  }
0x56: {  	_ =	shalt  }
0x57: {  	_ =	shalt  }
0x58: {  	_ =	shalt  }
0x59: {  	_ =	shalt  }
0x5a: {  	_ =	shalt  }
0x5b: {  	_ =	shalt  }
0x5c: {  	_ =	shalt  }
0x5d: {  	_ =	shalt  }
0x5e: {  	_ =	shalt  }
0x5f: {  	_ =	shalt  }
0x60: {  	_ =	shalt  }
0x61: {  	_ =	shalt  }
0x62: {  	_ =	shalt  }
0x63: {  	_ =	shalt  }
0x64: {  	_ =	shalt  }
0x65: {  	_ =	shalt  }
0x66: {  	_ =	shalt  }
0x67: {  	_ =	shalt  }
0x68: {  	_ =	shalt  }
0x69: {  	_ =	shalt  }
0x6a: {  	_ =	shalt  }
0x6b: {  	_ =	shalt  }
0x6c: {  	_ =	shalt  }
0x6d: {  	_ =	shalt  }
0x6e: {  	_ =	shalt  }
0x6f: {  	_ =	shalt  }
0x70: {  	_ =	shalt  }
0x71: {  	_ =	shalt  }
0x72: {  	_ =	shalt  }
0x73: {  	_ =	shalt  }
0x74: {  	_ =	shalt  }
0x75: {  	_ =	shalt  }
0x76: {  	_ =	shalt  }
0x77: {  	_ =	shalt  }
0x78: {  	_ =	shalt  }
0x79: {  	_ =	shalt  }
0x7a: {  	_ =	shalt  }
0x7b: {  	_ =	shalt  }
0x7c: {  	_ =	shalt  }
0x7d: {  	_ =	shalt  }
0x7e: {  	_ =	shalt  }
0x7f: {  	_ =	shalt  }
0x80: {  	_ =	shalt  }
0x81: {  	_ =	shalt  }
0x82: {  	_ =	shalt  }
0x83: {  	_ =	shalt  }
0x84: {  	_ =	shalt  }
0x85: {  	_ =	shalt  }
0x86: {  	_ =	shalt  }
0x87: {  	_ =	shalt  }
.Lfunc_end0:
.L_simem_size_0:
called_computation_lowered:
.L_overlay_start_0:
0x88: {  	s2 =	sld [smem:$0x3FD9]  }
0x89: {  	s3 =	sld [smem:$0x3FFE];
	_ =	sdelay $0x1  }
0x8a: {  	s1 =	srdreg.scid  }
0x8b: {  	s0 =	sand.u32 $0x1, s1  }
0x8c: {  	s17 =	sshll.u32 s0, $0xA;
	s2 =	sadd.s32 s3, s2  }
0x8d: {  	s2 =	sadd.s32 s2, s17  }
0x8e: {  	[smem:$0x3FC2] =	sst s2  }
0x8f: {  	_ = 	snop  }
0x90: {  	s2 =	sld [smem:$0x3FD0];
	(tm) =	ssettm $0x1  }
0x91: {  	s18 =	sld [smem:$0x3FFB];
	_ =	sdelay $0x3  }
0x92: {  	_ =	strace s18  }
0x93: {  	s3 =	sld [smem:$0x3FFC];
	_ =	sdelay $0x3  }
0x94: {  	_ =	strace s3  }
0x95: {  	s3 =	sld [smem:$0x3FFD];
	_ =	sdelay $0x3  }
0x96: {  	_ =	strace s3  }
0x97: {  	_ =	strace $0x8FFFFFFF  }
0x98: {  	s19 =	sld [smem:$0x3FDB];
	_ =	sdelay $0x1  }
0x99: {  	s4 =	simm.s32 $_scs_section_size  }
0x9a: {  	s5 =	simm.s32 $_size__tile_overlayer_lowered;
	s6 =	simm.s32 $_tile_overlayer_lowered  }
0x9b: {  	s22 =	simm.s32 $0x1BFF;
	s21 =	sshll.u32 s6, $0x1;
	s3 =	sadd.s32 s4, s19  }
0x9c: {  	s7 =	simm.s32 $0x0;
	s20 =	sshll.u32 s5, $0x1;
	s5 =	sadd.s32 s21, s3  }
0x9d: {  	[timem:s7], [sflag:s22] =	dma.local [hbm:s5], s20  }
0x9e: {  	_ =	swait.ge [sflag:s22], s20  }
0x9f: {  	s4 =	ssub.s32 $0x0, s20;
	[sflag:s22] =	ssyncset.done $0x0  }
0xa0: {  	[sflag:s22] =	ssyncadd.s32 s4;
	_ =	sdelay $0x1  }
0xa1: {  	s23 =	simm.s32 $0x1B8B  }
0xa2: {  	_ =	swait.ge [sflag:s23], $0x1  }
0xa3: {  	[sflag:s23] =	ssyncset.done $0x0  }
0xa4: {  	s25 =	simm.s32 $0x1B8E;
	s24 =	sld [smem:$0x3FFE];
	[sflag:s23] =	ssyncadd.s32 $0xFFFFFFFF  }
0xa5: {  	s26 =	simm.s32 $execute0_lowered;
	[smem:$0x3FD2] =	sst s25  }
0xa6: {  	s5 =	sshll.u32 s26, $0x1;
	_ =	strace $0x80000046;
	[dreg:$0x1] =	wrdreg $0xFFFFFFFF  }
0xa7: {  	s28 =	simm.s32 $_size_execute0_lowered;
	s3 =	sadd.s32 s3, s5;
	[dreg:$0x0] =	wrdreg $0x0  }
0xa8: {  	s5 =	sshll.u32 s28, $0x1;
	[dreg:$0x2] =	wrdreg s3  }
0xa9: {  	[dreg:$0x3] =	wrdreg s5  }
0xaa: {  	[dreg:$0x4] =	wrdreg $0xC0  }
0xab: {  	_ =	task [dreg:s7], $0x5FFFF  }
0xac: {  	[dreg:$0x1] =	wrdreg $0xFFFFFFFF  }
0xad: {  	[dreg:$0x0] =	wrdreg $0x60  }
0xae: {  	[dreg:$0x2] =	wrdreg s2  }
0xaf: {  	[dreg:$0x3] =	wrdreg s24  }
0xb0: {  	[dreg:$0x4] =	wrdreg $0x9  }
0xb1: {  	_ =	task.clear_ibuf [dreg:s7], $0x5FFFF;
	_ =	strace $0x90000046  }
0xb2: {  	s29 =	simm.s32 $0x9;
	_ =	strace $0x80000048  }
0xb3: {  	_ =	swait.ge [sflag:s29], $0x1  }
0xb4: {  	[sflag:s29] =	ssyncadd.s32 $0xFFFFFFFF  }
0xb5: {  	_ =	strace $0x90000048  }
0xb6: {  	_ =	sfence  }
0xb7: {  	s30 =	sld [smem:$0x0];
	_ =	sdelay $0x2  }
0xb8: {  	s31 =	sshll.u32 s1, $0xD;
	s1 =	sshrl.u32 s1, $0x2  }
0xb9: {  	s3 =	sand.u32 $0x4000, s31;
	s1 =	sadd.s32 s1, s30  }
0xba: {  	s0 =	sor.u32 s3, s0;
	s1 =	sshll.u32 s1, $0x11  }
0xbb: {  	s0 =	sor.u32 s1, s0  }
0xbc: {  	s0 =	sadd.s32 $0x8F2B, s0  }
0xbd: {  	[sflag:s0] =	ssyncadd.remote.s32 $0x1  }
0xbe: {  	_ =	sfence.sel $0xFFFF  }
0xbf: {  	[dreg:$0x0] =	wrdreg $0xFFFFFFFF;
	(pc) =	sbr.abs _section_cstart, $3  }
0xc0: {  	[dreg:$0x1] =	wrdreg $0xFFFFFFFF  }
0xc1: {  	_ =	task.clear_ibuf [dreg:s7], $0x2FFFF;
	_ =	strace $0x9FFFFFFF  }
0xc2: {  	(tm) =	ssettm $0x7FFFFFFF  }
0xc3: {  	_ =	shalt  }
tec
execute0_lowered:
.L_overlay_start_1:
0x0: {  	(tag) =	ssettag $0x1  }
0x1: {  	s1 =	stileid.u32  }
0x2: {  	p0 =	sgt.u32 s1, $0x7  }
.Ltmp0:
0x3: {  	_ = 	snop;
	(pc) =	sbr.rel @p0 .LBB2_3-.Ltmp0, $4  }
0x4: {  	s5 =	rddreg [dreg:$0x0]  }
0x5: {  	s3 =	rddreg [dreg:$0x1];
	s2 =	simm.s32 $0x0  }
0x6: {  	[smem:$0x7FF] =	sst s2  }
0x7: {  	s0 =	rddreg [dreg:$0x2];
	_ =	strace $0x80000047  }
0x8: {  	s4 =	srdreg.scid  }
0x9: {  	s6 =	sshll.u32 s1, $0x8;
	s4 =	sand.u32 $0x1, s4  }
0xa: {  	s10 =	simm.s32 $0x800;
	s7 =	sshll.u32 s4, $0x7;
	s8 =	ssub.s32 $0x2, s4  }
0xb: {  	s11 =	simm.s32 $0x1000;
	s6 =	sor.u32 s7, s6;
	s9 =	sshrl.u32 s8, $0x1  }
0xc: {  	s7 =	sadd.s32 s6, s3;
	s31 =	ssub.s32 s8, s9;
	s5 =	sadd.s32 s5, s6  }
0xd: {  	s8 =	simm.s32 $0x4000;
	s9 =	simm.s32 $0x1;
	s3 =	sadd.s32 $0xE00, s7  }
0xe: {  	v49 =	vimm.f32 $0.0e+00;
	s4 =	sadd.s32 $0x1E00, s7;
	s6 =	smax.u32 s31, $0x1;
	s7 =	simm.s32 $0x400  }
.LBB2_2:
0xf: {  	[tilespmem:s2], [sflag:$0x1] =	stream.strided.gather [hbm4b:s5+s7], $0x800, s8, s7, $0x38;
	[tilespmem:$0x1800] =	vst v63  }
0x10: {  	_ =	swait.ge [sflag:s9], $0x800  }
0x11: {  	[sflag:s9] =	ssyncset.done $0x0  }
0x12: {  	[sflag:s9] =	ssyncadd.s32 $0xFFFFF800  }
0x13: {  	[tilespmem:s10], [sflag:$0x1] =	stream.strided.gather [hbm4b:s3+s7], $0x800, s8, s7, $0x38;
	[tilespmem:$0x1800] =	vst v63  }
0x14: {  	_ =	swait.ge [sflag:s9], $0x800  }
0x15: {  	[sflag:s9] =	ssyncset.done $0x0  }
0x16: {  	[sflag:s9] =	ssyncadd.s32 $0xFFFFF800  }
0x17: {  	v1 =	vld [tilespmem:$0x800]  }
0x18: {  	v2 =	vld [tilespmem:$0x880]  }
0x19: {  	v3 =	vld [tilespmem:$0x900]  }
0x1a: {  	v4 =	vld [tilespmem:$0x980]  }
0x1b: {  	v5 =	vld [tilespmem:$0xA00]  }
0x1c: {  	v6 =	vld [tilespmem:$0xA80]  }
0x1d: {  	v7 =	vld [tilespmem:$0xB00]  }
0x1e: {  	v8 =	vld [tilespmem:$0xB80]  }
0x1f: {  	v9 =	vld [tilespmem:$0xC00]  }
0x20: {  	v10 =	vld [tilespmem:$0xC80]  }
0x21: {  	v11 =	vld [tilespmem:$0xD00]  }
0x22: {  	v13 =	vld [tilespmem:$0xD80]  }
0x23: {  	v55 =	vld [tilespmem:$0xE00]  }
0x24: {  	v56 =	vld [tilespmem:$0xE80]  }
0x25: {  	v16 =	vld [tilespmem:$0xF00]  }
0x26: {  	v60 =	vld [tilespmem:$0xF80]  }
0x27: {  	v12 =	vmax.f32 v1, v2;
	v1 =	vmin.f32 v1, v2  }
0x28: {  	v54 =	vmax.f32 v3, v4;
	v3 =	vmin.f32 v3, v4;
	v57 =	vmax.f32 v5, v6  }
0x29: {  	v58 =	vmax.f32 v7, v8;
	v5 =	vmin.f32 v5, v6;
	v59 =	vmin.f32 v7, v8  }
0x2a: {  	v62 =	vmax.f32 v9, v10;
	v63 =	vmax.f32 v11, v13;
	v0 =	vmin.f32 v9, v10  }
0x2b: {  	v17 =	vmax.f32 v16, v60;
	v2 =	vmin.f32 v55, v56;
	v18 =	vmin.f32 v16, v60  }
0x2c: {  	v23 =	vld [tilespmem:$0x0];
	v14 =	vmax.f32 v12, v54;
	v15 =	vmin.f32 v12, v54;
	vm0 =	vge.f32 v12, v54  }
0x2d: {  	v25 =	vld [tilespmem:$0x80];
	vm9 =	vge.f32 v57, v58;
	v61 =	vmin.f32 v57, v58;
	v12 =	vmin.f32 v11, v13  }
0x2e: {  	v26 =	vld [tilespmem:$0x100];
	vm10 =	vge.f32 v62, v63;
	v13 =	vmax.f32 v62, v63;
	v1 =	vsel vm0, v1, v3  }
0x2f: {  	v30 =	vld [tilespmem:$0x180];
	v5 =	vsel vm9, v5, v59;
	v3 =	vmax.f32 v57, v58;
	v1 =	vmax.f32 v15, v1  }
0x30: {  	v32 =	vld [tilespmem:$0x200];
	v5 =	vmax.f32 v61, v5;
	v15 =	vmax.f32 v55, v56;
	v1 =	vadd.f32 v1, v14  }
0x31: {  	v33 =	vld [tilespmem:$0x280];
	v3 =	vadd.f32 v5, v3;
	v5 =	vmin.f32 v62, v63;
	v14 =	vsel vm10, v0, v12  }
0x32: {  	v34 =	vld [tilespmem:$0x300];
	vm11 =	vge.f32 v15, v17;
	v19 =	vmin.f32 v15, v17;
	v5 =	vmax.f32 v5, v14  }
0x33: {  	v35 =	vld [tilespmem:$0x380];
	v20 =	vmax.f32 v15, v17;
	v2 =	vsel vm11, v2, v18;
	v5 =	vadd.f32 v5, v13  }
0x34: {  	v38 =	vld [tilespmem:$0x400];
	v2 =	vmax.f32 v19, v2;
	vm12 =	vgt.f32 v3, v1;
	vm14 =	vge.f32 v1, v3  }
0x35: {  	v39 =	vld [tilespmem:$0x500];
	v2 =	vadd.f32 v2, v20;
	v21 =	vsel vm12, $0x3F800000, v49;
	v27 =	vsel vm14, $0x3F800000, v49  }
0x36: {  	v40 =	vld [tilespmem:$0x600];
	vm1 =	vgt.f32 v5, v1;
	vm15 =	vgt.f32 v5, v3;
	vm6 =	vge.f32 v1, v5  }
0x37: {  	v46 =	vld [tilespmem:$0x910];
	vm7 =	vge.f32 v3, v5;
	v22 =	vsel vm1, $0x3F800000, v49;
	vm13 =	vgt.f32 v2, v1  }
0x38: {  	v47 =	vld [tilespmem:$0xA10];
	vm4 =	vgt.f32 v2, v3;
	v37 =	vsel vm6, $0x3F800000, v49;
	v18 =	vsel vm7, $0x3F800000, v49  }
0x39: {  	v48 =	vld [tilespmem:$0xB10];
	vm8 =	vgt.f32 v2, v5;
	vm10 =	vge.f32 v1, v2;
	vm11 =	vge.f32 v3, v2  }
0x3a: {  	v51 =	vld [tilespmem:$0xC90];
	vm12 =	vge.f32 v5, v2;
	v4 =	vadd.f32 v22, v21;
	v24 =	vsel vm13, $0x3F800000, v49  }
0x3b: {  	v53 =	vld [tilespmem:$0xD10];
	v13 =	vadd.f32 v18, v37;
	v45 =	vsel vm10, $0x3F800000, v49;
	v3 =	vsel vm11, $0x3F800000, v49  }
0x3c: {  	v57 =	vld [tilespmem:$0xE90];
	v20 =	vsel vm8, $0x3F800000, v49;
	v3 =	vadd.f32 v3, v45;
	v4 =	vadd.f32 v24, v4  }
0x3d: {  	v19 =	vld [tilespmem:$0x480];
	v28 =	vsel vm15, $0x3F800000, v49;
	v5 =	vsel vm12, $0x3F800000, v49;
	v13 =	vadd.f32 v20, v13  }
0x3e: {  	v56 =	vld [tilespmem:$0xE10];
	v31 =	vsel vm4, $0x3F800000, v49;
	v5 =	vadd.f32 v3, v5;
	vm2 =	vlt.f32 v4, $2.000000000e+00  }
0x3f: {  	v22 =	vld [tilespmem:$0x680];
	v4 =	vadd.f32 v28, v27;
	vm9 =	vlt.f32 v13, $2.000000000e+00;
	v29 =	vsel vm2, $0x3F800000, v49  }
0x40: {  	v24 =	vld [tilespmem:$0x890];
	v44 =	vsel vm9, $0x3F800000, v49;
	vm13 =	vlt.f32 v5, $2.000000000e+00;
	v17 =	vmul.f32 v29, v23  }
0x41: {  	v27 =	vld [tilespmem:$0xB90];
	v14 =	vmul.f32 v29, v25;
	v4 =	vadd.f32 v31, v4;
	v16 =	vmul.f32 v29, v26  }
0x42: {  	v11 =	vmul.f32 v29, v30;
	v23 =	vld [tilespmem:$0x810];
	v2 =	vmul.f32 v19, v44;
	v28 =	vsel vm13, $0x3F800000, v49  }
0x43: {  	v25 =	vld [tilespmem:$0x990];
	v3 =	vmul.f32 v39, v44;
	v10 =	vmul.f32 v40, v28  }
0x44: {  	v26 =	vld [tilespmem:$0xA90];
	v5 =	vmul.f32 v22, v28;
	v22 =	vmin.f32 v56, v57;
	vm5 =	vlt.f32 v4, $2.000000000e+00  }
0x45: {  	v29 =	vld [tilespmem:$0xC10];
	v8 =	vadd.f32 v14, v17;
	v4 =	vmul.f32 v44, v38;
	v36 =	vsel vm5, $0x3F800000, v49  }
0x46: {  	v30 =	vld [tilespmem:$0xD90];
	v59 =	vmax.f32 v48, v27;
	v18 =	vmin.f32 v48, v27;
	v12 =	vmul.f32 v36, v32  }
0x47: {  	v8 =	vadd.f32 v8, v16;
	v6 =	vmul.f32 v36, v33;
	v7 =	vmul.f32 v36, v34  }
0x48: {  	v9 =	vmul.f32 v36, v35;
	v54 =	vmax.f32 v23, v24;
	v23 =	vmin.f32 v23, v24  }
0x49: {  	v55 =	vmax.f32 v46, v25;
	v15 =	vmin.f32 v46, v25;
	v58 =	vmax.f32 v47, v26  }
0x4a: {  	v19 =	vmin.f32 v47, v26;
	v63 =	vmax.f32 v29, v51;
	v8 =	vadd.f32 v8, v11  }
0x4b: {  	v0 =	vmax.f32 v53, v30;
	v20 =	vmin.f32 v29, v51;
	v31 =	vmax.f32 v54, v55  }
0x4c: {  	v60 =	vld [tilespmem:$0xF90];
	v32 =	vmin.f32 v54, v55;
	vm14 =	vge.f32 v54, v55;
	v8 =	vadd.f32 v8, v12  }
0x4d: {  	v33 =	vld [tilespmem:$0xF10];
	vm15 =	vge.f32 v58, v59;
	v61 =	vmin.f32 v58, v59;
	v62 =	vmax.f32 v58, v59  }
0x4e: {  	v21 =	vld [tilespmem:$0x580];
	v15 =	vsel vm14, v23, v15;
	v18 =	vsel vm15, v19, v18;
	v41 =	vadd.f32 v8, v6  }
0x4f: {  	vm4 =	vge.f32 v63, v0;
	v15 =	vmax.f32 v32, v15;
	v18 =	vmax.f32 v61, v18  }
0x50: {  	v32 =	vmax.f32 v56, v57;
	v19 =	vadd.f32 v15, v31;
	v43 =	vadd.f32 v41, v7  }
0x51: {  	v18 =	vadd.f32 v18, v62;
	v31 =	vmax.f32 v63, v0;
	v15 =	vmin.f32 v63, v0  }
0x52: {  	v34 =	vmax.f32 v33, v60;
	v35 =	vmin.f32 v33, v60;
	v1 =	vadd.f32 v43, v9  }
0x53: {  	v42 =	vld [tilespmem:$0x700];
	v8 =	vmul.f32 v21, v44;
	v21 =	vmin.f32 v53, v30;
	vm5 =	vge.f32 v32, v34  }
0x54: {  	v45 =	vld [tilespmem:$0x110];
	v37 =	vmin.f32 v32, v34;
	v20 =	vsel vm4, v20, v21;
	v1 =	vadd.f32 v1, v4  }
0x55: {  	v36 =	vld [tilespmem:$0x780];
	v22 =	vsel vm5, v22, v35;
	vm6 =	vgt.f32 v18, v19;
	vm9 =	vge.f32 v19, v18  }
0x56: {  	v51 =	vld [tilespmem:$0x190];
	v15 =	vmax.f32 v15, v20;
	v20 =	vmax.f32 v32, v34;
	v1 =	vadd.f32 v1, v2  }
0x57: {  	v25 =	vld [tilespmem:$0x820];
	v39 =	vsel vm6, $0x3F800000, v49;
	v27 =	vadd.f32 v15, v31;
	v15 =	vmax.f32 v37, v22  }
0x58: {  	v54 =	vld [tilespmem:$0x290];
	v46 =	vsel vm9, $0x3F800000, v49;
	v22 =	vadd.f32 v15, v20;
	v50 =	vadd.f32 v1, v3  }
0x59: {  	v55 =	vld [tilespmem:$0x310];
	vm7 =	vgt.f32 v27, v19;
	vm10 =	vgt.f32 v27, v18;
	vm14 =	vge.f32 v19, v27  }
0x5a: {  	v58 =	vld [tilespmem:$0x410];
	vm15 =	vge.f32 v18, v27;
	v40 =	vsel vm7, $0x3F800000, v49;
	v52 =	vadd.f32 v50, v8  }
0x5b: {  	v57 =	vld [tilespmem:$0x390];
	vm8 =	vgt.f32 v22, v19;
	v47 =	vsel vm10, $0x3F800000, v49;
	v20 =	vadd.f32 v40, v39  }
0x5c: {  	v41 =	vld [tilespmem:$0x10];
	v1 =	vmul.f32 v42, v28;
	v42 =	vsel vm8, $0x3F800000, v49;
	v13 =	vadd.f32 v52, v10  }
0x5d: {  	v43 =	vld [tilespmem:$0x90];
	vm12 =	vgt.f32 v22, v18;
	v61 =	vsel vm14, $0x3F800000, v49;
	v20 =	vadd.f32 v42, v20  }
0x5e: {  	v0 =	vld [tilespmem:$0x610];
	v62 =	vsel vm15, $0x3F800000, v49;
	vm4 =	vgt.f32 v22, v27;
	v38 =	vadd.f32 v13, v5  }
0x5f: {  	v53 =	vld [tilespmem:$0x210];
	vm5 =	vge.f32 v19, v22;
	v50 =	vadd.f32 v47, v46;
	vm11 =	vlt.f32 v20, $2.000000000e+00  }
0x60: {  	v35 =	vld [tilespmem:$0x510];
	v52 =	vsel vm12, $0x3F800000, v49;
	v13 =	vmul.f32 v36, v28;
	v15 =	vadd.f32 v38, v1  }
0x61: {  	v34 =	vld [tilespmem:$0x490];
	vm7 =	vge.f32 v18, v22;
	v48 =	vsel vm11, $0x3F800000, v49;
	v28 =	vadd.f32 v52, v50  }
0x62: {  	v37 =	vld [tilespmem:$0x590];
	v20 =	vmul.f32 v48, v41;
	v44 =	vadd.f32 v15, v13;
	v15 =	vmul.f32 v48, v43  }
0x63: {  	v18 =	vld [tilespmem:$0x8A0];
	v63 =	vsel vm4, $0x3F800000, v49;
	v21 =	vmul.f32 v48, v45;
	vm13 =	vlt.f32 v28, $2.000000000e+00  }
0x64: {  	v39 =	vld [tilespmem:$0x920];
	v60 =	vsel vm13, $0x3F800000, v49;
	v23 =	vadd.f32 $9.999999680e-21, v44;
	v56 =	vadd.f32 v15, v20  }
0x65: {  	vm8 =	vge.f32 v27, v22;
	v41 =	vld [tilespmem:$0xAA0];
	v28 =	vadd.f32 v62, v61;
	v26 =	vmul.f32 v60, v54  }
0x66: {  	v54 =	vld [tilespmem:$0x9A0];
	(erf) = vrcp.f32 v23;
	v23 =	vmul.f32 v48, v51;
	v59 =	vadd.f32 v56, v21  }
0x67: {  	v52 =	vsel vm7, $0x3F800000, v49;
	v31 =	vadd.f32 v63, v28;
	v44 =	vld [tilespmem:$0xF20];
	v51 =	vsel vm5, $0x3F800000, v49  }
0x68: {  	v24 =	vmul.f32 v60, v53;
	v56 =	vld [tilespmem:$0xFA0];
	v53 =	vadd.f32 v52, v51;
	v36 =	vadd.f32 v59, v23  }
0x69: {  	v27 =	vsel vm8, $0x3F800000, v49;
	v28 =	vmul.f32 v60, v55;
	v29 =	vmul.f32 v60, v57;
	v51 =	vld [tilespmem:$0xE20]  }
0x6a: {  	vm6 =	vlt.f32 v31, $2.000000000e+00;
	v27 =	vadd.f32 v53, v27;
	v53 =	vld [tilespmem:$0xEA0];
	v36 =	vadd.f32 v36, v24  }
0x6b: {  	v38 =	vld [tilespmem:$0x690];
	v63 =	vmax.f32 v25, v18;
	v18 =	vmin.f32 v25, v18;
	v40 =	vsel vm6, $0x3F800000, v49  }
0x6c: {  	v62 =	vld [tilespmem:$0xBA0];
	v31 =	vmul.f32 v40, v58;
	v32 =	vmul.f32 v34, v40;
	v50 =	vadd.f32 v36, v26  }
0x6d: {  	v47 =	vmul.f32 v35, v40;
	v48 =	vmul.f32 v37, v40;
	v34 =	vld [tilespmem:$0xCA0];
	v22 =	vmin.f32 v39, v54  }
0x6e: {  	vm9 =	vlt.f32 v27, $2.000000000e+00;
	v27 =	vld [tilespmem:$0xC20];
	v19 =	vadd.f32 v50, v28;
	v50 =	vmax.f32 v39, v54  }
0x6f: {  	v35 =	vld [tilespmem:$0xD20];
	v37 =	vmax.f32 v44, v56;
	v25 =	vmin.f32 v51, v53;
	v43 =	vpop (erf);
	v52 =	vmax.f32 v63, v50  }
0x70: {  	v36 =	vld [tilespmem:$0xA20];
	v19 =	vadd.f32 v19, v29;
	v59 =	vmul.f32 v43, v16;
	v16 =	vsel vm9, $0x3F800000, v49  }
0x71: {  	v42 =	vmin.f32 v63, v50;
	vm10 =	vge.f32 v63, v50;
	v33 =	vmul.f32 v0, v16;
	v0 =	vld [tilespmem:$0xDA0]  }
0x72: {  	v61 =	vmul.f32 v43, v17;
	v60 =	vmul.f32 v43, v14;
	v55 =	vadd.f32 v19, v31;
	v19 =	vld [tilespmem:$0xB20]  }
0x73: {  	v18 =	vsel vm10, v18, v22;
	v58 =	vmax.f32 v27, v34;
	v27 =	vmin.f32 v27, v34  }
0x74: {  	v5 =	vmul.f32 v43, v5;
	v1 =	vmul.f32 v43, v1;
	v17 =	vadd.f32 v55, v32  }
0x75: {  	v30 =	vmul.f32 v38, v16;
	v54 =	vmax.f32 v36, v41;
	v18 =	vmax.f32 v42, v18  }
0x76: {  	v36 =	vmin.f32 v36, v41;
	v18 =	vadd.f32 v18, v52;
	v17 =	vadd.f32 v17, v47  }
0x77: {  	v40 =	vld [tilespmem:$0x790];
	v63 =	vmin.f32 v35, v0;
	v55 =	vmax.f32 v19, v62;
	v14 =	vmin.f32 v19, v62  }
0x78: {  	v62 =	vmax.f32 v35, v0;
	v19 =	vmin.f32 v44, v56;
	v35 =	vmul.f32 v43, v9  }
0x79: {  	vm11 =	vge.f32 v54, v55;
	v57 =	vmin.f32 v54, v55;
	v22 =	vmax.f32 v54, v55  }
0x7a: {  	vm12 =	vge.f32 v58, v62;
	v0 =	vmax.f32 v58, v62;
	v17 =	vadd.f32 v17, v48  }
0x7b: {  	v38 =	vld [tilespmem:$0x710];
	v14 =	vsel vm11, v36, v14;
	v34 =	vsel vm12, v27, v63;
	v63 =	vmul.f32 v43, v12  }
0x7c: {  	v36 =	vmax.f32 v51, v53;
	v12 =	vmul.f32 v40, v16;
	v27 =	vmul.f32 v43, v7  }
0x7d: {  	[tilespmem:$0x1FD40] =	vst v35;
	v35 =	vmul.f32 v43, v10;
	v14 =	vmax.f32 v57, v14;
	vm13 =	vge.f32 v36, v37  }
0x7e: {  	v39 =	vmin.f32 v36, v37;
	v50 =	vadd.f32 v17, v33;
	v41 =	vadd.f32 v14, v22  }
0x7f: {  	v14 =	vmin.f32 v58, v62;
	v19 =	vsel vm13, v25, v19;
	v22 =	vmax.f32 v36, v37  }
0x80: {  	v62 =	vmul.f32 v43, v11;
	v11 =	vmul.f32 v38, v16;
	v14 =	vmax.f32 v14, v34  }
0x81: {  	[tilespmem:$0x1FD30] =	vst v27;
	v25 =	vmul.f32 v43, v4;
	v27 =	vmul.f32 v43, v2;
	v42 =	vadd.f32 v14, v0  }
0x82: {  	v14 =	vmax.f32 v39, v19;
	vm14 =	vgt.f32 v41, v18;
	vm5 =	vge.f32 v18, v41  }
0x83: {  	v0 =	vmul.f32 v43, v6;
	v44 =	vadd.f32 v14, v22;
	v51 =	vsel vm14, $0x3F800000, v49  }
0x84: {  	v14 =	vadd.f32 v50, v30;
	v40 =	vsel vm5, $0x3F800000, v49;
	vm15 =	vgt.f32 v42, v18  }
0x85: {  	v22 =	vmul.f32 v43, v3;
	vm6 =	vgt.f32 v42, v41;
	v52 =	vsel vm15, $0x3F800000, v49  }
0x86: {  	vm10 =	vge.f32 v18, v42;
	vm4 =	vgt.f32 v44, v18;
	v17 =	vadd.f32 v52, v51  }
0x87: {  	v53 =	vld [tilespmem:$0x20];
	vm11 =	vge.f32 v41, v42;
	v57 =	vadd.f32 v14, v11;
	v54 =	vsel vm4, $0x3F800000, v49  }
0x88: {  	v55 =	vld [tilespmem:$0xA0];
	v45 =	vsel vm6, $0x3F800000, v49;
	vm8 =	vgt.f32 v44, v41;
	v56 =	vadd.f32 v54, v17  }
0x89: {  	v58 =	vld [tilespmem:$0x120];
	v39 =	vsel vm10, $0x3F800000, v49;
	vm12 =	vgt.f32 v44, v42;
	vm14 =	vge.f32 v18, v44  }
0x8a: {  	v50 =	vld [tilespmem:$0x1A0];
	vm15 =	vge.f32 v41, v44;
	v16 =	vadd.f32 v45, v40;
	vm7 =	vlt.f32 v56, $2.000000000e+00  }
0x8b: {  	v38 =	vld [tilespmem:$0x2A0];
	v51 =	vsel vm8, $0x3F800000, v49;
	vm4 =	vge.f32 v42, v44;
	v46 =	vsel vm7, $0x3F800000, v49  }
0x8c: {  	v14 =	vld [tilespmem:$0x220];
	v16 =	vadd.f32 v51, v16;
	v37 =	vmul.f32 v46, v53;
	v53 =	vadd.f32 v57, v12  }
0x8d: {  	v36 =	vld [tilespmem:$0x4A0];
	v52 =	vsel vm15, $0x3F800000, v49;
	v18 =	vsel vm4, $0x3F800000, v49;
	v55 =	vmul.f32 v46, v55  }
0x8e: {  	v45 =	vld [tilespmem:$0x320];
	vm9 =	vlt.f32 v16, $2.000000000e+00;
	v56 =	vmul.f32 v46, v58;
	v6 =	vadd.f32 $9.999999680e-21, v53  }
0x8f: {  	[tilespmem:$0x1FD20] =	vst v0;
	v0 =	vmul.f32 v46, v50;
	v46 =	vsel vm11, $0x3F800000, v49;
	v57 =	vld [tilespmem:$0x3A0];
	v34 =	vadd.f32 v55, v37  }
0x90: {  	v16 =	vld [tilespmem:$0x420];
	v40 =	vsel vm9, $0x3F800000, v49;
	v54 =	vadd.f32 v46, v39;
	(erf) = vrcp.f32 v6  }
0x91: {  	v51 =	vmul.f32 v40, v14;
	v58 =	vsel vm12, $0x3F800000, v49;
	v50 =	vld [tilespmem:$0x520];
	v7 =	vadd.f32 v34, v56  }
0x92: {  	v38 =	vmul.f32 v40, v38;
	v46 =	vsel vm14, $0x3F800000, v49;
	v53 =	vld [tilespmem:$0x5A0];
	v14 =	vadd.f32 v58, v54  }
0x93: {  	v39 =	vmul.f32 v40, v45;
	v54 =	vadd.f32 v52, v46;
	v58 =	vld [tilespmem:$0x6A0];
	v7 =	vadd.f32 v7, v0  }
0x94: {  	v34 =	vmul.f32 v43, v8;
	vm13 =	vlt.f32 v14, $2.000000000e+00;
	v40 =	vmul.f32 v40, v57;
	v57 =	vld [tilespmem:$0x620]  }
0x95: {  	[tilespmem:$0x1FD90] =	vst v1;
	v10 =	vld [tilespmem:$0x720];
	v1 =	vadd.f32 v54, v18;
	v45 =	vsel vm13, $0x3F800000, v49;
	v7 =	vadd.f32 v7, v51  }
0x96: {  	v52 =	vld [tilespmem:$0x9B0];
	v41 =	vmul.f32 v45, v16;
	v42 =	vmul.f32 v36, v45  }
0x97: {  	v6 =	vld [tilespmem:$0x930];
	v16 =	vmul.f32 v43, v13;
	v43 =	vmul.f32 v50, v45;
	vm5 =	vlt.f32 v1, $2.000000000e+00  }
0x98: {  	v8 =	vld [tilespmem:$0x7A0];
	v44 =	vmul.f32 v53, v45;
	v36 =	vsel vm5, $0x3F800000, v49;
	v19 =	vadd.f32 v7, v38  }
0x99: {  	v46 =	vmul.f32 v58, v36;
	v45 =	vmul.f32 v57, v36;
	v7 =	vpop (erf)  }
0x9a: {  	[tilespmem:$0x1FD80] =	vst v5;
	v3 =	vadd.f32 v19, v39;
	v17 =	vmul.f32 v7, v20;
	v19 =	vmul.f32 v7, v21  }
0x9b: {  	v14 =	vld [tilespmem:$0xF30];
	[tilespmem:$0x1FDA0] =	vst v16;
	v58 =	vmul.f32 v7, v32;
	v16 =	vmul.f32 v7, v47  }
0x9c: {  	[tilespmem:$0x1FD60] =	vst v35;
	v5 =	vmin.f32 v6, v52;
	v18 =	vmul.f32 v7, v48;
	v32 =	vmul.f32 v7, v33;
	v33 =	vld [tilespmem:$0xC30]  }
0x9d: {  	[tilespmem:$0x1FD50] =	vst v34;
	v47 =	vmul.f32 v10, v36;
	v48 =	vmul.f32 v8, v36;
	v36 =	vmax.f32 v6, v52;
	v52 =	vld [tilespmem:$0xDB0]  }
0x9e: {  	v34 =	vmul.f32 v7, v23;
	[tilespmem:$0x1FDB0] =	vst v17;
	v17 =	vld [tilespmem:$0xB30]  }
0x9f: {  	v50 =	vmul.f32 v7, v26;
	[tilespmem:$0x1FDC0] =	vst v19;
	v19 =	vld [tilespmem:$0xBB0]  }
0xa0: {  	v3 =	vadd.f32 v3, v40;
	v57 =	vmul.f32 v7, v31;
	[tilespmem:$0x1FDD0] =	vst v34;
	v34 =	vld [tilespmem:$0xCB0]  }
0xa1: {  	[tilespmem:$0x1FDF0] =	vst v50;
	v50 =	vld [tilespmem:$0xD30]  }
0xa2: {  	v3 =	vadd.f32 v3, v41;
	[tilespmem:$0x1FE20] =	vst v57;
	v57 =	vld [tilespmem:$0xE30]  }
0xa3: {  	v20 =	vmul.f32 v7, v15;
	[tilespmem:$0x1FE30] =	vst v58;
	v58 =	vld [tilespmem:$0xEB0]  }
0xa4: {  	v35 =	vmul.f32 v7, v24;
	v54 =	vmul.f32 v7, v29;
	[tilespmem:$0x1FE40] =	vst v16;
	v16 =	vld [tilespmem:$0xFB0];
	v3 =	vadd.f32 v3, v42  }
0xa5: {  	v53 =	vmul.f32 v7, v28;
	v11 =	vmul.f32 v7, v11  }
0xa6: {  	v9 =	vld [tilespmem:$0x830];
	[tilespmem:$0x1FE10] =	vst v54;
	v54 =	vmul.f32 v7, v30;
	v7 =	vmul.f32 v7, v12;
	v21 =	vadd.f32 v3, v43  }
0xa7: {  	[tilespmem:$0x1FE50] =	vst v18;
	v3 =	vld [tilespmem:$0x8B0];
	v15 =	vmax.f32 v17, v19;
	v10 =	vmin.f32 v17, v19;
	v18 =	vmax.f32 v33, v34  }
0xa8: {  	v2 =	vld [tilespmem:$0xAB0];
	v19 =	vmax.f32 v50, v52;
	v4 =	vmin.f32 v33, v34;
	v6 =	vmin.f32 v50, v52  }
0xa9: {  	v28 =	vmax.f32 v57, v58;
	v29 =	vmax.f32 v14, v16;
	v1 =	vadd.f32 v21, v44;
	v21 =	vld [tilespmem:$0xA30]  }
0xaa: {  	v30 =	vmin.f32 v14, v16;
	vm8 =	vge.f32 v18, v19;
	vm9 =	vge.f32 v28, v29  }
0xab: {  	v31 =	vmax.f32 v28, v29;
	v4 =	vsel vm8, v4, v6;
	v1 =	vadd.f32 v1, v45  }
0xac: {  	[tilespmem:$0x1FDE0] =	vst v35;
	v6 =	vmin.f32 v28, v29;
	v35 =	vmax.f32 v9, v3;
	v3 =	vmin.f32 v9, v3  }
0xad: {  	v8 =	vld [tilespmem:$0x840];
	[tilespmem:$0x1FE00] =	vst v53;
	v1 =	vadd.f32 v1, v46;
	vm6 =	vge.f32 v35, v36;
	v53 =	vmin.f32 v35, v36  }
0xae: {  	[tilespmem:$0x1FE60] =	vst v32;
	v32 =	vld [tilespmem:$0x8C0];
	v24 =	vmax.f32 v35, v36;
	v3 =	vsel vm6, v3, v5;
	v13 =	vmax.f32 v21, v2  }
0xaf: {  	v35 =	vld [tilespmem:$0x940];
	v2 =	vmin.f32 v21, v2;
	v5 =	vmin.f32 v57, v58;
	v1 =	vadd.f32 v1, v47  }
0xb0: {  	v36 =	vld [tilespmem:$0x9C0];
	v3 =	vmax.f32 v53, v3;
	v17 =	vmax.f32 v13, v15;
	vm7 =	vge.f32 v13, v15  }
0xb1: {  	v21 =	vmin.f32 v13, v15;
	v5 =	vsel vm9, v5, v30;
	v3 =	vadd.f32 v3, v24  }
0xb2: {  	v2 =	vsel vm7, v2, v10;
	v24 =	vmax.f32 v18, v19;
	v5 =	vmax.f32 v6, v5  }
0xb3: {  	v6 =	vmin.f32 v8, v32;
	v1 =	vadd.f32 v1, v48;
	v2 =	vmax.f32 v21, v2  }
0xb4: {  	v21 =	vmin.f32 v18, v19;
	v5 =	vadd.f32 v5, v31;
	v31 =	vmax.f32 v8, v32  }
0xb5: {  	v2 =	vadd.f32 v2, v17;
	v4 =	vmax.f32 v21, v4;
	v32 =	vmax.f32 v35, v36  }
0xb6: {  	v26 =	vld [tilespmem:$0xA40];
	v10 =	vmin.f32 v35, v36;
	v1 =	vadd.f32 $9.999999680e-21, v1;
	v4 =	vadd.f32 v4, v24  }
0xb7: {  	v12 =	vld [tilespmem:$0xB50];
	vm14 =	vgt.f32 v5, v3;
	vm7 =	vge.f32 v3, v5;
	v8 =	vmin.f32 v31, v32  }
0xb8: {  	v18 =	vld [tilespmem:$0xD40];
	vm10 =	vgt.f32 v2, v3;
	vm12 =	vge.f32 v3, v2;
	v15 =	vsel vm14, $0x3F800000, v49  }
0xb9: {  	v19 =	vld [tilespmem:$0xDC0];
	vm15 =	vgt.f32 v5, v2;
	vm11 =	vgt.f32 v4, v3;
	v33 =	vsel vm10, $0x3F800000, v49  }
0xba: {  	v52 =	vld [tilespmem:$0xBC0];
	vm13 =	vgt.f32 v4, v2;
	v13 =	vsel vm12, $0x3F800000, v49;
	v16 =	vsel vm15, $0x3F800000, v49  }
0xbb: {  	v17 =	vld [tilespmem:$0xB40];
	(erf) = vrcp.f32 v1;
	vm4 =	vge.f32 v3, v4;
	vm5 =	vge.f32 v2, v4  }
0xbc: {  	v24 =	vld [tilespmem:$0xAC0];
	vm10 =	vge.f32 v2, v5;
	vm14 =	vge.f32 v4, v5;
	v34 =	vsel vm11, $0x3F800000, v49  }
0xbd: {  	[tilespmem:$0x1FE70] =	vst v54;
	v28 =	vld [tilespmem:$0x3B0];
	v14 =	vsel vm13, $0x3F800000, v49;
	v54 =	vsel vm4, $0x3F800000, v49;
	v57 =	vsel vm5, $0x3F800000, v49  }
0xbe: {  	v58 =	vld [tilespmem:$0xCC0];
	vm11 =	vge.f32 v31, v32;
	v2 =	vmin.f32 v18, v19;
	v9 =	vadd.f32 v34, v33  }
0xbf: {  	v53 =	vld [tilespmem:$0xC40];
	v23 =	vadd.f32 v14, v13;
	v1 =	vadd.f32 v57, v54;
	v33 =	vmax.f32 v31, v32  }
0xc0: {  	[tilespmem:$0x1FE90] =	vst v7;
	v30 =	vld [tilespmem:$0x4B0];
	v36 =	vmax.f32 v17, v52;
	v7 =	vmin.f32 v17, v52;
	v6 =	vsel vm11, v6, v10  }
0xc1: {  	v21 =	vld [tilespmem:$0xE40];
	vm11 =	vgt.f32 v5, v4;
	v35 =	vmax.f32 v26, v24;
	v24 =	vmin.f32 v26, v24  }
0xc2: {  	v34 =	vld [tilespmem:$0xEC0];
	v6 =	vmax.f32 v8, v6;
	v9 =	vadd.f32 v15, v9;
	v50 =	vadd.f32 v16, v23  }
0xc3: {  	v52 =	vld [tilespmem:$0xFC0];
	vm3 =	vge.f32 v35, v36;
	v14 =	vmin.f32 v35, v36;
	v15 =	vmax.f32 v35, v36  }
0xc4: {  	v17 =	vld [tilespmem:$0xB0];
	v6 =	vadd.f32 v6, v33;
	v16 =	vmax.f32 v53, v58;
	v35 =	vsel vm7, $0x3F800000, v49  }
0xc5: {  	v57 =	vld [tilespmem:$0x130];
	v7 =	vsel vm3, v24, v7;
	vm9 =	vlt.f32 v9, $2.000000000e+00;
	vm8 =	vlt.f32 v50, $2.000000000e+00  }
0xc6: {  	v50 =	vld [tilespmem:$0xF40];
	v7 =	vmax.f32 v14, v7;
	v9 =	vmin.f32 v53, v58;
	v53 =	vmax.f32 v18, v19  }
0xc7: {  	v4 =	vld [tilespmem:$0x430];
	v36 =	vsel vm10, $0x3F800000, v49;
	v7 =	vadd.f32 v7, v15;
	vm12 =	vge.f32 v16, v53  }
0xc8: {  	v31 =	vld [tilespmem:$0x530];
	v54 =	vmax.f32 v16, v53;
	v8 =	vmin.f32 v16, v53;
	v2 =	vsel vm12, v9, v2  }
0xc9: {  	[tilespmem:$0x1FE80] =	vst v11;
	v24 =	vld [tilespmem:$0x30];
	v18 =	vmax.f32 v21, v34;
	v11 =	vmin.f32 v21, v34;
	v2 =	vmax.f32 v8, v2  }
0xca: {  	v5 =	vld [tilespmem:$0x9D0];
	v53 =	vsel vm14, $0x3F800000, v49;
	vm2 =	vge.f32 v6, v7;
	v2 =	vadd.f32 v2, v54  }
0xcb: {  	v58 =	vld [tilespmem:$0x1B0];
	v19 =	vmax.f32 v50, v52;
	v10 =	vmin.f32 v50, v52;
	v50 =	vsel vm9, $0x3F800000, v49  }
0xcc: {  	v26 =	vld [tilespmem:$0x330];
	v52 =	vsel vm11, $0x3F800000, v49;
	vm13 =	vge.f32 v18, v19;
	v33 =	vmin.f32 v18, v19  }
0xcd: {  	v14 =	vld [tilespmem:$0xBD0];
	v34 =	vmax.f32 v18, v19;
	vm12 =	vgt.f32 v2, v6;
	vm4 =	vge.f32 v6, v2  }
0xce: {  	v21 =	vld [tilespmem:$0x230];
	vm0 =	vgt.f32 v2, v7;
	vm1 =	vge.f32 v7, v2;
	v13 =	vmul.f32 v50, v24  }
0xcf: {  	v54 =	vld [tilespmem:$0x950];
	v1 =	vadd.f32 v52, v1;
	v16 =	vmul.f32 v50, v17;
	v15 =	vmul.f32 v50, v57  }
0xd0: {  	v58 =	vmul.f32 v50, v58;
	v52 =	vld [tilespmem:$0xC50];
	v32 =	vsel vm13, v11, v10;
	vm13 =	vgt.f32 v7, v6  }
0xd1: {  	v17 =	vld [tilespmem:$0xDD0];
	v8 =	vmax.f32 v33, v32;
	vm9 =	vlt.f32 v1, $2.000000000e+00;
	v57 =	vadd.f32 v16, v13  }
0xd2: {  	v11 =	vld [tilespmem:$0x2B0];
	v3 =	vadd.f32 v8, v34;
	v8 =	vadd.f32 v36, v35;
	v35 =	vsel vm8, $0x3F800000, v49  }
0xd3: {  	v32 =	vld [tilespmem:$0x850];
	v50 =	vsel vm9, $0x3F800000, v49;
	v18 =	vmul.f32 v35, v21;
	v29 =	vmul.f32 v35, v26  }
0xd4: {  	v33 =	vld [tilespmem:$0xD50];
	v28 =	vmul.f32 v35, v28;
	v1 =	vadd.f32 v57, v15;
	v57 =	vmul.f32 v50, v4  }
0xd5: {  	v36 =	vld [tilespmem:$0x5B0];
	v10 =	vmul.f32 v30, v50;
	v9 =	vmul.f32 v31, v50;
	vm7 =	vgt.f32 v3, v6  }
0xd6: {  	vm6 =	vge.f32 v6, v3;
	vm15 =	vgt.f32 v3, v2;
	vm5 =	vge.f32 v2, v3;
	v2 =	vld [tilespmem:$0x8D0]  }
0xd7: {  	v21 =	vld [tilespmem:$0xA50];
	vm3 =	vgt.f32 v3, v7;
	vm10 =	vge.f32 v7, v3;
	v8 =	vadd.f32 v8, v53  }
0xd8: {  	v30 =	vld [tilespmem:$0xCD0];
	v7 =	vmax.f32 v54, v5;
	v19 =	vmul.f32 v35, v11;
	v3 =	vadd.f32 v1, v58  }
0xd9: {  	v11 =	vmin.f32 v54, v5;
	v1 =	vmax.f32 v12, v14;
	vm8 =	vlt.f32 v8, $2.000000000e+00;
	v8 =	vld [tilespmem:$0xAD0]  }
0xda: {  	v12 =	vmin.f32 v12, v14;
	v14 =	vsel vm0, $0x3F800000, v49;
	v31 =	vadd.f32 v3, v18  }
0xdb: {  	v6 =	vmax.f32 v32, v2;
	v2 =	vmin.f32 v32, v2;
	v32 =	vmin.f32 v33, v17  }
0xdc: {  	vm14 =	vge.f32 v6, v7;
	v54 =	vmin.f32 v6, v7;
	v4 =	vmax.f32 v6, v7  }
0xdd: {  	v6 =	vmax.f32 v52, v30;
	v7 =	vmax.f32 v33, v17;
	v30 =	vmin.f32 v52, v30  }
0xde: {  	v53 =	vsel vm14, v2, v11;
	v11 =	vmul.f32 v36, v50;
	v36 =	vmax.f32 v21, v8  }
0xdf: {  	v8 =	vmin.f32 v21, v8;
	v2 =	vadd.f32 v31, v19;
	v17 =	vmin.f32 v6, v7  }
0xe0: {  	v24 =	vld [tilespmem:$0xED0];
	v50 =	vsel vm2, $0x3F800000, v49;
	v5 =	vmax.f32 v54, v53;
	vm14 =	vge.f32 v36, v1  }
0xe1: {  	v21 =	vld [tilespmem:$0xE50];
	v3 =	vmin.f32 v36, v1;
	v53 =	vimm.s32 $0x0;
	v54 =	vimm.s32 $0x0  }
0xe2: {  	v31 =	vld [tilespmem:$0xF50];
	v14 =	vadd.f32 v14, v50;
	v8 =	vsel vm14, v8, v12;
	v23 =	vadd.f32 v5, v4  }
0xe3: {  	v4 =	vmax.f32 v36, v1;
	v12 =	vadd.f32 v2, v29;
	v5 =	vld [tilespmem:$0xFD0];
	vm14 =	vge.f32 v6, v7  }
0xe4: {  	v36 =	vmax.f32 v6, v7;
	v6 =	vsel vm4, $0x3F800000, v49;
	v30 =	vsel vm14, v30, v32  }
0xe5: {  	[tilespmem:$0x1100] =	vst v59;
	v59 =	vld [tilespmem:$0x1FD50];
	v8 =	vmax.f32 v3, v8;
	v12 =	vadd.f32 v12, v28;
	v30 =	vmax.f32 v17, v30  }
0xe6: {  	v32 =	vld [tilespmem:$0x630];
	v26 =	vadd.f32 v8, v4;
	v17 =	vsel vm8, $0x3F800000, v49;
	v30 =	vadd.f32 v30, v36  }
0xe7: {  	v52 =	vld [tilespmem:$0x6B0];
	v3 =	vmax.f32 v21, v24;
	v21 =	vmin.f32 v21, v24;
	v24 =	vsel vm13, $0x3F800000, v49  }
0xe8: {  	v2 =	vld [tilespmem:$0x730];
	v1 =	vadd.f32 v12, v57;
	vm8 =	vge.f32 v23, v26;
	v4 =	vmax.f32 v31, v5  }
0xe9: {  	v31 =	vmin.f32 v31, v5;
	vm11 =	vgt.f32 v30, v23;
	vm13 =	vge.f32 v23, v30  }
0xea: {  	v8 =	vadd.f32 v1, v10;
	vm14 =	vge.f32 v3, v4;
	v7 =	vmax.f32 v3, v4  }
0xeb: {  	v12 =	vmin.f32 v3, v4;
	v33 =	vmul.f32 v32, v17;
	v21 =	vsel vm14, v21, v31  }
0xec: {  	[tilespmem:$0x1580] =	vst v59;
	v59 =	vld [tilespmem:$0x1FDB0];
	v1 =	vsel vm13, $0xFFFFFFFF, v53;
	v12 =	vmax.f32 v12, v21;
	v36 =	vadd.f32 v8, v9  }
0xed: {  	v8 =	vmul.f32 v2, v17;
	v4 =	vpop (erf);
	v31 =	vadd.f32 v12, v7;
	v12 =	vmul.f32 v52, v17  }
0xee: {  	v5 =	vld [tilespmem:$0x7B0];
	v32 =	vsel vm12, $0x3F800000, v49;
	v53 =	vmul.f32 v4, v55;
	v55 =	vmul.f32 v4, v56  }
0xef: {  	[tilespmem:$0x1080] =	vst v60;
	v60 =	vld [tilespmem:$0x1D0];
	v3 =	vsel vm6, $0x3F800000, v49;
	v56 =	vmul.f32 v4, v0;
	v38 =	vmul.f32 v4, v38  }
0xf0: {  	[tilespmem:$0x1200] =	vst v63;
	v63 =	vld [tilespmem:$0x1FD20];
	vm14 =	vgt.f32 v26, v23;
	v39 =	vmul.f32 v4, v39;
	v40 =	vmul.f32 v4, v40  }
0xf1: {  	[tilespmem:$0x1010] =	vst v59;
	v59 =	vld [tilespmem:$0x1FDD0];
	v24 =	vadd.f32 v32, v24;
	v41 =	vmul.f32 v4, v41;
	v42 =	vmul.f32 v4, v42  }
0xf2: {  	v32 =	vld [tilespmem:$0x1C0];
	v2 =	vsel vm15, $0x3F800000, v49;
	v43 =	vmul.f32 v4, v43;
	v44 =	vmul.f32 v4, v44  }
0xf3: {  	v7 =	vsel vm1, $0x3F800000, v49;
	v45 =	vmul.f32 v4, v45;
	v52 =	vmul.f32 v5, v17;
	v17 =	vld [tilespmem:$0x40]  }
0xf4: {  	v46 =	vmul.f32 v4, v46;
	v50 =	vmul.f32 v4, v47;
	v21 =	vadd.f32 v36, v11;
	v36 =	vld [tilespmem:$0xAE0]  }
0xf5: {  	v5 =	vsel vm3, $0x3F800000, v49;
	vm9 =	vgt.f32 v31, v23;
	vm12 =	vge.f32 v23, v31;
	[tilespmem:$0x1FEB0] =	vst v38;
	v38 =	vld [tilespmem:$0x240]  }
0xf6: {  	v23 =	vsel vm7, $0x3F800000, v49;
	vm13 =	vgt.f32 v31, v26;
	vm7 =	vge.f32 v26, v30;
	[tilespmem:$0x1FED0] =	vst v40;
	v40 =	vld [tilespmem:$0x8E0]  }
0xf7: {  	vm2 =	vge.f32 v26, v31;
	vm3 =	vgt.f32 v31, v30;
	vm1 =	vge.f32 v30, v31;
	[tilespmem:$0x1FF00] =	vst v43;
	v43 =	vld [tilespmem:$0xB60]  }
0xf8: {  	[tilespmem:$0x1FD10] =	vst v1;
	v31 =	vmul.f32 v4, v51;
	v1 =	vsel vm12, $0xFFFFFFFF, v54;
	vm12 =	vgt.f32 v30, v26;
	v30 =	vld [tilespmem:$0xC0]  }
0xf9: {  	[tilespmem:$0x1FEC0] =	vst v39;
	v51 =	vmul.f32 v4, v48;
	v21 =	vadd.f32 v21, v33;
	v23 =	vadd.f32 v23, v24;
	v24 =	vld [tilespmem:$0x860]  }
0xfa: {  	v14 =	vadd.f32 v5, v14;
	v54 =	vmul.f32 v4, v37;
	v4 =	vsel vm10, $0x3F800000, v49;
	[tilespmem:$0x1FEA0] =	vst v31;
	v31 =	vld [tilespmem:$0x140]  }
0xfb: {  	[tilespmem:$0x1FEE0] =	vst v41;
	v5 =	vadd.f32 v4, v3;
	v3 =	vld [tilespmem:$0x3C0];
	v21 =	vadd.f32 v21, v12;
	vm15 =	vlt.f32 v23, $2.000000000e+00  }
0xfc: {  	[tilespmem:$0x1FD70] =	vst v1;
	v1 =	vadd.f32 v7, v6;
	vm4 =	vlt.f32 v14, $2.000000000e+00;
	v23 =	vld [tilespmem:$0xA60];
	v6 =	vsel vm15, $0x3F800000, v49  }
0xfd: {  	[tilespmem:$0x1FEF0] =	vst v42;
	v7 =	vsel vm5, $0x3F800000, v49;
	v21 =	vadd.f32 v21, v8;
	v39 =	vmul.f32 v6, v17;
	v17 =	vld [tilespmem:$0xBE0]  }
0xfe: {  	[tilespmem:$0x1FF40] =	vst v50;
	v42 =	vld [tilespmem:$0x960];
	v14 =	vadd.f32 v5, v7;
	v7 =	vsel vm4, $0x3F800000, v49;
	v50 =	vmul.f32 v6, v32  }
0xff: {  	[tilespmem:$0x1FF10] =	vst v44;
	v26 =	vld [tilespmem:$0x9E0];
	v47 =	vmul.f32 v7, v38;
	v41 =	vmul.f32 v6, v30;
	v21 =	vadd.f32 v21, v52  }
0x100: {  	v44 =	vld [tilespmem:$0xD60];
	[tilespmem:$0x1FF50] =	vst v51;
	v51 =	vmax.f32 v24, v40;
	v24 =	vmin.f32 v24, v40;
	v48 =	vmul.f32 v6, v31  }
0x101: {  	v30 =	vld [tilespmem:$0x340];
	v0 =	vmul.f32 v7, v3;
	v4 =	vadd.f32 v41, v39;
	v21 =	vadd.f32 $9.999999680e-21, v21  }
0x102: {  	[tilespmem:$0x1FF20] =	vst v45;
	v45 =	vld [tilespmem:$0xE60];
	v5 =	vmax.f32 v23, v36;
	v23 =	vmin.f32 v23, v36;
	v6 =	vmax.f32 v43, v17  }
0x103: {  	[tilespmem:$0x11A0] =	vst v56;
	v56 =	vld [tilespmem:$0x1FEC0];
	v43 =	vmin.f32 v43, v17;
	v32 =	vadd.f32 v4, v48;
	(erf) = vrcp.f32 v21  }
0x104: {  	v36 =	vld [tilespmem:$0xCE0];
	v21 =	vadd.f32 v2, v1;
	v2 =	vmax.f32 v42, v26;
	v26 =	vmin.f32 v42, v26  }
0x105: {  	v17 =	vld [tilespmem:$0xDE0];
	vm10 =	vge.f32 v5, v6;
	v35 =	vmin.f32 v5, v6;
	v37 =	vmax.f32 v5, v6  }
0x106: {  	[tilespmem:$0x1FF30] =	vst v46;
	v42 =	vld [tilespmem:$0xC60];
	v46 =	vmul.f32 v7, v30;
	v1 =	vsel vm11, $0x3F800000, v49;
	vm15 =	vge.f32 v51, v2  }
0x107: {  	v30 =	vld [tilespmem:$0xEE0];
	v40 =	vmax.f32 v51, v2;
	v31 =	vmin.f32 v51, v2;
	v23 =	vsel vm10, v23, v43  }
0x108: {  	v32 =	vadd.f32 v32, v50;
	v51 =	vld [tilespmem:$0x540];
	vm10 =	vlt.f32 v14, $2.000000000e+00;
	v2 =	vsel vm14, $0x3F800000, v49  }
0x109: {  	vm0 =	vlt.f32 v21, $2.000000000e+00;
	v21 =	vld [tilespmem:$0x2C0];
	v24 =	vsel vm15, v24, v26;
	v23 =	vmax.f32 v35, v23  }
0x10a: {  	v26 =	vld [tilespmem:$0xF60];
	v1 =	vadd.f32 v1, v2;
	v24 =	vmax.f32 v31, v24;
	v4 =	vadd.f32 v32, v47  }
0x10b: {  	[tilespmem:$0x1FF80] =	vst v50;
	v23 =	vadd.f32 v23, v37;
	v31 =	vld [tilespmem:$0xFE0];
	v50 =	vsel vm0, $0x3F800000, v49;
	v24 =	vadd.f32 v24, v40  }
0x10c: {  	v38 =	vld [tilespmem:$0x440];
	v6 =	vmax.f32 v44, v17;
	v5 =	vmax.f32 v42, v36;
	v36 =	vmin.f32 v42, v36  }
0x10d: {  	[tilespmem:$0x1120] =	vst v55;
	v55 =	vld [tilespmem:$0x1FEB0];
	vm15 =	vge.f32 v5, v6;
	v32 =	vmax.f32 v5, v6;
	v35 =	vmul.f32 v51, v50  }
0x10e: {  	[tilespmem:$0x1FF70] =	vst v48;
	v37 =	vld [tilespmem:$0x6C0];
	v48 =	vmul.f32 v7, v21;
	v7 =	vmin.f32 v44, v17;
	v44 =	vmin.f32 v5, v6  }
0x10f: {  	[tilespmem:$0x1320] =	vst v56;
	v56 =	vld [tilespmem:$0x1FEE0];
	v5 =	vmax.f32 v45, v30;
	v30 =	vmin.f32 v45, v30;
	v36 =	vsel vm15, v36, v7  }
0x110: {  	v2 =	vld [tilespmem:$0x150];
	v6 =	vmax.f32 v26, v31;
	v26 =	vmin.f32 v26, v31;
	v31 =	vsel vm10, $0x3F800000, v49  }
0x111: {  	v17 =	vld [tilespmem:$0x4C0];
	v21 =	vadd.f32 v4, v48;
	v40 =	vmax.f32 v44, v36;
	v4 =	vmul.f32 v50, v38  }
0x112: {  	v7 =	vld [tilespmem:$0x5C0];
	vm6 =	vge.f32 v5, v6;
	v34 =	vmax.f32 v5, v6;
	v38 =	vmin.f32 v5, v6  }
0x113: {  	v36 =	vld [tilespmem:$0x640];
	v45 =	vmul.f32 v37, v31;
	v37 =	vpop (erf);
	v26 =	vsel vm6, v30, v26;
	v14 =	vadd.f32 v40, v32  }
0x114: {  	[tilespmem:$0x1000] =	vst v61;
	v6 =	vld [tilespmem:$0x870];
	v30 =	vsel vm9, $0x3F800000, v49;
	v61 =	vmul.f32 v37, v9;
	v32 =	vmul.f32 v37, v12  }
0x115: {  	v9 =	vld [tilespmem:$0x3D0];
	v21 =	vadd.f32 v21, v46;
	v1 =	vadd.f32 v30, v1;
	v30 =	vmul.f32 v37, v57  }
0x116: {  	v26 =	vmax.f32 v38, v26;
	v38 =	vld [tilespmem:$0x740];
	v57 =	vmul.f32 v37, v11;
	v11 =	vmul.f32 v37, v33  }
0x117: {  	v3 =	vsel vm12, $0x3F800000, v49;
	v12 =	vld [tilespmem:$0x5D0];
	v33 =	vmul.f32 v37, v8;
	v17 =	vmul.f32 v17, v50  }
0x118: {  	v8 =	vld [tilespmem:$0x1FD80];
	v26 =	vadd.f32 v26, v34;
	vm4 =	vgt.f32 v14, v24;
	v21 =	vadd.f32 v21, v0  }
0x119: {  	vm10 =	vge.f32 v24, v14;
	vm6 =	vgt.f32 v14, v23;
	vm9 =	vge.f32 v23, v14;
	[tilespmem:$0x1FF60] =	vst v61;
	v61 =	vld [tilespmem:$0x1FD70]  }
0x11a: {  	[tilespmem:$0x1FFD0] =	vst v4;
	v40 =	vmul.f32 v7, v50;
	v50 =	vld [tilespmem:$0x7C0];
	v21 =	vadd.f32 v21, v4;
	v4 =	vsel vm8, $0x3F800000, v49  }
0x11b: {  	[tilespmem:$0x1FF90] =	vst v11;
	v11 =	vld [tilespmem:$0x350];
	vm8 =	vgt.f32 v26, v14;
	v43 =	vmul.f32 v38, v31;
	v38 =	vsel vm7, $0x3F800000, v49  }
0x11c: {  	vm7 =	vge.f32 v14, v26;
	v14 =	vmul.f32 v37, v13;
	v13 =	vld [tilespmem:$0x50];
	v21 =	vadd.f32 v21, v17  }
0x11d: {  	vm5 =	vgt.f32 v23, v24;
	v29 =	vmul.f32 v37, v29;
	v3 =	vadd.f32 v3, v4;
	v4 =	vld [tilespmem:$0x6D0]  }
0x11e: {  	v28 =	vmul.f32 v37, v28;
	v42 =	vmul.f32 v36, v31;
	[tilespmem:$0x1680] =	vst v8;
	v8 =	vld [tilespmem:$0xE0];
	v21 =	vadd.f32 v21, v35  }
0x11f: {  	vm15 =	vge.f32 v24, v23;
	v44 =	vmul.f32 v50, v31;
	v31 =	vmul.f32 v37, v19;
	v19 =	vld [tilespmem:$0x250]  }
0x120: {  	[tilespmem:$0x1FFF0] =	vst v35;
	v52 =	vmul.f32 v37, v52;
	v7 =	vsel vm13, $0x3F800000, v49;
	v35 =	vld [tilespmem:$0x1FD10];
	v21 =	vadd.f32 v21, v40  }
0x121: {  	vm0 =	vgt.f32 v26, v24;
	vm14 =	vge.f32 v24, v26;
	v50 =	vmul.f32 v37, v10;
	v10 =	vld [tilespmem:$0x2D0]  }
0x122: {  	vm11 =	vgt.f32 v26, v23;
	v3 =	vadd.f32 v7, v3;
	v7 =	vld [tilespmem:$0x450];
	v51 =	vadd.f32 v21, v42  }
0x123: {  	vm12 =	vge.f32 v23, v26;
	v23 =	vmul.f32 v37, v15;
	v21 =	vmul.f32 v37, v16;
	v16 =	vld [tilespmem:$0xD0]  }
0x124: {  	v24 =	vmul.f32 v37, v58;
	v26 =	vmul.f32 v37, v18;
	v37 =	vld [tilespmem:$0x4D0];
	v51 =	vadd.f32 v51, v45  }
0x125: {  	[tilespmem:$0x1280] =	vst v63;
	v63 =	vsel vm2, $0x3F800000, v49;
	vm13 =	vnez.u8 v35;
	v35 =	vld [tilespmem:$0x1FD40]  }
0x126: {  	v36 =	vsel vm13, $0x3F800000, v49;
	vm13 =	vlt.f32 v1, $2.000000000e+00;
	v1 =	vld [tilespmem:$0x9F0];
	v15 =	vadd.f32 v51, v43  }
0x127: {  	[tilespmem:$0x1180] =	vst v62;
	v5 =	vadd.f32 v38, v36;
	v38 =	vsel vm13, $0x3F800000, v49;
	vm13 =	vlt.f32 v3, $2.000000000e+00;
	v3 =	vld [tilespmem:$0x8F0]  }
0x128: {  	[tilespmem:$0x1FFA0] =	vst v32;
	v36 =	vsel vm3, $0x3F800000, v49;
	v32 =	vmul.f32 v38, v60;
	v60 =	vld [tilespmem:$0x1FD60];
	v62 =	vadd.f32 v15, v44  }
0x129: {  	[tilespmem:$0x1480] =	vst v27;
	v27 =	vmul.f32 v38, v13;
	v58 =	vsel vm13, $0x3F800000, v49;
	v51 =	vadd.f32 v36, v5;
	v5 =	vld [tilespmem:$0x550]  }
0x12a: {  	[tilespmem:$0x1FFE0] =	vst v17;
	vm13 =	vnez.u8 v61;
	v17 =	vmul.f32 v58, v10;
	v10 =	vld [tilespmem:$0x750];
	v34 =	vadd.f32 $9.999999680e-21, v62  }
0x12b: {  	v19 =	vmul.f32 v58, v19;
	v15 =	vld [tilespmem:$0x1FD30];
	[tilespmem:$0x1380] =	vst v35;
	v35 =	vmul.f32 v58, v9;
	vm3 =	vlt.f32 v51, $2.000000000e+00  }
0x12c: {  	[tilespmem:$0x1400] =	vst v25;
	v62 =	vsel vm13, $0x3F800000, v49;
	(erf) = vrcp.f32 v34;
	v34 =	vmul.f32 v58, v11;
	v58 =	vld [tilespmem:$0x1FDA0]  }
0x12d: {  	[tilespmem:$0x1500] =	vst v22;
	v22 =	vmul.f32 v38, v2;
	v13 =	vsel vm3, $0x3F800000, v49;
	v2 =	vadd.f32 v63, v62;
	v62 =	vld [tilespmem:$0x1FDC0]  }
0x12e: {  	[tilespmem:$0x1FFB0] =	vst v33;
	v61 =	vsel vm4, $0x3F800000, v49;
	v25 =	vmul.f32 v38, v16;
	v33 =	vmul.f32 v13, v7;
	v7 =	vld [tilespmem:$0x1E0]  }
0x12f: {  	v51 =	vsel vm1, $0x3F800000, v49;
	[tilespmem:$0x1600] =	vst v60;
	v37 =	vmul.f32 v37, v13;
	v60 =	vsel vm5, $0x3F800000, v49;
	v11 =	vld [tilespmem:$0x1FD90]  }
0x130: {  	v36 =	vmul.f32 v12, v13;
	v38 =	vmul.f32 v5, v13;
	v5 =	vadd.f32 v61, v60;
	v13 =	vld [tilespmem:$0x160]  }
0x131: {  	v61 =	vld [tilespmem:$0x1FDE0];
	v9 =	vadd.f32 v2, v51;
	v51 =	vsel vm15, $0x3F800000, v49;
	[tilespmem:$0x1780] =	vst v58;
	v58 =	vsel vm6, $0x3F800000, v49  }
0x132: {  	[tilespmem:$0x1090] =	vst v20;
	v63 =	vsel vm0, $0x3F800000, v49;
	v60 =	vadd.f32 v58, v51;
	v58 =	vld [tilespmem:$0x1FE00]  }
0x133: {  	[tilespmem:$0x1300] =	vst v15;
	v15 =	vld [tilespmem:$0x650];
	v5 =	vadd.f32 v63, v5;
	v63 =	vadd.f32 v25, v27  }
0x134: {  	[tilespmem:$0x1190] =	vst v59;
	v51 =	vld [tilespmem:$0x1FDF0]  }
0x135: {  	[tilespmem:$0x1FFC0] =	vst v0;
	v0 =	vadd.f32 v63, v22;
	v63 =	vld [tilespmem:$0x1FE20]  }
0x136: {  	vm13 =	vlt.f32 v9, $2.000000000e+00;
	[tilespmem:$0x1700] =	vst v11;
	v11 =	vld [tilespmem:$0x7D0]  }
0x137: {  	v59 =	vsel vm10, $0x3F800000, v49;
	v12 =	vsel vm13, $0x3F800000, v49;
	[tilespmem:$0x1310] =	vst v58;
	v58 =	vld [tilespmem:$0x1FE10]  }
0x138: {  	v2 =	vld [tilespmem:$0x60];
	[tilespmem:$0x1110] =	vst v62;
	v62 =	vsel vm11, $0x3F800000, v49;
	vm4 =	vlt.f32 v5, $2.000000000e+00;
	v20 =	vmul.f32 v4, v12  }
0x139: {  	v16 =	vmul.f32 v10, v12;
	v4 =	vld [tilespmem:$0x970];
	v0 =	vadd.f32 v0, v32;
	[tilespmem:$0x1290] =	vst v51;
	v51 =	vsel vm9, $0x3F800000, v49  }
0x13a: {  	[tilespmem:$0x1210] =	vst v61;
	v61 =	vld [tilespmem:$0x1FE40];
	v18 =	vmul.f32 v15, v12;
	v9 =	vadd.f32 v62, v60;
	v59 =	vadd.f32 v51, v59  }
0x13b: {  	v62 =	vld [tilespmem:$0xB70];
	v0 =	vadd.f32 v0, v19;
	[tilespmem:$0x1410] =	vst v63;
	v15 =	vmul.f32 v11, v12;
	v12 =	vsel vm8, $0x3F800000, v49  }
0x13c: {  	v63 =	vld [tilespmem:$0xAF0];
	v5 =	vadd.f32 v12, v59;
	v59 =	vsel vm12, $0x3F800000, v49;
	[tilespmem:$0x1390] =	vst v58;
	v58 =	vsel vm14, $0x3F800000, v49  }
0x13d: {  	v10 =	vadd.f32 v59, v58;
	v59 =	vld [tilespmem:$0x1FE60]  }
0x13e: {  	v11 =	vld [tilespmem:$0xA70];
	v0 =	vadd.f32 v0, v17  }
0x13f: {  	v51 =	vld [tilespmem:$0x1FE30]  }
0x140: {  	vm5 =	vlt.f32 v9, $2.000000000e+00;
	[tilespmem:$0x1510] =	vst v61;
	v9 =	vsel vm4, $0x3F800000, v49;
	v61 =	vld [tilespmem:$0xBF0];
	v0 =	vadd.f32 v0, v34  }
0x141: {  	v12 =	vmul.f32 v9, v2;
	v2 =	vld [tilespmem:$0xC70]  }
0x142: {  	v0 =	vadd.f32 v0, v35;
	[tilespmem:$0x1610] =	vst v59;
	v59 =	vld [tilespmem:$0x1FE80]  }
0x143: {  	[tilespmem:$0x1020] =	vst v54;
	v54 =	vmax.f32 v11, v63;
	v11 =	vmin.f32 v11, v63;
	v63 =	vld [tilespmem:$0xEF0]  }
0x144: {  	v0 =	vadd.f32 v0, v33;
	[tilespmem:$0x1490] =	vst v51;
	v51 =	vld [tilespmem:$0x1FE50];
	v58 =	vsel vm7, $0x3F800000, v49  }
0x145: {  	v60 =	vadd.f32 v10, v58;
	v58 =	vld [tilespmem:$0x1FE70]  }
0x146: {  	vm8 =	vlt.f32 v5, $2.000000000e+00;
	v5 =	vld [tilespmem:$0xFF0];
	v0 =	vadd.f32 v0, v37  }
0x147: {  	v8 =	vmul.f32 v9, v8;
	[tilespmem:$0x1710] =	vst v59;
	v59 =	vld [tilespmem:$0x1FE90]  }
0x148: {  	[tilespmem:$0x10A0] =	vst v53;
	v7 =	vmul.f32 v9, v7;
	v10 =	vmul.f32 v9, v13;
	v9 =	vld [tilespmem:$0xCF0];
	v0 =	vadd.f32 v0, v38  }
0x149: {  	v53 =	vmin.f32 v62, v61;
	v13 =	vld [tilespmem:$0xD70];
	[tilespmem:$0x1590] =	vst v51;
	v51 =	vmax.f32 v6, v3;
	v3 =	vmin.f32 v6, v3  }
0x14a: {  	v0 =	vadd.f32 v0, v36;
	[tilespmem:$0x1690] =	vst v58;
	v58 =	vmax.f32 v4, v1;
	v1 =	vmin.f32 v4, v1;
	v4 =	vld [tilespmem:$0xDF0]  }
0x14b: {  	vm6 =	vge.f32 v51, v58;
	v6 =	vmax.f32 v51, v58;
	v51 =	vmin.f32 v51, v58;
	v58 =	vld [tilespmem:$0xE70]  }
0x14c: {  	v0 =	vadd.f32 v0, v18;
	v1 =	vsel vm6, v3, v1;
	[tilespmem:$0x1790] =	vst v59;
	v59 =	vmax.f32 v62, v61;
	v61 =	vld [tilespmem:$0xF70]  }
0x14d: {  	vm11 =	vlt.f32 v60, $2.000000000e+00;
	v1 =	vmax.f32 v51, v1;
	v62 =	vld [tilespmem:$0x1FEA0]  }
0x14e: {  	[tilespmem:$0x12A0] =	vst v55;
	v55 =	vld [tilespmem:$0x1FED0];
	v0 =	vadd.f32 v0, v20;
	v1 =	vadd.f32 v1, v6;
	vm7 =	vge.f32 v54, v59  }
0x14f: {  	[tilespmem:$0x1420] =	vst v56;
	v56 =	vld [tilespmem:$0x1FF10];
	v3 =	vsel vm7, v11, v53;
	v11 =	vmax.f32 v2, v9;
	v53 =	vmax.f32 v13, v4  }
0x150: {  	[tilespmem:$0x1130] =	vst v23;
	v23 =	vld [tilespmem:$0x560];
	v2 =	vmin.f32 v2, v9;
	v4 =	vmin.f32 v13, v4;
	vm9 =	vge.f32 v11, v53  }
0x151: {  	[tilespmem:$0x14B0] =	vst v50;
	v50 =	vld [tilespmem:$0x1FF90];
	v9 =	vmax.f32 v58, v63;
	v2 =	vsel vm9, v2, v4;
	v4 =	vmax.f32 v54, v59  }
0x152: {  	v51 =	vld [tilespmem:$0x360];
	[tilespmem:$0x1220] =	vst v62;
	v62 =	vmin.f32 v54, v59;
	v13 =	vmax.f32 v61, v5;
	v59 =	vmin.f32 v58, v63  }
0x153: {  	v6 =	vld [tilespmem:$0x2E0];
	v5 =	vmin.f32 v61, v5;
	v63 =	vmax.f32 v11, v53;
	v11 =	vmin.f32 v11, v53  }
0x154: {  	v61 =	vld [tilespmem:$0x1FEF0];
	vm10 =	vge.f32 v9, v13;
	v3 =	vmax.f32 v62, v3;
	v2 =	vmax.f32 v11, v2  }
0x155: {  	[tilespmem:$0x13A0] =	vst v55;
	v62 =	vld [tilespmem:$0x1FF00];
	v58 =	vmin.f32 v9, v13;
	v11 =	vadd.f32 v8, v12;
	v5 =	vsel vm10, v59, v5  }
0x156: {  	[tilespmem:$0x15A0] =	vst v56;
	v3 =	vadd.f32 v3, v4;
	v59 =	vld [tilespmem:$0x1FF20];
	v2 =	vadd.f32 v2, v63;
	v4 =	vmax.f32 v9, v13  }
0x157: {  	[tilespmem:$0x1330] =	vst v29;
	v54 =	vld [tilespmem:$0x260];
	v9 =	vsel vm5, $0x3F800000, v49;
	v13 =	vsel vm8, $0x3F800000, v49;
	v5 =	vmax.f32 v58, v5  }
0x158: {  	[tilespmem:$0x13B0] =	vst v28;
	v63 =	vld [tilespmem:$0x1FF50];
	v55 =	vmul.f32 v9, v6;
	v53 =	vmul.f32 v9, v51;
	v5 =	vadd.f32 v5, v4  }
0x159: {  	vm12 =	vgt.f32 v3, v1;
	vm13 =	vgt.f32 v2, v1;
	vm4 =	vgt.f32 v2, v3;
	[tilespmem:$0x14A0] =	vst v61;
	v61 =	vld [tilespmem:$0x1FF30]  }
0x15a: {  	vm6 =	vge.f32 v1, v2;
	v51 =	vsel vm12, $0x3F800000, v49;
	v58 =	vsel vm13, $0x3F800000, v49;
	[tilespmem:$0x1520] =	vst v62;
	v62 =	vld [tilespmem:$0x1FF40]  }
0x15b: {  	vm7 =	vge.f32 v3, v2;
	v6 =	vadd.f32 v58, v51;
	vm14 =	vgt.f32 v5, v1;
	[tilespmem:$0x1620] =	vst v59;
	v59 =	vld [tilespmem:$0x3E0]  }
0x15c: {  	[tilespmem:$0x17B0] =	vst v52;
	vm8 =	vgt.f32 v5, v2;
	v60 =	vsel vm14, $0x3F800000, v49;
	vm14 =	vge.f32 v2, v5;
	v2 =	vld [tilespmem:$0x6E0]  }
0x15d: {  	v51 =	vsel vm7, $0x3F800000, v49;
	[tilespmem:$0x17A0] =	vst v63;
	v63 =	vsel vm6, $0x3F800000, v49;
	v6 =	vadd.f32 v60, v6;
	v60 =	vld [tilespmem:$0x1FF60]  }
0x15e: {  	[tilespmem:$0x1230] =	vst v26;
	v0 =	vadd.f32 v0, v16;
	v26 =	vadd.f32 v51, v63;
	v63 =	vld [tilespmem:$0x4E0]  }
0x15f: {  	[tilespmem:$0x1430] =	vst v30;
	v4 =	vadd.f32 v11, v10;
	v58 =	vsel vm8, $0x3F800000, v49;
	v51 =	vld [tilespmem:$0x1FFA0]  }
0x160: {  	[tilespmem:$0x1030] =	vst v14;
	v0 =	vadd.f32 v0, v15;
	v14 =	vadd.f32 v58, v26;
	v26 =	vld [tilespmem:$0xF0]  }
0x161: {  	vm15 =	vge.f32 v1, v3;
	v54 =	vmul.f32 v9, v54;
	v4 =	vadd.f32 v4, v7;
	[tilespmem:$0x16A0] =	vst v61;
	v58 =	vld [tilespmem:$0x1FFB0]  }
0x162: {  	v61 =	vsel vm15, $0x3F800000, v49;
	[tilespmem:$0x1720] =	vst v62;
	v62 =	vsel vm4, $0x3F800000, v49;
	v11 =	vmul.f32 v9, v59;
	v59 =	vld [tilespmem:$0x460]  }
0x163: {  	[tilespmem:$0x10B0] =	vst v21;
	v21 =	vadd.f32 v62, v61;
	v61 =	vld [tilespmem:$0x1FF70]  }
0x164: {  	[tilespmem:$0x15B0] =	vst v57;
	v0 =	vadd.f32 $9.999999680e-21, v0;
	vm5 =	vgt.f32 v5, v3;
	v4 =	vadd.f32 v4, v54;
	v9 =	vpop (erf);
	v62 =	vld [tilespmem:$0x1FF80]  }
0x165: {  	[tilespmem:$0x11B0] =	vst v24;
	vm9 =	vlt.f32 v6, $2.000000000e+00;
	v6 =	vmul.f32 v9, v39;
	v39 =	vmul.f32 v9, v47;
	v47 =	vld [tilespmem:$0x70]  }
0x166: {  	v24 =	vsel vm5, $0x3F800000, v49;
	v4 =	vadd.f32 v4, v55;
	v28 =	vmul.f32 v9, v41;
	[tilespmem:$0x1530] =	vst v60;
	v60 =	vld [tilespmem:$0x170]  }
0x167: {  	[tilespmem:$0x12B0] =	vst v31;
	v41 =	vmul.f32 v9, v48;
	v21 =	vadd.f32 v24, v21;
	v24 =	vmul.f32 v63, v13;
	v63 =	vld [tilespmem:$0x1F0]  }
0x168: {  	v56 =	vsel vm11, $0x3F800000, v49;
	v57 =	vadd.f32 v4, v53;
	(erf) = vrcp.f32 v0;
	[tilespmem:$0x1730] =	vst v58;
	v58 =	vld [tilespmem:$0x1FFC0]  }
0x169: {  	v2 =	vmul.f32 v2, v56;
	v46 =	vmul.f32 v9, v46;
	v48 =	vsel vm9, $0x3F800000, v49;
	[tilespmem:$0x12C0] =	vst v41;
	v41 =	vld [tilespmem:$0x760]  }
0x16a: {  	[tilespmem:$0x1630] =	vst v50;
	v30 =	vmul.f32 v9, v61;
	v4 =	vmul.f32 v13, v59;
	v59 =	vadd.f32 v57, v11;
	v61 =	vld [tilespmem:$0x5E0]  }
0x16b: {  	vm11 =	vlt.f32 v14, $2.000000000e+00;
	[tilespmem:$0x16B0] =	vst v51;
	v14 =	vmul.f32 v48, v26;
	v31 =	vmul.f32 v9, v62;
	v57 =	vld [tilespmem:$0x660]  }
0x16c: {  	[tilespmem:$0x10C0] =	vst v28;
	vm10 =	vlt.f32 v21, $2.000000000e+00;
	v21 =	vmul.f32 v48, v47;
	v47 =	vld [tilespmem:$0x370];
	v62 =	vadd.f32 v59, v4  }
0x16d: {  	vm12 =	vge.f32 v1, v5;
	v45 =	vmul.f32 v9, v45;
	v28 =	vmul.f32 v23, v13;
	[tilespmem:$0x11C0] =	vst v31;
	v31 =	vld [tilespmem:$0x270]  }
0x16e: {  	[tilespmem:$0x1040] =	vst v6;
	v23 =	vmul.f32 v48, v60;
	v51 =	vadd.f32 v14, v21;
	v1 =	vadd.f32 v62, v24;
	v62 =	vld [tilespmem:$0x1FFE0]  }
0x16f: {  	vm13 =	vge.f32 v3, v5;
	[tilespmem:$0x1140] =	vst v30;
	v26 =	vmul.f32 v48, v63;
	v30 =	vmul.f32 v61, v13;
	v61 =	vld [tilespmem:$0x1FFD0]  }
0x170: {  	[tilespmem:$0x1240] =	vst v39;
	v59 =	vmul.f32 v9, v58;
	v5 =	vadd.f32 v51, v23;
	v60 =	vadd.f32 v1, v28;
	v1 =	vld [tilespmem:$0x2F0]  }
0x171: {  	[tilespmem:$0x1340] =	vst v46;
	v50 =	vsel vm10, $0x3F800000, v49;
	v58 =	vld [tilespmem:$0x1FFF0];
	v39 =	vmul.f32 v41, v56;
	v46 =	vmul.f32 v57, v56  }
0x172: {  	[tilespmem:$0x16C0] =	vst v45;
	v57 =	vmul.f32 v9, v43;
	v29 =	vmul.f32 v50, v31;
	v5 =	vadd.f32 v5, v26  }
0x173: {  	[tilespmem:$0x13C0] =	vst v59;
	v59 =	vld [tilespmem:$0x7E0];
	v0 =	vadd.f32 v60, v30;
	v60 =	vmul.f32 v9, v40;
	v63 =	vmul.f32 v9, v62  }
0x174: {  	v52 =	vsel vm12, $0x3F800000, v49;
	[tilespmem:$0x1740] =	vst v57;
	v62 =	vmul.f32 v9, v42;
	v13 =	vmul.f32 v9, v61;
	v61 =	vld [tilespmem:$0x3F0]  }
0x175: {  	v0 =	vadd.f32 v0, v46;
	[tilespmem:$0x14C0] =	vst v63;
	v31 =	vmul.f32 v50, v1;
	v63 =	vadd.f32 v5, v29  }
0x176: {  	v3 =	vsel vm13, $0x3F800000, v49;
	v51 =	vld [tilespmem:$0x470];
	v42 =	vmul.f32 v50, v47;
	[tilespmem:$0x1440] =	vst v13;
	v13 =	vmul.f32 v9, v58  }
0x177: {  	[tilespmem:$0x15C0] =	vst v60;
	v0 =	vadd.f32 v0, v2;
	v58 =	vmul.f32 v9, v44;
	v9 =	vpop (erf);
	v1 =	vadd.f32 v63, v31  }
0x178: {  	v3 =	vadd.f32 v3, v52;
	v43 =	vmul.f32 v59, v56;
	v59 =	vld [tilespmem:$0x4F0];
	[tilespmem:$0x1640] =	vst v62;
	v27 =	vmul.f32 v9, v27  }
0x179: {  	[tilespmem:$0x1540] =	vst v13;
	v0 =	vadd.f32 v0, v39;
	v13 =	vmul.f32 v50, v61;
	v1 =	vadd.f32 v1, v42  }
0x17a: {  	v6 =	vsel vm11, $0x3F800000, v49;
	v60 =	vmul.f32 v9, v25;
	v22 =	vmul.f32 v9, v22;
	[tilespmem:$0x17C0] =	vst v58;
	v61 =	vld [tilespmem:$0x570]  }
0x17b: {  	[tilespmem:$0x1050] =	vst v27;
	v27 =	vmul.f32 v6, v51;
	v0 =	vadd.f32 v0, v43;
	v1 =	vadd.f32 v1, v13  }
0x17c: {  	v41 =	vsel vm14, $0x3F800000, v49;
	v62 =	vld [tilespmem:$0x5F0];
	v63 =	vmul.f32 v9, v32;
	v19 =	vmul.f32 v9, v19;
	[tilespmem:$0x10D0] =	vst v60  }
0x17d: {  	[tilespmem:$0x1150] =	vst v22;
	v32 =	vmul.f32 v59, v6;
	v0 =	vadd.f32 $9.999999680e-21, v0;
	v1 =	vadd.f32 v1, v27  }
0x17e: {  	v45 =	vld [tilespmem:$0x670];
	v3 =	vadd.f32 v3, v41;
	v44 =	vmul.f32 v9, v17;
	v47 =	vmul.f32 v9, v34;
	[tilespmem:$0x11D0] =	vst v63  }
0x17f: {  	[tilespmem:$0x1250] =	vst v19;
	(erf) = vrcp.f32 v0;
	v19 =	vmul.f32 v61, v6;
	v1 =	vadd.f32 v1, v32  }
0x180: {  	vm15 =	vlt.f32 v3, $2.000000000e+00;
	v48 =	vmul.f32 v9, v35;
	[tilespmem:$0x12D0] =	vst v44;
	v50 =	vld [tilespmem:$0x6F0]  }
0x181: {  	v52 =	vmul.f32 v9, v37;
	[tilespmem:$0x1350] =	vst v47;
	v6 =	vmul.f32 v62, v6;
	v1 =	vadd.f32 v1, v19  }
0x182: {  	v3 =	vsel vm15, $0x3F800000, v49;
	v56 =	vld [tilespmem:$0x770];
	v57 =	vmul.f32 v9, v38;
	[tilespmem:$0x13D0] =	vst v48  }
0x183: {  	v5 =	vmul.f32 v45, v3;
	v16 =	vmul.f32 v9, v16;
	[tilespmem:$0x14D0] =	vst v52;
	v1 =	vadd.f32 v1, v6  }
0x184: {  	v58 =	vmul.f32 v9, v36;
	v51 =	vmul.f32 v9, v33;
	v59 =	vld [tilespmem:$0x7F0];
	[tilespmem:$0x1550] =	vst v57  }
0x185: {  	v60 =	vmul.f32 v9, v18;
	[tilespmem:$0x1750] =	vst v16;
	v18 =	vmul.f32 v50, v3;
	v1 =	vadd.f32 v1, v5  }
0x186: {  	[tilespmem:$0x15D0] =	vst v58  }
0x187: {  	v17 =	vmul.f32 v56, v3;
	[tilespmem:$0x1450] =	vst v51;
	v61 =	vmul.f32 v9, v20;
	v1 =	vadd.f32 v1, v18  }
0x188: {  	[tilespmem:$0x1650] =	vst v60;
	v62 =	vmul.f32 v9, v15;
	v63 =	vpop (erf)  }
0x189: {  	v3 =	vmul.f32 v59, v3;
	[tilespmem:$0x16D0] =	vst v61;
	v12 =	vmul.f32 v63, v12;
	v1 =	vadd.f32 v1, v17  }
0x18a: {  	[tilespmem:$0x17D0] =	vst v62;
	v15 =	vmul.f32 v63, v8  }
0x18b: {  	v16 =	vmul.f32 v63, v10;
	[tilespmem:$0x1060] =	vst v12;
	v1 =	vadd.f32 v1, v3  }
0x18c: {  	v20 =	vmul.f32 v63, v7;
	[tilespmem:$0x10E0] =	vst v15  }
0x18d: {  	v22 =	vmul.f32 v63, v54;
	[tilespmem:$0x1160] =	vst v16;
	v1 =	vadd.f32 $9.999999680e-21, v1  }
0x18e: {  	v25 =	vmul.f32 v63, v55;
	[tilespmem:$0x11E0] =	vst v20  }
0x18f: {  	v33 =	vmul.f32 v63, v53;
	[tilespmem:$0x1260] =	vst v22;
	(erf) = vrcp.f32 v1  }
0x190: {  	v34 =	vmul.f32 v63, v11;
	[tilespmem:$0x12E0] =	vst v25  }
0x191: {  	v35 =	vmul.f32 v63, v4;
	[tilespmem:$0x1360] =	vst v33  }
0x192: {  	v36 =	vmul.f32 v63, v24;
	[tilespmem:$0x13E0] =	vst v34  }
0x193: {  	v37 =	vmul.f32 v63, v28;
	[tilespmem:$0x1460] =	vst v35  }
0x194: {  	v38 =	vmul.f32 v63, v30;
	[tilespmem:$0x14E0] =	vst v36  }
0x195: {  	v40 =	vmul.f32 v63, v46;
	[tilespmem:$0x1560] =	vst v37  }
0x196: {  	v41 =	vmul.f32 v63, v2;
	[tilespmem:$0x15E0] =	vst v38  }
0x197: {  	v44 =	vmul.f32 v63, v39;
	[tilespmem:$0x1660] =	vst v40  }
0x198: {  	v45 =	vmul.f32 v63, v43;
	[tilespmem:$0x16E0] =	vst v41;
	v46 =	vpop (erf)  }
0x199: {  	[tilespmem:$0x1760] =	vst v44;
	v47 =	vmul.f32 v46, v21  }
0x19a: {  	[tilespmem:$0x17E0] =	vst v45;
	v48 =	vmul.f32 v46, v14  }
0x19b: {  	v50 =	vmul.f32 v46, v23;
	[tilespmem:$0x1070] =	vst v47  }
0x19c: {  	v51 =	vmul.f32 v46, v26;
	[tilespmem:$0x10F0] =	vst v48  }
0x19d: {  	v52 =	vmul.f32 v46, v29;
	[tilespmem:$0x1170] =	vst v50  }
0x19e: {  	v53 =	vmul.f32 v46, v31;
	[tilespmem:$0x11F0] =	vst v51  }
0x19f: {  	v54 =	vmul.f32 v46, v42;
	[tilespmem:$0x1270] =	vst v52  }
0x1a0: {  	v55 =	vmul.f32 v46, v13;
	[tilespmem:$0x12F0] =	vst v53  }
0x1a1: {  	v56 =	vmul.f32 v46, v27;
	[tilespmem:$0x1370] =	vst v54  }
0x1a2: {  	v57 =	vmul.f32 v46, v32;
	[tilespmem:$0x13F0] =	vst v55  }
0x1a3: {  	v58 =	vmul.f32 v46, v19;
	[tilespmem:$0x1470] =	vst v56  }
0x1a4: {  	v59 =	vmul.f32 v46, v6;
	[tilespmem:$0x14F0] =	vst v57  }
0x1a5: {  	v60 =	vmul.f32 v46, v5;
	[tilespmem:$0x1570] =	vst v58  }
0x1a6: {  	v61 =	vmul.f32 v46, v18;
	[tilespmem:$0x15F0] =	vst v59  }
0x1a7: {  	v62 =	vmul.f32 v46, v17;
	[tilespmem:$0x1670] =	vst v60  }
0x1a8: {  	v63 =	vmul.f32 v46, v3;
	[tilespmem:$0x16F0] =	vst v61  }
0x1a9: {  	p0 =	sne.s32 s6, $0x1;
	[tilespmem:$0x1770] =	vst v62  }
.Ltmp1:
0x1aa: {  	[tilespmem:$0x17F0] =	vst v63;
	(pc) =	sbr.rel @p0 .LBB2_2-.Ltmp1, $4  }
0x1ab: {  	[hbm4b:s4+s7] =	stream.strided.scatter [tilespmem:s11], [sflag:$0x1], $0x800, s8, s7, $0x38;
	[tilespmem:$0x1800] =	vst v63  }
0x1ac: {  	_ =	swait.ge [sflag:s9], $0x800  }
0x1ad: {  	[sflag:s9] =	ssyncset.done $0x0  }
0x1ae: {  	s6 =	sadd.s32 $0xFFFFFFFF, s6;
	[sflag:s9] =	ssyncadd.s32 $0xFFFFF800  }
.LBB2_3:
0x1af: {  	_ =	sfence.sel $0x180000  }
0x1b0: {  	[bflag:$0x0] =	sbarrier.arrive $0xFFFF  }
0x1b1: {  	p0 =	sne.s32 s1, $0x0;
	_ =	strace $0x90000047  }
0x1b2: {  	s0 =	sadd.s32 @!p0 $0x100000, s0;
	[bflag:$0x2] =	sbarrier.arrive $0xFFFF  }
0x1b3: {  	[sflag:s0] =	ssyncadd.tile.s32 @!p0 $0x1;
	_ =	shalt  }
.Lfunc_end2:
_tile_overlayer_lowered:
.L_overlay_start_2:
0x1b4: {  	(tag) =	ssettag $0x2  }
0x1b5: {  	s0 =	rddreg [dreg:$0x0];
	s2 =	stileid.u32  }
0x1b6: {  	s1 =	rddreg [dreg:$0x1];
	p0 =	sne.s32 s2, $0x0  }
0x1b7: {  	s3 =	rddreg [dreg:$0x2];
	[bflag:$0x3] =	sbarrier.arrive $0xFFFF;
	s2 =	simm.s32 @!p0 $0x1C01  }
0x1b8: {  	[timem:s3], [sflag:s2] =	dma.local @!p0 [hbm:s0], s1  }
0x1b9: {  	s0 =	simm.s32 @!p0 $0x1  }
0x1ba: {  	_ =	swait.ge @!p0 [sflag:s0], s1  }
0x1bb: {  	s1 =	ssub.s32 @!p0 $0x0, s1;
	[sflag:s0] =	ssyncset.done @!p0 $0x0  }
0x1bc: {  	[sflag:s0] =	ssyncadd.s32 @!p0 s1  }
0x1bd: {  	[bflag:$0x3] =	sbarrier.arrive $0xFFFF  }
0x1be: {  	_ =	shalt  }

</sc_bundles>
